<compile_context>
chip_gen: v7x
topology: tpu7x:2x2x1
jax: 0.10.2.dev20260603
libtpu: 0.0.44.dev20260713+nightly
codegen_flags: <defaults>
</compile_context>

<pallas_src>
import functools

import jax
import jax.numpy as jnp
from jax import lax
from jax.experimental import pallas as pl
from jax.experimental.pallas import tpu as pltpu
from jax.experimental.pallas import tpu_sc as plsc

_VOCAB = 1_000_000
_DIM = 32
_BATCH = 16384
_HIST = 50

_NC = 2
_NS = 16
_NW = _NC * _NS
_BW = _BATCH // _NW
_CHUNK = 128
_NCHUNK = _BW // _CHUNK

_mesh = plsc.VectorSubcoreMesh(core_axis_name="c", subcore_axis_name="s")


@functools.partial(
    pl.kernel,
    out_type=jax.ShapeDtypeStruct((_HIST, 4, 128, 8, 128), jnp.float32),
    mesh=_mesh,
    scratch_types=[
        pltpu.VMEM((_HIST, _NCHUNK, _CHUNK), jnp.int32),
        pltpu.VMEM((2, _BW, _DIM), jnp.float32),
        pltpu.VMEM((2, 4, _NCHUNK, 8, 128), jnp.float32),
        pltpu.SemaphoreType.DMA,
        pltpu.SemaphoreType.DMA,
    ],
    compiler_params=pltpu.CompilerParams(
        use_tc_tiling_on_sc=False,
        needs_layout_passes=False,
        disable_bounds_checks=True,
    ),
)
def _gather_kernel(idx_hbm, table_hbm, out_hbm, idx_all, rows_v, tbuf,
                   gsem, wsem):
    wid = lax.axis_index("s") * _NC + lax.axis_index("c")
    lane = lax.iota(jnp.int32, 16)

    pltpu.sync_copy(idx_hbm.at[:, pl.ds(wid * _NCHUNK, _NCHUNK)], idx_all)

    def fire_gathers(h, slot):
        for j in range(_NCHUNK):
            pltpu.async_copy(
                table_hbm.at[idx_all.at[h, j]],
                rows_v.at[slot, pl.ds(j * _CHUNK, _CHUNK)],
                gsem,
            )

    def drain_gathers(slot):
        pltpu.make_async_copy(
            table_hbm.at[pl.ds(0, _BW)], rows_v.at[slot], gsem
        ).wait()

    def drain_writes(slot):
        for tr in range(4):
            pltpu.make_async_copy(
                tbuf.at[slot, tr], out_hbm.at[0, tr, pl.ds(0, _NCHUNK)], wsem
            ).wait()

    fire_gathers(0, 0)
    fire_gathers(1, 1)

    def group(g, _):
        for b in range(2):
            h = g * 2 + b
            drain_gathers(b)

            @pl.when(g >= 1)
            def _():
                drain_writes(b)

            @plsc.parallel_loop(0, 32, unroll=4)
            def per_q(q):
                tr = q // 8
                sl = q - tr * 8
                col = jnp.zeros((16,), jnp.int32) + q
                for tc in range(_NCHUNK):
                    for l0 in range(0, 128, 16):
                        row = jnp.full((16,), tc * 128 + l0, jnp.int32) + lane
                        tbuf[b, tr, tc, sl, pl.ds(l0, 16)] = (
                            plsc.load_gather(rows_v.at[b], [row, col])
                        )

            for tr in range(4):
                pltpu.async_copy(
                    tbuf.at[b, tr],
                    out_hbm.at[h, tr, pl.ds(wid * _NCHUNK, _NCHUNK)],
                    wsem,
                )

            @pl.when(g < _HIST // 2 - 1)
            def _():
                fire_gathers(h + 2, b)

        return 0

    lax.fori_loop(0, _HIST // 2, group, 0)
    for b in range(2):
        drain_writes(b)


def kernel(indices, table):
    idx_t = (indices.T * 4).reshape(_HIST, _BATCH // 128, 128)
    tblp = jnp.pad(table, ((0, 0), (0, 96))).reshape(4 * _VOCAB, _DIM)
    out5 = _gather_kernel(idx_t, tblp)
    return out5.transpose(2, 4, 0, 1, 3).reshape(_BATCH, _HIST, _DIM)

# --- scband reference (transcript-rebuilt; emitter-appended) ---
"""Pipeline reference for scband-toy-embedding-model-240518168671 (READ-ONLY COPY).

The authoritative reference and input builder live on the scoring server;
editing this copy changes nothing except your own understanding.
"""

import jax, jax.numpy as jnp
import numpy as np

VOCAB = 1000000
DIM = 32
BATCH = 16384
HIST = 50


def setup_inputs(seed: int = 0) -> dict:
    key = jax.random.key(seed)
    indices = jax.random.randint(key, (BATCH, HIST), 0, VOCAB, dtype=jnp.int32)
    # Deterministic table exactly as the torch module builds it:
    # arange(V*D).reshape(V, D) / V
    table = jnp.arange(VOCAB * DIM, dtype=jnp.float32).reshape(VOCAB, DIM) / float(VOCAB)
    return {"indices": indices, "table": table}


def reference(indices, table):
    # Faithful translation: the torch module maps each dict entry through
    # nn.Embedding; with a single field this is one gather into the table.
    out = jnp.take(table, indices, axis=0)  # [BATCH, HIST, DIM]
    return out

if __name__ == "__main__":
    import jax
    _d = setup_inputs()
    print(jax.jit(kernel)(*tuple(_d.values())))

</pallas_src>

<mosaic_0001>
#map = affine_map<(d0, d1) -> (0, 0, 0)>
#map1 = affine_map<(d0, d1) -> (0, 0)>
#map2 = affine_map<(d0, d1) -> (0, 0, 0, 0, 0)>
module attributes {stable_mosaic.version = 14 : i64} {
  func.func @_gather_kernel(%arg0: i32, %arg1: i32, %arg2: memref<50x128x128xi32, #tpu.memory_space<hbm>>, %arg3: memref<4000000x32xf32, #tpu.memory_space<hbm>>, %arg4: memref<50x4x128x8x128xf32, #tpu.memory_space<hbm>>, %arg5: memref<50x4x128xi32, #tpu.memory_space<vmem>>, %arg6: memref<2x512x32xf32, #tpu.memory_space<vmem>>, %arg7: memref<2x4x4x8x128xf32, #tpu.memory_space<vmem>>, %arg8: memref<!tpu.dma_semaphore, #tpu.memory_space<semaphore_mem>>, %arg9: memref<!tpu.dma_semaphore, #tpu.memory_space<semaphore_mem>>) attributes {dimension_semantics = [#tpu.dimension_semantics<core_parallel>, #tpu.dimension_semantics<subcore_parallel>], iteration_bounds = array<i64: 2, 16>, scalar_prefetch = 0 : i64, scratch_operands = 5 : i64, tpu.core_type = #tpu.core_type<sc_vector_subcore>, window_params = [{transform_indices = #map}, {transform_indices = #map1}, {transform_indices = #map2}]} {
    %mul3A = arith.constant 2 : i32
    %mul3A_0 = arith.muli %arg1, %mul3A : i32
    %add3A = arith.addi %mul3A_0, %arg0 : i32
    %iota3A = tpu.iota {dimensions = array<i32: 0>} : vector<16xi32>
    %mul3A_1 = arith.constant 4 : i32
    %mul3A_2 = arith.muli %add3A, %mul3A_1 : i32
    "tpu.region"() ({
      %run_scoped3A = tpu.sem_alloc : memref<!tpu.dma_semaphore, #tpu.memory_space<semaphore_mem>>
      %dma_start3A_303 = arith.constant 0 : i32
      %dma_start3A_304 = arith.constant 0 : i32
      %dma_start3A_305 = tpu.memref_slice %arg2[%dma_start3A_303, %mul3A_2, %dma_start3A_304] : memref<50x128x128xi32, #tpu.memory_space<hbm>> -> memref<50x4x128xi32, #tpu.memory_space<hbm>>
      %dma_start3A_306 = arith.constant 0 : i32
      %dma_start3A_307 = arith.constant 0 : i32
      %dma_start3A_308 = tpu.memref_slice %arg2[%dma_start3A_306, %mul3A_2, %dma_start3A_307] : memref<50x128x128xi32, #tpu.memory_space<hbm>> -> memref<50x4x128xi32, #tpu.memory_space<hbm>>
      tpu.enqueue_dma source(%dma_start3A_308 : memref<50x4x128xi32, #tpu.memory_space<hbm>>) target(%arg5 : memref<50x4x128xi32, #tpu.memory_space<vmem>>) target_semaphore(%run_scoped3A : memref<!tpu.dma_semaphore, #tpu.memory_space<semaphore_mem>>)
      %dma_wait3A_309 = arith.constant 0 : i32
      %dma_wait3A_310 = arith.constant 0 : i32
      %dma_wait3A_311 = tpu.memref_slice %arg2[%dma_wait3A_309, %mul3A_2, %dma_wait3A_310] : memref<50x128x128xi32, #tpu.memory_space<hbm>> -> memref<50x4x128xi32, #tpu.memory_space<hbm>>
      %dma_wait3A_312 = arith.constant 0 : i32
      %dma_wait3A_313 = arith.constant 0 : i32
      %dma_wait3A_314 = tpu.memref_slice %arg2[%dma_wait3A_312, %mul3A_2, %dma_wait3A_313] : memref<50x128x128xi32, #tpu.memory_space<hbm>> -> memref<50x4x128xi32, #tpu.memory_space<hbm>>
      tpu.wait_dma2 semaphore(%run_scoped3A : memref<!tpu.dma_semaphore, #tpu.memory_space<semaphore_mem>>) src(%dma_wait3A_314 : memref<50x4x128xi32, #tpu.memory_space<hbm>>) dst(%arg5 : memref<50x4x128xi32, #tpu.memory_space<vmem>>)
      tpu.yield
    }) : () -> ()
    %dma_start3A = arith.constant 0 : i32
    %dma_start3A_3 = arith.constant 0 : i32
    %dma_start3A_4 = arith.constant 0 : i32
    %dma_start3A_5 = arith.constant 0 : i32
    %dma_start3A_6 = arith.constant 0 : i32
    %dma_start3A_7 = tpu.memref_slice %arg6[%dma_start3A_4, %dma_start3A_5, %dma_start3A_6] : memref<2x512x32xf32, #tpu.memory_space<vmem>> -> memref<1x128x32xf32, #tpu.memory_space<vmem>>
    %dma_start3A_8 = tpu.memref_squeeze %dma_start3A_7 : memref<1x128x32xf32, #tpu.memory_space<vmem>> -> memref<128x32xf32, #tpu.memory_space<vmem>>
    %dma_start3A_9 = arith.constant 0 : i32
    %dma_start3A_10 = tpu.memref_slice %arg5[%dma_start3A, %dma_start3A_3, %dma_start3A_9] : memref<50x4x128xi32, #tpu.memory_space<vmem>> -> memref<1x1x128xi32, #tpu.memory_space<vmem>>
    %dma_start3A_11 = tpu.memref_squeeze %dma_start3A_10 : memref<1x1x128xi32, #tpu.memory_space<vmem>> -> memref<128xi32, #tpu.memory_space<vmem>>
    %dma_start3A_12 = arith.constant 0 : i32
    %dma_start3A_13 = arith.constant 0 : i32
    %dma_start3A_14 = tpu.memref_slice %arg3[%dma_start3A_12, %dma_start3A_13] : memref<4000000x32xf32, #tpu.memory_space<hbm>> -> memref<4000000x32xf32, #tpu.memory_space<hbm>>
    tpu.enqueue_indirect_dma source(%dma_start3A_14 : memref<4000000x32xf32, #tpu.memory_space<hbm>>) target(%dma_start3A_8 : memref<128x32xf32, #tpu.memory_space<vmem>>) offsets(%dma_start3A_11 : memref<128xi32, #tpu.memory_space<vmem>>) semaphore(%arg8 : memref<!tpu.dma_semaphore, #tpu.memory_space<semaphore_mem>>)
    %dma_start3A_15 = arith.constant 0 : i32
    %dma_start3A_16 = arith.constant 1 : i32
    %dma_start3A_17 = arith.constant 0 : i32
    %dma_start3A_18 = arith.constant 128 : i32
    %dma_start3A_19 = arith.constant 0 : i32
    %dma_start3A_20 = tpu.memref_slice %arg6[%dma_start3A_17, %dma_start3A_18, %dma_start3A_19] : memref<2x512x32xf32, #tpu.memory_space<vmem>> -> memref<1x128x32xf32, #tpu.memory_space<vmem>>
    %dma_start3A_21 = tpu.memref_squeeze %dma_start3A_20 : memref<1x128x32xf32, #tpu.memory_space<vmem>> -> memref<128x32xf32, #tpu.memory_space<vmem>>
    %dma_start3A_22 = arith.constant 0 : i32
    %dma_start3A_23 = tpu.memref_slice %arg5[%dma_start3A_15, %dma_start3A_16, %dma_start3A_22] : memref<50x4x128xi32, #tpu.memory_space<vmem>> -> memref<1x1x128xi32, #tpu.memory_space<vmem>>
    %dma_start3A_24 = tpu.memref_squeeze %dma_start3A_23 : memref<1x1x128xi32, #tpu.memory_space<vmem>> -> memref<128xi32, #tpu.memory_space<vmem>>
    %dma_start3A_25 = arith.constant 0 : i32
    %dma_start3A_26 = arith.constant 0 : i32
    %dma_start3A_27 = tpu.memref_slice %arg3[%dma_start3A_25, %dma_start3A_26] : memref<4000000x32xf32, #tpu.memory_space<hbm>> -> memref<4000000x32xf32, #tpu.memory_space<hbm>>
    tpu.enqueue_indirect_dma source(%dma_start3A_27 : memref<4000000x32xf32, #tpu.memory_space<hbm>>) target(%dma_start3A_21 : memref<128x32xf32, #tpu.memory_space<vmem>>) offsets(%dma_start3A_24 : memref<128xi32, #tpu.memory_space<vmem>>) semaphore(%arg8 : memref<!tpu.dma_semaphore, #tpu.memory_space<semaphore_mem>>)
    %dma_start3A_28 = arith.constant 0 : i32
    %dma_start3A_29 = arith.constant 2 : i32
    %dma_start3A_30 = arith.constant 0 : i32
    %dma_start3A_31 = arith.constant 256 : i32
    %dma_start3A_32 = arith.constant 0 : i32
    %dma_start3A_33 = tpu.memref_slice %arg6[%dma_start3A_30, %dma_start3A_31, %dma_start3A_32] : memref<2x512x32xf32, #tpu.memory_space<vmem>> -> memref<1x128x32xf32, #tpu.memory_space<vmem>>
    %dma_start3A_34 = tpu.memref_squeeze %dma_start3A_33 : memref<1x128x32xf32, #tpu.memory_space<vmem>> -> memref<128x32xf32, #tpu.memory_space<vmem>>
    %dma_start3A_35 = arith.constant 0 : i32
    %dma_start3A_36 = tpu.memref_slice %arg5[%dma_start3A_28, %dma_start3A_29, %dma_start3A_35] : memref<50x4x128xi32, #tpu.memory_space<vmem>> -> memref<1x1x128xi32, #tpu.memory_space<vmem>>
    %dma_start3A_37 = tpu.memref_squeeze %dma_start3A_36 : memref<1x1x128xi32, #tpu.memory_space<vmem>> -> memref<128xi32, #tpu.memory_space<vmem>>
    %dma_start3A_38 = arith.constant 0 : i32
    %dma_start3A_39 = arith.constant 0 : i32
    %dma_start3A_40 = tpu.memref_slice %arg3[%dma_start3A_38, %dma_start3A_39] : memref<4000000x32xf32, #tpu.memory_space<hbm>> -> memref<4000000x32xf32, #tpu.memory_space<hbm>>
    tpu.enqueue_indirect_dma source(%dma_start3A_40 : memref<4000000x32xf32, #tpu.memory_space<hbm>>) target(%dma_start3A_34 : memref<128x32xf32, #tpu.memory_space<vmem>>) offsets(%dma_start3A_37 : memref<128xi32, #tpu.memory_space<vmem>>) semaphore(%arg8 : memref<!tpu.dma_semaphore, #tpu.memory_space<semaphore_mem>>)
    %dma_start3A_41 = arith.constant 0 : i32
    %dma_start3A_42 = arith.constant 3 : i32
    %dma_start3A_43 = arith.constant 0 : i32
    %dma_start3A_44 = arith.constant 384 : i32
    %dma_start3A_45 = arith.constant 0 : i32
    %dma_start3A_46 = tpu.memref_slice %arg6[%dma_start3A_43, %dma_start3A_44, %dma_start3A_45] : memref<2x512x32xf32, #tpu.memory_space<vmem>> -> memref<1x128x32xf32, #tpu.memory_space<vmem>>
    %dma_start3A_47 = tpu.memref_squeeze %dma_start3A_46 : memref<1x128x32xf32, #tpu.memory_space<vmem>> -> memref<128x32xf32, #tpu.memory_space<vmem>>
    %dma_start3A_48 = arith.constant 0 : i32
    %dma_start3A_49 = tpu.memref_slice %arg5[%dma_start3A_41, %dma_start3A_42, %dma_start3A_48] : memref<50x4x128xi32, #tpu.memory_space<vmem>> -> memref<1x1x128xi32, #tpu.memory_space<vmem>>
    %dma_start3A_50 = tpu.memref_squeeze %dma_start3A_49 : memref<1x1x128xi32, #tpu.memory_space<vmem>> -> memref<128xi32, #tpu.memory_space<vmem>>
    %dma_start3A_51 = arith.constant 0 : i32
    %dma_start3A_52 = arith.constant 0 : i32
    %dma_start3A_53 = tpu.memref_slice %arg3[%dma_start3A_51, %dma_start3A_52] : memref<4000000x32xf32, #tpu.memory_space<hbm>> -> memref<4000000x32xf32, #tpu.memory_space<hbm>>
    tpu.enqueue_indirect_dma source(%dma_start3A_53 : memref<4000000x32xf32, #tpu.memory_space<hbm>>) target(%dma_start3A_47 : memref<128x32xf32, #tpu.memory_space<vmem>>) offsets(%dma_start3A_50 : memref<128xi32, #tpu.memory_space<vmem>>) semaphore(%arg8 : memref<!tpu.dma_semaphore, #tpu.memory_space<semaphore_mem>>)
    %dma_start3A_54 = arith.constant 1 : i32
    %dma_start3A_55 = arith.constant 0 : i32
    %dma_start3A_56 = arith.constant 1 : i32
    %dma_start3A_57 = arith.constant 0 : i32
    %dma_start3A_58 = arith.constant 0 : i32
    %dma_start3A_59 = tpu.memref_slice %arg6[%dma_start3A_56, %dma_start3A_57, %dma_start3A_58] : memref<2x512x32xf32, #tpu.memory_space<vmem>> -> memref<1x128x32xf32, #tpu.memory_space<vmem>>
    %dma_start3A_60 = tpu.memref_squeeze %dma_start3A_59 : memref<1x128x32xf32, #tpu.memory_space<vmem>> -> memref<128x32xf32, #tpu.memory_space<vmem>>
    %dma_start3A_61 = arith.constant 0 : i32
    %dma_start3A_62 = tpu.memref_slice %arg5[%dma_start3A_54, %dma_start3A_55, %dma_start3A_61] : memref<50x4x128xi32, #tpu.memory_space<vmem>> -> memref<1x1x128xi32, #tpu.memory_space<vmem>>
    %dma_start3A_63 = tpu.memref_squeeze %dma_start3A_62 : memref<1x1x128xi32, #tpu.memory_space<vmem>> -> memref<128xi32, #tpu.memory_space<vmem>>
    %dma_start3A_64 = arith.constant 0 : i32
    %dma_start3A_65 = arith.constant 0 : i32
    %dma_start3A_66 = tpu.memref_slice %arg3[%dma_start3A_64, %dma_start3A_65] : memref<4000000x32xf32, #tpu.memory_space<hbm>> -> memref<4000000x32xf32, #tpu.memory_space<hbm>>
    tpu.enqueue_indirect_dma source(%dma_start3A_66 : memref<4000000x32xf32, #tpu.memory_space<hbm>>) target(%dma_start3A_60 : memref<128x32xf32, #tpu.memory_space<vmem>>) offsets(%dma_start3A_63 : memref<128xi32, #tpu.memory_space<vmem>>) semaphore(%arg8 : memref<!tpu.dma_semaphore, #tpu.memory_space<semaphore_mem>>)
    %dma_start3A_67 = arith.constant 1 : i32
    %dma_start3A_68 = arith.constant 1 : i32
    %dma_start3A_69 = arith.constant 1 : i32
    %dma_start3A_70 = arith.constant 128 : i32
    %dma_start3A_71 = arith.constant 0 : i32
    %dma_start3A_72 = tpu.memref_slice %arg6[%dma_start3A_69, %dma_start3A_70, %dma_start3A_71] : memref<2x512x32xf32, #tpu.memory_space<vmem>> -> memref<1x128x32xf32, #tpu.memory_space<vmem>>
    %dma_start3A_73 = tpu.memref_squeeze %dma_start3A_72 : memref<1x128x32xf32, #tpu.memory_space<vmem>> -> memref<128x32xf32, #tpu.memory_space<vmem>>
    %dma_start3A_74 = arith.constant 0 : i32
    %dma_start3A_75 = tpu.memref_slice %arg5[%dma_start3A_67, %dma_start3A_68, %dma_start3A_74] : memref<50x4x128xi32, #tpu.memory_space<vmem>> -> memref<1x1x128xi32, #tpu.memory_space<vmem>>
    %dma_start3A_76 = tpu.memref_squeeze %dma_start3A_75 : memref<1x1x128xi32, #tpu.memory_space<vmem>> -> memref<128xi32, #tpu.memory_space<vmem>>
    %dma_start3A_77 = arith.constant 0 : i32
    %dma_start3A_78 = arith.constant 0 : i32
    %dma_start3A_79 = tpu.memref_slice %arg3[%dma_start3A_77, %dma_start3A_78] : memref<4000000x32xf32, #tpu.memory_space<hbm>> -> memref<4000000x32xf32, #tpu.memory_space<hbm>>
    tpu.enqueue_indirect_dma source(%dma_start3A_79 : memref<4000000x32xf32, #tpu.memory_space<hbm>>) target(%dma_start3A_73 : memref<128x32xf32, #tpu.memory_space<vmem>>) offsets(%dma_start3A_76 : memref<128xi32, #tpu.memory_space<vmem>>) semaphore(%arg8 : memref<!tpu.dma_semaphore, #tpu.memory_space<semaphore_mem>>)
    %dma_start3A_80 = arith.constant 1 : i32
    %dma_start3A_81 = arith.constant 2 : i32
    %dma_start3A_82 = arith.constant 1 : i32
    %dma_start3A_83 = arith.constant 256 : i32
    %dma_start3A_84 = arith.constant 0 : i32
    %dma_start3A_85 = tpu.memref_slice %arg6[%dma_start3A_82, %dma_start3A_83, %dma_start3A_84] : memref<2x512x32xf32, #tpu.memory_space<vmem>> -> memref<1x128x32xf32, #tpu.memory_space<vmem>>
    %dma_start3A_86 = tpu.memref_squeeze %dma_start3A_85 : memref<1x128x32xf32, #tpu.memory_space<vmem>> -> memref<128x32xf32, #tpu.memory_space<vmem>>
    %dma_start3A_87 = arith.constant 0 : i32
    %dma_start3A_88 = tpu.memref_slice %arg5[%dma_start3A_80, %dma_start3A_81, %dma_start3A_87] : memref<50x4x128xi32, #tpu.memory_space<vmem>> -> memref<1x1x128xi32, #tpu.memory_space<vmem>>
    %dma_start3A_89 = tpu.memref_squeeze %dma_start3A_88 : memref<1x1x128xi32, #tpu.memory_space<vmem>> -> memref<128xi32, #tpu.memory_space<vmem>>
    %dma_start3A_90 = arith.constant 0 : i32
    %dma_start3A_91 = arith.constant 0 : i32
    %dma_start3A_92 = tpu.memref_slice %arg3[%dma_start3A_90, %dma_start3A_91] : memref<4000000x32xf32, #tpu.memory_space<hbm>> -> memref<4000000x32xf32, #tpu.memory_space<hbm>>
    tpu.enqueue_indirect_dma source(%dma_start3A_92 : memref<4000000x32xf32, #tpu.memory_space<hbm>>) target(%dma_start3A_86 : memref<128x32xf32, #tpu.memory_space<vmem>>) offsets(%dma_start3A_89 : memref<128xi32, #tpu.memory_space<vmem>>) semaphore(%arg8 : memref<!tpu.dma_semaphore, #tpu.memory_space<semaphore_mem>>)
    %dma_start3A_93 = arith.constant 1 : i32
    %dma_start3A_94 = arith.constant 3 : i32
    %dma_start3A_95 = arith.constant 1 : i32
    %dma_start3A_96 = arith.constant 384 : i32
    %dma_start3A_97 = arith.constant 0 : i32
    %dma_start3A_98 = tpu.memref_slice %arg6[%dma_start3A_95, %dma_start3A_96, %dma_start3A_97] : memref<2x512x32xf32, #tpu.memory_space<vmem>> -> memref<1x128x32xf32, #tpu.memory_space<vmem>>
    %dma_start3A_99 = tpu.memref_squeeze %dma_start3A_98 : memref<1x128x32xf32, #tpu.memory_space<vmem>> -> memref<128x32xf32, #tpu.memory_space<vmem>>
    %dma_start3A_100 = arith.constant 0 : i32
    %dma_start3A_101 = tpu.memref_slice %arg5[%dma_start3A_93, %dma_start3A_94, %dma_start3A_100] : memref<50x4x128xi32, #tpu.memory_space<vmem>> -> memref<1x1x128xi32, #tpu.memory_space<vmem>>
    %dma_start3A_102 = tpu.memref_squeeze %dma_start3A_101 : memref<1x1x128xi32, #tpu.memory_space<vmem>> -> memref<128xi32, #tpu.memory_space<vmem>>
    %dma_start3A_103 = arith.constant 0 : i32
    %dma_start3A_104 = arith.constant 0 : i32
    %dma_start3A_105 = tpu.memref_slice %arg3[%dma_start3A_103, %dma_start3A_104] : memref<4000000x32xf32, #tpu.memory_space<hbm>> -> memref<4000000x32xf32, #tpu.memory_space<hbm>>
    tpu.enqueue_indirect_dma source(%dma_start3A_105 : memref<4000000x32xf32, #tpu.memory_space<hbm>>) target(%dma_start3A_99 : memref<128x32xf32, #tpu.memory_space<vmem>>) offsets(%dma_start3A_102 : memref<128xi32, #tpu.memory_space<vmem>>) semaphore(%arg8 : memref<!tpu.dma_semaphore, #tpu.memory_space<semaphore_mem>>)
    %scan3A = arith.constant 0 : i32
    %scan3A_106 = arith.constant 0 : i32
    %scan3A_107 = arith.constant 25 : i32
    %scan3A_108 = arith.addi %scan3A_106, %scan3A_107 : i32
    %scan3A_109 = arith.constant 1 : i32
    %scan3A_110 = scf.for %scan3A_303 = %scan3A_106 to %scan3A_108 step %scan3A_109 iter_args(%scan3A_304 = %scan3A) -> (i32)  : i32 {
      %mul3A_305 = arith.constant 2 : i32
      %mul3A_306 = arith.muli %scan3A_303, %mul3A_305 : i32
      %add3A_307 = arith.constant 0 : i32
      %add3A_308 = arith.addi %mul3A_306, %add3A_307 : i32
      %dma_wait3A_309 = arith.constant 0 : i32
      %dma_wait3A_310 = arith.constant 0 : i32
      %dma_wait3A_311 = arith.constant 0 : i32
      %dma_wait3A_312 = tpu.memref_slice %arg6[%dma_wait3A_309, %dma_wait3A_310, %dma_wait3A_311] : memref<2x512x32xf32, #tpu.memory_space<vmem>> -> memref<1x512x32xf32, #tpu.memory_space<vmem>>
      %dma_wait3A_313 = tpu.memref_squeeze %dma_wait3A_312 : memref<1x512x32xf32, #tpu.memory_space<vmem>> -> memref<512x32xf32, #tpu.memory_space<vmem>>
      %dma_wait3A_314 = arith.constant 0 : i32
      %dma_wait3A_315 = arith.constant 0 : i32
      %dma_wait3A_316 = tpu.memref_slice %arg3[%dma_wait3A_314, %dma_wait3A_315] : memref<4000000x32xf32, #tpu.memory_space<hbm>> -> memref<512x32xf32, #tpu.memory_space<hbm>>
      %dma_wait3A_317 = arith.constant 0 : i32
      %dma_wait3A_318 = arith.constant 0 : i32
      %dma_wait3A_319 = tpu.memref_slice %arg6[%dma_wait3A_309, %dma_wait3A_317, %dma_wait3A_318] : memref<2x512x32xf32, #tpu.memory_space<vmem>> -> memref<1x512x32xf32, #tpu.memory_space<vmem>>
      %dma_wait3A_320 = tpu.memref_squeeze %dma_wait3A_319 : memref<1x512x32xf32, #tpu.memory_space<vmem>> -> memref<512x32xf32, #tpu.memory_space<vmem>>
      %dma_wait3A_321 = arith.constant 0 : i32
      %dma_wait3A_322 = arith.constant 0 : i32
      %dma_wait3A_323 = tpu.memref_slice %arg3[%dma_wait3A_321, %dma_wait3A_322] : memref<4000000x32xf32, #tpu.memory_space<hbm>> -> memref<512x32xf32, #tpu.memory_space<hbm>>
      tpu.wait_dma2 semaphore(%arg8 : memref<!tpu.dma_semaphore, #tpu.memory_space<semaphore_mem>>) src(%dma_wait3A_323 : memref<512x32xf32, #tpu.memory_space<hbm>>) dst(%dma_wait3A_320 : memref<512x32xf32, #tpu.memory_space<vmem>>)
      %ge3A = arith.constant 1 : i32
      %ge3A_324 = arith.cmpi sge, %scan3A_303, %ge3A : i32
      %convert_element_type3A = arith.extui %ge3A_324 : i1 to i32
      %cond3A = arith.constant 0 : i32
      %cond3A_325 = arith.cmpi ne, %convert_element_type3A, %cond3A : i32
      scf.if %cond3A_325 {
        %dma_wait3A_549 = arith.constant 0 : i32
        %dma_wait3A_550 = arith.constant 0 : i32
        %dma_wait3A_551 = arith.constant 0 : i32
        %dma_wait3A_552 = arith.constant 0 : i32
        %dma_wait3A_553 = arith.constant 0 : i32
        %dma_wait3A_554 = arith.constant 0 : i32
        %dma_wait3A_555 = arith.constant 0 : i32
        %dma_wait3A_556 = tpu.memref_slice %arg7[%dma_wait3A_549, %dma_wait3A_550, %dma_wait3A_553, %dma_wait3A_554, %dma_wait3A_555] : memref<2x4x4x8x128xf32, #tpu.memory_space<vmem>> -> memref<1x1x4x8x128xf32, #tpu.memory_space<vmem>>
        %dma_wait3A_557 = tpu.memref_squeeze %dma_wait3A_556 : memref<1x1x4x8x128xf32, #tpu.memory_space<vmem>> -> memref<4x8x128xf32, #tpu.memory_space<vmem>>
        %dma_wait3A_558 = arith.constant 0 : i32
        %dma_wait3A_559 = arith.constant 0 : i32
        %dma_wait3A_560 = arith.constant 0 : i32
        %dma_wait3A_561 = tpu.memref_slice %arg4[%dma_wait3A_551, %dma_wait3A_552, %dma_wait3A_558, %dma_wait3A_559, %dma_wait3A_560] : memref<50x4x128x8x128xf32, #tpu.memory_space<hbm>> -> memref<1x1x4x8x128xf32, #tpu.memory_space<hbm>>
        %dma_wait3A_562 = tpu.memref_squeeze %dma_wait3A_561 : memref<1x1x4x8x128xf32, #tpu.memory_space<hbm>> -> memref<4x8x128xf32, #tpu.memory_space<hbm>>
        %dma_wait3A_563 = arith.constant 0 : i32
        %dma_wait3A_564 = arith.constant 0 : i32
        %dma_wait3A_565 = arith.constant 0 : i32
        %dma_wait3A_566 = tpu.memref_slice %arg4[%dma_wait3A_551, %dma_wait3A_552, %dma_wait3A_563, %dma_wait3A_564, %dma_wait3A_565] : memref<50x4x128x8x128xf32, #tpu.memory_space<hbm>> -> memref<1x1x4x8x128xf32, #tpu.memory_space<hbm>>
        %dma_wait3A_567 = tpu.memref_squeeze %dma_wait3A_566 : memref<1x1x4x8x128xf32, #tpu.memory_space<hbm>> -> memref<4x8x128xf32, #tpu.memory_space<hbm>>
        %dma_wait3A_568 = arith.constant 0 : i32
        %dma_wait3A_569 = arith.constant 0 : i32
        %dma_wait3A_570 = arith.constant 0 : i32
        %dma_wait3A_571 = tpu.memref_slice %arg7[%dma_wait3A_549, %dma_wait3A_550, %dma_wait3A_568, %dma_wait3A_569, %dma_wait3A_570] : memref<2x4x4x8x128xf32, #tpu.memory_space<vmem>> -> memref<1x1x4x8x128xf32, #tpu.memory_space<vmem>>
        %dma_wait3A_572 = tpu.memref_squeeze %dma_wait3A_571 : memref<1x1x4x8x128xf32, #tpu.memory_space<vmem>> -> memref<4x8x128xf32, #tpu.memory_space<vmem>>
        tpu.wait_dma2 semaphore(%arg9 : memref<!tpu.dma_semaphore, #tpu.memory_space<semaphore_mem>>) src(%dma_wait3A_572 : memref<4x8x128xf32, #tpu.memory_space<vmem>>) dst(%dma_wait3A_567 : memref<4x8x128xf32, #tpu.memory_space<hbm>>)
        %dma_wait3A_573 = arith.constant 0 : i32
        %dma_wait3A_574 = arith.constant 1 : i32
        %dma_wait3A_575 = arith.constant 0 : i32
        %dma_wait3A_576 = arith.constant 1 : i32
        %dma_wait3A_577 = arith.constant 0 : i32
        %dma_wait3A_578 = arith.constant 0 : i32
        %dma_wait3A_579 = arith.constant 0 : i32
        %dma_wait3A_580 = tpu.memref_slice %arg7[%dma_wait3A_573, %dma_wait3A_574, %dma_wait3A_577, %dma_wait3A_578, %dma_wait3A_579] : memref<2x4x4x8x128xf32, #tpu.memory_space<vmem>> -> memref<1x1x4x8x128xf32, #tpu.memory_space<vmem>>
        %dma_wait3A_581 = tpu.memref_squeeze %dma_wait3A_580 : memref<1x1x4x8x128xf32, #tpu.memory_space<vmem>> -> memref<4x8x128xf32, #tpu.memory_space<vmem>>
        %dma_wait3A_582 = arith.constant 0 : i32
        %dma_wait3A_583 = arith.constant 0 : i32
        %dma_wait3A_584 = arith.constant 0 : i32
        %dma_wait3A_585 = tpu.memref_slice %arg4[%dma_wait3A_575, %dma_wait3A_576, %dma_wait3A_582, %dma_wait3A_583, %dma_wait3A_584] : memref<50x4x128x8x128xf32, #tpu.memory_space<hbm>> -> memref<1x1x4x8x128xf32, #tpu.memory_space<hbm>>
        %dma_wait3A_586 = tpu.memref_squeeze %dma_wait3A_585 : memref<1x1x4x8x128xf32, #tpu.memory_space<hbm>> -> memref<4x8x128xf32, #tpu.memory_space<hbm>>
        %dma_wait3A_587 = arith.constant 0 : i32
        %dma_wait3A_588 = arith.constant 0 : i32
        %dma_wait3A_589 = arith.constant 0 : i32
        %dma_wait3A_590 = tpu.memref_slice %arg4[%dma_wait3A_575, %dma_wait3A_576, %dma_wait3A_587, %dma_wait3A_588, %dma_wait3A_589] : memref<50x4x128x8x128xf32, #tpu.memory_space<hbm>> -> memref<1x1x4x8x128xf32, #tpu.memory_space<hbm>>
        %dma_wait3A_591 = tpu.memref_squeeze %dma_wait3A_590 : memref<1x1x4x8x128xf32, #tpu.memory_space<hbm>> -> memref<4x8x128xf32, #tpu.memory_space<hbm>>
        %dma_wait3A_592 = arith.constant 0 : i32
        %dma_wait3A_593 = arith.constant 0 : i32
        %dma_wait3A_594 = arith.constant 0 : i32
        %dma_wait3A_595 = tpu.memref_slice %arg7[%dma_wait3A_573, %dma_wait3A_574, %dma_wait3A_592, %dma_wait3A_593, %dma_wait3A_594] : memref<2x4x4x8x128xf32, #tpu.memory_space<vmem>> -> memref<1x1x4x8x128xf32, #tpu.memory_space<vmem>>
        %dma_wait3A_596 = tpu.memref_squeeze %dma_wait3A_595 : memref<1x1x4x8x128xf32, #tpu.memory_space<vmem>> -> memref<4x8x128xf32, #tpu.memory_space<vmem>>
        tpu.wait_dma2 semaphore(%arg9 : memref<!tpu.dma_semaphore, #tpu.memory_space<semaphore_mem>>) src(%dma_wait3A_596 : memref<4x8x128xf32, #tpu.memory_space<vmem>>) dst(%dma_wait3A_591 : memref<4x8x128xf32, #tpu.memory_space<hbm>>)
        %dma_wait3A_597 = arith.constant 0 : i32
        %dma_wait3A_598 = arith.constant 2 : i32
        %dma_wait3A_599 = arith.constant 0 : i32
        %dma_wait3A_600 = arith.constant 2 : i32
        %dma_wait3A_601 = arith.constant 0 : i32
        %dma_wait3A_602 = arith.constant 0 : i32
        %dma_wait3A_603 = arith.constant 0 : i32
        %dma_wait3A_604 = tpu.memref_slice %arg7[%dma_wait3A_597, %dma_wait3A_598, %dma_wait3A_601, %dma_wait3A_602, %dma_wait3A_603] : memref<2x4x4x8x128xf32, #tpu.memory_space<vmem>> -> memref<1x1x4x8x128xf32, #tpu.memory_space<vmem>>
        %dma_wait3A_605 = tpu.memref_squeeze %dma_wait3A_604 : memref<1x1x4x8x128xf32, #tpu.memory_space<vmem>> -> memref<4x8x128xf32, #tpu.memory_space<vmem>>
        %dma_wait3A_606 = arith.constant 0 : i32
        %dma_wait3A_607 = arith.constant 0 : i32
        %dma_wait3A_608 = arith.constant 0 : i32
        %dma_wait3A_609 = tpu.memref_slice %arg4[%dma_wait3A_599, %dma_wait3A_600, %dma_wait3A_606, %dma_wait3A_607, %dma_wait3A_608] : memref<50x4x128x8x128xf32, #tpu.memory_space<hbm>> -> memref<1x1x4x8x128xf32, #tpu.memory_space<hbm>>
        %dma_wait3A_610 = tpu.memref_squeeze %dma_wait3A_609 : memref<1x1x4x8x128xf32, #tpu.memory_space<hbm>> -> memref<4x8x128xf32, #tpu.memory_space<hbm>>
        %dma_wait3A_611 = arith.constant 0 : i32
        %dma_wait3A_612 = arith.constant 0 : i32
        %dma_wait3A_613 = arith.constant 0 : i32
        %dma_wait3A_614 = tpu.memref_slice %arg4[%dma_wait3A_599, %dma_wait3A_600, %dma_wait3A_611, %dma_wait3A_612, %dma_wait3A_613] : memref<50x4x128x8x128xf32, #tpu.memory_space<hbm>> -> memref<1x1x4x8x128xf32, #tpu.memory_space<hbm>>
        %dma_wait3A_615 = tpu.memref_squeeze %dma_wait3A_614 : memref<1x1x4x8x128xf32, #tpu.memory_space<hbm>> -> memref<4x8x128xf32, #tpu.memory_space<hbm>>
        %dma_wait3A_616 = arith.constant 0 : i32
        %dma_wait3A_617 = arith.constant 0 : i32
        %dma_wait3A_618 = arith.constant 0 : i32
        %dma_wait3A_619 = tpu.memref_slice %arg7[%dma_wait3A_597, %dma_wait3A_598, %dma_wait3A_616, %dma_wait3A_617, %dma_wait3A_618] : memref<2x4x4x8x128xf32, #tpu.memory_space<vmem>> -> memref<1x1x4x8x128xf32, #tpu.memory_space<vmem>>
        %dma_wait3A_620 = tpu.memref_squeeze %dma_wait3A_619 : memref<1x1x4x8x128xf32, #tpu.memory_space<vmem>> -> memref<4x8x128xf32, #tpu.memory_space<vmem>>
        tpu.wait_dma2 semaphore(%arg9 : memref<!tpu.dma_semaphore, #tpu.memory_space<semaphore_mem>>) src(%dma_wait3A_620 : memref<4x8x128xf32, #tpu.memory_space<vmem>>) dst(%dma_wait3A_615 : memref<4x8x128xf32, #tpu.memory_space<hbm>>)
        %dma_wait3A_621 = arith.constant 0 : i32
        %dma_wait3A_622 = arith.constant 3 : i32
        %dma_wait3A_623 = arith.constant 0 : i32
        %dma_wait3A_624 = arith.constant 3 : i32
        %dma_wait3A_625 = arith.constant 0 : i32
        %dma_wait3A_626 = arith.constant 0 : i32
        %dma_wait3A_627 = arith.constant 0 : i32
        %dma_wait3A_628 = tpu.memref_slice %arg7[%dma_wait3A_621, %dma_wait3A_622, %dma_wait3A_625, %dma_wait3A_626, %dma_wait3A_627] : memref<2x4x4x8x128xf32, #tpu.memory_space<vmem>> -> memref<1x1x4x8x128xf32, #tpu.memory_space<vmem>>
        %dma_wait3A_629 = tpu.memref_squeeze %dma_wait3A_628 : memref<1x1x4x8x128xf32, #tpu.memory_space<vmem>> -> memref<4x8x128xf32, #tpu.memory_space<vmem>>
        %dma_wait3A_630 = arith.constant 0 : i32
        %dma_wait3A_631 = arith.constant 0 : i32
        %dma_wait3A_632 = arith.constant 0 : i32
        %dma_wait3A_633 = tpu.memref_slice %arg4[%dma_wait3A_623, %dma_wait3A_624, %dma_wait3A_630, %dma_wait3A_631, %dma_wait3A_632] : memref<50x4x128x8x128xf32, #tpu.memory_space<hbm>> -> memref<1x1x4x8x128xf32, #tpu.memory_space<hbm>>
        %dma_wait3A_634 = tpu.memref_squeeze %dma_wait3A_633 : memref<1x1x4x8x128xf32, #tpu.memory_space<hbm>> -> memref<4x8x128xf32, #tpu.memory_space<hbm>>
        %dma_wait3A_635 = arith.constant 0 : i32
        %dma_wait3A_636 = arith.constant 0 : i32
        %dma_wait3A_637 = arith.constant 0 : i32
        %dma_wait3A_638 = tpu.memref_slice %arg4[%dma_wait3A_623, %dma_wait3A_624, %dma_wait3A_635, %dma_wait3A_636, %dma_wait3A_637] : memref<50x4x128x8x128xf32, #tpu.memory_space<hbm>> -> memref<1x1x4x8x128xf32, #tpu.memory_space<hbm>>
        %dma_wait3A_639 = tpu.memref_squeeze %dma_wait3A_638 : memref<1x1x4x8x128xf32, #tpu.memory_space<hbm>> -> memref<4x8x128xf32, #tpu.memory_space<hbm>>
        %dma_wait3A_640 = arith.constant 0 : i32
        %dma_wait3A_641 = arith.constant 0 : i32
        %dma_wait3A_642 = arith.constant 0 : i32
        %dma_wait3A_643 = tpu.memref_slice %arg7[%dma_wait3A_621, %dma_wait3A_622, %dma_wait3A_640, %dma_wait3A_641, %dma_wait3A_642] : memref<2x4x4x8x128xf32, #tpu.memory_space<vmem>> -> memref<1x1x4x8x128xf32, #tpu.memory_space<vmem>>
        %dma_wait3A_644 = tpu.memref_squeeze %dma_wait3A_643 : memref<1x1x4x8x128xf32, #tpu.memory_space<vmem>> -> memref<4x8x128xf32, #tpu.memory_space<vmem>>
        tpu.wait_dma2 semaphore(%arg9 : memref<!tpu.dma_semaphore, #tpu.memory_space<semaphore_mem>>) src(%dma_wait3A_644 : memref<4x8x128xf32, #tpu.memory_space<vmem>>) dst(%dma_wait3A_639 : memref<4x8x128xf32, #tpu.memory_space<hbm>>)
      } else {
      }
      %parallel_loop3A = arith.constant 0 : i32
      %parallel_loop3A_326 = arith.constant 32 : i32
      %parallel_loop3A_327 = arith.constant 1 : i32
      scf.for %parallel_loop3A_549 = %parallel_loop3A to %parallel_loop3A_326 step %parallel_loop3A_327  : i32 {
        %parallel_loop3A_550 = arith.constant 8 : i32
        %parallel_loop3A_551 = arith.divsi %parallel_loop3A_549, %parallel_loop3A_550 : i32
        %parallel_loop3A_552 = arith.constant 0 : i32
        %parallel_loop3A_553 = arith.cmpi sgt, %parallel_loop3A_549, %parallel_loop3A_552 : i32
        %parallel_loop3A_554 = arith.extui %parallel_loop3A_553 : i1 to i32
        %parallel_loop3A_555 = arith.constant 0 : i32
        %parallel_loop3A_556 = arith.cmpi slt, %parallel_loop3A_549, %parallel_loop3A_555 : i32
        %parallel_loop3A_557 = arith.extui %parallel_loop3A_556 : i1 to i32
        %parallel_loop3A_558 = arith.subi %parallel_loop3A_554, %parallel_loop3A_557 : i32
        %parallel_loop3A_559 = arith.constant 0 : i32
        %parallel_loop3A_560 = arith.cmpi sgt, %parallel_loop3A_550, %parallel_loop3A_559 : i32
        %parallel_loop3A_561 = arith.extui %parallel_loop3A_560 : i1 to i32
        %parallel_loop3A_562 = arith.constant 0 : i32
        %parallel_loop3A_563 = arith.cmpi slt, %parallel_loop3A_550, %parallel_loop3A_562 : i32
        %parallel_loop3A_564 = arith.extui %parallel_loop3A_563 : i1 to i32
        %parallel_loop3A_565 = arith.subi %parallel_loop3A_561, %parallel_loop3A_564 : i32
        %parallel_loop3A_566 = arith.cmpi ne, %parallel_loop3A_558, %parallel_loop3A_565 : i32
        %parallel_loop3A_567 = arith.remsi %parallel_loop3A_549, %parallel_loop3A_550 : i32
        %parallel_loop3A_568 = arith.constant 0 : i32
        %parallel_loop3A_569 = arith.cmpi ne, %parallel_loop3A_567, %parallel_loop3A_568 : i32
        %parallel_loop3A_570 = arith.andi %parallel_loop3A_566, %parallel_loop3A_569 : i1
        %parallel_loop3A_571 = arith.constant 1 : i32
        %parallel_loop3A_572 = arith.subi %parallel_loop3A_551, %parallel_loop3A_571 : i32
        %parallel_loop3A_573 = arith.select %parallel_loop3A_570, %parallel_loop3A_572, %parallel_loop3A_551 : i32
        %parallel_loop3A_574 = arith.constant 8 : i32
        %parallel_loop3A_575 = arith.muli %parallel_loop3A_573, %parallel_loop3A_574 : i32
        %parallel_loop3A_576 = arith.subi %parallel_loop3A_549, %parallel_loop3A_575 : i32
        %parallel_loop3A_577 = arith.constant 0 : i32
        %parallel_loop3A_578 = vector.broadcast %parallel_loop3A_577 : i32 to vector<16xi32>
        %parallel_loop3A_579 = vector.broadcast %parallel_loop3A_549 : i32 to vector<16xi32>
        %parallel_loop3A_580 = arith.addi %parallel_loop3A_578, %parallel_loop3A_579 : vector<16xi32>
        %parallel_loop3A_581 = arith.constant 0 : i32
        %parallel_loop3A_582 = vector.broadcast %parallel_loop3A_581 : i32 to vector<16xi32>
        %parallel_loop3A_583 = arith.addi %parallel_loop3A_582, %iota3A : vector<16xi32>
        %parallel_loop3A_584 = arith.constant 0 : i32
        %parallel_loop3A_585 = arith.constant 0 : i32
        %parallel_loop3A_586 = arith.constant 0 : i32
        %parallel_loop3A_587 = tpu.memref_slice %arg6[%parallel_loop3A_584, %parallel_loop3A_585, %parallel_loop3A_586] : memref<2x512x32xf32, #tpu.memory_space<vmem>> -> memref<1x512x32xf32, #tpu.memory_space<vmem>>
        %parallel_loop3A_588 = tpu.memref_squeeze %parallel_loop3A_587 : memref<1x512x32xf32, #tpu.memory_space<vmem>> -> memref<512x32xf32, #tpu.memory_space<vmem>>
        %parallel_loop3A_589 = tpu.vector_load_idx %parallel_loop3A_588[%parallel_loop3A_583, %parallel_loop3A_580] : memref<512x32xf32, #tpu.memory_space<vmem>>[vector<16xi32>, vector<16xi32>], vector<16xf32>,
        %parallel_loop3A_590 = arith.constant 0 : i32
        %parallel_loop3A_591 = arith.constant 0 : i32
        %parallel_loop3A_592 = arith.index_cast %parallel_loop3A_590 : i32 to index
        %parallel_loop3A_593 = arith.index_cast %parallel_loop3A_573 : i32 to index
        %parallel_loop3A_594 = arith.index_cast %parallel_loop3A_591 : i32 to index
        %parallel_loop3A_595 = arith.index_cast %parallel_loop3A_576 : i32 to index
        %parallel_loop3A_596 = arith.constant 0 : index
        %parallel_loop3A_597 = tpu.vector_load %arg7[%parallel_loop3A_592, %parallel_loop3A_593, %parallel_loop3A_594, %parallel_loop3A_595, %parallel_loop3A_596] {strides = array<i32>} : memref<2x4x4x8x128xf32, #tpu.memory_space<vmem>>, vector<16xf32>,
        tpu.vector_store %arg7[%parallel_loop3A_592, %parallel_loop3A_593, %parallel_loop3A_594, %parallel_loop3A_595, %parallel_loop3A_596], %parallel_loop3A_589 {strides = array<i32>} : memref<2x4x4x8x128xf32, #tpu.memory_space<vmem>>, vector<16xf32>,
        %parallel_loop3A_598 = arith.constant 16 : i32
        %parallel_loop3A_599 = vector.broadcast %parallel_loop3A_598 : i32 to vector<16xi32>
        %parallel_loop3A_600 = arith.addi %parallel_loop3A_599, %iota3A : vector<16xi32>
        %parallel_loop3A_601 = arith.constant 0 : i32
        %parallel_loop3A_602 = arith.constant 0 : i32
        %parallel_loop3A_603 = arith.constant 0 : i32
        %parallel_loop3A_604 = tpu.memref_slice %arg6[%parallel_loop3A_601, %parallel_loop3A_602, %parallel_loop3A_603] : memref<2x512x32xf32, #tpu.memory_space<vmem>> -> memref<1x512x32xf32, #tpu.memory_space<vmem>>
        %parallel_loop3A_605 = tpu.memref_squeeze %parallel_loop3A_604 : memref<1x512x32xf32, #tpu.memory_space<vmem>> -> memref<512x32xf32, #tpu.memory_space<vmem>>
        %parallel_loop3A_606 = tpu.vector_load_idx %parallel_loop3A_605[%parallel_loop3A_600, %parallel_loop3A_580] : memref<512x32xf32, #tpu.memory_space<vmem>>[vector<16xi32>, vector<16xi32>], vector<16xf32>,
        %parallel_loop3A_607 = arith.constant 0 : i32
        %parallel_loop3A_608 = arith.constant 0 : i32
        %parallel_loop3A_609 = arith.index_cast %parallel_loop3A_607 : i32 to index
        %parallel_loop3A_610 = arith.index_cast %parallel_loop3A_573 : i32 to index
        %parallel_loop3A_611 = arith.index_cast %parallel_loop3A_608 : i32 to index
        %parallel_loop3A_612 = arith.index_cast %parallel_loop3A_576 : i32 to index
        %parallel_loop3A_613 = arith.constant 16 : index
        %parallel_loop3A_614 = tpu.vector_load %arg7[%parallel_loop3A_609, %parallel_loop3A_610, %parallel_loop3A_611, %parallel_loop3A_612, %parallel_loop3A_613] {strides = array<i32>} : memref<2x4x4x8x128xf32, #tpu.memory_space<vmem>>, vector<16xf32>,
        tpu.vector_store %arg7[%parallel_loop3A_609, %parallel_loop3A_610, %parallel_loop3A_611, %parallel_loop3A_612, %parallel_loop3A_613], %parallel_loop3A_606 {strides = array<i32>} : memref<2x4x4x8x128xf32, #tpu.memory_space<vmem>>, vector<16xf32>,
        %parallel_loop3A_615 = arith.constant 32 : i32
        %parallel_loop3A_616 = vector.broadcast %parallel_loop3A_615 : i32 to vector<16xi32>
        %parallel_loop3A_617 = arith.addi %parallel_loop3A_616, %iota3A : vector<16xi32>
        %parallel_loop3A_618 = arith.constant 0 : i32
        %parallel_loop3A_619 = arith.constant 0 : i32
        %parallel_loop3A_620 = arith.constant 0 : i32
        %parallel_loop3A_621 = tpu.memref_slice %arg6[%parallel_loop3A_618, %parallel_loop3A_619, %parallel_loop3A_620] : memref<2x512x32xf32, #tpu.memory_space<vmem>> -> memref<1x512x32xf32, #tpu.memory_space<vmem>>
        %parallel_loop3A_622 = tpu.memref_squeeze %parallel_loop3A_621 : memref<1x512x32xf32, #tpu.memory_space<vmem>> -> memref<512x32xf32, #tpu.memory_space<vmem>>
        %parallel_loop3A_623 = tpu.vector_load_idx %parallel_loop3A_622[%parallel_loop3A_617, %parallel_loop3A_580] : memref<512x32xf32, #tpu.memory_space<vmem>>[vector<16xi32>, vector<16xi32>], vector<16xf32>,
        %parallel_loop3A_624 = arith.constant 0 : i32
        %parallel_loop3A_625 = arith.constant 0 : i32
        %parallel_loop3A_626 = arith.index_cast %parallel_loop3A_624 : i32 to index
        %parallel_loop3A_627 = arith.index_cast %parallel_loop3A_573 : i32 to index
        %parallel_loop3A_628 = arith.index_cast %parallel_loop3A_625 : i32 to index
        %parallel_loop3A_629 = arith.index_cast %parallel_loop3A_576 : i32 to index
        %parallel_loop3A_630 = arith.constant 32 : index
        %parallel_loop3A_631 = tpu.vector_load %arg7[%parallel_loop3A_626, %parallel_loop3A_627, %parallel_loop3A_628, %parallel_loop3A_629, %parallel_loop3A_630] {strides = array<i32>} : memref<2x4x4x8x128xf32, #tpu.memory_space<vmem>>, vector<16xf32>,
        tpu.vector_store %arg7[%parallel_loop3A_626, %parallel_loop3A_627, %parallel_loop3A_628, %parallel_loop3A_629, %parallel_loop3A_630], %parallel_loop3A_623 {strides = array<i32>} : memref<2x4x4x8x128xf32, #tpu.memory_space<vmem>>, vector<16xf32>,
        %parallel_loop3A_632 = arith.constant 48 : i32
        %parallel_loop3A_633 = vector.broadcast %parallel_loop3A_632 : i32 to vector<16xi32>
        %parallel_loop3A_634 = arith.addi %parallel_loop3A_633, %iota3A : vector<16xi32>
        %parallel_loop3A_635 = arith.constant 0 : i32
        %parallel_loop3A_636 = arith.constant 0 : i32
        %parallel_loop3A_637 = arith.constant 0 : i32
        %parallel_loop3A_638 = tpu.memref_slice %arg6[%parallel_loop3A_635, %parallel_loop3A_636, %parallel_loop3A_637] : memref<2x512x32xf32, #tpu.memory_space<vmem>> -> memref<1x512x32xf32, #tpu.memory_space<vmem>>
        %parallel_loop3A_639 = tpu.memref_squeeze %parallel_loop3A_638 : memref<1x512x32xf32, #tpu.memory_space<vmem>> -> memref<512x32xf32, #tpu.memory_space<vmem>>
        %parallel_loop3A_640 = tpu.vector_load_idx %parallel_loop3A_639[%parallel_loop3A_634, %parallel_loop3A_580] : memref<512x32xf32, #tpu.memory_space<vmem>>[vector<16xi32>, vector<16xi32>], vector<16xf32>,
        %parallel_loop3A_641 = arith.constant 0 : i32
        %parallel_loop3A_642 = arith.constant 0 : i32
        %parallel_loop3A_643 = arith.index_cast %parallel_loop3A_641 : i32 to index
        %parallel_loop3A_644 = arith.index_cast %parallel_loop3A_573 : i32 to index
        %parallel_loop3A_645 = arith.index_cast %parallel_loop3A_642 : i32 to index
        %parallel_loop3A_646 = arith.index_cast %parallel_loop3A_576 : i32 to index
        %parallel_loop3A_647 = arith.constant 48 : index
        %parallel_loop3A_648 = tpu.vector_load %arg7[%parallel_loop3A_643, %parallel_loop3A_644, %parallel_loop3A_645, %parallel_loop3A_646, %parallel_loop3A_647] {strides = array<i32>} : memref<2x4x4x8x128xf32, #tpu.memory_space<vmem>>, vector<16xf32>,
        tpu.vector_store %arg7[%parallel_loop3A_643, %parallel_loop3A_644, %parallel_loop3A_645, %parallel_loop3A_646, %parallel_loop3A_647], %parallel_loop3A_640 {strides = array<i32>} : memref<2x4x4x8x128xf32, #tpu.memory_space<vmem>>, vector<16xf32>,
        %parallel_loop3A_649 = arith.constant 64 : i32
        %parallel_loop3A_650 = vector.broadcast %parallel_loop3A_649 : i32 to vector<16xi32>
        %parallel_loop3A_651 = arith.addi %parallel_loop3A_650, %iota3A : vector<16xi32>
        %parallel_loop3A_652 = arith.constant 0 : i32
        %parallel_loop3A_653 = arith.constant 0 : i32
        %parallel_loop3A_654 = arith.constant 0 : i32
        %parallel_loop3A_655 = tpu.memref_slice %arg6[%parallel_loop3A_652, %parallel_loop3A_653, %parallel_loop3A_654] : memref<2x512x32xf32, #tpu.memory_space<vmem>> -> memref<1x512x32xf32, #tpu.memory_space<vmem>>
        %parallel_loop3A_656 = tpu.memref_squeeze %parallel_loop3A_655 : memref<1x512x32xf32, #tpu.memory_space<vmem>> -> memref<512x32xf32, #tpu.memory_space<vmem>>
        %parallel_loop3A_657 = tpu.vector_load_idx %parallel_loop3A_656[%parallel_loop3A_651, %parallel_loop3A_580] : memref<512x32xf32, #tpu.memory_space<vmem>>[vector<16xi32>, vector<16xi32>], vector<16xf32>,
        %parallel_loop3A_658 = arith.constant 0 : i32
        %parallel_loop3A_659 = arith.constant 0 : i32
        %parallel_loop3A_660 = arith.index_cast %parallel_loop3A_658 : i32 to index
        %parallel_loop3A_661 = arith.index_cast %parallel_loop3A_573 : i32 to index
        %parallel_loop3A_662 = arith.index_cast %parallel_loop3A_659 : i32 to index
        %parallel_loop3A_663 = arith.index_cast %parallel_loop3A_576 : i32 to index
        %parallel_loop3A_664 = arith.constant 64 : index
        %parallel_loop3A_665 = tpu.vector_load %arg7[%parallel_loop3A_660, %parallel_loop3A_661, %parallel_loop3A_662, %parallel_loop3A_663, %parallel_loop3A_664] {strides = array<i32>} : memref<2x4x4x8x128xf32, #tpu.memory_space<vmem>>, vector<16xf32>,
        tpu.vector_store %arg7[%parallel_loop3A_660, %parallel_loop3A_661, %parallel_loop3A_662, %parallel_loop3A_663, %parallel_loop3A_664], %parallel_loop3A_657 {strides = array<i32>} : memref<2x4x4x8x128xf32, #tpu.memory_space<vmem>>, vector<16xf32>,
        %parallel_loop3A_666 = arith.constant 80 : i32
        %parallel_loop3A_667 = vector.broadcast %parallel_loop3A_666 : i32 to vector<16xi32>
        %parallel_loop3A_668 = arith.addi %parallel_loop3A_667, %iota3A : vector<16xi32>
        %parallel_loop3A_669 = arith.constant 0 : i32
        %parallel_loop3A_670 = arith.constant 0 : i32
        %parallel_loop3A_671 = arith.constant 0 : i32
        %parallel_loop3A_672 = tpu.memref_slice %arg6[%parallel_loop3A_669, %parallel_loop3A_670, %parallel_loop3A_671] : memref<2x512x32xf32, #tpu.memory_space<vmem>> -> memref<1x512x32xf32, #tpu.memory_space<vmem>>
        %parallel_loop3A_673 = tpu.memref_squeeze %parallel_loop3A_672 : memref<1x512x32xf32, #tpu.memory_space<vmem>> -> memref<512x32xf32, #tpu.memory_space<vmem>>
        %parallel_loop3A_674 = tpu.vector_load_idx %parallel_loop3A_673[%parallel_loop3A_668, %parallel_loop3A_580] : memref<512x32xf32, #tpu.memory_space<vmem>>[vector<16xi32>, vector<16xi32>], vector<16xf32>,
        %parallel_loop3A_675 = arith.constant 0 : i32
        %parallel_loop3A_676 = arith.constant 0 : i32
        %parallel_loop3A_677 = arith.index_cast %parallel_loop3A_675 : i32 to index
        %parallel_loop3A_678 = arith.index_cast %parallel_loop3A_573 : i32 to index
        %parallel_loop3A_679 = arith.index_cast %parallel_loop3A_676 : i32 to index
        %parallel_loop3A_680 = arith.index_cast %parallel_loop3A_576 : i32 to index
        %parallel_loop3A_681 = arith.constant 80 : index
        %parallel_loop3A_682 = tpu.vector_load %arg7[%parallel_loop3A_677, %parallel_loop3A_678, %parallel_loop3A_679, %parallel_loop3A_680, %parallel_loop3A_681] {strides = array<i32>} : memref<2x4x4x8x128xf32, #tpu.memory_space<vmem>>, vector<16xf32>,
        tpu.vector_store %arg7[%parallel_loop3A_677, %parallel_loop3A_678, %parallel_loop3A_679, %parallel_loop3A_680, %parallel_loop3A_681], %parallel_loop3A_674 {strides = array<i32>} : memref<2x4x4x8x128xf32, #tpu.memory_space<vmem>>, vector<16xf32>,
        %parallel_loop3A_683 = arith.constant 96 : i32
        %parallel_loop3A_684 = vector.broadcast %parallel_loop3A_683 : i32 to vector<16xi32>
        %parallel_loop3A_685 = arith.addi %parallel_loop3A_684, %iota3A : vector<16xi32>
        %parallel_loop3A_686 = arith.constant 0 : i32
        %parallel_loop3A_687 = arith.constant 0 : i32
        %parallel_loop3A_688 = arith.constant 0 : i32
        %parallel_loop3A_689 = tpu.memref_slice %arg6[%parallel_loop3A_686, %parallel_loop3A_687, %parallel_loop3A_688] : memref<2x512x32xf32, #tpu.memory_space<vmem>> -> memref<1x512x32xf32, #tpu.memory_space<vmem>>
        %parallel_loop3A_690 = tpu.memref_squeeze %parallel_loop3A_689 : memref<1x512x32xf32, #tpu.memory_space<vmem>> -> memref<512x32xf32, #tpu.memory_space<vmem>>
        %parallel_loop3A_691 = tpu.vector_load_idx %parallel_loop3A_690[%parallel_loop3A_685, %parallel_loop3A_580] : memref<512x32xf32, #tpu.memory_space<vmem>>[vector<16xi32>, vector<16xi32>], vector<16xf32>,
        %parallel_loop3A_692 = arith.constant 0 : i32
        %parallel_loop3A_693 = arith.constant 0 : i32
        %parallel_loop3A_694 = arith.index_cast %parallel_loop3A_692 : i32 to index
        %parallel_loop3A_695 = arith.index_cast %parallel_loop3A_573 : i32 to index
        %parallel_loop3A_696 = arith.index_cast %parallel_loop3A_693 : i32 to index
        %parallel_loop3A_697 = arith.index_cast %parallel_loop3A_576 : i32 to index
        %parallel_loop3A_698 = arith.constant 96 : index
        %parallel_loop3A_699 = tpu.vector_load %arg7[%parallel_loop3A_694, %parallel_loop3A_695, %parallel_loop3A_696, %parallel_loop3A_697, %parallel_loop3A_698] {strides = array<i32>} : memref<2x4x4x8x128xf32, #tpu.memory_space<vmem>>, vector<16xf32>,
        tpu.vector_store %arg7[%parallel_loop3A_694, %parallel_loop3A_695, %parallel_loop3A_696, %parallel_loop3A_697, %parallel_loop3A_698], %parallel_loop3A_691 {strides = array<i32>} : memref<2x4x4x8x128xf32, #tpu.memory_space<vmem>>, vector<16xf32>,
        %parallel_loop3A_700 = arith.constant 112 : i32
        %parallel_loop3A_701 = vector.broadcast %parallel_loop3A_700 : i32 to vector<16xi32>
        %parallel_loop3A_702 = arith.addi %parallel_loop3A_701, %iota3A : vector<16xi32>
        %parallel_loop3A_703 = arith.constant 0 : i32
        %parallel_loop3A_704 = arith.constant 0 : i32
        %parallel_loop3A_705 = arith.constant 0 : i32
        %parallel_loop3A_706 = tpu.memref_slice %arg6[%parallel_loop3A_703, %parallel_loop3A_704, %parallel_loop3A_705] : memref<2x512x32xf32, #tpu.memory_space<vmem>> -> memref<1x512x32xf32, #tpu.memory_space<vmem>>
        %parallel_loop3A_707 = tpu.memref_squeeze %parallel_loop3A_706 : memref<1x512x32xf32, #tpu.memory_space<vmem>> -> memref<512x32xf32, #tpu.memory_space<vmem>>
        %parallel_loop3A_708 = tpu.vector_load_idx %parallel_loop3A_707[%parallel_loop3A_702, %parallel_loop3A_580] : memref<512x32xf32, #tpu.memory_space<vmem>>[vector<16xi32>, vector<16xi32>], vector<16xf32>,
        %parallel_loop3A_709 = arith.constant 0 : i32
        %parallel_loop3A_710 = arith.constant 0 : i32
        %parallel_loop3A_711 = arith.index_cast %parallel_loop3A_709 : i32 to index
        %parallel_loop3A_712 = arith.index_cast %parallel_loop3A_573 : i32 to index
        %parallel_loop3A_713 = arith.index_cast %parallel_loop3A_710 : i32 to index
        %parallel_loop3A_714 = arith.index_cast %parallel_loop3A_576 : i32 to index
        %parallel_loop3A_715 = arith.constant 112 : index
        %parallel_loop3A_716 = tpu.vector_load %arg7[%parallel_loop3A_711, %parallel_loop3A_712, %parallel_loop3A_713, %parallel_loop3A_714, %parallel_loop3A_715] {strides = array<i32>} : memref<2x4x4x8x128xf32, #tpu.memory_space<vmem>>, vector<16xf32>,
        tpu.vector_store %arg7[%parallel_loop3A_711, %parallel_loop3A_712, %parallel_loop3A_713, %parallel_loop3A_714, %parallel_loop3A_715], %parallel_loop3A_708 {strides = array<i32>} : memref<2x4x4x8x128xf32, #tpu.memory_space<vmem>>, vector<16xf32>,
        %parallel_loop3A_717 = arith.constant 128 : i32
        %parallel_loop3A_718 = vector.broadcast %parallel_loop3A_717 : i32 to vector<16xi32>
        %parallel_loop3A_719 = arith.addi %parallel_loop3A_718, %iota3A : vector<16xi32>
        %parallel_loop3A_720 = arith.constant 0 : i32
        %parallel_loop3A_721 = arith.constant 0 : i32
        %parallel_loop3A_722 = arith.constant 0 : i32
        %parallel_loop3A_723 = tpu.memref_slice %arg6[%parallel_loop3A_720, %parallel_loop3A_721, %parallel_loop3A_722] : memref<2x512x32xf32, #tpu.memory_space<vmem>> -> memref<1x512x32xf32, #tpu.memory_space<vmem>>
        %parallel_loop3A_724 = tpu.memref_squeeze %parallel_loop3A_723 : memref<1x512x32xf32, #tpu.memory_space<vmem>> -> memref<512x32xf32, #tpu.memory_space<vmem>>
        %parallel_loop3A_725 = tpu.vector_load_idx %parallel_loop3A_724[%parallel_loop3A_719, %parallel_loop3A_580] : memref<512x32xf32, #tpu.memory_space<vmem>>[vector<16xi32>, vector<16xi32>], vector<16xf32>,
        %parallel_loop3A_726 = arith.constant 0 : i32
        %parallel_loop3A_727 = arith.constant 1 : i32
        %parallel_loop3A_728 = arith.index_cast %parallel_loop3A_726 : i32 to index
        %parallel_loop3A_729 = arith.index_cast %parallel_loop3A_573 : i32 to index
        %parallel_loop3A_730 = arith.index_cast %parallel_loop3A_727 : i32 to index
        %parallel_loop3A_731 = arith.index_cast %parallel_loop3A_576 : i32 to index
        %parallel_loop3A_732 = arith.constant 0 : index
        %parallel_loop3A_733 = tpu.vector_load %arg7[%parallel_loop3A_728, %parallel_loop3A_729, %parallel_loop3A_730, %parallel_loop3A_731, %parallel_loop3A_732] {strides = array<i32>} : memref<2x4x4x8x128xf32, #tpu.memory_space<vmem>>, vector<16xf32>,
        tpu.vector_store %arg7[%parallel_loop3A_728, %parallel_loop3A_729, %parallel_loop3A_730, %parallel_loop3A_731, %parallel_loop3A_732], %parallel_loop3A_725 {strides = array<i32>} : memref<2x4x4x8x128xf32, #tpu.memory_space<vmem>>, vector<16xf32>,
        %parallel_loop3A_734 = arith.constant 144 : i32
        %parallel_loop3A_735 = vector.broadcast %parallel_loop3A_734 : i32 to vector<16xi32>
        %parallel_loop3A_736 = arith.addi %parallel_loop3A_735, %iota3A : vector<16xi32>
        %parallel_loop3A_737 = arith.constant 0 : i32
        %parallel_loop3A_738 = arith.constant 0 : i32
        %parallel_loop3A_739 = arith.constant 0 : i32
        %parallel_loop3A_740 = tpu.memref_slice %arg6[%parallel_loop3A_737, %parallel_loop3A_738, %parallel_loop3A_739] : memref<2x512x32xf32, #tpu.memory_space<vmem>> -> memref<1x512x32xf32, #tpu.memory_space<vmem>>
        %parallel_loop3A_741 = tpu.memref_squeeze %parallel_loop3A_740 : memref<1x512x32xf32, #tpu.memory_space<vmem>> -> memref<512x32xf32, #tpu.memory_space<vmem>>
        %parallel_loop3A_742 = tpu.vector_load_idx %parallel_loop3A_741[%parallel_loop3A_736, %parallel_loop3A_580] : memref<512x32xf32, #tpu.memory_space<vmem>>[vector<16xi32>, vector<16xi32>], vector<16xf32>,
        %parallel_loop3A_743 = arith.constant 0 : i32
        %parallel_loop3A_744 = arith.constant 1 : i32
        %parallel_loop3A_745 = arith.index_cast %parallel_loop3A_743 : i32 to index
        %parallel_loop3A_746 = arith.index_cast %parallel_loop3A_573 : i32 to index
        %parallel_loop3A_747 = arith.index_cast %parallel_loop3A_744 : i32 to index
        %parallel_loop3A_748 = arith.index_cast %parallel_loop3A_576 : i32 to index
        %parallel_loop3A_749 = arith.constant 16 : index
        %parallel_loop3A_750 = tpu.vector_load %arg7[%parallel_loop3A_745, %parallel_loop3A_746, %parallel_loop3A_747, %parallel_loop3A_748, %parallel_loop3A_749] {strides = array<i32>} : memref<2x4x4x8x128xf32, #tpu.memory_space<vmem>>, vector<16xf32>,
        tpu.vector_store %arg7[%parallel_loop3A_745, %parallel_loop3A_746, %parallel_loop3A_747, %parallel_loop3A_748, %parallel_loop3A_749], %parallel_loop3A_742 {strides = array<i32>} : memref<2x4x4x8x128xf32, #tpu.memory_space<vmem>>, vector<16xf32>,
        %parallel_loop3A_751 = arith.constant 160 : i32
        %parallel_loop3A_752 = vector.broadcast %parallel_loop3A_751 : i32 to vector<16xi32>
        %parallel_loop3A_753 = arith.addi %parallel_loop3A_752, %iota3A : vector<16xi32>
        %parallel_loop3A_754 = arith.constant 0 : i32
        %parallel_loop3A_755 = arith.constant 0 : i32
        %parallel_loop3A_756 = arith.constant 0 : i32
        %parallel_loop3A_757 = tpu.memref_slice %arg6[%parallel_loop3A_754, %parallel_loop3A_755, %parallel_loop3A_756] : memref<2x512x32xf32, #tpu.memory_space<vmem>> -> memref<1x512x32xf32, #tpu.memory_space<vmem>>
        %parallel_loop3A_758 = tpu.memref_squeeze %parallel_loop3A_757 : memref<1x512x32xf32, #tpu.memory_space<vmem>> -> memref<512x32xf32, #tpu.memory_space<vmem>>
        %parallel_loop3A_759 = tpu.vector_load_idx %parallel_loop3A_758[%parallel_loop3A_753, %parallel_loop3A_580] : memref<512x32xf32, #tpu.memory_space<vmem>>[vector<16xi32>, vector<16xi32>], vector<16xf32>,
        %parallel_loop3A_760 = arith.constant 0 : i32
        %parallel_loop3A_761 = arith.constant 1 : i32
        %parallel_loop3A_762 = arith.index_cast %parallel_loop3A_760 : i32 to index
        %parallel_loop3A_763 = arith.index_cast %parallel_loop3A_573 : i32 to index
        %parallel_loop3A_764 = arith.index_cast %parallel_loop3A_761 : i32 to index
        %parallel_loop3A_765 = arith.index_cast %parallel_loop3A_576 : i32 to index
        %parallel_loop3A_766 = arith.constant 32 : index
        %parallel_loop3A_767 = tpu.vector_load %arg7[%parallel_loop3A_762, %parallel_loop3A_763, %parallel_loop3A_764, %parallel_loop3A_765, %parallel_loop3A_766] {strides = array<i32>} : memref<2x4x4x8x128xf32, #tpu.memory_space<vmem>>, vector<16xf32>,
        tpu.vector_store %arg7[%parallel_loop3A_762, %parallel_loop3A_763, %parallel_loop3A_764, %parallel_loop3A_765, %parallel_loop3A_766], %parallel_loop3A_759 {strides = array<i32>} : memref<2x4x4x8x128xf32, #tpu.memory_space<vmem>>, vector<16xf32>,
        %parallel_loop3A_768 = arith.constant 176 : i32
        %parallel_loop3A_769 = vector.broadcast %parallel_loop3A_768 : i32 to vector<16xi32>
        %parallel_loop3A_770 = arith.addi %parallel_loop3A_769, %iota3A : vector<16xi32>
        %parallel_loop3A_771 = arith.constant 0 : i32
        %parallel_loop3A_772 = arith.constant 0 : i32
        %parallel_loop3A_773 = arith.constant 0 : i32
        %parallel_loop3A_774 = tpu.memref_slice %arg6[%parallel_loop3A_771, %parallel_loop3A_772, %parallel_loop3A_773] : memref<2x512x32xf32, #tpu.memory_space<vmem>> -> memref<1x512x32xf32, #tpu.memory_space<vmem>>
        %parallel_loop3A_775 = tpu.memref_squeeze %parallel_loop3A_774 : memref<1x512x32xf32, #tpu.memory_space<vmem>> -> memref<512x32xf32, #tpu.memory_space<vmem>>
        %parallel_loop3A_776 = tpu.vector_load_idx %parallel_loop3A_775[%parallel_loop3A_770, %parallel_loop3A_580] : memref<512x32xf32, #tpu.memory_space<vmem>>[vector<16xi32>, vector<16xi32>], vector<16xf32>,
        %parallel_loop3A_777 = arith.constant 0 : i32
        %parallel_loop3A_778 = arith.constant 1 : i32
        %parallel_loop3A_779 = arith.index_cast %parallel_loop3A_777 : i32 to index
        %parallel_loop3A_780 = arith.index_cast %parallel_loop3A_573 : i32 to index
        %parallel_loop3A_781 = arith.index_cast %parallel_loop3A_778 : i32 to index
        %parallel_loop3A_782 = arith.index_cast %parallel_loop3A_576 : i32 to index
        %parallel_loop3A_783 = arith.constant 48 : index
        %parallel_loop3A_784 = tpu.vector_load %arg7[%parallel_loop3A_779, %parallel_loop3A_780, %parallel_loop3A_781, %parallel_loop3A_782, %parallel_loop3A_783] {strides = array<i32>} : memref<2x4x4x8x128xf32, #tpu.memory_space<vmem>>, vector<16xf32>,
        tpu.vector_store %arg7[%parallel_loop3A_779, %parallel_loop3A_780, %parallel_loop3A_781, %parallel_loop3A_782, %parallel_loop3A_783], %parallel_loop3A_776 {strides = array<i32>} : memref<2x4x4x8x128xf32, #tpu.memory_space<vmem>>, vector<16xf32>,
        %parallel_loop3A_785 = arith.constant 192 : i32
        %parallel_loop3A_786 = vector.broadcast %parallel_loop3A_785 : i32 to vector<16xi32>
        %parallel_loop3A_787 = arith.addi %parallel_loop3A_786, %iota3A : vector<16xi32>
        %parallel_loop3A_788 = arith.constant 0 : i32
        %parallel_loop3A_789 = arith.constant 0 : i32
        %parallel_loop3A_790 = arith.constant 0 : i32
        %parallel_loop3A_791 = tpu.memref_slice %arg6[%parallel_loop3A_788, %parallel_loop3A_789, %parallel_loop3A_790] : memref<2x512x32xf32, #tpu.memory_space<vmem>> -> memref<1x512x32xf32, #tpu.memory_space<vmem>>
        %parallel_loop3A_792 = tpu.memref_squeeze %parallel_loop3A_791 : memref<1x512x32xf32, #tpu.memory_space<vmem>> -> memref<512x32xf32, #tpu.memory_space<vmem>>
        %parallel_loop3A_793 = tpu.vector_load_idx %parallel_loop3A_792[%parallel_loop3A_787, %parallel_loop3A_580] : memref<512x32xf32, #tpu.memory_space<vmem>>[vector<16xi32>, vector<16xi32>], vector<16xf32>,
        %parallel_loop3A_794 = arith.constant 0 : i32
        %parallel_loop3A_795 = arith.constant 1 : i32
        %parallel_loop3A_796 = arith.index_cast %parallel_loop3A_794 : i32 to index
        %parallel_loop3A_797 = arith.index_cast %parallel_loop3A_573 : i32 to index
        %parallel_loop3A_798 = arith.index_cast %parallel_loop3A_795 : i32 to index
        %parallel_loop3A_799 = arith.index_cast %parallel_loop3A_576 : i32 to index
        %parallel_loop3A_800 = arith.constant 64 : index
        %parallel_loop3A_801 = tpu.vector_load %arg7[%parallel_loop3A_796, %parallel_loop3A_797, %parallel_loop3A_798, %parallel_loop3A_799, %parallel_loop3A_800] {strides = array<i32>} : memref<2x4x4x8x128xf32, #tpu.memory_space<vmem>>, vector<16xf32>,
        tpu.vector_store %arg7[%parallel_loop3A_796, %parallel_loop3A_797, %parallel_loop3A_798, %parallel_loop3A_799, %parallel_loop3A_800], %parallel_loop3A_793 {strides = array<i32>} : memref<2x4x4x8x128xf32, #tpu.memory_space<vmem>>, vector<16xf32>,
        %parallel_loop3A_802 = arith.constant 208 : i32
        %parallel_loop3A_803 = vector.broadcast %parallel_loop3A_802 : i32 to vector<16xi32>
        %parallel_loop3A_804 = arith.addi %parallel_loop3A_803, %iota3A : vector<16xi32>
        %parallel_loop3A_805 = arith.constant 0 : i32
        %parallel_loop3A_806 = arith.constant 0 : i32
        %parallel_loop3A_807 = arith.constant 0 : i32
        %parallel_loop3A_808 = tpu.memref_slice %arg6[%parallel_loop3A_805, %parallel_loop3A_806, %parallel_loop3A_807] : memref<2x512x32xf32, #tpu.memory_space<vmem>> -> memref<1x512x32xf32, #tpu.memory_space<vmem>>
        %parallel_loop3A_809 = tpu.memref_squeeze %parallel_loop3A_808 : memref<1x512x32xf32, #tpu.memory_space<vmem>> -> memref<512x32xf32, #tpu.memory_space<vmem>>
        %parallel_loop3A_810 = tpu.vector_load_idx %parallel_loop3A_809[%parallel_loop3A_804, %parallel_loop3A_580] : memref<512x32xf32, #tpu.memory_space<vmem>>[vector<16xi32>, vector<16xi32>], vector<16xf32>,
        %parallel_loop3A_811 = arith.constant 0 : i32
        %parallel_loop3A_812 = arith.constant 1 : i32
        %parallel_loop3A_813 = arith.index_cast %parallel_loop3A_811 : i32 to index
        %parallel_loop3A_814 = arith.index_cast %parallel_loop3A_573 : i32 to index
        %parallel_loop3A_815 = arith.index_cast %parallel_loop3A_812 : i32 to index
        %parallel_loop3A_816 = arith.index_cast %parallel_loop3A_576 : i32 to index
        %parallel_loop3A_817 = arith.constant 80 : index
        %parallel_loop3A_818 = tpu.vector_load %arg7[%parallel_loop3A_813, %parallel_loop3A_814, %parallel_loop3A_815, %parallel_loop3A_816, %parallel_loop3A_817] {strides = array<i32>} : memref<2x4x4x8x128xf32, #tpu.memory_space<vmem>>, vector<16xf32>,
        tpu.vector_store %arg7[%parallel_loop3A_813, %parallel_loop3A_814, %parallel_loop3A_815, %parallel_loop3A_816, %parallel_loop3A_817], %parallel_loop3A_810 {strides = array<i32>} : memref<2x4x4x8x128xf32, #tpu.memory_space<vmem>>, vector<16xf32>,
        %parallel_loop3A_819 = arith.constant 224 : i32
        %parallel_loop3A_820 = vector.broadcast %parallel_loop3A_819 : i32 to vector<16xi32>
        %parallel_loop3A_821 = arith.addi %parallel_loop3A_820, %iota3A : vector<16xi32>
        %parallel_loop3A_822 = arith.constant 0 : i32
        %parallel_loop3A_823 = arith.constant 0 : i32
        %parallel_loop3A_824 = arith.constant 0 : i32
        %parallel_loop3A_825 = tpu.memref_slice %arg6[%parallel_loop3A_822, %parallel_loop3A_823, %parallel_loop3A_824] : memref<2x512x32xf32, #tpu.memory_space<vmem>> -> memref<1x512x32xf32, #tpu.memory_space<vmem>>
        %parallel_loop3A_826 = tpu.memref_squeeze %parallel_loop3A_825 : memref<1x512x32xf32, #tpu.memory_space<vmem>> -> memref<512x32xf32, #tpu.memory_space<vmem>>
        %parallel_loop3A_827 = tpu.vector_load_idx %parallel_loop3A_826[%parallel_loop3A_821, %parallel_loop3A_580] : memref<512x32xf32, #tpu.memory_space<vmem>>[vector<16xi32>, vector<16xi32>], vector<16xf32>,
        %parallel_loop3A_828 = arith.constant 0 : i32
        %parallel_loop3A_829 = arith.constant 1 : i32
        %parallel_loop3A_830 = arith.index_cast %parallel_loop3A_828 : i32 to index
        %parallel_loop3A_831 = arith.index_cast %parallel_loop3A_573 : i32 to index
        %parallel_loop3A_832 = arith.index_cast %parallel_loop3A_829 : i32 to index
        %parallel_loop3A_833 = arith.index_cast %parallel_loop3A_576 : i32 to index
        %parallel_loop3A_834 = arith.constant 96 : index
        %parallel_loop3A_835 = tpu.vector_load %arg7[%parallel_loop3A_830, %parallel_loop3A_831, %parallel_loop3A_832, %parallel_loop3A_833, %parallel_loop3A_834] {strides = array<i32>} : memref<2x4x4x8x128xf32, #tpu.memory_space<vmem>>, vector<16xf32>,
        tpu.vector_store %arg7[%parallel_loop3A_830, %parallel_loop3A_831, %parallel_loop3A_832, %parallel_loop3A_833, %parallel_loop3A_834], %parallel_loop3A_827 {strides = array<i32>} : memref<2x4x4x8x128xf32, #tpu.memory_space<vmem>>, vector<16xf32>,
        %parallel_loop3A_836 = arith.constant 240 : i32
        %parallel_loop3A_837 = vector.broadcast %parallel_loop3A_836 : i32 to vector<16xi32>
        %parallel_loop3A_838 = arith.addi %parallel_loop3A_837, %iota3A : vector<16xi32>
        %parallel_loop3A_839 = arith.constant 0 : i32
        %parallel_loop3A_840 = arith.constant 0 : i32
        %parallel_loop3A_841 = arith.constant 0 : i32
        %parallel_loop3A_842 = tpu.memref_slice %arg6[%parallel_loop3A_839, %parallel_loop3A_840, %parallel_loop3A_841] : memref<2x512x32xf32, #tpu.memory_space<vmem>> -> memref<1x512x32xf32, #tpu.memory_space<vmem>>
        %parallel_loop3A_843 = tpu.memref_squeeze %parallel_loop3A_842 : memref<1x512x32xf32, #tpu.memory_space<vmem>> -> memref<512x32xf32, #tpu.memory_space<vmem>>
        %parallel_loop3A_844 = tpu.vector_load_idx %parallel_loop3A_843[%parallel_loop3A_838, %parallel_loop3A_580] : memref<512x32xf32, #tpu.memory_space<vmem>>[vector<16xi32>, vector<16xi32>], vector<16xf32>,
        %parallel_loop3A_845 = arith.constant 0 : i32
        %parallel_loop3A_846 = arith.constant 1 : i32
        %parallel_loop3A_847 = arith.index_cast %parallel_loop3A_845 : i32 to index
        %parallel_loop3A_848 = arith.index_cast %parallel_loop3A_573 : i32 to index
        %parallel_loop3A_849 = arith.index_cast %parallel_loop3A_846 : i32 to index
        %parallel_loop3A_850 = arith.index_cast %parallel_loop3A_576 : i32 to index
        %parallel_loop3A_851 = arith.constant 112 : index
        %parallel_loop3A_852 = tpu.vector_load %arg7[%parallel_loop3A_847, %parallel_loop3A_848, %parallel_loop3A_849, %parallel_loop3A_850, %parallel_loop3A_851] {strides = array<i32>} : memref<2x4x4x8x128xf32, #tpu.memory_space<vmem>>, vector<16xf32>,
        tpu.vector_store %arg7[%parallel_loop3A_847, %parallel_loop3A_848, %parallel_loop3A_849, %parallel_loop3A_850, %parallel_loop3A_851], %parallel_loop3A_844 {strides = array<i32>} : memref<2x4x4x8x128xf32, #tpu.memory_space<vmem>>, vector<16xf32>,
        %parallel_loop3A_853 = arith.constant 256 : i32
        %parallel_loop3A_854 = vector.broadcast %parallel_loop3A_853 : i32 to vector<16xi32>
        %parallel_loop3A_855 = arith.addi %parallel_loop3A_854, %iota3A : vector<16xi32>
        %parallel_loop3A_856 = arith.constant 0 : i32
        %parallel_loop3A_857 = arith.constant 0 : i32
        %parallel_loop3A_858 = arith.constant 0 : i32
        %parallel_loop3A_859 = tpu.memref_slice %arg6[%parallel_loop3A_856, %parallel_loop3A_857, %parallel_loop3A_858] : memref<2x512x32xf32, #tpu.memory_space<vmem>> -> memref<1x512x32xf32, #tpu.memory_space<vmem>>
        %parallel_loop3A_860 = tpu.memref_squeeze %parallel_loop3A_859 : memref<1x512x32xf32, #tpu.memory_space<vmem>> -> memref<512x32xf32, #tpu.memory_space<vmem>>
        %parallel_loop3A_861 = tpu.vector_load_idx %parallel_loop3A_860[%parallel_loop3A_855, %parallel_loop3A_580] : memref<512x32xf32, #tpu.memory_space<vmem>>[vector<16xi32>, vector<16xi32>], vector<16xf32>,
        %parallel_loop3A_862 = arith.constant 0 : i32
        %parallel_loop3A_863 = arith.constant 2 : i32
        %parallel_loop3A_864 = arith.index_cast %parallel_loop3A_862 : i32 to index
        %parallel_loop3A_865 = arith.index_cast %parallel_loop3A_573 : i32 to index
        %parallel_loop3A_866 = arith.index_cast %parallel_loop3A_863 : i32 to index
        %parallel_loop3A_867 = arith.index_cast %parallel_loop3A_576 : i32 to index
        %parallel_loop3A_868 = arith.constant 0 : index
        %parallel_loop3A_869 = tpu.vector_load %arg7[%parallel_loop3A_864, %parallel_loop3A_865, %parallel_loop3A_866, %parallel_loop3A_867, %parallel_loop3A_868] {strides = array<i32>} : memref<2x4x4x8x128xf32, #tpu.memory_space<vmem>>, vector<16xf32>,
        tpu.vector_store %arg7[%parallel_loop3A_864, %parallel_loop3A_865, %parallel_loop3A_866, %parallel_loop3A_867, %parallel_loop3A_868], %parallel_loop3A_861 {strides = array<i32>} : memref<2x4x4x8x128xf32, #tpu.memory_space<vmem>>, vector<16xf32>,
        %parallel_loop3A_870 = arith.constant 272 : i32
        %parallel_loop3A_871 = vector.broadcast %parallel_loop3A_870 : i32 to vector<16xi32>
        %parallel_loop3A_872 = arith.addi %parallel_loop3A_871, %iota3A : vector<16xi32>
        %parallel_loop3A_873 = arith.constant 0 : i32
        %parallel_loop3A_874 = arith.constant 0 : i32
        %parallel_loop3A_875 = arith.constant 0 : i32
        %parallel_loop3A_876 = tpu.memref_slice %arg6[%parallel_loop3A_873, %parallel_loop3A_874, %parallel_loop3A_875] : memref<2x512x32xf32, #tpu.memory_space<vmem>> -> memref<1x512x32xf32, #tpu.memory_space<vmem>>
        %parallel_loop3A_877 = tpu.memref_squeeze %parallel_loop3A_876 : memref<1x512x32xf32, #tpu.memory_space<vmem>> -> memref<512x32xf32, #tpu.memory_space<vmem>>
        %parallel_loop3A_878 = tpu.vector_load_idx %parallel_loop3A_877[%parallel_loop3A_872, %parallel_loop3A_580] : memref<512x32xf32, #tpu.memory_space<vmem>>[vector<16xi32>, vector<16xi32>], vector<16xf32>,
        %parallel_loop3A_879 = arith.constant 0 : i32
        %parallel_loop3A_880 = arith.constant 2 : i32
        %parallel_loop3A_881 = arith.index_cast %parallel_loop3A_879 : i32 to index
        %parallel_loop3A_882 = arith.index_cast %parallel_loop3A_573 : i32 to index
        %parallel_loop3A_883 = arith.index_cast %parallel_loop3A_880 : i32 to index
        %parallel_loop3A_884 = arith.index_cast %parallel_loop3A_576 : i32 to index
        %parallel_loop3A_885 = arith.constant 16 : index
        %parallel_loop3A_886 = tpu.vector_load %arg7[%parallel_loop3A_881, %parallel_loop3A_882, %parallel_loop3A_883, %parallel_loop3A_884, %parallel_loop3A_885] {strides = array<i32>} : memref<2x4x4x8x128xf32, #tpu.memory_space<vmem>>, vector<16xf32>,
        tpu.vector_store %arg7[%parallel_loop3A_881, %parallel_loop3A_882, %parallel_loop3A_883, %parallel_loop3A_884, %parallel_loop3A_885], %parallel_loop3A_878 {strides = array<i32>} : memref<2x4x4x8x128xf32, #tpu.memory_space<vmem>>, vector<16xf32>,
        %parallel_loop3A_887 = arith.constant 288 : i32
        %parallel_loop3A_888 = vector.broadcast %parallel_loop3A_887 : i32 to vector<16xi32>
        %parallel_loop3A_889 = arith.addi %parallel_loop3A_888, %iota3A : vector<16xi32>
        %parallel_loop3A_890 = arith.constant 0 : i32
        %parallel_loop3A_891 = arith.constant 0 : i32
        %parallel_loop3A_892 = arith.constant 0 : i32
        %parallel_loop3A_893 = tpu.memref_slice %arg6[%parallel_loop3A_890, %parallel_loop3A_891, %parallel_loop3A_892] : memref<2x512x32xf32, #tpu.memory_space<vmem>> -> memref<1x512x32xf32, #tpu.memory_space<vmem>>
        %parallel_loop3A_894 = tpu.memref_squeeze %parallel_loop3A_893 : memref<1x512x32xf32, #tpu.memory_space<vmem>> -> memref<512x32xf32, #tpu.memory_space<vmem>>
        %parallel_loop3A_895 = tpu.vector_load_idx %parallel_loop3A_894[%parallel_loop3A_889, %parallel_loop3A_580] : memref<512x32xf32, #tpu.memory_space<vmem>>[vector<16xi32>, vector<16xi32>], vector<16xf32>,
        %parallel_loop3A_896 = arith.constant 0 : i32
        %parallel_loop3A_897 = arith.constant 2 : i32
        %parallel_loop3A_898 = arith.index_cast %parallel_loop3A_896 : i32 to index
        %parallel_loop3A_899 = arith.index_cast %parallel_loop3A_573 : i32 to index
        %parallel_loop3A_900 = arith.index_cast %parallel_loop3A_897 : i32 to index
        %parallel_loop3A_901 = arith.index_cast %parallel_loop3A_576 : i32 to index
        %parallel_loop3A_902 = arith.constant 32 : index
        %parallel_loop3A_903 = tpu.vector_load %arg7[%parallel_loop3A_898, %parallel_loop3A_899, %parallel_loop3A_900, %parallel_loop3A_901, %parallel_loop3A_902] {strides = array<i32>} : memref<2x4x4x8x128xf32, #tpu.memory_space<vmem>>, vector<16xf32>,
        tpu.vector_store %arg7[%parallel_loop3A_898, %parallel_loop3A_899, %parallel_loop3A_900, %parallel_loop3A_901, %parallel_loop3A_902], %parallel_loop3A_895 {strides = array<i32>} : memref<2x4x4x8x128xf32, #tpu.memory_space<vmem>>, vector<16xf32>,
        %parallel_loop3A_904 = arith.constant 304 : i32
        %parallel_loop3A_905 = vector.broadcast %parallel_loop3A_904 : i32 to vector<16xi32>
        %parallel_loop3A_906 = arith.addi %parallel_loop3A_905, %iota3A : vector<16xi32>
        %parallel_loop3A_907 = arith.constant 0 : i32
        %parallel_loop3A_908 = arith.constant 0 : i32
        %parallel_loop3A_909 = arith.constant 0 : i32
        %parallel_loop3A_910 = tpu.memref_slice %arg6[%parallel_loop3A_907, %parallel_loop3A_908, %parallel_loop3A_909] : memref<2x512x32xf32, #tpu.memory_space<vmem>> -> memref<1x512x32xf32, #tpu.memory_space<vmem>>
        %parallel_loop3A_911 = tpu.memref_squeeze %parallel_loop3A_910 : memref<1x512x32xf32, #tpu.memory_space<vmem>> -> memref<512x32xf32, #tpu.memory_space<vmem>>
        %parallel_loop3A_912 = tpu.vector_load_idx %parallel_loop3A_911[%parallel_loop3A_906, %parallel_loop3A_580] : memref<512x32xf32, #tpu.memory_space<vmem>>[vector<16xi32>, vector<16xi32>], vector<16xf32>,
        %parallel_loop3A_913 = arith.constant 0 : i32
        %parallel_loop3A_914 = arith.constant 2 : i32
        %parallel_loop3A_915 = arith.index_cast %parallel_loop3A_913 : i32 to index
        %parallel_loop3A_916 = arith.index_cast %parallel_loop3A_573 : i32 to index
        %parallel_loop3A_917 = arith.index_cast %parallel_loop3A_914 : i32 to index
        %parallel_loop3A_918 = arith.index_cast %parallel_loop3A_576 : i32 to index
        %parallel_loop3A_919 = arith.constant 48 : index
        %parallel_loop3A_920 = tpu.vector_load %arg7[%parallel_loop3A_915, %parallel_loop3A_916, %parallel_loop3A_917, %parallel_loop3A_918, %parallel_loop3A_919] {strides = array<i32>} : memref<2x4x4x8x128xf32, #tpu.memory_space<vmem>>, vector<16xf32>,
        tpu.vector_store %arg7[%parallel_loop3A_915, %parallel_loop3A_916, %parallel_loop3A_917, %parallel_loop3A_918, %parallel_loop3A_919], %parallel_loop3A_912 {strides = array<i32>} : memref<2x4x4x8x128xf32, #tpu.memory_space<vmem>>, vector<16xf32>,
        %parallel_loop3A_921 = arith.constant 320 : i32
        %parallel_loop3A_922 = vector.broadcast %parallel_loop3A_921 : i32 to vector<16xi32>
        %parallel_loop3A_923 = arith.addi %parallel_loop3A_922, %iota3A : vector<16xi32>
        %parallel_loop3A_924 = arith.constant 0 : i32
        %parallel_loop3A_925 = arith.constant 0 : i32
        %parallel_loop3A_926 = arith.constant 0 : i32
        %parallel_loop3A_927 = tpu.memref_slice %arg6[%parallel_loop3A_924, %parallel_loop3A_925, %parallel_loop3A_926] : memref<2x512x32xf32, #tpu.memory_space<vmem>> -> memref<1x512x32xf32, #tpu.memory_space<vmem>>
        %parallel_loop3A_928 = tpu.memref_squeeze %parallel_loop3A_927 : memref<1x512x32xf32, #tpu.memory_space<vmem>> -> memref<512x32xf32, #tpu.memory_space<vmem>>
        %parallel_loop3A_929 = tpu.vector_load_idx %parallel_loop3A_928[%parallel_loop3A_923, %parallel_loop3A_580] : memref<512x32xf32, #tpu.memory_space<vmem>>[vector<16xi32>, vector<16xi32>], vector<16xf32>,
        %parallel_loop3A_930 = arith.constant 0 : i32
        %parallel_loop3A_931 = arith.constant 2 : i32
        %parallel_loop3A_932 = arith.index_cast %parallel_loop3A_930 : i32 to index
        %parallel_loop3A_933 = arith.index_cast %parallel_loop3A_573 : i32 to index
        %parallel_loop3A_934 = arith.index_cast %parallel_loop3A_931 : i32 to index
        %parallel_loop3A_935 = arith.index_cast %parallel_loop3A_576 : i32 to index
        %parallel_loop3A_936 = arith.constant 64 : index
        %parallel_loop3A_937 = tpu.vector_load %arg7[%parallel_loop3A_932, %parallel_loop3A_933, %parallel_loop3A_934, %parallel_loop3A_935, %parallel_loop3A_936] {strides = array<i32>} : memref<2x4x4x8x128xf32, #tpu.memory_space<vmem>>, vector<16xf32>,
        tpu.vector_store %arg7[%parallel_loop3A_932, %parallel_loop3A_933, %parallel_loop3A_934, %parallel_loop3A_935, %parallel_loop3A_936], %parallel_loop3A_929 {strides = array<i32>} : memref<2x4x4x8x128xf32, #tpu.memory_space<vmem>>, vector<16xf32>,
        %parallel_loop3A_938 = arith.constant 336 : i32
        %parallel_loop3A_939 = vector.broadcast %parallel_loop3A_938 : i32 to vector<16xi32>
        %parallel_loop3A_940 = arith.addi %parallel_loop3A_939, %iota3A : vector<16xi32>
        %parallel_loop3A_941 = arith.constant 0 : i32
        %parallel_loop3A_942 = arith.constant 0 : i32
        %parallel_loop3A_943 = arith.constant 0 : i32
        %parallel_loop3A_944 = tpu.memref_slice %arg6[%parallel_loop3A_941, %parallel_loop3A_942, %parallel_loop3A_943] : memref<2x512x32xf32, #tpu.memory_space<vmem>> -> memref<1x512x32xf32, #tpu.memory_space<vmem>>
        %parallel_loop3A_945 = tpu.memref_squeeze %parallel_loop3A_944 : memref<1x512x32xf32, #tpu.memory_space<vmem>> -> memref<512x32xf32, #tpu.memory_space<vmem>>
        %parallel_loop3A_946 = tpu.vector_load_idx %parallel_loop3A_945[%parallel_loop3A_940, %parallel_loop3A_580] : memref<512x32xf32, #tpu.memory_space<vmem>>[vector<16xi32>, vector<16xi32>], vector<16xf32>,
        %parallel_loop3A_947 = arith.constant 0 : i32
        %parallel_loop3A_948 = arith.constant 2 : i32
        %parallel_loop3A_949 = arith.index_cast %parallel_loop3A_947 : i32 to index
        %parallel_loop3A_950 = arith.index_cast %parallel_loop3A_573 : i32 to index
        %parallel_loop3A_951 = arith.index_cast %parallel_loop3A_948 : i32 to index
        %parallel_loop3A_952 = arith.index_cast %parallel_loop3A_576 : i32 to index
        %parallel_loop3A_953 = arith.constant 80 : index
        %parallel_loop3A_954 = tpu.vector_load %arg7[%parallel_loop3A_949, %parallel_loop3A_950, %parallel_loop3A_951, %parallel_loop3A_952, %parallel_loop3A_953] {strides = array<i32>} : memref<2x4x4x8x128xf32, #tpu.memory_space<vmem>>, vector<16xf32>,
        tpu.vector_store %arg7[%parallel_loop3A_949, %parallel_loop3A_950, %parallel_loop3A_951, %parallel_loop3A_952, %parallel_loop3A_953], %parallel_loop3A_946 {strides = array<i32>} : memref<2x4x4x8x128xf32, #tpu.memory_space<vmem>>, vector<16xf32>,
        %parallel_loop3A_955 = arith.constant 352 : i32
        %parallel_loop3A_956 = vector.broadcast %parallel_loop3A_955 : i32 to vector<16xi32>
        %parallel_loop3A_957 = arith.addi %parallel_loop3A_956, %iota3A : vector<16xi32>
        %parallel_loop3A_958 = arith.constant 0 : i32
        %parallel_loop3A_959 = arith.constant 0 : i32
        %parallel_loop3A_960 = arith.constant 0 : i32
        %parallel_loop3A_961 = tpu.memref_slice %arg6[%parallel_loop3A_958, %parallel_loop3A_959, %parallel_loop3A_960] : memref<2x512x32xf32, #tpu.memory_space<vmem>> -> memref<1x512x32xf32, #tpu.memory_space<vmem>>
        %parallel_loop3A_962 = tpu.memref_squeeze %parallel_loop3A_961 : memref<1x512x32xf32, #tpu.memory_space<vmem>> -> memref<512x32xf32, #tpu.memory_space<vmem>>
        %parallel_loop3A_963 = tpu.vector_load_idx %parallel_loop3A_962[%parallel_loop3A_957, %parallel_loop3A_580] : memref<512x32xf32, #tpu.memory_space<vmem>>[vector<16xi32>, vector<16xi32>], vector<16xf32>,
        %parallel_loop3A_964 = arith.constant 0 : i32
        %parallel_loop3A_965 = arith.constant 2 : i32
        %parallel_loop3A_966 = arith.index_cast %parallel_loop3A_964 : i32 to index
        %parallel_loop3A_967 = arith.index_cast %parallel_loop3A_573 : i32 to index
        %parallel_loop3A_968 = arith.index_cast %parallel_loop3A_965 : i32 to index
        %parallel_loop3A_969 = arith.index_cast %parallel_loop3A_576 : i32 to index
        %parallel_loop3A_970 = arith.constant 96 : index
        %parallel_loop3A_971 = tpu.vector_load %arg7[%parallel_loop3A_966, %parallel_loop3A_967, %parallel_loop3A_968, %parallel_loop3A_969, %parallel_loop3A_970] {strides = array<i32>} : memref<2x4x4x8x128xf32, #tpu.memory_space<vmem>>, vector<16xf32>,
        tpu.vector_store %arg7[%parallel_loop3A_966, %parallel_loop3A_967, %parallel_loop3A_968, %parallel_loop3A_969, %parallel_loop3A_970], %parallel_loop3A_963 {strides = array<i32>} : memref<2x4x4x8x128xf32, #tpu.memory_space<vmem>>, vector<16xf32>,
        %parallel_loop3A_972 = arith.constant 368 : i32
        %parallel_loop3A_973 = vector.broadcast %parallel_loop3A_972 : i32 to vector<16xi32>
        %parallel_loop3A_974 = arith.addi %parallel_loop3A_973, %iota3A : vector<16xi32>
        %parallel_loop3A_975 = arith.constant 0 : i32
        %parallel_loop3A_976 = arith.constant 0 : i32
        %parallel_loop3A_977 = arith.constant 0 : i32
        %parallel_loop3A_978 = tpu.memref_slice %arg6[%parallel_loop3A_975, %parallel_loop3A_976, %parallel_loop3A_977] : memref<2x512x32xf32, #tpu.memory_space<vmem>> -> memref<1x512x32xf32, #tpu.memory_space<vmem>>
        %parallel_loop3A_979 = tpu.memref_squeeze %parallel_loop3A_978 : memref<1x512x32xf32, #tpu.memory_space<vmem>> -> memref<512x32xf32, #tpu.memory_space<vmem>>
        %parallel_loop3A_980 = tpu.vector_load_idx %parallel_loop3A_979[%parallel_loop3A_974, %parallel_loop3A_580] : memref<512x32xf32, #tpu.memory_space<vmem>>[vector<16xi32>, vector<16xi32>], vector<16xf32>,
        %parallel_loop3A_981 = arith.constant 0 : i32
        %parallel_loop3A_982 = arith.constant 2 : i32
        %parallel_loop3A_983 = arith.index_cast %parallel_loop3A_981 : i32 to index
        %parallel_loop3A_984 = arith.index_cast %parallel_loop3A_573 : i32 to index
        %parallel_loop3A_985 = arith.index_cast %parallel_loop3A_982 : i32 to index
        %parallel_loop3A_986 = arith.index_cast %parallel_loop3A_576 : i32 to index
        %parallel_loop3A_987 = arith.constant 112 : index
        %parallel_loop3A_988 = tpu.vector_load %arg7[%parallel_loop3A_983, %parallel_loop3A_984, %parallel_loop3A_985, %parallel_loop3A_986, %parallel_loop3A_987] {strides = array<i32>} : memref<2x4x4x8x128xf32, #tpu.memory_space<vmem>>, vector<16xf32>,
        tpu.vector_store %arg7[%parallel_loop3A_983, %parallel_loop3A_984, %parallel_loop3A_985, %parallel_loop3A_986, %parallel_loop3A_987], %parallel_loop3A_980 {strides = array<i32>} : memref<2x4x4x8x128xf32, #tpu.memory_space<vmem>>, vector<16xf32>,
        %parallel_loop3A_989 = arith.constant 384 : i32
        %parallel_loop3A_990 = vector.broadcast %parallel_loop3A_989 : i32 to vector<16xi32>
        %parallel_loop3A_991 = arith.addi %parallel_loop3A_990, %iota3A : vector<16xi32>
        %parallel_loop3A_992 = arith.constant 0 : i32
        %parallel_loop3A_993 = arith.constant 0 : i32
        %parallel_loop3A_994 = arith.constant 0 : i32
        %parallel_loop3A_995 = tpu.memref_slice %arg6[%parallel_loop3A_992, %parallel_loop3A_993, %parallel_loop3A_994] : memref<2x512x32xf32, #tpu.memory_space<vmem>> -> memref<1x512x32xf32, #tpu.memory_space<vmem>>
        %parallel_loop3A_996 = tpu.memref_squeeze %parallel_loop3A_995 : memref<1x512x32xf32, #tpu.memory_space<vmem>> -> memref<512x32xf32, #tpu.memory_space<vmem>>
        %parallel_loop3A_997 = tpu.vector_load_idx %parallel_loop3A_996[%parallel_loop3A_991, %parallel_loop3A_580] : memref<512x32xf32, #tpu.memory_space<vmem>>[vector<16xi32>, vector<16xi32>], vector<16xf32>,
        %parallel_loop3A_998 = arith.constant 0 : i32
        %parallel_loop3A_999 = arith.constant 3 : i32
        %parallel_loop3A_1000 = arith.index_cast %parallel_loop3A_998 : i32 to index
        %parallel_loop3A_1001 = arith.index_cast %parallel_loop3A_573 : i32 to index
        %parallel_loop3A_1002 = arith.index_cast %parallel_loop3A_999 : i32 to index
        %parallel_loop3A_1003 = arith.index_cast %parallel_loop3A_576 : i32 to index
        %parallel_loop3A_1004 = arith.constant 0 : index
        %parallel_loop3A_1005 = tpu.vector_load %arg7[%parallel_loop3A_1000, %parallel_loop3A_1001, %parallel_loop3A_1002, %parallel_loop3A_1003, %parallel_loop3A_1004] {strides = array<i32>} : memref<2x4x4x8x128xf32, #tpu.memory_space<vmem>>, vector<16xf32>,
        tpu.vector_store %arg7[%parallel_loop3A_1000, %parallel_loop3A_1001, %parallel_loop3A_1002, %parallel_loop3A_1003, %parallel_loop3A_1004], %parallel_loop3A_997 {strides = array<i32>} : memref<2x4x4x8x128xf32, #tpu.memory_space<vmem>>, vector<16xf32>,
        %parallel_loop3A_1006 = arith.constant 400 : i32
        %parallel_loop3A_1007 = vector.broadcast %parallel_loop3A_1006 : i32 to vector<16xi32>
        %parallel_loop3A_1008 = arith.addi %parallel_loop3A_1007, %iota3A : vector<16xi32>
        %parallel_loop3A_1009 = arith.constant 0 : i32
        %parallel_loop3A_1010 = arith.constant 0 : i32
        %parallel_loop3A_1011 = arith.constant 0 : i32
        %parallel_loop3A_1012 = tpu.memref_slice %arg6[%parallel_loop3A_1009, %parallel_loop3A_1010, %parallel_loop3A_1011] : memref<2x512x32xf32, #tpu.memory_space<vmem>> -> memref<1x512x32xf32, #tpu.memory_space<vmem>>
        %parallel_loop3A_1013 = tpu.memref_squeeze %parallel_loop3A_1012 : memref<1x512x32xf32, #tpu.memory_space<vmem>> -> memref<512x32xf32, #tpu.memory_space<vmem>>
        %parallel_loop3A_1014 = tpu.vector_load_idx %parallel_loop3A_1013[%parallel_loop3A_1008, %parallel_loop3A_580] : memref<512x32xf32, #tpu.memory_space<vmem>>[vector<16xi32>, vector<16xi32>], vector<16xf32>,
        %parallel_loop3A_1015 = arith.constant 0 : i32
        %parallel_loop3A_1016 = arith.constant 3 : i32
        %parallel_loop3A_1017 = arith.index_cast %parallel_loop3A_1015 : i32 to index
        %parallel_loop3A_1018 = arith.index_cast %parallel_loop3A_573 : i32 to index
        %parallel_loop3A_1019 = arith.index_cast %parallel_loop3A_1016 : i32 to index
        %parallel_loop3A_1020 = arith.index_cast %parallel_loop3A_576 : i32 to index
        %parallel_loop3A_1021 = arith.constant 16 : index
        %parallel_loop3A_1022 = tpu.vector_load %arg7[%parallel_loop3A_1017, %parallel_loop3A_1018, %parallel_loop3A_1019, %parallel_loop3A_1020, %parallel_loop3A_1021] {strides = array<i32>} : memref<2x4x4x8x128xf32, #tpu.memory_space<vmem>>, vector<16xf32>,
        tpu.vector_store %arg7[%parallel_loop3A_1017, %parallel_loop3A_1018, %parallel_loop3A_1019, %parallel_loop3A_1020, %parallel_loop3A_1021], %parallel_loop3A_1014 {strides = array<i32>} : memref<2x4x4x8x128xf32, #tpu.memory_space<vmem>>, vector<16xf32>,
        %parallel_loop3A_1023 = arith.constant 416 : i32
        %parallel_loop3A_1024 = vector.broadcast %parallel_loop3A_1023 : i32 to vector<16xi32>
        %parallel_loop3A_1025 = arith.addi %parallel_loop3A_1024, %iota3A : vector<16xi32>
        %parallel_loop3A_1026 = arith.constant 0 : i32
        %parallel_loop3A_1027 = arith.constant 0 : i32
        %parallel_loop3A_1028 = arith.constant 0 : i32
        %parallel_loop3A_1029 = tpu.memref_slice %arg6[%parallel_loop3A_1026, %parallel_loop3A_1027, %parallel_loop3A_1028] : memref<2x512x32xf32, #tpu.memory_space<vmem>> -> memref<1x512x32xf32, #tpu.memory_space<vmem>>
        %parallel_loop3A_1030 = tpu.memref_squeeze %parallel_loop3A_1029 : memref<1x512x32xf32, #tpu.memory_space<vmem>> -> memref<512x32xf32, #tpu.memory_space<vmem>>
        %parallel_loop3A_1031 = tpu.vector_load_idx %parallel_loop3A_1030[%parallel_loop3A_1025, %parallel_loop3A_580] : memref<512x32xf32, #tpu.memory_space<vmem>>[vector<16xi32>, vector<16xi32>], vector<16xf32>,
        %parallel_loop3A_1032 = arith.constant 0 : i32
        %parallel_loop3A_1033 = arith.constant 3 : i32
        %parallel_loop3A_1034 = arith.index_cast %parallel_loop3A_1032 : i32 to index
        %parallel_loop3A_1035 = arith.index_cast %parallel_loop3A_573 : i32 to index
        %parallel_loop3A_1036 = arith.index_cast %parallel_loop3A_1033 : i32 to index
        %parallel_loop3A_1037 = arith.index_cast %parallel_loop3A_576 : i32 to index
        %parallel_loop3A_1038 = arith.constant 32 : index
        %parallel_loop3A_1039 = tpu.vector_load %arg7[%parallel_loop3A_1034, %parallel_loop3A_1035, %parallel_loop3A_1036, %parallel_loop3A_1037, %parallel_loop3A_1038] {strides = array<i32>} : memref<2x4x4x8x128xf32, #tpu.memory_space<vmem>>, vector<16xf32>,
        tpu.vector_store %arg7[%parallel_loop3A_1034, %parallel_loop3A_1035, %parallel_loop3A_1036, %parallel_loop3A_1037, %parallel_loop3A_1038], %parallel_loop3A_1031 {strides = array<i32>} : memref<2x4x4x8x128xf32, #tpu.memory_space<vmem>>, vector<16xf32>,
        %parallel_loop3A_1040 = arith.constant 432 : i32
        %parallel_loop3A_1041 = vector.broadcast %parallel_loop3A_1040 : i32 to vector<16xi32>
        %parallel_loop3A_1042 = arith.addi %parallel_loop3A_1041, %iota3A : vector<16xi32>
        %parallel_loop3A_1043 = arith.constant 0 : i32
        %parallel_loop3A_1044 = arith.constant 0 : i32
        %parallel_loop3A_1045 = arith.constant 0 : i32
        %parallel_loop3A_1046 = tpu.memref_slice %arg6[%parallel_loop3A_1043, %parallel_loop3A_1044, %parallel_loop3A_1045] : memref<2x512x32xf32, #tpu.memory_space<vmem>> -> memref<1x512x32xf32, #tpu.memory_space<vmem>>
        %parallel_loop3A_1047 = tpu.memref_squeeze %parallel_loop3A_1046 : memref<1x512x32xf32, #tpu.memory_space<vmem>> -> memref<512x32xf32, #tpu.memory_space<vmem>>
        %parallel_loop3A_1048 = tpu.vector_load_idx %parallel_loop3A_1047[%parallel_loop3A_1042, %parallel_loop3A_580] : memref<512x32xf32, #tpu.memory_space<vmem>>[vector<16xi32>, vector<16xi32>], vector<16xf32>,
        %parallel_loop3A_1049 = arith.constant 0 : i32
        %parallel_loop3A_1050 = arith.constant 3 : i32
        %parallel_loop3A_1051 = arith.index_cast %parallel_loop3A_1049 : i32 to index
        %parallel_loop3A_1052 = arith.index_cast %parallel_loop3A_573 : i32 to index
        %parallel_loop3A_1053 = arith.index_cast %parallel_loop3A_1050 : i32 to index
        %parallel_loop3A_1054 = arith.index_cast %parallel_loop3A_576 : i32 to index
        %parallel_loop3A_1055 = arith.constant 48 : index
        %parallel_loop3A_1056 = tpu.vector_load %arg7[%parallel_loop3A_1051, %parallel_loop3A_1052, %parallel_loop3A_1053, %parallel_loop3A_1054, %parallel_loop3A_1055] {strides = array<i32>} : memref<2x4x4x8x128xf32, #tpu.memory_space<vmem>>, vector<16xf32>,
        tpu.vector_store %arg7[%parallel_loop3A_1051, %parallel_loop3A_1052, %parallel_loop3A_1053, %parallel_loop3A_1054, %parallel_loop3A_1055], %parallel_loop3A_1048 {strides = array<i32>} : memref<2x4x4x8x128xf32, #tpu.memory_space<vmem>>, vector<16xf32>,
        %parallel_loop3A_1057 = arith.constant 448 : i32
        %parallel_loop3A_1058 = vector.broadcast %parallel_loop3A_1057 : i32 to vector<16xi32>
        %parallel_loop3A_1059 = arith.addi %parallel_loop3A_1058, %iota3A : vector<16xi32>
        %parallel_loop3A_1060 = arith.constant 0 : i32
        %parallel_loop3A_1061 = arith.constant 0 : i32
        %parallel_loop3A_1062 = arith.constant 0 : i32
        %parallel_loop3A_1063 = tpu.memref_slice %arg6[%parallel_loop3A_1060, %parallel_loop3A_1061, %parallel_loop3A_1062] : memref<2x512x32xf32, #tpu.memory_space<vmem>> -> memref<1x512x32xf32, #tpu.memory_space<vmem>>
        %parallel_loop3A_1064 = tpu.memref_squeeze %parallel_loop3A_1063 : memref<1x512x32xf32, #tpu.memory_space<vmem>> -> memref<512x32xf32, #tpu.memory_space<vmem>>
        %parallel_loop3A_1065 = tpu.vector_load_idx %parallel_loop3A_1064[%parallel_loop3A_1059, %parallel_loop3A_580] : memref<512x32xf32, #tpu.memory_space<vmem>>[vector<16xi32>, vector<16xi32>], vector<16xf32>,
        %parallel_loop3A_1066 = arith.constant 0 : i32
        %parallel_loop3A_1067 = arith.constant 3 : i32
        %parallel_loop3A_1068 = arith.index_cast %parallel_loop3A_1066 : i32 to index
        %parallel_loop3A_1069 = arith.index_cast %parallel_loop3A_573 : i32 to index
        %parallel_loop3A_1070 = arith.index_cast %parallel_loop3A_1067 : i32 to index
        %parallel_loop3A_1071 = arith.index_cast %parallel_loop3A_576 : i32 to index
        %parallel_loop3A_1072 = arith.constant 64 : index
        %parallel_loop3A_1073 = tpu.vector_load %arg7[%parallel_loop3A_1068, %parallel_loop3A_1069, %parallel_loop3A_1070, %parallel_loop3A_1071, %parallel_loop3A_1072] {strides = array<i32>} : memref<2x4x4x8x128xf32, #tpu.memory_space<vmem>>, vector<16xf32>,
        tpu.vector_store %arg7[%parallel_loop3A_1068, %parallel_loop3A_1069, %parallel_loop3A_1070, %parallel_loop3A_1071, %parallel_loop3A_1072], %parallel_loop3A_1065 {strides = array<i32>} : memref<2x4x4x8x128xf32, #tpu.memory_space<vmem>>, vector<16xf32>,
        %parallel_loop3A_1074 = arith.constant 464 : i32
        %parallel_loop3A_1075 = vector.broadcast %parallel_loop3A_1074 : i32 to vector<16xi32>
        %parallel_loop3A_1076 = arith.addi %parallel_loop3A_1075, %iota3A : vector<16xi32>
        %parallel_loop3A_1077 = arith.constant 0 : i32
        %parallel_loop3A_1078 = arith.constant 0 : i32
        %parallel_loop3A_1079 = arith.constant 0 : i32
        %parallel_loop3A_1080 = tpu.memref_slice %arg6[%parallel_loop3A_1077, %parallel_loop3A_1078, %parallel_loop3A_1079] : memref<2x512x32xf32, #tpu.memory_space<vmem>> -> memref<1x512x32xf32, #tpu.memory_space<vmem>>
        %parallel_loop3A_1081 = tpu.memref_squeeze %parallel_loop3A_1080 : memref<1x512x32xf32, #tpu.memory_space<vmem>> -> memref<512x32xf32, #tpu.memory_space<vmem>>
        %parallel_loop3A_1082 = tpu.vector_load_idx %parallel_loop3A_1081[%parallel_loop3A_1076, %parallel_loop3A_580] : memref<512x32xf32, #tpu.memory_space<vmem>>[vector<16xi32>, vector<16xi32>], vector<16xf32>,
        %parallel_loop3A_1083 = arith.constant 0 : i32
        %parallel_loop3A_1084 = arith.constant 3 : i32
        %parallel_loop3A_1085 = arith.index_cast %parallel_loop3A_1083 : i32 to index
        %parallel_loop3A_1086 = arith.index_cast %parallel_loop3A_573 : i32 to index
        %parallel_loop3A_1087 = arith.index_cast %parallel_loop3A_1084 : i32 to index
        %parallel_loop3A_1088 = arith.index_cast %parallel_loop3A_576 : i32 to index
        %parallel_loop3A_1089 = arith.constant 80 : index
        %parallel_loop3A_1090 = tpu.vector_load %arg7[%parallel_loop3A_1085, %parallel_loop3A_1086, %parallel_loop3A_1087, %parallel_loop3A_1088, %parallel_loop3A_1089] {strides = array<i32>} : memref<2x4x4x8x128xf32, #tpu.memory_space<vmem>>, vector<16xf32>,
        tpu.vector_store %arg7[%parallel_loop3A_1085, %parallel_loop3A_1086, %parallel_loop3A_1087, %parallel_loop3A_1088, %parallel_loop3A_1089], %parallel_loop3A_1082 {strides = array<i32>} : memref<2x4x4x8x128xf32, #tpu.memory_space<vmem>>, vector<16xf32>,
        %parallel_loop3A_1091 = arith.constant 480 : i32
        %parallel_loop3A_1092 = vector.broadcast %parallel_loop3A_1091 : i32 to vector<16xi32>
        %parallel_loop3A_1093 = arith.addi %parallel_loop3A_1092, %iota3A : vector<16xi32>
        %parallel_loop3A_1094 = arith.constant 0 : i32
        %parallel_loop3A_1095 = arith.constant 0 : i32
        %parallel_loop3A_1096 = arith.constant 0 : i32
        %parallel_loop3A_1097 = tpu.memref_slice %arg6[%parallel_loop3A_1094, %parallel_loop3A_1095, %parallel_loop3A_1096] : memref<2x512x32xf32, #tpu.memory_space<vmem>> -> memref<1x512x32xf32, #tpu.memory_space<vmem>>
        %parallel_loop3A_1098 = tpu.memref_squeeze %parallel_loop3A_1097 : memref<1x512x32xf32, #tpu.memory_space<vmem>> -> memref<512x32xf32, #tpu.memory_space<vmem>>
        %parallel_loop3A_1099 = tpu.vector_load_idx %parallel_loop3A_1098[%parallel_loop3A_1093, %parallel_loop3A_580] : memref<512x32xf32, #tpu.memory_space<vmem>>[vector<16xi32>, vector<16xi32>], vector<16xf32>,
        %parallel_loop3A_1100 = arith.constant 0 : i32
        %parallel_loop3A_1101 = arith.constant 3 : i32
        %parallel_loop3A_1102 = arith.index_cast %parallel_loop3A_1100 : i32 to index
        %parallel_loop3A_1103 = arith.index_cast %parallel_loop3A_573 : i32 to index
        %parallel_loop3A_1104 = arith.index_cast %parallel_loop3A_1101 : i32 to index
        %parallel_loop3A_1105 = arith.index_cast %parallel_loop3A_576 : i32 to index
        %parallel_loop3A_1106 = arith.constant 96 : index
        %parallel_loop3A_1107 = tpu.vector_load %arg7[%parallel_loop3A_1102, %parallel_loop3A_1103, %parallel_loop3A_1104, %parallel_loop3A_1105, %parallel_loop3A_1106] {strides = array<i32>} : memref<2x4x4x8x128xf32, #tpu.memory_space<vmem>>, vector<16xf32>,
        tpu.vector_store %arg7[%parallel_loop3A_1102, %parallel_loop3A_1103, %parallel_loop3A_1104, %parallel_loop3A_1105, %parallel_loop3A_1106], %parallel_loop3A_1099 {strides = array<i32>} : memref<2x4x4x8x128xf32, #tpu.memory_space<vmem>>, vector<16xf32>,
        %parallel_loop3A_1108 = arith.constant 496 : i32
        %parallel_loop3A_1109 = vector.broadcast %parallel_loop3A_1108 : i32 to vector<16xi32>
        %parallel_loop3A_1110 = arith.addi %parallel_loop3A_1109, %iota3A : vector<16xi32>
        %parallel_loop3A_1111 = arith.constant 0 : i32
        %parallel_loop3A_1112 = arith.constant 0 : i32
        %parallel_loop3A_1113 = arith.constant 0 : i32
        %parallel_loop3A_1114 = tpu.memref_slice %arg6[%parallel_loop3A_1111, %parallel_loop3A_1112, %parallel_loop3A_1113] : memref<2x512x32xf32, #tpu.memory_space<vmem>> -> memref<1x512x32xf32, #tpu.memory_space<vmem>>
        %parallel_loop3A_1115 = tpu.memref_squeeze %parallel_loop3A_1114 : memref<1x512x32xf32, #tpu.memory_space<vmem>> -> memref<512x32xf32, #tpu.memory_space<vmem>>
        %parallel_loop3A_1116 = tpu.vector_load_idx %parallel_loop3A_1115[%parallel_loop3A_1110, %parallel_loop3A_580] : memref<512x32xf32, #tpu.memory_space<vmem>>[vector<16xi32>, vector<16xi32>], vector<16xf32>,
        %parallel_loop3A_1117 = arith.constant 0 : i32
        %parallel_loop3A_1118 = arith.constant 3 : i32
        %parallel_loop3A_1119 = arith.index_cast %parallel_loop3A_1117 : i32 to index
        %parallel_loop3A_1120 = arith.index_cast %parallel_loop3A_573 : i32 to index
        %parallel_loop3A_1121 = arith.index_cast %parallel_loop3A_1118 : i32 to index
        %parallel_loop3A_1122 = arith.index_cast %parallel_loop3A_576 : i32 to index
        %parallel_loop3A_1123 = arith.constant 112 : index
        %parallel_loop3A_1124 = tpu.vector_load %arg7[%parallel_loop3A_1119, %parallel_loop3A_1120, %parallel_loop3A_1121, %parallel_loop3A_1122, %parallel_loop3A_1123] {strides = array<i32>} : memref<2x4x4x8x128xf32, #tpu.memory_space<vmem>>, vector<16xf32>,
        tpu.vector_store %arg7[%parallel_loop3A_1119, %parallel_loop3A_1120, %parallel_loop3A_1121, %parallel_loop3A_1122, %parallel_loop3A_1123], %parallel_loop3A_1116 {strides = array<i32>} : memref<2x4x4x8x128xf32, #tpu.memory_space<vmem>>, vector<16xf32>,
      } {sc.loop_unroll_factor = 4 : i64, sc.parallel_access}
      %mul3A_328 = arith.constant 4 : i32
      %mul3A_329 = arith.muli %add3A, %mul3A_328 : i32
      %dma_start3A_330 = arith.constant 0 : i32
      %dma_start3A_331 = arith.constant 0 : i32
      %dma_start3A_332 = arith.constant 0 : i32
      %dma_start3A_333 = arith.constant 0 : i32
      %dma_start3A_334 = arith.constant 0 : i32
      %dma_start3A_335 = arith.constant 0 : i32
      %dma_start3A_336 = tpu.memref_slice %arg7[%dma_start3A_330, %dma_start3A_331, %dma_start3A_333, %dma_start3A_334, %dma_start3A_335] : memref<2x4x4x8x128xf32, #tpu.memory_space<vmem>> -> memref<1x1x4x8x128xf32, #tpu.memory_space<vmem>>
      %dma_start3A_337 = tpu.memref_squeeze %dma_start3A_336 : memref<1x1x4x8x128xf32, #tpu.memory_space<vmem>> -> memref<4x8x128xf32, #tpu.memory_space<vmem>>
      %dma_start3A_338 = arith.constant 0 : i32
      %dma_start3A_339 = arith.constant 0 : i32
      %dma_start3A_340 = tpu.memref_slice %arg4[%add3A_308, %dma_start3A_332, %mul3A_329, %dma_start3A_338, %dma_start3A_339] : memref<50x4x128x8x128xf32, #tpu.memory_space<hbm>> -> memref<1x1x4x8x128xf32, #tpu.memory_space<hbm>>
      %dma_start3A_341 = tpu.memref_squeeze %dma_start3A_340 : memref<1x1x4x8x128xf32, #tpu.memory_space<hbm>> -> memref<4x8x128xf32, #tpu.memory_space<hbm>>
      %dma_start3A_342 = arith.constant 0 : i32
      %dma_start3A_343 = arith.constant 0 : i32
      %dma_start3A_344 = tpu.memref_slice %arg4[%add3A_308, %dma_start3A_332, %mul3A_329, %dma_start3A_342, %dma_start3A_343] : memref<50x4x128x8x128xf32, #tpu.memory_space<hbm>> -> memref<1x1x4x8x128xf32, #tpu.memory_space<hbm>>
      %dma_start3A_345 = tpu.memref_squeeze %dma_start3A_344 : memref<1x1x4x8x128xf32, #tpu.memory_space<hbm>> -> memref<4x8x128xf32, #tpu.memory_space<hbm>>
      %dma_start3A_346 = arith.constant 0 : i32
      %dma_start3A_347 = arith.constant 0 : i32
      %dma_start3A_348 = arith.constant 0 : i32
      %dma_start3A_349 = tpu.memref_slice %arg7[%dma_start3A_330, %dma_start3A_331, %dma_start3A_346, %dma_start3A_347, %dma_start3A_348] : memref<2x4x4x8x128xf32, #tpu.memory_space<vmem>> -> memref<1x1x4x8x128xf32, #tpu.memory_space<vmem>>
      %dma_start3A_350 = tpu.memref_squeeze %dma_start3A_349 : memref<1x1x4x8x128xf32, #tpu.memory_space<vmem>> -> memref<4x8x128xf32, #tpu.memory_space<vmem>>
      tpu.enqueue_dma source(%dma_start3A_350 : memref<4x8x128xf32, #tpu.memory_space<vmem>>) target(%dma_start3A_345 : memref<4x8x128xf32, #tpu.memory_space<hbm>>) target_semaphore(%arg9 : memref<!tpu.dma_semaphore, #tpu.memory_space<semaphore_mem>>)
      %mul3A_351 = arith.constant 4 : i32
      %mul3A_352 = arith.muli %add3A, %mul3A_351 : i32
      %dma_start3A_353 = arith.constant 0 : i32
      %dma_start3A_354 = arith.constant 1 : i32
      %dma_start3A_355 = arith.constant 1 : i32
      %dma_start3A_356 = arith.constant 0 : i32
      %dma_start3A_357 = arith.constant 0 : i32
      %dma_start3A_358 = arith.constant 0 : i32
      %dma_start3A_359 = tpu.memref_slice %arg7[%dma_start3A_353, %dma_start3A_354, %dma_start3A_356, %dma_start3A_357, %dma_start3A_358] : memref<2x4x4x8x128xf32, #tpu.memory_space<vmem>> -> memref<1x1x4x8x128xf32, #tpu.memory_space<vmem>>
      %dma_start3A_360 = tpu.memref_squeeze %dma_start3A_359 : memref<1x1x4x8x128xf32, #tpu.memory_space<vmem>> -> memref<4x8x128xf32, #tpu.memory_space<vmem>>
      %dma_start3A_361 = arith.constant 0 : i32
      %dma_start3A_362 = arith.constant 0 : i32
      %dma_start3A_363 = tpu.memref_slice %arg4[%add3A_308, %dma_start3A_355, %mul3A_352, %dma_start3A_361, %dma_start3A_362] : memref<50x4x128x8x128xf32, #tpu.memory_space<hbm>> -> memref<1x1x4x8x128xf32, #tpu.memory_space<hbm>>
      %dma_start3A_364 = tpu.memref_squeeze %dma_start3A_363 : memref<1x1x4x8x128xf32, #tpu.memory_space<hbm>> -> memref<4x8x128xf32, #tpu.memory_space<hbm>>
      %dma_start3A_365 = arith.constant 0 : i32
      %dma_start3A_366 = arith.constant 0 : i32
      %dma_start3A_367 = tpu.memref_slice %arg4[%add3A_308, %dma_start3A_355, %mul3A_352, %dma_start3A_365, %dma_start3A_366] : memref<50x4x128x8x128xf32, #tpu.memory_space<hbm>> -> memref<1x1x4x8x128xf32, #tpu.memory_space<hbm>>
      %dma_start3A_368 = tpu.memref_squeeze %dma_start3A_367 : memref<1x1x4x8x128xf32, #tpu.memory_space<hbm>> -> memref<4x8x128xf32, #tpu.memory_space<hbm>>
      %dma_start3A_369 = arith.constant 0 : i32
      %dma_start3A_370 = arith.constant 0 : i32
      %dma_start3A_371 = arith.constant 0 : i32
      %dma_start3A_372 = tpu.memref_slice %arg7[%dma_start3A_353, %dma_start3A_354, %dma_start3A_369, %dma_start3A_370, %dma_start3A_371] : memref<2x4x4x8x128xf32, #tpu.memory_space<vmem>> -> memref<1x1x4x8x128xf32, #tpu.memory_space<vmem>>
      %dma_start3A_373 = tpu.memref_squeeze %dma_start3A_372 : memref<1x1x4x8x128xf32, #tpu.memory_space<vmem>> -> memref<4x8x128xf32, #tpu.memory_space<vmem>>
      tpu.enqueue_dma source(%dma_start3A_373 : memref<4x8x128xf32, #tpu.memory_space<vmem>>) target(%dma_start3A_368 : memref<4x8x128xf32, #tpu.memory_space<hbm>>) target_semaphore(%arg9 : memref<!tpu.dma_semaphore, #tpu.memory_space<semaphore_mem>>)
      %mul3A_374 = arith.constant 4 : i32
      %mul3A_375 = arith.muli %add3A, %mul3A_374 : i32
      %dma_start3A_376 = arith.constant 0 : i32
      %dma_start3A_377 = arith.constant 2 : i32
      %dma_start3A_378 = arith.constant 2 : i32
      %dma_start3A_379 = arith.constant 0 : i32
      %dma_start3A_380 = arith.constant 0 : i32
      %dma_start3A_381 = arith.constant 0 : i32
      %dma_start3A_382 = tpu.memref_slice %arg7[%dma_start3A_376, %dma_start3A_377, %dma_start3A_379, %dma_start3A_380, %dma_start3A_381] : memref<2x4x4x8x128xf32, #tpu.memory_space<vmem>> -> memref<1x1x4x8x128xf32, #tpu.memory_space<vmem>>
      %dma_start3A_383 = tpu.memref_squeeze %dma_start3A_382 : memref<1x1x4x8x128xf32, #tpu.memory_space<vmem>> -> memref<4x8x128xf32, #tpu.memory_space<vmem>>
      %dma_start3A_384 = arith.constant 0 : i32
      %dma_start3A_385 = arith.constant 0 : i32
      %dma_start3A_386 = tpu.memref_slice %arg4[%add3A_308, %dma_start3A_378, %mul3A_375, %dma_start3A_384, %dma_start3A_385] : memref<50x4x128x8x128xf32, #tpu.memory_space<hbm>> -> memref<1x1x4x8x128xf32, #tpu.memory_space<hbm>>
      %dma_start3A_387 = tpu.memref_squeeze %dma_start3A_386 : memref<1x1x4x8x128xf32, #tpu.memory_space<hbm>> -> memref<4x8x128xf32, #tpu.memory_space<hbm>>
      %dma_start3A_388 = arith.constant 0 : i32
      %dma_start3A_389 = arith.constant 0 : i32
      %dma_start3A_390 = tpu.memref_slice %arg4[%add3A_308, %dma_start3A_378, %mul3A_375, %dma_start3A_388, %dma_start3A_389] : memref<50x4x128x8x128xf32, #tpu.memory_space<hbm>> -> memref<1x1x4x8x128xf32, #tpu.memory_space<hbm>>
      %dma_start3A_391 = tpu.memref_squeeze %dma_start3A_390 : memref<1x1x4x8x128xf32, #tpu.memory_space<hbm>> -> memref<4x8x128xf32, #tpu.memory_space<hbm>>
      %dma_start3A_392 = arith.constant 0 : i32
      %dma_start3A_393 = arith.constant 0 : i32
      %dma_start3A_394 = arith.constant 0 : i32
      %dma_start3A_395 = tpu.memref_slice %arg7[%dma_start3A_376, %dma_start3A_377, %dma_start3A_392, %dma_start3A_393, %dma_start3A_394] : memref<2x4x4x8x128xf32, #tpu.memory_space<vmem>> -> memref<1x1x4x8x128xf32, #tpu.memory_space<vmem>>
      %dma_start3A_396 = tpu.memref_squeeze %dma_start3A_395 : memref<1x1x4x8x128xf32, #tpu.memory_space<vmem>> -> memref<4x8x128xf32, #tpu.memory_space<vmem>>
      tpu.enqueue_dma source(%dma_start3A_396 : memref<4x8x128xf32, #tpu.memory_space<vmem>>) target(%dma_start3A_391 : memref<4x8x128xf32, #tpu.memory_space<hbm>>) target_semaphore(%arg9 : memref<!tpu.dma_semaphore, #tpu.memory_space<semaphore_mem>>)
      %mul3A_397 = arith.constant 4 : i32
      %mul3A_398 = arith.muli %add3A, %mul3A_397 : i32
      %dma_start3A_399 = arith.constant 0 : i32
      %dma_start3A_400 = arith.constant 3 : i32
      %dma_start3A_401 = arith.constant 3 : i32
      %dma_start3A_402 = arith.constant 0 : i32
      %dma_start3A_403 = arith.constant 0 : i32
      %dma_start3A_404 = arith.constant 0 : i32
      %dma_start3A_405 = tpu.memref_slice %arg7[%dma_start3A_399, %dma_start3A_400, %dma_start3A_402, %dma_start3A_403, %dma_start3A_404] : memref<2x4x4x8x128xf32, #tpu.memory_space<vmem>> -> memref<1x1x4x8x128xf32, #tpu.memory_space<vmem>>
      %dma_start3A_406 = tpu.memref_squeeze %dma_start3A_405 : memref<1x1x4x8x128xf32, #tpu.memory_space<vmem>> -> memref<4x8x128xf32, #tpu.memory_space<vmem>>
      %dma_start3A_407 = arith.constant 0 : i32
      %dma_start3A_408 = arith.constant 0 : i32
      %dma_start3A_409 = tpu.memref_slice %arg4[%add3A_308, %dma_start3A_401, %mul3A_398, %dma_start3A_407, %dma_start3A_408] : memref<50x4x128x8x128xf32, #tpu.memory_space<hbm>> -> memref<1x1x4x8x128xf32, #tpu.memory_space<hbm>>
      %dma_start3A_410 = tpu.memref_squeeze %dma_start3A_409 : memref<1x1x4x8x128xf32, #tpu.memory_space<hbm>> -> memref<4x8x128xf32, #tpu.memory_space<hbm>>
      %dma_start3A_411 = arith.constant 0 : i32
      %dma_start3A_412 = arith.constant 0 : i32
      %dma_start3A_413 = tpu.memref_slice %arg4[%add3A_308, %dma_start3A_401, %mul3A_398, %dma_start3A_411, %dma_start3A_412] : memref<50x4x128x8x128xf32, #tpu.memory_space<hbm>> -> memref<1x1x4x8x128xf32, #tpu.memory_space<hbm>>
      %dma_start3A_414 = tpu.memref_squeeze %dma_start3A_413 : memref<1x1x4x8x128xf32, #tpu.memory_space<hbm>> -> memref<4x8x128xf32, #tpu.memory_space<hbm>>
      %dma_start3A_415 = arith.constant 0 : i32
      %dma_start3A_416 = arith.constant 0 : i32
      %dma_start3A_417 = arith.constant 0 : i32
      %dma_start3A_418 = tpu.memref_slice %arg7[%dma_start3A_399, %dma_start3A_400, %dma_start3A_415, %dma_start3A_416, %dma_start3A_417] : memref<2x4x4x8x128xf32, #tpu.memory_space<vmem>> -> memref<1x1x4x8x128xf32, #tpu.memory_space<vmem>>
      %dma_start3A_419 = tpu.memref_squeeze %dma_start3A_418 : memref<1x1x4x8x128xf32, #tpu.memory_space<vmem>> -> memref<4x8x128xf32, #tpu.memory_space<vmem>>
      tpu.enqueue_dma source(%dma_start3A_419 : memref<4x8x128xf32, #tpu.memory_space<vmem>>) target(%dma_start3A_414 : memref<4x8x128xf32, #tpu.memory_space<hbm>>) target_semaphore(%arg9 : memref<!tpu.dma_semaphore, #tpu.memory_space<semaphore_mem>>)
      %lt3A = arith.constant 24 : i32
      %lt3A_420 = arith.cmpi slt, %scan3A_303, %lt3A : i32
      %convert_element_type3A_421 = arith.extui %lt3A_420 : i1 to i32
      %cond3A_422 = arith.constant 0 : i32
      %cond3A_423 = arith.cmpi ne, %convert_element_type3A_421, %cond3A_422 : i32
      scf.if %cond3A_423 {
        %add3A_549 = arith.constant 2 : i32
        %add3A_550 = arith.addi %add3A_308, %add3A_549 : i32
        %dma_start3A_551 = arith.constant 0 : i32
        %dma_start3A_552 = arith.constant 0 : i32
        %dma_start3A_553 = arith.constant 0 : i32
        %dma_start3A_554 = arith.constant 0 : i32
        %dma_start3A_555 = tpu.memref_slice %arg6[%dma_start3A_552, %dma_start3A_553, %dma_start3A_554] : memref<2x512x32xf32, #tpu.memory_space<vmem>> -> memref<1x128x32xf32, #tpu.memory_space<vmem>>
        %dma_start3A_556 = tpu.memref_squeeze %dma_start3A_555 : memref<1x128x32xf32, #tpu.memory_space<vmem>> -> memref<128x32xf32, #tpu.memory_space<vmem>>
        %dma_start3A_557 = arith.constant 0 : i32
        %dma_start3A_558 = tpu.memref_slice %arg5[%add3A_550, %dma_start3A_551, %dma_start3A_557] : memref<50x4x128xi32, #tpu.memory_space<vmem>> -> memref<1x1x128xi32, #tpu.memory_space<vmem>>
        %dma_start3A_559 = tpu.memref_squeeze %dma_start3A_558 : memref<1x1x128xi32, #tpu.memory_space<vmem>> -> memref<128xi32, #tpu.memory_space<vmem>>
        %dma_start3A_560 = arith.constant 0 : i32
        %dma_start3A_561 = arith.constant 0 : i32
        %dma_start3A_562 = tpu.memref_slice %arg3[%dma_start3A_560, %dma_start3A_561] : memref<4000000x32xf32, #tpu.memory_space<hbm>> -> memref<4000000x32xf32, #tpu.memory_space<hbm>>
        tpu.enqueue_indirect_dma source(%dma_start3A_562 : memref<4000000x32xf32, #tpu.memory_space<hbm>>) target(%dma_start3A_556 : memref<128x32xf32, #tpu.memory_space<vmem>>) offsets(%dma_start3A_559 : memref<128xi32, #tpu.memory_space<vmem>>) semaphore(%arg8 : memref<!tpu.dma_semaphore, #tpu.memory_space<semaphore_mem>>)
        %dma_start3A_563 = arith.constant 1 : i32
        %dma_start3A_564 = arith.constant 0 : i32
        %dma_start3A_565 = arith.constant 128 : i32
        %dma_start3A_566 = arith.constant 0 : i32
        %dma_start3A_567 = tpu.memref_slice %arg6[%dma_start3A_564, %dma_start3A_565, %dma_start3A_566] : memref<2x512x32xf32, #tpu.memory_space<vmem>> -> memref<1x128x32xf32, #tpu.memory_space<vmem>>
        %dma_start3A_568 = tpu.memref_squeeze %dma_start3A_567 : memref<1x128x32xf32, #tpu.memory_space<vmem>> -> memref<128x32xf32, #tpu.memory_space<vmem>>
        %dma_start3A_569 = arith.constant 0 : i32
        %dma_start3A_570 = tpu.memref_slice %arg5[%add3A_550, %dma_start3A_563, %dma_start3A_569] : memref<50x4x128xi32, #tpu.memory_space<vmem>> -> memref<1x1x128xi32, #tpu.memory_space<vmem>>
        %dma_start3A_571 = tpu.memref_squeeze %dma_start3A_570 : memref<1x1x128xi32, #tpu.memory_space<vmem>> -> memref<128xi32, #tpu.memory_space<vmem>>
        %dma_start3A_572 = arith.constant 0 : i32
        %dma_start3A_573 = arith.constant 0 : i32
        %dma_start3A_574 = tpu.memref_slice %arg3[%dma_start3A_572, %dma_start3A_573] : memref<4000000x32xf32, #tpu.memory_space<hbm>> -> memref<4000000x32xf32, #tpu.memory_space<hbm>>
        tpu.enqueue_indirect_dma source(%dma_start3A_574 : memref<4000000x32xf32, #tpu.memory_space<hbm>>) target(%dma_start3A_568 : memref<128x32xf32, #tpu.memory_space<vmem>>) offsets(%dma_start3A_571 : memref<128xi32, #tpu.memory_space<vmem>>) semaphore(%arg8 : memref<!tpu.dma_semaphore, #tpu.memory_space<semaphore_mem>>)
        %dma_start3A_575 = arith.constant 2 : i32
        %dma_start3A_576 = arith.constant 0 : i32
        %dma_start3A_577 = arith.constant 256 : i32
        %dma_start3A_578 = arith.constant 0 : i32
        %dma_start3A_579 = tpu.memref_slice %arg6[%dma_start3A_576, %dma_start3A_577, %dma_start3A_578] : memref<2x512x32xf32, #tpu.memory_space<vmem>> -> memref<1x128x32xf32, #tpu.memory_space<vmem>>
        %dma_start3A_580 = tpu.memref_squeeze %dma_start3A_579 : memref<1x128x32xf32, #tpu.memory_space<vmem>> -> memref<128x32xf32, #tpu.memory_space<vmem>>
        %dma_start3A_581 = arith.constant 0 : i32
        %dma_start3A_582 = tpu.memref_slice %arg5[%add3A_550, %dma_start3A_575, %dma_start3A_581] : memref<50x4x128xi32, #tpu.memory_space<vmem>> -> memref<1x1x128xi32, #tpu.memory_space<vmem>>
        %dma_start3A_583 = tpu.memref_squeeze %dma_start3A_582 : memref<1x1x128xi32, #tpu.memory_space<vmem>> -> memref<128xi32, #tpu.memory_space<vmem>>
        %dma_start3A_584 = arith.constant 0 : i32
        %dma_start3A_585 = arith.constant 0 : i32
        %dma_start3A_586 = tpu.memref_slice %arg3[%dma_start3A_584, %dma_start3A_585] : memref<4000000x32xf32, #tpu.memory_space<hbm>> -> memref<4000000x32xf32, #tpu.memory_space<hbm>>
        tpu.enqueue_indirect_dma source(%dma_start3A_586 : memref<4000000x32xf32, #tpu.memory_space<hbm>>) target(%dma_start3A_580 : memref<128x32xf32, #tpu.memory_space<vmem>>) offsets(%dma_start3A_583 : memref<128xi32, #tpu.memory_space<vmem>>) semaphore(%arg8 : memref<!tpu.dma_semaphore, #tpu.memory_space<semaphore_mem>>)
        %dma_start3A_587 = arith.constant 3 : i32
        %dma_start3A_588 = arith.constant 0 : i32
        %dma_start3A_589 = arith.constant 384 : i32
        %dma_start3A_590 = arith.constant 0 : i32
        %dma_start3A_591 = tpu.memref_slice %arg6[%dma_start3A_588, %dma_start3A_589, %dma_start3A_590] : memref<2x512x32xf32, #tpu.memory_space<vmem>> -> memref<1x128x32xf32, #tpu.memory_space<vmem>>
        %dma_start3A_592 = tpu.memref_squeeze %dma_start3A_591 : memref<1x128x32xf32, #tpu.memory_space<vmem>> -> memref<128x32xf32, #tpu.memory_space<vmem>>
        %dma_start3A_593 = arith.constant 0 : i32
        %dma_start3A_594 = tpu.memref_slice %arg5[%add3A_550, %dma_start3A_587, %dma_start3A_593] : memref<50x4x128xi32, #tpu.memory_space<vmem>> -> memref<1x1x128xi32, #tpu.memory_space<vmem>>
        %dma_start3A_595 = tpu.memref_squeeze %dma_start3A_594 : memref<1x1x128xi32, #tpu.memory_space<vmem>> -> memref<128xi32, #tpu.memory_space<vmem>>
        %dma_start3A_596 = arith.constant 0 : i32
        %dma_start3A_597 = arith.constant 0 : i32
        %dma_start3A_598 = tpu.memref_slice %arg3[%dma_start3A_596, %dma_start3A_597] : memref<4000000x32xf32, #tpu.memory_space<hbm>> -> memref<4000000x32xf32, #tpu.memory_space<hbm>>
        tpu.enqueue_indirect_dma source(%dma_start3A_598 : memref<4000000x32xf32, #tpu.memory_space<hbm>>) target(%dma_start3A_592 : memref<128x32xf32, #tpu.memory_space<vmem>>) offsets(%dma_start3A_595 : memref<128xi32, #tpu.memory_space<vmem>>) semaphore(%arg8 : memref<!tpu.dma_semaphore, #tpu.memory_space<semaphore_mem>>)
      } else {
      }
      %mul3A_424 = arith.constant 2 : i32
      %mul3A_425 = arith.muli %scan3A_303, %mul3A_424 : i32
      %add3A_426 = arith.constant 1 : i32
      %add3A_427 = arith.addi %mul3A_425, %add3A_426 : i32
      %dma_wait3A_428 = arith.constant 1 : i32
      %dma_wait3A_429 = arith.constant 0 : i32
      %dma_wait3A_430 = arith.constant 0 : i32
      %dma_wait3A_431 = tpu.memref_slice %arg6[%dma_wait3A_428, %dma_wait3A_429, %dma_wait3A_430] : memref<2x512x32xf32, #tpu.memory_space<vmem>> -> memref<1x512x32xf32, #tpu.memory_space<vmem>>
      %dma_wait3A_432 = tpu.memref_squeeze %dma_wait3A_431 : memref<1x512x32xf32, #tpu.memory_space<vmem>> -> memref<512x32xf32, #tpu.memory_space<vmem>>
      %dma_wait3A_433 = arith.constant 0 : i32
      %dma_wait3A_434 = arith.constant 0 : i32
      %dma_wait3A_435 = tpu.memref_slice %arg3[%dma_wait3A_433, %dma_wait3A_434] : memref<4000000x32xf32, #tpu.memory_space<hbm>> -> memref<512x32xf32, #tpu.memory_space<hbm>>
      %dma_wait3A_436 = arith.constant 0 : i32
      %dma_wait3A_437 = arith.constant 0 : i32
      %dma_wait3A_438 = tpu.memref_slice %arg6[%dma_wait3A_428, %dma_wait3A_436, %dma_wait3A_437] : memref<2x512x32xf32, #tpu.memory_space<vmem>> -> memref<1x512x32xf32, #tpu.memory_space<vmem>>
      %dma_wait3A_439 = tpu.memref_squeeze %dma_wait3A_438 : memref<1x512x32xf32, #tpu.memory_space<vmem>> -> memref<512x32xf32, #tpu.memory_space<vmem>>
      %dma_wait3A_440 = arith.constant 0 : i32
      %dma_wait3A_441 = arith.constant 0 : i32
      %dma_wait3A_442 = tpu.memref_slice %arg3[%dma_wait3A_440, %dma_wait3A_441] : memref<4000000x32xf32, #tpu.memory_space<hbm>> -> memref<512x32xf32, #tpu.memory_space<hbm>>
      tpu.wait_dma2 semaphore(%arg8 : memref<!tpu.dma_semaphore, #tpu.memory_space<semaphore_mem>>) src(%dma_wait3A_442 : memref<512x32xf32, #tpu.memory_space<hbm>>) dst(%dma_wait3A_439 : memref<512x32xf32, #tpu.memory_space<vmem>>)
      %ge3A_443 = arith.constant 1 : i32
      %ge3A_444 = arith.cmpi sge, %scan3A_303, %ge3A_443 : i32
      %convert_element_type3A_445 = arith.extui %ge3A_444 : i1 to i32
      %cond3A_446 = arith.constant 0 : i32
      %cond3A_447 = arith.cmpi ne, %convert_element_type3A_445, %cond3A_446 : i32
      scf.if %cond3A_447 {
        %dma_wait3A_549 = arith.constant 1 : i32
        %dma_wait3A_550 = arith.constant 0 : i32
        %dma_wait3A_551 = arith.constant 0 : i32
        %dma_wait3A_552 = arith.constant 0 : i32
        %dma_wait3A_553 = arith.constant 0 : i32
        %dma_wait3A_554 = arith.constant 0 : i32
        %dma_wait3A_555 = arith.constant 0 : i32
        %dma_wait3A_556 = tpu.memref_slice %arg7[%dma_wait3A_549, %dma_wait3A_550, %dma_wait3A_553, %dma_wait3A_554, %dma_wait3A_555] : memref<2x4x4x8x128xf32, #tpu.memory_space<vmem>> -> memref<1x1x4x8x128xf32, #tpu.memory_space<vmem>>
        %dma_wait3A_557 = tpu.memref_squeeze %dma_wait3A_556 : memref<1x1x4x8x128xf32, #tpu.memory_space<vmem>> -> memref<4x8x128xf32, #tpu.memory_space<vmem>>
        %dma_wait3A_558 = arith.constant 0 : i32
        %dma_wait3A_559 = arith.constant 0 : i32
        %dma_wait3A_560 = arith.constant 0 : i32
        %dma_wait3A_561 = tpu.memref_slice %arg4[%dma_wait3A_551, %dma_wait3A_552, %dma_wait3A_558, %dma_wait3A_559, %dma_wait3A_560] : memref<50x4x128x8x128xf32, #tpu.memory_space<hbm>> -> memref<1x1x4x8x128xf32, #tpu.memory_space<hbm>>
        %dma_wait3A_562 = tpu.memref_squeeze %dma_wait3A_561 : memref<1x1x4x8x128xf32, #tpu.memory_space<hbm>> -> memref<4x8x128xf32, #tpu.memory_space<hbm>>
        %dma_wait3A_563 = arith.constant 0 : i32
        %dma_wait3A_564 = arith.constant 0 : i32
        %dma_wait3A_565 = arith.constant 0 : i32
        %dma_wait3A_566 = tpu.memref_slice %arg4[%dma_wait3A_551, %dma_wait3A_552, %dma_wait3A_563, %dma_wait3A_564, %dma_wait3A_565] : memref<50x4x128x8x128xf32, #tpu.memory_space<hbm>> -> memref<1x1x4x8x128xf32, #tpu.memory_space<hbm>>
        %dma_wait3A_567 = tpu.memref_squeeze %dma_wait3A_566 : memref<1x1x4x8x128xf32, #tpu.memory_space<hbm>> -> memref<4x8x128xf32, #tpu.memory_space<hbm>>
        %dma_wait3A_568 = arith.constant 0 : i32
        %dma_wait3A_569 = arith.constant 0 : i32
        %dma_wait3A_570 = arith.constant 0 : i32
        %dma_wait3A_571 = tpu.memref_slice %arg7[%dma_wait3A_549, %dma_wait3A_550, %dma_wait3A_568, %dma_wait3A_569, %dma_wait3A_570] : memref<2x4x4x8x128xf32, #tpu.memory_space<vmem>> -> memref<1x1x4x8x128xf32, #tpu.memory_space<vmem>>
        %dma_wait3A_572 = tpu.memref_squeeze %dma_wait3A_571 : memref<1x1x4x8x128xf32, #tpu.memory_space<vmem>> -> memref<4x8x128xf32, #tpu.memory_space<vmem>>
        tpu.wait_dma2 semaphore(%arg9 : memref<!tpu.dma_semaphore, #tpu.memory_space<semaphore_mem>>) src(%dma_wait3A_572 : memref<4x8x128xf32, #tpu.memory_space<vmem>>) dst(%dma_wait3A_567 : memref<4x8x128xf32, #tpu.memory_space<hbm>>)
        %dma_wait3A_573 = arith.constant 1 : i32
        %dma_wait3A_574 = arith.constant 1 : i32
        %dma_wait3A_575 = arith.constant 0 : i32
        %dma_wait3A_576 = arith.constant 1 : i32
        %dma_wait3A_577 = arith.constant 0 : i32
        %dma_wait3A_578 = arith.constant 0 : i32
        %dma_wait3A_579 = arith.constant 0 : i32
        %dma_wait3A_580 = tpu.memref_slice %arg7[%dma_wait3A_573, %dma_wait3A_574, %dma_wait3A_577, %dma_wait3A_578, %dma_wait3A_579] : memref<2x4x4x8x128xf32, #tpu.memory_space<vmem>> -> memref<1x1x4x8x128xf32, #tpu.memory_space<vmem>>
        %dma_wait3A_581 = tpu.memref_squeeze %dma_wait3A_580 : memref<1x1x4x8x128xf32, #tpu.memory_space<vmem>> -> memref<4x8x128xf32, #tpu.memory_space<vmem>>
        %dma_wait3A_582 = arith.constant 0 : i32
        %dma_wait3A_583 = arith.constant 0 : i32
        %dma_wait3A_584 = arith.constant 0 : i32
        %dma_wait3A_585 = tpu.memref_slice %arg4[%dma_wait3A_575, %dma_wait3A_576, %dma_wait3A_582, %dma_wait3A_583, %dma_wait3A_584] : memref<50x4x128x8x128xf32, #tpu.memory_space<hbm>> -> memref<1x1x4x8x128xf32, #tpu.memory_space<hbm>>
        %dma_wait3A_586 = tpu.memref_squeeze %dma_wait3A_585 : memref<1x1x4x8x128xf32, #tpu.memory_space<hbm>> -> memref<4x8x128xf32, #tpu.memory_space<hbm>>
        %dma_wait3A_587 = arith.constant 0 : i32
        %dma_wait3A_588 = arith.constant 0 : i32
        %dma_wait3A_589 = arith.constant 0 : i32
        %dma_wait3A_590 = tpu.memref_slice %arg4[%dma_wait3A_575, %dma_wait3A_576, %dma_wait3A_587, %dma_wait3A_588, %dma_wait3A_589] : memref<50x4x128x8x128xf32, #tpu.memory_space<hbm>> -> memref<1x1x4x8x128xf32, #tpu.memory_space<hbm>>
        %dma_wait3A_591 = tpu.memref_squeeze %dma_wait3A_590 : memref<1x1x4x8x128xf32, #tpu.memory_space<hbm>> -> memref<4x8x128xf32, #tpu.memory_space<hbm>>
        %dma_wait3A_592 = arith.constant 0 : i32
        %dma_wait3A_593 = arith.constant 0 : i32
        %dma_wait3A_594 = arith.constant 0 : i32
        %dma_wait3A_595 = tpu.memref_slice %arg7[%dma_wait3A_573, %dma_wait3A_574, %dma_wait3A_592, %dma_wait3A_593, %dma_wait3A_594] : memref<2x4x4x8x128xf32, #tpu.memory_space<vmem>> -> memref<1x1x4x8x128xf32, #tpu.memory_space<vmem>>
        %dma_wait3A_596 = tpu.memref_squeeze %dma_wait3A_595 : memref<1x1x4x8x128xf32, #tpu.memory_space<vmem>> -> memref<4x8x128xf32, #tpu.memory_space<vmem>>
        tpu.wait_dma2 semaphore(%arg9 : memref<!tpu.dma_semaphore, #tpu.memory_space<semaphore_mem>>) src(%dma_wait3A_596 : memref<4x8x128xf32, #tpu.memory_space<vmem>>) dst(%dma_wait3A_591 : memref<4x8x128xf32, #tpu.memory_space<hbm>>)
        %dma_wait3A_597 = arith.constant 1 : i32
        %dma_wait3A_598 = arith.constant 2 : i32
        %dma_wait3A_599 = arith.constant 0 : i32
        %dma_wait3A_600 = arith.constant 2 : i32
        %dma_wait3A_601 = arith.constant 0 : i32
        %dma_wait3A_602 = arith.constant 0 : i32
        %dma_wait3A_603 = arith.constant 0 : i32
        %dma_wait3A_604 = tpu.memref_slice %arg7[%dma_wait3A_597, %dma_wait3A_598, %dma_wait3A_601, %dma_wait3A_602, %dma_wait3A_603] : memref<2x4x4x8x128xf32, #tpu.memory_space<vmem>> -> memref<1x1x4x8x128xf32, #tpu.memory_space<vmem>>
        %dma_wait3A_605 = tpu.memref_squeeze %dma_wait3A_604 : memref<1x1x4x8x128xf32, #tpu.memory_space<vmem>> -> memref<4x8x128xf32, #tpu.memory_space<vmem>>
        %dma_wait3A_606 = arith.constant 0 : i32
        %dma_wait3A_607 = arith.constant 0 : i32
        %dma_wait3A_608 = arith.constant 0 : i32
        %dma_wait3A_609 = tpu.memref_slice %arg4[%dma_wait3A_599, %dma_wait3A_600, %dma_wait3A_606, %dma_wait3A_607, %dma_wait3A_608] : memref<50x4x128x8x128xf32, #tpu.memory_space<hbm>> -> memref<1x1x4x8x128xf32, #tpu.memory_space<hbm>>
        %dma_wait3A_610 = tpu.memref_squeeze %dma_wait3A_609 : memref<1x1x4x8x128xf32, #tpu.memory_space<hbm>> -> memref<4x8x128xf32, #tpu.memory_space<hbm>>
        %dma_wait3A_611 = arith.constant 0 : i32
        %dma_wait3A_612 = arith.constant 0 : i32
        %dma_wait3A_613 = arith.constant 0 : i32
        %dma_wait3A_614 = tpu.memref_slice %arg4[%dma_wait3A_599, %dma_wait3A_600, %dma_wait3A_611, %dma_wait3A_612, %dma_wait3A_613] : memref<50x4x128x8x128xf32, #tpu.memory_space<hbm>> -> memref<1x1x4x8x128xf32, #tpu.memory_space<hbm>>
        %dma_wait3A_615 = tpu.memref_squeeze %dma_wait3A_614 : memref<1x1x4x8x128xf32, #tpu.memory_space<hbm>> -> memref<4x8x128xf32, #tpu.memory_space<hbm>>
        %dma_wait3A_616 = arith.constant 0 : i32
        %dma_wait3A_617 = arith.constant 0 : i32
        %dma_wait3A_618 = arith.constant 0 : i32
        %dma_wait3A_619 = tpu.memref_slice %arg7[%dma_wait3A_597, %dma_wait3A_598, %dma_wait3A_616, %dma_wait3A_617, %dma_wait3A_618] : memref<2x4x4x8x128xf32, #tpu.memory_space<vmem>> -> memref<1x1x4x8x128xf32, #tpu.memory_space<vmem>>
        %dma_wait3A_620 = tpu.memref_squeeze %dma_wait3A_619 : memref<1x1x4x8x128xf32, #tpu.memory_space<vmem>> -> memref<4x8x128xf32, #tpu.memory_space<vmem>>
        tpu.wait_dma2 semaphore(%arg9 : memref<!tpu.dma_semaphore, #tpu.memory_space<semaphore_mem>>) src(%dma_wait3A_620 : memref<4x8x128xf32, #tpu.memory_space<vmem>>) dst(%dma_wait3A_615 : memref<4x8x128xf32, #tpu.memory_space<hbm>>)
        %dma_wait3A_621 = arith.constant 1 : i32
        %dma_wait3A_622 = arith.constant 3 : i32
        %dma_wait3A_623 = arith.constant 0 : i32
        %dma_wait3A_624 = arith.constant 3 : i32
        %dma_wait3A_625 = arith.constant 0 : i32
        %dma_wait3A_626 = arith.constant 0 : i32
        %dma_wait3A_627 = arith.constant 0 : i32
        %dma_wait3A_628 = tpu.memref_slice %arg7[%dma_wait3A_621, %dma_wait3A_622, %dma_wait3A_625, %dma_wait3A_626, %dma_wait3A_627] : memref<2x4x4x8x128xf32, #tpu.memory_space<vmem>> -> memref<1x1x4x8x128xf32, #tpu.memory_space<vmem>>
        %dma_wait3A_629 = tpu.memref_squeeze %dma_wait3A_628 : memref<1x1x4x8x128xf32, #tpu.memory_space<vmem>> -> memref<4x8x128xf32, #tpu.memory_space<vmem>>
        %dma_wait3A_630 = arith.constant 0 : i32
        %dma_wait3A_631 = arith.constant 0 : i32
        %dma_wait3A_632 = arith.constant 0 : i32
        %dma_wait3A_633 = tpu.memref_slice %arg4[%dma_wait3A_623, %dma_wait3A_624, %dma_wait3A_630, %dma_wait3A_631, %dma_wait3A_632] : memref<50x4x128x8x128xf32, #tpu.memory_space<hbm>> -> memref<1x1x4x8x128xf32, #tpu.memory_space<hbm>>
        %dma_wait3A_634 = tpu.memref_squeeze %dma_wait3A_633 : memref<1x1x4x8x128xf32, #tpu.memory_space<hbm>> -> memref<4x8x128xf32, #tpu.memory_space<hbm>>
        %dma_wait3A_635 = arith.constant 0 : i32
        %dma_wait3A_636 = arith.constant 0 : i32
        %dma_wait3A_637 = arith.constant 0 : i32
        %dma_wait3A_638 = tpu.memref_slice %arg4[%dma_wait3A_623, %dma_wait3A_624, %dma_wait3A_635, %dma_wait3A_636, %dma_wait3A_637] : memref<50x4x128x8x128xf32, #tpu.memory_space<hbm>> -> memref<1x1x4x8x128xf32, #tpu.memory_space<hbm>>
        %dma_wait3A_639 = tpu.memref_squeeze %dma_wait3A_638 : memref<1x1x4x8x128xf32, #tpu.memory_space<hbm>> -> memref<4x8x128xf32, #tpu.memory_space<hbm>>
        %dma_wait3A_640 = arith.constant 0 : i32
        %dma_wait3A_641 = arith.constant 0 : i32
        %dma_wait3A_642 = arith.constant 0 : i32
        %dma_wait3A_643 = tpu.memref_slice %arg7[%dma_wait3A_621, %dma_wait3A_622, %dma_wait3A_640, %dma_wait3A_641, %dma_wait3A_642] : memref<2x4x4x8x128xf32, #tpu.memory_space<vmem>> -> memref<1x1x4x8x128xf32, #tpu.memory_space<vmem>>
        %dma_wait3A_644 = tpu.memref_squeeze %dma_wait3A_643 : memref<1x1x4x8x128xf32, #tpu.memory_space<vmem>> -> memref<4x8x128xf32, #tpu.memory_space<vmem>>
        tpu.wait_dma2 semaphore(%arg9 : memref<!tpu.dma_semaphore, #tpu.memory_space<semaphore_mem>>) src(%dma_wait3A_644 : memref<4x8x128xf32, #tpu.memory_space<vmem>>) dst(%dma_wait3A_639 : memref<4x8x128xf32, #tpu.memory_space<hbm>>)
      } else {
      }
      %parallel_loop3A_448 = arith.constant 0 : i32
      %parallel_loop3A_449 = arith.constant 32 : i32
      %parallel_loop3A_450 = arith.constant 1 : i32
      scf.for %parallel_loop3A_549 = %parallel_loop3A_448 to %parallel_loop3A_449 step %parallel_loop3A_450  : i32 {
        %parallel_loop3A_550 = arith.constant 8 : i32
        %parallel_loop3A_551 = arith.divsi %parallel_loop3A_549, %parallel_loop3A_550 : i32
        %parallel_loop3A_552 = arith.constant 0 : i32
        %parallel_loop3A_553 = arith.cmpi sgt, %parallel_loop3A_549, %parallel_loop3A_552 : i32
        %parallel_loop3A_554 = arith.extui %parallel_loop3A_553 : i1 to i32
        %parallel_loop3A_555 = arith.constant 0 : i32
        %parallel_loop3A_556 = arith.cmpi slt, %parallel_loop3A_549, %parallel_loop3A_555 : i32
        %parallel_loop3A_557 = arith.extui %parallel_loop3A_556 : i1 to i32
        %parallel_loop3A_558 = arith.subi %parallel_loop3A_554, %parallel_loop3A_557 : i32
        %parallel_loop3A_559 = arith.constant 0 : i32
        %parallel_loop3A_560 = arith.cmpi sgt, %parallel_loop3A_550, %parallel_loop3A_559 : i32
        %parallel_loop3A_561 = arith.extui %parallel_loop3A_560 : i1 to i32
        %parallel_loop3A_562 = arith.constant 0 : i32
        %parallel_loop3A_563 = arith.cmpi slt, %parallel_loop3A_550, %parallel_loop3A_562 : i32
        %parallel_loop3A_564 = arith.extui %parallel_loop3A_563 : i1 to i32
        %parallel_loop3A_565 = arith.subi %parallel_loop3A_561, %parallel_loop3A_564 : i32
        %parallel_loop3A_566 = arith.cmpi ne, %parallel_loop3A_558, %parallel_loop3A_565 : i32
        %parallel_loop3A_567 = arith.remsi %parallel_loop3A_549, %parallel_loop3A_550 : i32
        %parallel_loop3A_568 = arith.constant 0 : i32
        %parallel_loop3A_569 = arith.cmpi ne, %parallel_loop3A_567, %parallel_loop3A_568 : i32
        %parallel_loop3A_570 = arith.andi %parallel_loop3A_566, %parallel_loop3A_569 : i1
        %parallel_loop3A_571 = arith.constant 1 : i32
        %parallel_loop3A_572 = arith.subi %parallel_loop3A_551, %parallel_loop3A_571 : i32
        %parallel_loop3A_573 = arith.select %parallel_loop3A_570, %parallel_loop3A_572, %parallel_loop3A_551 : i32
        %parallel_loop3A_574 = arith.constant 8 : i32
        %parallel_loop3A_575 = arith.muli %parallel_loop3A_573, %parallel_loop3A_574 : i32
        %parallel_loop3A_576 = arith.subi %parallel_loop3A_549, %parallel_loop3A_575 : i32
        %parallel_loop3A_577 = arith.constant 0 : i32
        %parallel_loop3A_578 = vector.broadcast %parallel_loop3A_577 : i32 to vector<16xi32>
        %parallel_loop3A_579 = vector.broadcast %parallel_loop3A_549 : i32 to vector<16xi32>
        %parallel_loop3A_580 = arith.addi %parallel_loop3A_578, %parallel_loop3A_579 : vector<16xi32>
        %parallel_loop3A_581 = arith.constant 0 : i32
        %parallel_loop3A_582 = vector.broadcast %parallel_loop3A_581 : i32 to vector<16xi32>
        %parallel_loop3A_583 = arith.addi %parallel_loop3A_582, %iota3A : vector<16xi32>
        %parallel_loop3A_584 = arith.constant 1 : i32
        %parallel_loop3A_585 = arith.constant 0 : i32
        %parallel_loop3A_586 = arith.constant 0 : i32
        %parallel_loop3A_587 = tpu.memref_slice %arg6[%parallel_loop3A_584, %parallel_loop3A_585, %parallel_loop3A_586] : memref<2x512x32xf32, #tpu.memory_space<vmem>> -> memref<1x512x32xf32, #tpu.memory_space<vmem>>
        %parallel_loop3A_588 = tpu.memref_squeeze %parallel_loop3A_587 : memref<1x512x32xf32, #tpu.memory_space<vmem>> -> memref<512x32xf32, #tpu.memory_space<vmem>>
        %parallel_loop3A_589 = tpu.vector_load_idx %parallel_loop3A_588[%parallel_loop3A_583, %parallel_loop3A_580] : memref<512x32xf32, #tpu.memory_space<vmem>>[vector<16xi32>, vector<16xi32>], vector<16xf32>,
        %parallel_loop3A_590 = arith.constant 1 : i32
        %parallel_loop3A_591 = arith.constant 0 : i32
        %parallel_loop3A_592 = arith.index_cast %parallel_loop3A_590 : i32 to index
        %parallel_loop3A_593 = arith.index_cast %parallel_loop3A_573 : i32 to index
        %parallel_loop3A_594 = arith.index_cast %parallel_loop3A_591 : i32 to index
        %parallel_loop3A_595 = arith.index_cast %parallel_loop3A_576 : i32 to index
        %parallel_loop3A_596 = arith.constant 0 : index
        %parallel_loop3A_597 = tpu.vector_load %arg7[%parallel_loop3A_592, %parallel_loop3A_593, %parallel_loop3A_594, %parallel_loop3A_595, %parallel_loop3A_596] {strides = array<i32>} : memref<2x4x4x8x128xf32, #tpu.memory_space<vmem>>, vector<16xf32>,
        tpu.vector_store %arg7[%parallel_loop3A_592, %parallel_loop3A_593, %parallel_loop3A_594, %parallel_loop3A_595, %parallel_loop3A_596], %parallel_loop3A_589 {strides = array<i32>} : memref<2x4x4x8x128xf32, #tpu.memory_space<vmem>>, vector<16xf32>,
        %parallel_loop3A_598 = arith.constant 16 : i32
        %parallel_loop3A_599 = vector.broadcast %parallel_loop3A_598 : i32 to vector<16xi32>
        %parallel_loop3A_600 = arith.addi %parallel_loop3A_599, %iota3A : vector<16xi32>
        %parallel_loop3A_601 = arith.constant 1 : i32
        %parallel_loop3A_602 = arith.constant 0 : i32
        %parallel_loop3A_603 = arith.constant 0 : i32
        %parallel_loop3A_604 = tpu.memref_slice %arg6[%parallel_loop3A_601, %parallel_loop3A_602, %parallel_loop3A_603] : memref<2x512x32xf32, #tpu.memory_space<vmem>> -> memref<1x512x32xf32, #tpu.memory_space<vmem>>
        %parallel_loop3A_605 = tpu.memref_squeeze %parallel_loop3A_604 : memref<1x512x32xf32, #tpu.memory_space<vmem>> -> memref<512x32xf32, #tpu.memory_space<vmem>>
        %parallel_loop3A_606 = tpu.vector_load_idx %parallel_loop3A_605[%parallel_loop3A_600, %parallel_loop3A_580] : memref<512x32xf32, #tpu.memory_space<vmem>>[vector<16xi32>, vector<16xi32>], vector<16xf32>,
        %parallel_loop3A_607 = arith.constant 1 : i32
        %parallel_loop3A_608 = arith.constant 0 : i32
        %parallel_loop3A_609 = arith.index_cast %parallel_loop3A_607 : i32 to index
        %parallel_loop3A_610 = arith.index_cast %parallel_loop3A_573 : i32 to index
        %parallel_loop3A_611 = arith.index_cast %parallel_loop3A_608 : i32 to index
        %parallel_loop3A_612 = arith.index_cast %parallel_loop3A_576 : i32 to index
        %parallel_loop3A_613 = arith.constant 16 : index
        %parallel_loop3A_614 = tpu.vector_load %arg7[%parallel_loop3A_609, %parallel_loop3A_610, %parallel_loop3A_611, %parallel_loop3A_612, %parallel_loop3A_613] {strides = array<i32>} : memref<2x4x4x8x128xf32, #tpu.memory_space<vmem>>, vector<16xf32>,
        tpu.vector_store %arg7[%parallel_loop3A_609, %parallel_loop3A_610, %parallel_loop3A_611, %parallel_loop3A_612, %parallel_loop3A_613], %parallel_loop3A_606 {strides = array<i32>} : memref<2x4x4x8x128xf32, #tpu.memory_space<vmem>>, vector<16xf32>,
        %parallel_loop3A_615 = arith.constant 32 : i32
        %parallel_loop3A_616 = vector.broadcast %parallel_loop3A_615 : i32 to vector<16xi32>
        %parallel_loop3A_617 = arith.addi %parallel_loop3A_616, %iota3A : vector<16xi32>
        %parallel_loop3A_618 = arith.constant 1 : i32
        %parallel_loop3A_619 = arith.constant 0 : i32
        %parallel_loop3A_620 = arith.constant 0 : i32
        %parallel_loop3A_621 = tpu.memref_slice %arg6[%parallel_loop3A_618, %parallel_loop3A_619, %parallel_loop3A_620] : memref<2x512x32xf32, #tpu.memory_space<vmem>> -> memref<1x512x32xf32, #tpu.memory_space<vmem>>
        %parallel_loop3A_622 = tpu.memref_squeeze %parallel_loop3A_621 : memref<1x512x32xf32, #tpu.memory_space<vmem>> -> memref<512x32xf32, #tpu.memory_space<vmem>>
        %parallel_loop3A_623 = tpu.vector_load_idx %parallel_loop3A_622[%parallel_loop3A_617, %parallel_loop3A_580] : memref<512x32xf32, #tpu.memory_space<vmem>>[vector<16xi32>, vector<16xi32>], vector<16xf32>,
        %parallel_loop3A_624 = arith.constant 1 : i32
        %parallel_loop3A_625 = arith.constant 0 : i32
        %parallel_loop3A_626 = arith.index_cast %parallel_loop3A_624 : i32 to index
        %parallel_loop3A_627 = arith.index_cast %parallel_loop3A_573 : i32 to index
        %parallel_loop3A_628 = arith.index_cast %parallel_loop3A_625 : i32 to index
        %parallel_loop3A_629 = arith.index_cast %parallel_loop3A_576 : i32 to index
        %parallel_loop3A_630 = arith.constant 32 : index
        %parallel_loop3A_631 = tpu.vector_load %arg7[%parallel_loop3A_626, %parallel_loop3A_627, %parallel_loop3A_628, %parallel_loop3A_629, %parallel_loop3A_630] {strides = array<i32>} : memref<2x4x4x8x128xf32, #tpu.memory_space<vmem>>, vector<16xf32>,
        tpu.vector_store %arg7[%parallel_loop3A_626, %parallel_loop3A_627, %parallel_loop3A_628, %parallel_loop3A_629, %parallel_loop3A_630], %parallel_loop3A_623 {strides = array<i32>} : memref<2x4x4x8x128xf32, #tpu.memory_space<vmem>>, vector<16xf32>,
        %parallel_loop3A_632 = arith.constant 48 : i32
        %parallel_loop3A_633 = vector.broadcast %parallel_loop3A_632 : i32 to vector<16xi32>
        %parallel_loop3A_634 = arith.addi %parallel_loop3A_633, %iota3A : vector<16xi32>
        %parallel_loop3A_635 = arith.constant 1 : i32
        %parallel_loop3A_636 = arith.constant 0 : i32
        %parallel_loop3A_637 = arith.constant 0 : i32
        %parallel_loop3A_638 = tpu.memref_slice %arg6[%parallel_loop3A_635, %parallel_loop3A_636, %parallel_loop3A_637] : memref<2x512x32xf32, #tpu.memory_space<vmem>> -> memref<1x512x32xf32, #tpu.memory_space<vmem>>
        %parallel_loop3A_639 = tpu.memref_squeeze %parallel_loop3A_638 : memref<1x512x32xf32, #tpu.memory_space<vmem>> -> memref<512x32xf32, #tpu.memory_space<vmem>>
        %parallel_loop3A_640 = tpu.vector_load_idx %parallel_loop3A_639[%parallel_loop3A_634, %parallel_loop3A_580] : memref<512x32xf32, #tpu.memory_space<vmem>>[vector<16xi32>, vector<16xi32>], vector<16xf32>,
        %parallel_loop3A_641 = arith.constant 1 : i32
        %parallel_loop3A_642 = arith.constant 0 : i32
        %parallel_loop3A_643 = arith.index_cast %parallel_loop3A_641 : i32 to index
        %parallel_loop3A_644 = arith.index_cast %parallel_loop3A_573 : i32 to index
        %parallel_loop3A_645 = arith.index_cast %parallel_loop3A_642 : i32 to index
        %parallel_loop3A_646 = arith.index_cast %parallel_loop3A_576 : i32 to index
        %parallel_loop3A_647 = arith.constant 48 : index
        %parallel_loop3A_648 = tpu.vector_load %arg7[%parallel_loop3A_643, %parallel_loop3A_644, %parallel_loop3A_645, %parallel_loop3A_646, %parallel_loop3A_647] {strides = array<i32>} : memref<2x4x4x8x128xf32, #tpu.memory_space<vmem>>, vector<16xf32>,
        tpu.vector_store %arg7[%parallel_loop3A_643, %parallel_loop3A_644, %parallel_loop3A_645, %parallel_loop3A_646, %parallel_loop3A_647], %parallel_loop3A_640 {strides = array<i32>} : memref<2x4x4x8x128xf32, #tpu.memory_space<vmem>>, vector<16xf32>,
        %parallel_loop3A_649 = arith.constant 64 : i32
        %parallel_loop3A_650 = vector.broadcast %parallel_loop3A_649 : i32 to vector<16xi32>
        %parallel_loop3A_651 = arith.addi %parallel_loop3A_650, %iota3A : vector<16xi32>
        %parallel_loop3A_652 = arith.constant 1 : i32
        %parallel_loop3A_653 = arith.constant 0 : i32
        %parallel_loop3A_654 = arith.constant 0 : i32
        %parallel_loop3A_655 = tpu.memref_slice %arg6[%parallel_loop3A_652, %parallel_loop3A_653, %parallel_loop3A_654] : memref<2x512x32xf32, #tpu.memory_space<vmem>> -> memref<1x512x32xf32, #tpu.memory_space<vmem>>
        %parallel_loop3A_656 = tpu.memref_squeeze %parallel_loop3A_655 : memref<1x512x32xf32, #tpu.memory_space<vmem>> -> memref<512x32xf32, #tpu.memory_space<vmem>>
        %parallel_loop3A_657 = tpu.vector_load_idx %parallel_loop3A_656[%parallel_loop3A_651, %parallel_loop3A_580] : memref<512x32xf32, #tpu.memory_space<vmem>>[vector<16xi32>, vector<16xi32>], vector<16xf32>,
        %parallel_loop3A_658 = arith.constant 1 : i32
        %parallel_loop3A_659 = arith.constant 0 : i32
        %parallel_loop3A_660 = arith.index_cast %parallel_loop3A_658 : i32 to index
        %parallel_loop3A_661 = arith.index_cast %parallel_loop3A_573 : i32 to index
        %parallel_loop3A_662 = arith.index_cast %parallel_loop3A_659 : i32 to index
        %parallel_loop3A_663 = arith.index_cast %parallel_loop3A_576 : i32 to index
        %parallel_loop3A_664 = arith.constant 64 : index
        %parallel_loop3A_665 = tpu.vector_load %arg7[%parallel_loop3A_660, %parallel_loop3A_661, %parallel_loop3A_662, %parallel_loop3A_663, %parallel_loop3A_664] {strides = array<i32>} : memref<2x4x4x8x128xf32, #tpu.memory_space<vmem>>, vector<16xf32>,
        tpu.vector_store %arg7[%parallel_loop3A_660, %parallel_loop3A_661, %parallel_loop3A_662, %parallel_loop3A_663, %parallel_loop3A_664], %parallel_loop3A_657 {strides = array<i32>} : memref<2x4x4x8x128xf32, #tpu.memory_space<vmem>>, vector<16xf32>,
        %parallel_loop3A_666 = arith.constant 80 : i32
        %parallel_loop3A_667 = vector.broadcast %parallel_loop3A_666 : i32 to vector<16xi32>
        %parallel_loop3A_668 = arith.addi %parallel_loop3A_667, %iota3A : vector<16xi32>
        %parallel_loop3A_669 = arith.constant 1 : i32
        %parallel_loop3A_670 = arith.constant 0 : i32
        %parallel_loop3A_671 = arith.constant 0 : i32
        %parallel_loop3A_672 = tpu.memref_slice %arg6[%parallel_loop3A_669, %parallel_loop3A_670, %parallel_loop3A_671] : memref<2x512x32xf32, #tpu.memory_space<vmem>> -> memref<1x512x32xf32, #tpu.memory_space<vmem>>
        %parallel_loop3A_673 = tpu.memref_squeeze %parallel_loop3A_672 : memref<1x512x32xf32, #tpu.memory_space<vmem>> -> memref<512x32xf32, #tpu.memory_space<vmem>>
        %parallel_loop3A_674 = tpu.vector_load_idx %parallel_loop3A_673[%parallel_loop3A_668, %parallel_loop3A_580] : memref<512x32xf32, #tpu.memory_space<vmem>>[vector<16xi32>, vector<16xi32>], vector<16xf32>,
        %parallel_loop3A_675 = arith.constant 1 : i32
        %parallel_loop3A_676 = arith.constant 0 : i32
        %parallel_loop3A_677 = arith.index_cast %parallel_loop3A_675 : i32 to index
        %parallel_loop3A_678 = arith.index_cast %parallel_loop3A_573 : i32 to index
        %parallel_loop3A_679 = arith.index_cast %parallel_loop3A_676 : i32 to index
        %parallel_loop3A_680 = arith.index_cast %parallel_loop3A_576 : i32 to index
        %parallel_loop3A_681 = arith.constant 80 : index
        %parallel_loop3A_682 = tpu.vector_load %arg7[%parallel_loop3A_677, %parallel_loop3A_678, %parallel_loop3A_679, %parallel_loop3A_680, %parallel_loop3A_681] {strides = array<i32>} : memref<2x4x4x8x128xf32, #tpu.memory_space<vmem>>, vector<16xf32>,
        tpu.vector_store %arg7[%parallel_loop3A_677, %parallel_loop3A_678, %parallel_loop3A_679, %parallel_loop3A_680, %parallel_loop3A_681], %parallel_loop3A_674 {strides = array<i32>} : memref<2x4x4x8x128xf32, #tpu.memory_space<vmem>>, vector<16xf32>,
        %parallel_loop3A_683 = arith.constant 96 : i32
        %parallel_loop3A_684 = vector.broadcast %parallel_loop3A_683 : i32 to vector<16xi32>
        %parallel_loop3A_685 = arith.addi %parallel_loop3A_684, %iota3A : vector<16xi32>
        %parallel_loop3A_686 = arith.constant 1 : i32
        %parallel_loop3A_687 = arith.constant 0 : i32
        %parallel_loop3A_688 = arith.constant 0 : i32
        %parallel_loop3A_689 = tpu.memref_slice %arg6[%parallel_loop3A_686, %parallel_loop3A_687, %parallel_loop3A_688] : memref<2x512x32xf32, #tpu.memory_space<vmem>> -> memref<1x512x32xf32, #tpu.memory_space<vmem>>
        %parallel_loop3A_690 = tpu.memref_squeeze %parallel_loop3A_689 : memref<1x512x32xf32, #tpu.memory_space<vmem>> -> memref<512x32xf32, #tpu.memory_space<vmem>>
        %parallel_loop3A_691 = tpu.vector_load_idx %parallel_loop3A_690[%parallel_loop3A_685, %parallel_loop3A_580] : memref<512x32xf32, #tpu.memory_space<vmem>>[vector<16xi32>, vector<16xi32>], vector<16xf32>,
        %parallel_loop3A_692 = arith.constant 1 : i32
        %parallel_loop3A_693 = arith.constant 0 : i32
        %parallel_loop3A_694 = arith.index_cast %parallel_loop3A_692 : i32 to index
        %parallel_loop3A_695 = arith.index_cast %parallel_loop3A_573 : i32 to index
        %parallel_loop3A_696 = arith.index_cast %parallel_loop3A_693 : i32 to index
        %parallel_loop3A_697 = arith.index_cast %parallel_loop3A_576 : i32 to index
        %parallel_loop3A_698 = arith.constant 96 : index
        %parallel_loop3A_699 = tpu.vector_load %arg7[%parallel_loop3A_694, %parallel_loop3A_695, %parallel_loop3A_696, %parallel_loop3A_697, %parallel_loop3A_698] {strides = array<i32>} : memref<2x4x4x8x128xf32, #tpu.memory_space<vmem>>, vector<16xf32>,
        tpu.vector_store %arg7[%parallel_loop3A_694, %parallel_loop3A_695, %parallel_loop3A_696, %parallel_loop3A_697, %parallel_loop3A_698], %parallel_loop3A_691 {strides = array<i32>} : memref<2x4x4x8x128xf32, #tpu.memory_space<vmem>>, vector<16xf32>,
        %parallel_loop3A_700 = arith.constant 112 : i32
        %parallel_loop3A_701 = vector.broadcast %parallel_loop3A_700 : i32 to vector<16xi32>
        %parallel_loop3A_702 = arith.addi %parallel_loop3A_701, %iota3A : vector<16xi32>
        %parallel_loop3A_703 = arith.constant 1 : i32
        %parallel_loop3A_704 = arith.constant 0 : i32
        %parallel_loop3A_705 = arith.constant 0 : i32
        %parallel_loop3A_706 = tpu.memref_slice %arg6[%parallel_loop3A_703, %parallel_loop3A_704, %parallel_loop3A_705] : memref<2x512x32xf32, #tpu.memory_space<vmem>> -> memref<1x512x32xf32, #tpu.memory_space<vmem>>
        %parallel_loop3A_707 = tpu.memref_squeeze %parallel_loop3A_706 : memref<1x512x32xf32, #tpu.memory_space<vmem>> -> memref<512x32xf32, #tpu.memory_space<vmem>>
        %parallel_loop3A_708 = tpu.vector_load_idx %parallel_loop3A_707[%parallel_loop3A_702, %parallel_loop3A_580] : memref<512x32xf32, #tpu.memory_space<vmem>>[vector<16xi32>, vector<16xi32>], vector<16xf32>,
        %parallel_loop3A_709 = arith.constant 1 : i32
        %parallel_loop3A_710 = arith.constant 0 : i32
        %parallel_loop3A_711 = arith.index_cast %parallel_loop3A_709 : i32 to index
        %parallel_loop3A_712 = arith.index_cast %parallel_loop3A_573 : i32 to index
        %parallel_loop3A_713 = arith.index_cast %parallel_loop3A_710 : i32 to index
        %parallel_loop3A_714 = arith.index_cast %parallel_loop3A_576 : i32 to index
        %parallel_loop3A_715 = arith.constant 112 : index
        %parallel_loop3A_716 = tpu.vector_load %arg7[%parallel_loop3A_711, %parallel_loop3A_712, %parallel_loop3A_713, %parallel_loop3A_714, %parallel_loop3A_715] {strides = array<i32>} : memref<2x4x4x8x128xf32, #tpu.memory_space<vmem>>, vector<16xf32>,
        tpu.vector_store %arg7[%parallel_loop3A_711, %parallel_loop3A_712, %parallel_loop3A_713, %parallel_loop3A_714, %parallel_loop3A_715], %parallel_loop3A_708 {strides = array<i32>} : memref<2x4x4x8x128xf32, #tpu.memory_space<vmem>>, vector<16xf32>,
        %parallel_loop3A_717 = arith.constant 128 : i32
        %parallel_loop3A_718 = vector.broadcast %parallel_loop3A_717 : i32 to vector<16xi32>
        %parallel_loop3A_719 = arith.addi %parallel_loop3A_718, %iota3A : vector<16xi32>
        %parallel_loop3A_720 = arith.constant 1 : i32
        %parallel_loop3A_721 = arith.constant 0 : i32
        %parallel_loop3A_722 = arith.constant 0 : i32
        %parallel_loop3A_723 = tpu.memref_slice %arg6[%parallel_loop3A_720, %parallel_loop3A_721, %parallel_loop3A_722] : memref<2x512x32xf32, #tpu.memory_space<vmem>> -> memref<1x512x32xf32, #tpu.memory_space<vmem>>
        %parallel_loop3A_724 = tpu.memref_squeeze %parallel_loop3A_723 : memref<1x512x32xf32, #tpu.memory_space<vmem>> -> memref<512x32xf32, #tpu.memory_space<vmem>>
        %parallel_loop3A_725 = tpu.vector_load_idx %parallel_loop3A_724[%parallel_loop3A_719, %parallel_loop3A_580] : memref<512x32xf32, #tpu.memory_space<vmem>>[vector<16xi32>, vector<16xi32>], vector<16xf32>,
        %parallel_loop3A_726 = arith.constant 1 : i32
        %parallel_loop3A_727 = arith.constant 1 : i32
        %parallel_loop3A_728 = arith.index_cast %parallel_loop3A_726 : i32 to index
        %parallel_loop3A_729 = arith.index_cast %parallel_loop3A_573 : i32 to index
        %parallel_loop3A_730 = arith.index_cast %parallel_loop3A_727 : i32 to index
        %parallel_loop3A_731 = arith.index_cast %parallel_loop3A_576 : i32 to index
        %parallel_loop3A_732 = arith.constant 0 : index
        %parallel_loop3A_733 = tpu.vector_load %arg7[%parallel_loop3A_728, %parallel_loop3A_729, %parallel_loop3A_730, %parallel_loop3A_731, %parallel_loop3A_732] {strides = array<i32>} : memref<2x4x4x8x128xf32, #tpu.memory_space<vmem>>, vector<16xf32>,
        tpu.vector_store %arg7[%parallel_loop3A_728, %parallel_loop3A_729, %parallel_loop3A_730, %parallel_loop3A_731, %parallel_loop3A_732], %parallel_loop3A_725 {strides = array<i32>} : memref<2x4x4x8x128xf32, #tpu.memory_space<vmem>>, vector<16xf32>,
        %parallel_loop3A_734 = arith.constant 144 : i32
        %parallel_loop3A_735 = vector.broadcast %parallel_loop3A_734 : i32 to vector<16xi32>
        %parallel_loop3A_736 = arith.addi %parallel_loop3A_735, %iota3A : vector<16xi32>
        %parallel_loop3A_737 = arith.constant 1 : i32
        %parallel_loop3A_738 = arith.constant 0 : i32
        %parallel_loop3A_739 = arith.constant 0 : i32
        %parallel_loop3A_740 = tpu.memref_slice %arg6[%parallel_loop3A_737, %parallel_loop3A_738, %parallel_loop3A_739] : memref<2x512x32xf32, #tpu.memory_space<vmem>> -> memref<1x512x32xf32, #tpu.memory_space<vmem>>
        %parallel_loop3A_741 = tpu.memref_squeeze %parallel_loop3A_740 : memref<1x512x32xf32, #tpu.memory_space<vmem>> -> memref<512x32xf32, #tpu.memory_space<vmem>>
        %parallel_loop3A_742 = tpu.vector_load_idx %parallel_loop3A_741[%parallel_loop3A_736, %parallel_loop3A_580] : memref<512x32xf32, #tpu.memory_space<vmem>>[vector<16xi32>, vector<16xi32>], vector<16xf32>,
        %parallel_loop3A_743 = arith.constant 1 : i32
        %parallel_loop3A_744 = arith.constant 1 : i32
        %parallel_loop3A_745 = arith.index_cast %parallel_loop3A_743 : i32 to index
        %parallel_loop3A_746 = arith.index_cast %parallel_loop3A_573 : i32 to index
        %parallel_loop3A_747 = arith.index_cast %parallel_loop3A_744 : i32 to index
        %parallel_loop3A_748 = arith.index_cast %parallel_loop3A_576 : i32 to index
        %parallel_loop3A_749 = arith.constant 16 : index
        %parallel_loop3A_750 = tpu.vector_load %arg7[%parallel_loop3A_745, %parallel_loop3A_746, %parallel_loop3A_747, %parallel_loop3A_748, %parallel_loop3A_749] {strides = array<i32>} : memref<2x4x4x8x128xf32, #tpu.memory_space<vmem>>, vector<16xf32>,
        tpu.vector_store %arg7[%parallel_loop3A_745, %parallel_loop3A_746, %parallel_loop3A_747, %parallel_loop3A_748, %parallel_loop3A_749], %parallel_loop3A_742 {strides = array<i32>} : memref<2x4x4x8x128xf32, #tpu.memory_space<vmem>>, vector<16xf32>,
        %parallel_loop3A_751 = arith.constant 160 : i32
        %parallel_loop3A_752 = vector.broadcast %parallel_loop3A_751 : i32 to vector<16xi32>
        %parallel_loop3A_753 = arith.addi %parallel_loop3A_752, %iota3A : vector<16xi32>
        %parallel_loop3A_754 = arith.constant 1 : i32
        %parallel_loop3A_755 = arith.constant 0 : i32
        %parallel_loop3A_756 = arith.constant 0 : i32
        %parallel_loop3A_757 = tpu.memref_slice %arg6[%parallel_loop3A_754, %parallel_loop3A_755, %parallel_loop3A_756] : memref<2x512x32xf32, #tpu.memory_space<vmem>> -> memref<1x512x32xf32, #tpu.memory_space<vmem>>
        %parallel_loop3A_758 = tpu.memref_squeeze %parallel_loop3A_757 : memref<1x512x32xf32, #tpu.memory_space<vmem>> -> memref<512x32xf32, #tpu.memory_space<vmem>>
        %parallel_loop3A_759 = tpu.vector_load_idx %parallel_loop3A_758[%parallel_loop3A_753, %parallel_loop3A_580] : memref<512x32xf32, #tpu.memory_space<vmem>>[vector<16xi32>, vector<16xi32>], vector<16xf32>,
        %parallel_loop3A_760 = arith.constant 1 : i32
        %parallel_loop3A_761 = arith.constant 1 : i32
        %parallel_loop3A_762 = arith.index_cast %parallel_loop3A_760 : i32 to index
        %parallel_loop3A_763 = arith.index_cast %parallel_loop3A_573 : i32 to index
        %parallel_loop3A_764 = arith.index_cast %parallel_loop3A_761 : i32 to index
        %parallel_loop3A_765 = arith.index_cast %parallel_loop3A_576 : i32 to index
        %parallel_loop3A_766 = arith.constant 32 : index
        %parallel_loop3A_767 = tpu.vector_load %arg7[%parallel_loop3A_762, %parallel_loop3A_763, %parallel_loop3A_764, %parallel_loop3A_765, %parallel_loop3A_766] {strides = array<i32>} : memref<2x4x4x8x128xf32, #tpu.memory_space<vmem>>, vector<16xf32>,
        tpu.vector_store %arg7[%parallel_loop3A_762, %parallel_loop3A_763, %parallel_loop3A_764, %parallel_loop3A_765, %parallel_loop3A_766], %parallel_loop3A_759 {strides = array<i32>} : memref<2x4x4x8x128xf32, #tpu.memory_space<vmem>>, vector<16xf32>,
        %parallel_loop3A_768 = arith.constant 176 : i32
        %parallel_loop3A_769 = vector.broadcast %parallel_loop3A_768 : i32 to vector<16xi32>
        %parallel_loop3A_770 = arith.addi %parallel_loop3A_769, %iota3A : vector<16xi32>
        %parallel_loop3A_771 = arith.constant 1 : i32
        %parallel_loop3A_772 = arith.constant 0 : i32
        %parallel_loop3A_773 = arith.constant 0 : i32
        %parallel_loop3A_774 = tpu.memref_slice %arg6[%parallel_loop3A_771, %parallel_loop3A_772, %parallel_loop3A_773] : memref<2x512x32xf32, #tpu.memory_space<vmem>> -> memref<1x512x32xf32, #tpu.memory_space<vmem>>
        %parallel_loop3A_775 = tpu.memref_squeeze %parallel_loop3A_774 : memref<1x512x32xf32, #tpu.memory_space<vmem>> -> memref<512x32xf32, #tpu.memory_space<vmem>>
        %parallel_loop3A_776 = tpu.vector_load_idx %parallel_loop3A_775[%parallel_loop3A_770, %parallel_loop3A_580] : memref<512x32xf32, #tpu.memory_space<vmem>>[vector<16xi32>, vector<16xi32>], vector<16xf32>,
        %parallel_loop3A_777 = arith.constant 1 : i32
        %parallel_loop3A_778 = arith.constant 1 : i32
        %parallel_loop3A_779 = arith.index_cast %parallel_loop3A_777 : i32 to index
        %parallel_loop3A_780 = arith.index_cast %parallel_loop3A_573 : i32 to index
        %parallel_loop3A_781 = arith.index_cast %parallel_loop3A_778 : i32 to index
        %parallel_loop3A_782 = arith.index_cast %parallel_loop3A_576 : i32 to index
        %parallel_loop3A_783 = arith.constant 48 : index
        %parallel_loop3A_784 = tpu.vector_load %arg7[%parallel_loop3A_779, %parallel_loop3A_780, %parallel_loop3A_781, %parallel_loop3A_782, %parallel_loop3A_783] {strides = array<i32>} : memref<2x4x4x8x128xf32, #tpu.memory_space<vmem>>, vector<16xf32>,
        tpu.vector_store %arg7[%parallel_loop3A_779, %parallel_loop3A_780, %parallel_loop3A_781, %parallel_loop3A_782, %parallel_loop3A_783], %parallel_loop3A_776 {strides = array<i32>} : memref<2x4x4x8x128xf32, #tpu.memory_space<vmem>>, vector<16xf32>,
        %parallel_loop3A_785 = arith.constant 192 : i32
        %parallel_loop3A_786 = vector.broadcast %parallel_loop3A_785 : i32 to vector<16xi32>
        %parallel_loop3A_787 = arith.addi %parallel_loop3A_786, %iota3A : vector<16xi32>
        %parallel_loop3A_788 = arith.constant 1 : i32
        %parallel_loop3A_789 = arith.constant 0 : i32
        %parallel_loop3A_790 = arith.constant 0 : i32
        %parallel_loop3A_791 = tpu.memref_slice %arg6[%parallel_loop3A_788, %parallel_loop3A_789, %parallel_loop3A_790] : memref<2x512x32xf32, #tpu.memory_space<vmem>> -> memref<1x512x32xf32, #tpu.memory_space<vmem>>
        %parallel_loop3A_792 = tpu.memref_squeeze %parallel_loop3A_791 : memref<1x512x32xf32, #tpu.memory_space<vmem>> -> memref<512x32xf32, #tpu.memory_space<vmem>>
        %parallel_loop3A_793 = tpu.vector_load_idx %parallel_loop3A_792[%parallel_loop3A_787, %parallel_loop3A_580] : memref<512x32xf32, #tpu.memory_space<vmem>>[vector<16xi32>, vector<16xi32>], vector<16xf32>,
        %parallel_loop3A_794 = arith.constant 1 : i32
        %parallel_loop3A_795 = arith.constant 1 : i32
        %parallel_loop3A_796 = arith.index_cast %parallel_loop3A_794 : i32 to index
        %parallel_loop3A_797 = arith.index_cast %parallel_loop3A_573 : i32 to index
        %parallel_loop3A_798 = arith.index_cast %parallel_loop3A_795 : i32 to index
        %parallel_loop3A_799 = arith.index_cast %parallel_loop3A_576 : i32 to index
        %parallel_loop3A_800 = arith.constant 64 : index
        %parallel_loop3A_801 = tpu.vector_load %arg7[%parallel_loop3A_796, %parallel_loop3A_797, %parallel_loop3A_798, %parallel_loop3A_799, %parallel_loop3A_800] {strides = array<i32>} : memref<2x4x4x8x128xf32, #tpu.memory_space<vmem>>, vector<16xf32>,
        tpu.vector_store %arg7[%parallel_loop3A_796, %parallel_loop3A_797, %parallel_loop3A_798, %parallel_loop3A_799, %parallel_loop3A_800], %parallel_loop3A_793 {strides = array<i32>} : memref<2x4x4x8x128xf32, #tpu.memory_space<vmem>>, vector<16xf32>,
        %parallel_loop3A_802 = arith.constant 208 : i32
        %parallel_loop3A_803 = vector.broadcast %parallel_loop3A_802 : i32 to vector<16xi32>
        %parallel_loop3A_804 = arith.addi %parallel_loop3A_803, %iota3A : vector<16xi32>
        %parallel_loop3A_805 = arith.constant 1 : i32
        %parallel_loop3A_806 = arith.constant 0 : i32
        %parallel_loop3A_807 = arith.constant 0 : i32
        %parallel_loop3A_808 = tpu.memref_slice %arg6[%parallel_loop3A_805, %parallel_loop3A_806, %parallel_loop3A_807] : memref<2x512x32xf32, #tpu.memory_space<vmem>> -> memref<1x512x32xf32, #tpu.memory_space<vmem>>
        %parallel_loop3A_809 = tpu.memref_squeeze %parallel_loop3A_808 : memref<1x512x32xf32, #tpu.memory_space<vmem>> -> memref<512x32xf32, #tpu.memory_space<vmem>>
        %parallel_loop3A_810 = tpu.vector_load_idx %parallel_loop3A_809[%parallel_loop3A_804, %parallel_loop3A_580] : memref<512x32xf32, #tpu.memory_space<vmem>>[vector<16xi32>, vector<16xi32>], vector<16xf32>,
        %parallel_loop3A_811 = arith.constant 1 : i32
        %parallel_loop3A_812 = arith.constant 1 : i32
        %parallel_loop3A_813 = arith.index_cast %parallel_loop3A_811 : i32 to index
        %parallel_loop3A_814 = arith.index_cast %parallel_loop3A_573 : i32 to index
        %parallel_loop3A_815 = arith.index_cast %parallel_loop3A_812 : i32 to index
        %parallel_loop3A_816 = arith.index_cast %parallel_loop3A_576 : i32 to index
        %parallel_loop3A_817 = arith.constant 80 : index
        %parallel_loop3A_818 = tpu.vector_load %arg7[%parallel_loop3A_813, %parallel_loop3A_814, %parallel_loop3A_815, %parallel_loop3A_816, %parallel_loop3A_817] {strides = array<i32>} : memref<2x4x4x8x128xf32, #tpu.memory_space<vmem>>, vector<16xf32>,
        tpu.vector_store %arg7[%parallel_loop3A_813, %parallel_loop3A_814, %parallel_loop3A_815, %parallel_loop3A_816, %parallel_loop3A_817], %parallel_loop3A_810 {strides = array<i32>} : memref<2x4x4x8x128xf32, #tpu.memory_space<vmem>>, vector<16xf32>,
        %parallel_loop3A_819 = arith.constant 224 : i32
        %parallel_loop3A_820 = vector.broadcast %parallel_loop3A_819 : i32 to vector<16xi32>
        %parallel_loop3A_821 = arith.addi %parallel_loop3A_820, %iota3A : vector<16xi32>
        %parallel_loop3A_822 = arith.constant 1 : i32
        %parallel_loop3A_823 = arith.constant 0 : i32
        %parallel_loop3A_824 = arith.constant 0 : i32
        %parallel_loop3A_825 = tpu.memref_slice %arg6[%parallel_loop3A_822, %parallel_loop3A_823, %parallel_loop3A_824] : memref<2x512x32xf32, #tpu.memory_space<vmem>> -> memref<1x512x32xf32, #tpu.memory_space<vmem>>
        %parallel_loop3A_826 = tpu.memref_squeeze %parallel_loop3A_825 : memref<1x512x32xf32, #tpu.memory_space<vmem>> -> memref<512x32xf32, #tpu.memory_space<vmem>>
        %parallel_loop3A_827 = tpu.vector_load_idx %parallel_loop3A_826[%parallel_loop3A_821, %parallel_loop3A_580] : memref<512x32xf32, #tpu.memory_space<vmem>>[vector<16xi32>, vector<16xi32>], vector<16xf32>,
        %parallel_loop3A_828 = arith.constant 1 : i32
        %parallel_loop3A_829 = arith.constant 1 : i32
        %parallel_loop3A_830 = arith.index_cast %parallel_loop3A_828 : i32 to index
        %parallel_loop3A_831 = arith.index_cast %parallel_loop3A_573 : i32 to index
        %parallel_loop3A_832 = arith.index_cast %parallel_loop3A_829 : i32 to index
        %parallel_loop3A_833 = arith.index_cast %parallel_loop3A_576 : i32 to index
        %parallel_loop3A_834 = arith.constant 96 : index
        %parallel_loop3A_835 = tpu.vector_load %arg7[%parallel_loop3A_830, %parallel_loop3A_831, %parallel_loop3A_832, %parallel_loop3A_833, %parallel_loop3A_834] {strides = array<i32>} : memref<2x4x4x8x128xf32, #tpu.memory_space<vmem>>, vector<16xf32>,
        tpu.vector_store %arg7[%parallel_loop3A_830, %parallel_loop3A_831, %parallel_loop3A_832, %parallel_loop3A_833, %parallel_loop3A_834], %parallel_loop3A_827 {strides = array<i32>} : memref<2x4x4x8x128xf32, #tpu.memory_space<vmem>>, vector<16xf32>,
        %parallel_loop3A_836 = arith.constant 240 : i32
        %parallel_loop3A_837 = vector.broadcast %parallel_loop3A_836 : i32 to vector<16xi32>
        %parallel_loop3A_838 = arith.addi %parallel_loop3A_837, %iota3A : vector<16xi32>
        %parallel_loop3A_839 = arith.constant 1 : i32
        %parallel_loop3A_840 = arith.constant 0 : i32
        %parallel_loop3A_841 = arith.constant 0 : i32
        %parallel_loop3A_842 = tpu.memref_slice %arg6[%parallel_loop3A_839, %parallel_loop3A_840, %parallel_loop3A_841] : memref<2x512x32xf32, #tpu.memory_space<vmem>> -> memref<1x512x32xf32, #tpu.memory_space<vmem>>
        %parallel_loop3A_843 = tpu.memref_squeeze %parallel_loop3A_842 : memref<1x512x32xf32, #tpu.memory_space<vmem>> -> memref<512x32xf32, #tpu.memory_space<vmem>>
        %parallel_loop3A_844 = tpu.vector_load_idx %parallel_loop3A_843[%parallel_loop3A_838, %parallel_loop3A_580] : memref<512x32xf32, #tpu.memory_space<vmem>>[vector<16xi32>, vector<16xi32>], vector<16xf32>,
        %parallel_loop3A_845 = arith.constant 1 : i32
        %parallel_loop3A_846 = arith.constant 1 : i32
        %parallel_loop3A_847 = arith.index_cast %parallel_loop3A_845 : i32 to index
        %parallel_loop3A_848 = arith.index_cast %parallel_loop3A_573 : i32 to index
        %parallel_loop3A_849 = arith.index_cast %parallel_loop3A_846 : i32 to index
        %parallel_loop3A_850 = arith.index_cast %parallel_loop3A_576 : i32 to index
        %parallel_loop3A_851 = arith.constant 112 : index
        %parallel_loop3A_852 = tpu.vector_load %arg7[%parallel_loop3A_847, %parallel_loop3A_848, %parallel_loop3A_849, %parallel_loop3A_850, %parallel_loop3A_851] {strides = array<i32>} : memref<2x4x4x8x128xf32, #tpu.memory_space<vmem>>, vector<16xf32>,
        tpu.vector_store %arg7[%parallel_loop3A_847, %parallel_loop3A_848, %parallel_loop3A_849, %parallel_loop3A_850, %parallel_loop3A_851], %parallel_loop3A_844 {strides = array<i32>} : memref<2x4x4x8x128xf32, #tpu.memory_space<vmem>>, vector<16xf32>,
        %parallel_loop3A_853 = arith.constant 256 : i32
        %parallel_loop3A_854 = vector.broadcast %parallel_loop3A_853 : i32 to vector<16xi32>
        %parallel_loop3A_855 = arith.addi %parallel_loop3A_854, %iota3A : vector<16xi32>
        %parallel_loop3A_856 = arith.constant 1 : i32
        %parallel_loop3A_857 = arith.constant 0 : i32
        %parallel_loop3A_858 = arith.constant 0 : i32
        %parallel_loop3A_859 = tpu.memref_slice %arg6[%parallel_loop3A_856, %parallel_loop3A_857, %parallel_loop3A_858] : memref<2x512x32xf32, #tpu.memory_space<vmem>> -> memref<1x512x32xf32, #tpu.memory_space<vmem>>
        %parallel_loop3A_860 = tpu.memref_squeeze %parallel_loop3A_859 : memref<1x512x32xf32, #tpu.memory_space<vmem>> -> memref<512x32xf32, #tpu.memory_space<vmem>>
        %parallel_loop3A_861 = tpu.vector_load_idx %parallel_loop3A_860[%parallel_loop3A_855, %parallel_loop3A_580] : memref<512x32xf32, #tpu.memory_space<vmem>>[vector<16xi32>, vector<16xi32>], vector<16xf32>,
        %parallel_loop3A_862 = arith.constant 1 : i32
        %parallel_loop3A_863 = arith.constant 2 : i32
        %parallel_loop3A_864 = arith.index_cast %parallel_loop3A_862 : i32 to index
        %parallel_loop3A_865 = arith.index_cast %parallel_loop3A_573 : i32 to index
        %parallel_loop3A_866 = arith.index_cast %parallel_loop3A_863 : i32 to index
        %parallel_loop3A_867 = arith.index_cast %parallel_loop3A_576 : i32 to index
        %parallel_loop3A_868 = arith.constant 0 : index
        %parallel_loop3A_869 = tpu.vector_load %arg7[%parallel_loop3A_864, %parallel_loop3A_865, %parallel_loop3A_866, %parallel_loop3A_867, %parallel_loop3A_868] {strides = array<i32>} : memref<2x4x4x8x128xf32, #tpu.memory_space<vmem>>, vector<16xf32>,
        tpu.vector_store %arg7[%parallel_loop3A_864, %parallel_loop3A_865, %parallel_loop3A_866, %parallel_loop3A_867, %parallel_loop3A_868], %parallel_loop3A_861 {strides = array<i32>} : memref<2x4x4x8x128xf32, #tpu.memory_space<vmem>>, vector<16xf32>,
        %parallel_loop3A_870 = arith.constant 272 : i32
        %parallel_loop3A_871 = vector.broadcast %parallel_loop3A_870 : i32 to vector<16xi32>
        %parallel_loop3A_872 = arith.addi %parallel_loop3A_871, %iota3A : vector<16xi32>
        %parallel_loop3A_873 = arith.constant 1 : i32
        %parallel_loop3A_874 = arith.constant 0 : i32
        %parallel_loop3A_875 = arith.constant 0 : i32
        %parallel_loop3A_876 = tpu.memref_slice %arg6[%parallel_loop3A_873, %parallel_loop3A_874, %parallel_loop3A_875] : memref<2x512x32xf32, #tpu.memory_space<vmem>> -> memref<1x512x32xf32, #tpu.memory_space<vmem>>
        %parallel_loop3A_877 = tpu.memref_squeeze %parallel_loop3A_876 : memref<1x512x32xf32, #tpu.memory_space<vmem>> -> memref<512x32xf32, #tpu.memory_space<vmem>>
        %parallel_loop3A_878 = tpu.vector_load_idx %parallel_loop3A_877[%parallel_loop3A_872, %parallel_loop3A_580] : memref<512x32xf32, #tpu.memory_space<vmem>>[vector<16xi32>, vector<16xi32>], vector<16xf32>,
        %parallel_loop3A_879 = arith.constant 1 : i32
        %parallel_loop3A_880 = arith.constant 2 : i32
        %parallel_loop3A_881 = arith.index_cast %parallel_loop3A_879 : i32 to index
        %parallel_loop3A_882 = arith.index_cast %parallel_loop3A_573 : i32 to index
        %parallel_loop3A_883 = arith.index_cast %parallel_loop3A_880 : i32 to index
        %parallel_loop3A_884 = arith.index_cast %parallel_loop3A_576 : i32 to index
        %parallel_loop3A_885 = arith.constant 16 : index
        %parallel_loop3A_886 = tpu.vector_load %arg7[%parallel_loop3A_881, %parallel_loop3A_882, %parallel_loop3A_883, %parallel_loop3A_884, %parallel_loop3A_885] {strides = array<i32>} : memref<2x4x4x8x128xf32, #tpu.memory_space<vmem>>, vector<16xf32>,
        tpu.vector_store %arg7[%parallel_loop3A_881, %parallel_loop3A_882, %parallel_loop3A_883, %parallel_loop3A_884, %parallel_loop3A_885], %parallel_loop3A_878 {strides = array<i32>} : memref<2x4x4x8x128xf32, #tpu.memory_space<vmem>>, vector<16xf32>,
        %parallel_loop3A_887 = arith.constant 288 : i32
        %parallel_loop3A_888 = vector.broadcast %parallel_loop3A_887 : i32 to vector<16xi32>
        %parallel_loop3A_889 = arith.addi %parallel_loop3A_888, %iota3A : vector<16xi32>
        %parallel_loop3A_890 = arith.constant 1 : i32
        %parallel_loop3A_891 = arith.constant 0 : i32
        %parallel_loop3A_892 = arith.constant 0 : i32
        %parallel_loop3A_893 = tpu.memref_slice %arg6[%parallel_loop3A_890, %parallel_loop3A_891, %parallel_loop3A_892] : memref<2x512x32xf32, #tpu.memory_space<vmem>> -> memref<1x512x32xf32, #tpu.memory_space<vmem>>
        %parallel_loop3A_894 = tpu.memref_squeeze %parallel_loop3A_893 : memref<1x512x32xf32, #tpu.memory_space<vmem>> -> memref<512x32xf32, #tpu.memory_space<vmem>>
        %parallel_loop3A_895 = tpu.vector_load_idx %parallel_loop3A_894[%parallel_loop3A_889, %parallel_loop3A_580] : memref<512x32xf32, #tpu.memory_space<vmem>>[vector<16xi32>, vector<16xi32>], vector<16xf32>,
        %parallel_loop3A_896 = arith.constant 1 : i32
        %parallel_loop3A_897 = arith.constant 2 : i32
        %parallel_loop3A_898 = arith.index_cast %parallel_loop3A_896 : i32 to index
        %parallel_loop3A_899 = arith.index_cast %parallel_loop3A_573 : i32 to index
        %parallel_loop3A_900 = arith.index_cast %parallel_loop3A_897 : i32 to index
        %parallel_loop3A_901 = arith.index_cast %parallel_loop3A_576 : i32 to index
        %parallel_loop3A_902 = arith.constant 32 : index
        %parallel_loop3A_903 = tpu.vector_load %arg7[%parallel_loop3A_898, %parallel_loop3A_899, %parallel_loop3A_900, %parallel_loop3A_901, %parallel_loop3A_902] {strides = array<i32>} : memref<2x4x4x8x128xf32, #tpu.memory_space<vmem>>, vector<16xf32>,
        tpu.vector_store %arg7[%parallel_loop3A_898, %parallel_loop3A_899, %parallel_loop3A_900, %parallel_loop3A_901, %parallel_loop3A_902], %parallel_loop3A_895 {strides = array<i32>} : memref<2x4x4x8x128xf32, #tpu.memory_space<vmem>>, vector<16xf32>,
        %parallel_loop3A_904 = arith.constant 304 : i32
        %parallel_loop3A_905 = vector.broadcast %parallel_loop3A_904 : i32 to vector<16xi32>
        %parallel_loop3A_906 = arith.addi %parallel_loop3A_905, %iota3A : vector<16xi32>
        %parallel_loop3A_907 = arith.constant 1 : i32
        %parallel_loop3A_908 = arith.constant 0 : i32
        %parallel_loop3A_909 = arith.constant 0 : i32
        %parallel_loop3A_910 = tpu.memref_slice %arg6[%parallel_loop3A_907, %parallel_loop3A_908, %parallel_loop3A_909] : memref<2x512x32xf32, #tpu.memory_space<vmem>> -> memref<1x512x32xf32, #tpu.memory_space<vmem>>
        %parallel_loop3A_911 = tpu.memref_squeeze %parallel_loop3A_910 : memref<1x512x32xf32, #tpu.memory_space<vmem>> -> memref<512x32xf32, #tpu.memory_space<vmem>>
        %parallel_loop3A_912 = tpu.vector_load_idx %parallel_loop3A_911[%parallel_loop3A_906, %parallel_loop3A_580] : memref<512x32xf32, #tpu.memory_space<vmem>>[vector<16xi32>, vector<16xi32>], vector<16xf32>,
        %parallel_loop3A_913 = arith.constant 1 : i32
        %parallel_loop3A_914 = arith.constant 2 : i32
        %parallel_loop3A_915 = arith.index_cast %parallel_loop3A_913 : i32 to index
        %parallel_loop3A_916 = arith.index_cast %parallel_loop3A_573 : i32 to index
        %parallel_loop3A_917 = arith.index_cast %parallel_loop3A_914 : i32 to index
        %parallel_loop3A_918 = arith.index_cast %parallel_loop3A_576 : i32 to index
        %parallel_loop3A_919 = arith.constant 48 : index
        %parallel_loop3A_920 = tpu.vector_load %arg7[%parallel_loop3A_915, %parallel_loop3A_916, %parallel_loop3A_917, %parallel_loop3A_918, %parallel_loop3A_919] {strides = array<i32>} : memref<2x4x4x8x128xf32, #tpu.memory_space<vmem>>, vector<16xf32>,
        tpu.vector_store %arg7[%parallel_loop3A_915, %parallel_loop3A_916, %parallel_loop3A_917, %parallel_loop3A_918, %parallel_loop3A_919], %parallel_loop3A_912 {strides = array<i32>} : memref<2x4x4x8x128xf32, #tpu.memory_space<vmem>>, vector<16xf32>,
        %parallel_loop3A_921 = arith.constant 320 : i32
        %parallel_loop3A_922 = vector.broadcast %parallel_loop3A_921 : i32 to vector<16xi32>
        %parallel_loop3A_923 = arith.addi %parallel_loop3A_922, %iota3A : vector<16xi32>
        %parallel_loop3A_924 = arith.constant 1 : i32
        %parallel_loop3A_925 = arith.constant 0 : i32
        %parallel_loop3A_926 = arith.constant 0 : i32
        %parallel_loop3A_927 = tpu.memref_slice %arg6[%parallel_loop3A_924, %parallel_loop3A_925, %parallel_loop3A_926] : memref<2x512x32xf32, #tpu.memory_space<vmem>> -> memref<1x512x32xf32, #tpu.memory_space<vmem>>
        %parallel_loop3A_928 = tpu.memref_squeeze %parallel_loop3A_927 : memref<1x512x32xf32, #tpu.memory_space<vmem>> -> memref<512x32xf32, #tpu.memory_space<vmem>>
        %parallel_loop3A_929 = tpu.vector_load_idx %parallel_loop3A_928[%parallel_loop3A_923, %parallel_loop3A_580] : memref<512x32xf32, #tpu.memory_space<vmem>>[vector<16xi32>, vector<16xi32>], vector<16xf32>,
        %parallel_loop3A_930 = arith.constant 1 : i32
        %parallel_loop3A_931 = arith.constant 2 : i32
        %parallel_loop3A_932 = arith.index_cast %parallel_loop3A_930 : i32 to index
        %parallel_loop3A_933 = arith.index_cast %parallel_loop3A_573 : i32 to index
        %parallel_loop3A_934 = arith.index_cast %parallel_loop3A_931 : i32 to index
        %parallel_loop3A_935 = arith.index_cast %parallel_loop3A_576 : i32 to index
        %parallel_loop3A_936 = arith.constant 64 : index
        %parallel_loop3A_937 = tpu.vector_load %arg7[%parallel_loop3A_932, %parallel_loop3A_933, %parallel_loop3A_934, %parallel_loop3A_935, %parallel_loop3A_936] {strides = array<i32>} : memref<2x4x4x8x128xf32, #tpu.memory_space<vmem>>, vector<16xf32>,
        tpu.vector_store %arg7[%parallel_loop3A_932, %parallel_loop3A_933, %parallel_loop3A_934, %parallel_loop3A_935, %parallel_loop3A_936], %parallel_loop3A_929 {strides = array<i32>} : memref<2x4x4x8x128xf32, #tpu.memory_space<vmem>>, vector<16xf32>,
        %parallel_loop3A_938 = arith.constant 336 : i32
        %parallel_loop3A_939 = vector.broadcast %parallel_loop3A_938 : i32 to vector<16xi32>
        %parallel_loop3A_940 = arith.addi %parallel_loop3A_939, %iota3A : vector<16xi32>
        %parallel_loop3A_941 = arith.constant 1 : i32
        %parallel_loop3A_942 = arith.constant 0 : i32
        %parallel_loop3A_943 = arith.constant 0 : i32
        %parallel_loop3A_944 = tpu.memref_slice %arg6[%parallel_loop3A_941, %parallel_loop3A_942, %parallel_loop3A_943] : memref<2x512x32xf32, #tpu.memory_space<vmem>> -> memref<1x512x32xf32, #tpu.memory_space<vmem>>
        %parallel_loop3A_945 = tpu.memref_squeeze %parallel_loop3A_944 : memref<1x512x32xf32, #tpu.memory_space<vmem>> -> memref<512x32xf32, #tpu.memory_space<vmem>>
        %parallel_loop3A_946 = tpu.vector_load_idx %parallel_loop3A_945[%parallel_loop3A_940, %parallel_loop3A_580] : memref<512x32xf32, #tpu.memory_space<vmem>>[vector<16xi32>, vector<16xi32>], vector<16xf32>,
        %parallel_loop3A_947 = arith.constant 1 : i32
        %parallel_loop3A_948 = arith.constant 2 : i32
        %parallel_loop3A_949 = arith.index_cast %parallel_loop3A_947 : i32 to index
        %parallel_loop3A_950 = arith.index_cast %parallel_loop3A_573 : i32 to index
        %parallel_loop3A_951 = arith.index_cast %parallel_loop3A_948 : i32 to index
        %parallel_loop3A_952 = arith.index_cast %parallel_loop3A_576 : i32 to index
        %parallel_loop3A_953 = arith.constant 80 : index
        %parallel_loop3A_954 = tpu.vector_load %arg7[%parallel_loop3A_949, %parallel_loop3A_950, %parallel_loop3A_951, %parallel_loop3A_952, %parallel_loop3A_953] {strides = array<i32>} : memref<2x4x4x8x128xf32, #tpu.memory_space<vmem>>, vector<16xf32>,
        tpu.vector_store %arg7[%parallel_loop3A_949, %parallel_loop3A_950, %parallel_loop3A_951, %parallel_loop3A_952, %parallel_loop3A_953], %parallel_loop3A_946 {strides = array<i32>} : memref<2x4x4x8x128xf32, #tpu.memory_space<vmem>>, vector<16xf32>,
        %parallel_loop3A_955 = arith.constant 352 : i32
        %parallel_loop3A_956 = vector.broadcast %parallel_loop3A_955 : i32 to vector<16xi32>
        %parallel_loop3A_957 = arith.addi %parallel_loop3A_956, %iota3A : vector<16xi32>
        %parallel_loop3A_958 = arith.constant 1 : i32
        %parallel_loop3A_959 = arith.constant 0 : i32
        %parallel_loop3A_960 = arith.constant 0 : i32
        %parallel_loop3A_961 = tpu.memref_slice %arg6[%parallel_loop3A_958, %parallel_loop3A_959, %parallel_loop3A_960] : memref<2x512x32xf32, #tpu.memory_space<vmem>> -> memref<1x512x32xf32, #tpu.memory_space<vmem>>
        %parallel_loop3A_962 = tpu.memref_squeeze %parallel_loop3A_961 : memref<1x512x32xf32, #tpu.memory_space<vmem>> -> memref<512x32xf32, #tpu.memory_space<vmem>>
        %parallel_loop3A_963 = tpu.vector_load_idx %parallel_loop3A_962[%parallel_loop3A_957, %parallel_loop3A_580] : memref<512x32xf32, #tpu.memory_space<vmem>>[vector<16xi32>, vector<16xi32>], vector<16xf32>,
        %parallel_loop3A_964 = arith.constant 1 : i32
        %parallel_loop3A_965 = arith.constant 2 : i32
        %parallel_loop3A_966 = arith.index_cast %parallel_loop3A_964 : i32 to index
        %parallel_loop3A_967 = arith.index_cast %parallel_loop3A_573 : i32 to index
        %parallel_loop3A_968 = arith.index_cast %parallel_loop3A_965 : i32 to index
        %parallel_loop3A_969 = arith.index_cast %parallel_loop3A_576 : i32 to index
        %parallel_loop3A_970 = arith.constant 96 : index
        %parallel_loop3A_971 = tpu.vector_load %arg7[%parallel_loop3A_966, %parallel_loop3A_967, %parallel_loop3A_968, %parallel_loop3A_969, %parallel_loop3A_970] {strides = array<i32>} : memref<2x4x4x8x128xf32, #tpu.memory_space<vmem>>, vector<16xf32>,
        tpu.vector_store %arg7[%parallel_loop3A_966, %parallel_loop3A_967, %parallel_loop3A_968, %parallel_loop3A_969, %parallel_loop3A_970], %parallel_loop3A_963 {strides = array<i32>} : memref<2x4x4x8x128xf32, #tpu.memory_space<vmem>>, vector<16xf32>,
        %parallel_loop3A_972 = arith.constant 368 : i32
        %parallel_loop3A_973 = vector.broadcast %parallel_loop3A_972 : i32 to vector<16xi32>
        %parallel_loop3A_974 = arith.addi %parallel_loop3A_973, %iota3A : vector<16xi32>
        %parallel_loop3A_975 = arith.constant 1 : i32
        %parallel_loop3A_976 = arith.constant 0 : i32
        %parallel_loop3A_977 = arith.constant 0 : i32
        %parallel_loop3A_978 = tpu.memref_slice %arg6[%parallel_loop3A_975, %parallel_loop3A_976, %parallel_loop3A_977] : memref<2x512x32xf32, #tpu.memory_space<vmem>> -> memref<1x512x32xf32, #tpu.memory_space<vmem>>
        %parallel_loop3A_979 = tpu.memref_squeeze %parallel_loop3A_978 : memref<1x512x32xf32, #tpu.memory_space<vmem>> -> memref<512x32xf32, #tpu.memory_space<vmem>>
        %parallel_loop3A_980 = tpu.vector_load_idx %parallel_loop3A_979[%parallel_loop3A_974, %parallel_loop3A_580] : memref<512x32xf32, #tpu.memory_space<vmem>>[vector<16xi32>, vector<16xi32>], vector<16xf32>,
        %parallel_loop3A_981 = arith.constant 1 : i32
        %parallel_loop3A_982 = arith.constant 2 : i32
        %parallel_loop3A_983 = arith.index_cast %parallel_loop3A_981 : i32 to index
        %parallel_loop3A_984 = arith.index_cast %parallel_loop3A_573 : i32 to index
        %parallel_loop3A_985 = arith.index_cast %parallel_loop3A_982 : i32 to index
        %parallel_loop3A_986 = arith.index_cast %parallel_loop3A_576 : i32 to index
        %parallel_loop3A_987 = arith.constant 112 : index
        %parallel_loop3A_988 = tpu.vector_load %arg7[%parallel_loop3A_983, %parallel_loop3A_984, %parallel_loop3A_985, %parallel_loop3A_986, %parallel_loop3A_987] {strides = array<i32>} : memref<2x4x4x8x128xf32, #tpu.memory_space<vmem>>, vector<16xf32>,
        tpu.vector_store %arg7[%parallel_loop3A_983, %parallel_loop3A_984, %parallel_loop3A_985, %parallel_loop3A_986, %parallel_loop3A_987], %parallel_loop3A_980 {strides = array<i32>} : memref<2x4x4x8x128xf32, #tpu.memory_space<vmem>>, vector<16xf32>,
        %parallel_loop3A_989 = arith.constant 384 : i32
        %parallel_loop3A_990 = vector.broadcast %parallel_loop3A_989 : i32 to vector<16xi32>
        %parallel_loop3A_991 = arith.addi %parallel_loop3A_990, %iota3A : vector<16xi32>
        %parallel_loop3A_992 = arith.constant 1 : i32
        %parallel_loop3A_993 = arith.constant 0 : i32
        %parallel_loop3A_994 = arith.constant 0 : i32
        %parallel_loop3A_995 = tpu.memref_slice %arg6[%parallel_loop3A_992, %parallel_loop3A_993, %parallel_loop3A_994] : memref<2x512x32xf32, #tpu.memory_space<vmem>> -> memref<1x512x32xf32, #tpu.memory_space<vmem>>
        %parallel_loop3A_996 = tpu.memref_squeeze %parallel_loop3A_995 : memref<1x512x32xf32, #tpu.memory_space<vmem>> -> memref<512x32xf32, #tpu.memory_space<vmem>>
        %parallel_loop3A_997 = tpu.vector_load_idx %parallel_loop3A_996[%parallel_loop3A_991, %parallel_loop3A_580] : memref<512x32xf32, #tpu.memory_space<vmem>>[vector<16xi32>, vector<16xi32>], vector<16xf32>,
        %parallel_loop3A_998 = arith.constant 1 : i32
        %parallel_loop3A_999 = arith.constant 3 : i32
        %parallel_loop3A_1000 = arith.index_cast %parallel_loop3A_998 : i32 to index
        %parallel_loop3A_1001 = arith.index_cast %parallel_loop3A_573 : i32 to index
        %parallel_loop3A_1002 = arith.index_cast %parallel_loop3A_999 : i32 to index
        %parallel_loop3A_1003 = arith.index_cast %parallel_loop3A_576 : i32 to index
        %parallel_loop3A_1004 = arith.constant 0 : index
        %parallel_loop3A_1005 = tpu.vector_load %arg7[%parallel_loop3A_1000, %parallel_loop3A_1001, %parallel_loop3A_1002, %parallel_loop3A_1003, %parallel_loop3A_1004] {strides = array<i32>} : memref<2x4x4x8x128xf32, #tpu.memory_space<vmem>>, vector<16xf32>,
        tpu.vector_store %arg7[%parallel_loop3A_1000, %parallel_loop3A_1001, %parallel_loop3A_1002, %parallel_loop3A_1003, %parallel_loop3A_1004], %parallel_loop3A_997 {strides = array<i32>} : memref<2x4x4x8x128xf32, #tpu.memory_space<vmem>>, vector<16xf32>,
        %parallel_loop3A_1006 = arith.constant 400 : i32
        %parallel_loop3A_1007 = vector.broadcast %parallel_loop3A_1006 : i32 to vector<16xi32>
        %parallel_loop3A_1008 = arith.addi %parallel_loop3A_1007, %iota3A : vector<16xi32>
        %parallel_loop3A_1009 = arith.constant 1 : i32
        %parallel_loop3A_1010 = arith.constant 0 : i32
        %parallel_loop3A_1011 = arith.constant 0 : i32
        %parallel_loop3A_1012 = tpu.memref_slice %arg6[%parallel_loop3A_1009, %parallel_loop3A_1010, %parallel_loop3A_1011] : memref<2x512x32xf32, #tpu.memory_space<vmem>> -> memref<1x512x32xf32, #tpu.memory_space<vmem>>
        %parallel_loop3A_1013 = tpu.memref_squeeze %parallel_loop3A_1012 : memref<1x512x32xf32, #tpu.memory_space<vmem>> -> memref<512x32xf32, #tpu.memory_space<vmem>>
        %parallel_loop3A_1014 = tpu.vector_load_idx %parallel_loop3A_1013[%parallel_loop3A_1008, %parallel_loop3A_580] : memref<512x32xf32, #tpu.memory_space<vmem>>[vector<16xi32>, vector<16xi32>], vector<16xf32>,
        %parallel_loop3A_1015 = arith.constant 1 : i32
        %parallel_loop3A_1016 = arith.constant 3 : i32
        %parallel_loop3A_1017 = arith.index_cast %parallel_loop3A_1015 : i32 to index
        %parallel_loop3A_1018 = arith.index_cast %parallel_loop3A_573 : i32 to index
        %parallel_loop3A_1019 = arith.index_cast %parallel_loop3A_1016 : i32 to index
        %parallel_loop3A_1020 = arith.index_cast %parallel_loop3A_576 : i32 to index
        %parallel_loop3A_1021 = arith.constant 16 : index
        %parallel_loop3A_1022 = tpu.vector_load %arg7[%parallel_loop3A_1017, %parallel_loop3A_1018, %parallel_loop3A_1019, %parallel_loop3A_1020, %parallel_loop3A_1021] {strides = array<i32>} : memref<2x4x4x8x128xf32, #tpu.memory_space<vmem>>, vector<16xf32>,
        tpu.vector_store %arg7[%parallel_loop3A_1017, %parallel_loop3A_1018, %parallel_loop3A_1019, %parallel_loop3A_1020, %parallel_loop3A_1021], %parallel_loop3A_1014 {strides = array<i32>} : memref<2x4x4x8x128xf32, #tpu.memory_space<vmem>>, vector<16xf32>,
        %parallel_loop3A_1023 = arith.constant 416 : i32
        %parallel_loop3A_1024 = vector.broadcast %parallel_loop3A_1023 : i32 to vector<16xi32>
        %parallel_loop3A_1025 = arith.addi %parallel_loop3A_1024, %iota3A : vector<16xi32>
        %parallel_loop3A_1026 = arith.constant 1 : i32
        %parallel_loop3A_1027 = arith.constant 0 : i32
        %parallel_loop3A_1028 = arith.constant 0 : i32
        %parallel_loop3A_1029 = tpu.memref_slice %arg6[%parallel_loop3A_1026, %parallel_loop3A_1027, %parallel_loop3A_1028] : memref<2x512x32xf32, #tpu.memory_space<vmem>> -> memref<1x512x32xf32, #tpu.memory_space<vmem>>
        %parallel_loop3A_1030 = tpu.memref_squeeze %parallel_loop3A_1029 : memref<1x512x32xf32, #tpu.memory_space<vmem>> -> memref<512x32xf32, #tpu.memory_space<vmem>>
        %parallel_loop3A_1031 = tpu.vector_load_idx %parallel_loop3A_1030[%parallel_loop3A_1025, %parallel_loop3A_580] : memref<512x32xf32, #tpu.memory_space<vmem>>[vector<16xi32>, vector<16xi32>], vector<16xf32>,
        %parallel_loop3A_1032 = arith.constant 1 : i32
        %parallel_loop3A_1033 = arith.constant 3 : i32
        %parallel_loop3A_1034 = arith.index_cast %parallel_loop3A_1032 : i32 to index
        %parallel_loop3A_1035 = arith.index_cast %parallel_loop3A_573 : i32 to index
        %parallel_loop3A_1036 = arith.index_cast %parallel_loop3A_1033 : i32 to index
        %parallel_loop3A_1037 = arith.index_cast %parallel_loop3A_576 : i32 to index
        %parallel_loop3A_1038 = arith.constant 32 : index
        %parallel_loop3A_1039 = tpu.vector_load %arg7[%parallel_loop3A_1034, %parallel_loop3A_1035, %parallel_loop3A_1036, %parallel_loop3A_1037, %parallel_loop3A_1038] {strides = array<i32>} : memref<2x4x4x8x128xf32, #tpu.memory_space<vmem>>, vector<16xf32>,
        tpu.vector_store %arg7[%parallel_loop3A_1034, %parallel_loop3A_1035, %parallel_loop3A_1036, %parallel_loop3A_1037, %parallel_loop3A_1038], %parallel_loop3A_1031 {strides = array<i32>} : memref<2x4x4x8x128xf32, #tpu.memory_space<vmem>>, vector<16xf32>,
        %parallel_loop3A_1040 = arith.constant 432 : i32
        %parallel_loop3A_1041 = vector.broadcast %parallel_loop3A_1040 : i32 to vector<16xi32>
        %parallel_loop3A_1042 = arith.addi %parallel_loop3A_1041, %iota3A : vector<16xi32>
        %parallel_loop3A_1043 = arith.constant 1 : i32
        %parallel_loop3A_1044 = arith.constant 0 : i32
        %parallel_loop3A_1045 = arith.constant 0 : i32
        %parallel_loop3A_1046 = tpu.memref_slice %arg6[%parallel_loop3A_1043, %parallel_loop3A_1044, %parallel_loop3A_1045] : memref<2x512x32xf32, #tpu.memory_space<vmem>> -> memref<1x512x32xf32, #tpu.memory_space<vmem>>
        %parallel_loop3A_1047 = tpu.memref_squeeze %parallel_loop3A_1046 : memref<1x512x32xf32, #tpu.memory_space<vmem>> -> memref<512x32xf32, #tpu.memory_space<vmem>>
        %parallel_loop3A_1048 = tpu.vector_load_idx %parallel_loop3A_1047[%parallel_loop3A_1042, %parallel_loop3A_580] : memref<512x32xf32, #tpu.memory_space<vmem>>[vector<16xi32>, vector<16xi32>], vector<16xf32>,
        %parallel_loop3A_1049 = arith.constant 1 : i32
        %parallel_loop3A_1050 = arith.constant 3 : i32
        %parallel_loop3A_1051 = arith.index_cast %parallel_loop3A_1049 : i32 to index
        %parallel_loop3A_1052 = arith.index_cast %parallel_loop3A_573 : i32 to index
        %parallel_loop3A_1053 = arith.index_cast %parallel_loop3A_1050 : i32 to index
        %parallel_loop3A_1054 = arith.index_cast %parallel_loop3A_576 : i32 to index
        %parallel_loop3A_1055 = arith.constant 48 : index
        %parallel_loop3A_1056 = tpu.vector_load %arg7[%parallel_loop3A_1051, %parallel_loop3A_1052, %parallel_loop3A_1053, %parallel_loop3A_1054, %parallel_loop3A_1055] {strides = array<i32>} : memref<2x4x4x8x128xf32, #tpu.memory_space<vmem>>, vector<16xf32>,
        tpu.vector_store %arg7[%parallel_loop3A_1051, %parallel_loop3A_1052, %parallel_loop3A_1053, %parallel_loop3A_1054, %parallel_loop3A_1055], %parallel_loop3A_1048 {strides = array<i32>} : memref<2x4x4x8x128xf32, #tpu.memory_space<vmem>>, vector<16xf32>,
        %parallel_loop3A_1057 = arith.constant 448 : i32
        %parallel_loop3A_1058 = vector.broadcast %parallel_loop3A_1057 : i32 to vector<16xi32>
        %parallel_loop3A_1059 = arith.addi %parallel_loop3A_1058, %iota3A : vector<16xi32>
        %parallel_loop3A_1060 = arith.constant 1 : i32
        %parallel_loop3A_1061 = arith.constant 0 : i32
        %parallel_loop3A_1062 = arith.constant 0 : i32
        %parallel_loop3A_1063 = tpu.memref_slice %arg6[%parallel_loop3A_1060, %parallel_loop3A_1061, %parallel_loop3A_1062] : memref<2x512x32xf32, #tpu.memory_space<vmem>> -> memref<1x512x32xf32, #tpu.memory_space<vmem>>
        %parallel_loop3A_1064 = tpu.memref_squeeze %parallel_loop3A_1063 : memref<1x512x32xf32, #tpu.memory_space<vmem>> -> memref<512x32xf32, #tpu.memory_space<vmem>>
        %parallel_loop3A_1065 = tpu.vector_load_idx %parallel_loop3A_1064[%parallel_loop3A_1059, %parallel_loop3A_580] : memref<512x32xf32, #tpu.memory_space<vmem>>[vector<16xi32>, vector<16xi32>], vector<16xf32>,
        %parallel_loop3A_1066 = arith.constant 1 : i32
        %parallel_loop3A_1067 = arith.constant 3 : i32
        %parallel_loop3A_1068 = arith.index_cast %parallel_loop3A_1066 : i32 to index
        %parallel_loop3A_1069 = arith.index_cast %parallel_loop3A_573 : i32 to index
        %parallel_loop3A_1070 = arith.index_cast %parallel_loop3A_1067 : i32 to index
        %parallel_loop3A_1071 = arith.index_cast %parallel_loop3A_576 : i32 to index
        %parallel_loop3A_1072 = arith.constant 64 : index
        %parallel_loop3A_1073 = tpu.vector_load %arg7[%parallel_loop3A_1068, %parallel_loop3A_1069, %parallel_loop3A_1070, %parallel_loop3A_1071, %parallel_loop3A_1072] {strides = array<i32>} : memref<2x4x4x8x128xf32, #tpu.memory_space<vmem>>, vector<16xf32>,
        tpu.vector_store %arg7[%parallel_loop3A_1068, %parallel_loop3A_1069, %parallel_loop3A_1070, %parallel_loop3A_1071, %parallel_loop3A_1072], %parallel_loop3A_1065 {strides = array<i32>} : memref<2x4x4x8x128xf32, #tpu.memory_space<vmem>>, vector<16xf32>,
        %parallel_loop3A_1074 = arith.constant 464 : i32
        %parallel_loop3A_1075 = vector.broadcast %parallel_loop3A_1074 : i32 to vector<16xi32>
        %parallel_loop3A_1076 = arith.addi %parallel_loop3A_1075, %iota3A : vector<16xi32>
        %parallel_loop3A_1077 = arith.constant 1 : i32
        %parallel_loop3A_1078 = arith.constant 0 : i32
        %parallel_loop3A_1079 = arith.constant 0 : i32
        %parallel_loop3A_1080 = tpu.memref_slice %arg6[%parallel_loop3A_1077, %parallel_loop3A_1078, %parallel_loop3A_1079] : memref<2x512x32xf32, #tpu.memory_space<vmem>> -> memref<1x512x32xf32, #tpu.memory_space<vmem>>
        %parallel_loop3A_1081 = tpu.memref_squeeze %parallel_loop3A_1080 : memref<1x512x32xf32, #tpu.memory_space<vmem>> -> memref<512x32xf32, #tpu.memory_space<vmem>>
        %parallel_loop3A_1082 = tpu.vector_load_idx %parallel_loop3A_1081[%parallel_loop3A_1076, %parallel_loop3A_580] : memref<512x32xf32, #tpu.memory_space<vmem>>[vector<16xi32>, vector<16xi32>], vector<16xf32>,
        %parallel_loop3A_1083 = arith.constant 1 : i32
        %parallel_loop3A_1084 = arith.constant 3 : i32
        %parallel_loop3A_1085 = arith.index_cast %parallel_loop3A_1083 : i32 to index
        %parallel_loop3A_1086 = arith.index_cast %parallel_loop3A_573 : i32 to index
        %parallel_loop3A_1087 = arith.index_cast %parallel_loop3A_1084 : i32 to index
        %parallel_loop3A_1088 = arith.index_cast %parallel_loop3A_576 : i32 to index
        %parallel_loop3A_1089 = arith.constant 80 : index
        %parallel_loop3A_1090 = tpu.vector_load %arg7[%parallel_loop3A_1085, %parallel_loop3A_1086, %parallel_loop3A_1087, %parallel_loop3A_1088, %parallel_loop3A_1089] {strides = array<i32>} : memref<2x4x4x8x128xf32, #tpu.memory_space<vmem>>, vector<16xf32>,
        tpu.vector_store %arg7[%parallel_loop3A_1085, %parallel_loop3A_1086, %parallel_loop3A_1087, %parallel_loop3A_1088, %parallel_loop3A_1089], %parallel_loop3A_1082 {strides = array<i32>} : memref<2x4x4x8x128xf32, #tpu.memory_space<vmem>>, vector<16xf32>,
        %parallel_loop3A_1091 = arith.constant 480 : i32
        %parallel_loop3A_1092 = vector.broadcast %parallel_loop3A_1091 : i32 to vector<16xi32>
        %parallel_loop3A_1093 = arith.addi %parallel_loop3A_1092, %iota3A : vector<16xi32>
        %parallel_loop3A_1094 = arith.constant 1 : i32
        %parallel_loop3A_1095 = arith.constant 0 : i32
        %parallel_loop3A_1096 = arith.constant 0 : i32
        %parallel_loop3A_1097 = tpu.memref_slice %arg6[%parallel_loop3A_1094, %parallel_loop3A_1095, %parallel_loop3A_1096] : memref<2x512x32xf32, #tpu.memory_space<vmem>> -> memref<1x512x32xf32, #tpu.memory_space<vmem>>
        %parallel_loop3A_1098 = tpu.memref_squeeze %parallel_loop3A_1097 : memref<1x512x32xf32, #tpu.memory_space<vmem>> -> memref<512x32xf32, #tpu.memory_space<vmem>>
        %parallel_loop3A_1099 = tpu.vector_load_idx %parallel_loop3A_1098[%parallel_loop3A_1093, %parallel_loop3A_580] : memref<512x32xf32, #tpu.memory_space<vmem>>[vector<16xi32>, vector<16xi32>], vector<16xf32>,
        %parallel_loop3A_1100 = arith.constant 1 : i32
        %parallel_loop3A_1101 = arith.constant 3 : i32
        %parallel_loop3A_1102 = arith.index_cast %parallel_loop3A_1100 : i32 to index
        %parallel_loop3A_1103 = arith.index_cast %parallel_loop3A_573 : i32 to index
        %parallel_loop3A_1104 = arith.index_cast %parallel_loop3A_1101 : i32 to index
        %parallel_loop3A_1105 = arith.index_cast %parallel_loop3A_576 : i32 to index
        %parallel_loop3A_1106 = arith.constant 96 : index
        %parallel_loop3A_1107 = tpu.vector_load %arg7[%parallel_loop3A_1102, %parallel_loop3A_1103, %parallel_loop3A_1104, %parallel_loop3A_1105, %parallel_loop3A_1106] {strides = array<i32>} : memref<2x4x4x8x128xf32, #tpu.memory_space<vmem>>, vector<16xf32>,
        tpu.vector_store %arg7[%parallel_loop3A_1102, %parallel_loop3A_1103, %parallel_loop3A_1104, %parallel_loop3A_1105, %parallel_loop3A_1106], %parallel_loop3A_1099 {strides = array<i32>} : memref<2x4x4x8x128xf32, #tpu.memory_space<vmem>>, vector<16xf32>,
        %parallel_loop3A_1108 = arith.constant 496 : i32
        %parallel_loop3A_1109 = vector.broadcast %parallel_loop3A_1108 : i32 to vector<16xi32>
        %parallel_loop3A_1110 = arith.addi %parallel_loop3A_1109, %iota3A : vector<16xi32>
        %parallel_loop3A_1111 = arith.constant 1 : i32
        %parallel_loop3A_1112 = arith.constant 0 : i32
        %parallel_loop3A_1113 = arith.constant 0 : i32
        %parallel_loop3A_1114 = tpu.memref_slice %arg6[%parallel_loop3A_1111, %parallel_loop3A_1112, %parallel_loop3A_1113] : memref<2x512x32xf32, #tpu.memory_space<vmem>> -> memref<1x512x32xf32, #tpu.memory_space<vmem>>
        %parallel_loop3A_1115 = tpu.memref_squeeze %parallel_loop3A_1114 : memref<1x512x32xf32, #tpu.memory_space<vmem>> -> memref<512x32xf32, #tpu.memory_space<vmem>>
        %parallel_loop3A_1116 = tpu.vector_load_idx %parallel_loop3A_1115[%parallel_loop3A_1110, %parallel_loop3A_580] : memref<512x32xf32, #tpu.memory_space<vmem>>[vector<16xi32>, vector<16xi32>], vector<16xf32>,
        %parallel_loop3A_1117 = arith.constant 1 : i32
        %parallel_loop3A_1118 = arith.constant 3 : i32
        %parallel_loop3A_1119 = arith.index_cast %parallel_loop3A_1117 : i32 to index
        %parallel_loop3A_1120 = arith.index_cast %parallel_loop3A_573 : i32 to index
        %parallel_loop3A_1121 = arith.index_cast %parallel_loop3A_1118 : i32 to index
        %parallel_loop3A_1122 = arith.index_cast %parallel_loop3A_576 : i32 to index
        %parallel_loop3A_1123 = arith.constant 112 : index
        %parallel_loop3A_1124 = tpu.vector_load %arg7[%parallel_loop3A_1119, %parallel_loop3A_1120, %parallel_loop3A_1121, %parallel_loop3A_1122, %parallel_loop3A_1123] {strides = array<i32>} : memref<2x4x4x8x128xf32, #tpu.memory_space<vmem>>, vector<16xf32>,
        tpu.vector_store %arg7[%parallel_loop3A_1119, %parallel_loop3A_1120, %parallel_loop3A_1121, %parallel_loop3A_1122, %parallel_loop3A_1123], %parallel_loop3A_1116 {strides = array<i32>} : memref<2x4x4x8x128xf32, #tpu.memory_space<vmem>>, vector<16xf32>,
      } {sc.loop_unroll_factor = 4 : i64, sc.parallel_access}
      %mul3A_451 = arith.constant 4 : i32
      %mul3A_452 = arith.muli %add3A, %mul3A_451 : i32
      %dma_start3A_453 = arith.constant 1 : i32
      %dma_start3A_454 = arith.constant 0 : i32
      %dma_start3A_455 = arith.constant 0 : i32
      %dma_start3A_456 = arith.constant 0 : i32
      %dma_start3A_457 = arith.constant 0 : i32
      %dma_start3A_458 = arith.constant 0 : i32
      %dma_start3A_459 = tpu.memref_slice %arg7[%dma_start3A_453, %dma_start3A_454, %dma_start3A_456, %dma_start3A_457, %dma_start3A_458] : memref<2x4x4x8x128xf32, #tpu.memory_space<vmem>> -> memref<1x1x4x8x128xf32, #tpu.memory_space<vmem>>
      %dma_start3A_460 = tpu.memref_squeeze %dma_start3A_459 : memref<1x1x4x8x128xf32, #tpu.memory_space<vmem>> -> memref<4x8x128xf32, #tpu.memory_space<vmem>>
      %dma_start3A_461 = arith.constant 0 : i32
      %dma_start3A_462 = arith.constant 0 : i32
      %dma_start3A_463 = tpu.memref_slice %arg4[%add3A_427, %dma_start3A_455, %mul3A_452, %dma_start3A_461, %dma_start3A_462] : memref<50x4x128x8x128xf32, #tpu.memory_space<hbm>> -> memref<1x1x4x8x128xf32, #tpu.memory_space<hbm>>
      %dma_start3A_464 = tpu.memref_squeeze %dma_start3A_463 : memref<1x1x4x8x128xf32, #tpu.memory_space<hbm>> -> memref<4x8x128xf32, #tpu.memory_space<hbm>>
      %dma_start3A_465 = arith.constant 0 : i32
      %dma_start3A_466 = arith.constant 0 : i32
      %dma_start3A_467 = tpu.memref_slice %arg4[%add3A_427, %dma_start3A_455, %mul3A_452, %dma_start3A_465, %dma_start3A_466] : memref<50x4x128x8x128xf32, #tpu.memory_space<hbm>> -> memref<1x1x4x8x128xf32, #tpu.memory_space<hbm>>
      %dma_start3A_468 = tpu.memref_squeeze %dma_start3A_467 : memref<1x1x4x8x128xf32, #tpu.memory_space<hbm>> -> memref<4x8x128xf32, #tpu.memory_space<hbm>>
      %dma_start3A_469 = arith.constant 0 : i32
      %dma_start3A_470 = arith.constant 0 : i32
      %dma_start3A_471 = arith.constant 0 : i32
      %dma_start3A_472 = tpu.memref_slice %arg7[%dma_start3A_453, %dma_start3A_454, %dma_start3A_469, %dma_start3A_470, %dma_start3A_471] : memref<2x4x4x8x128xf32, #tpu.memory_space<vmem>> -> memref<1x1x4x8x128xf32, #tpu.memory_space<vmem>>
      %dma_start3A_473 = tpu.memref_squeeze %dma_start3A_472 : memref<1x1x4x8x128xf32, #tpu.memory_space<vmem>> -> memref<4x8x128xf32, #tpu.memory_space<vmem>>
      tpu.enqueue_dma source(%dma_start3A_473 : memref<4x8x128xf32, #tpu.memory_space<vmem>>) target(%dma_start3A_468 : memref<4x8x128xf32, #tpu.memory_space<hbm>>) target_semaphore(%arg9 : memref<!tpu.dma_semaphore, #tpu.memory_space<semaphore_mem>>)
      %mul3A_474 = arith.constant 4 : i32
      %mul3A_475 = arith.muli %add3A, %mul3A_474 : i32
      %dma_start3A_476 = arith.constant 1 : i32
      %dma_start3A_477 = arith.constant 1 : i32
      %dma_start3A_478 = arith.constant 1 : i32
      %dma_start3A_479 = arith.constant 0 : i32
      %dma_start3A_480 = arith.constant 0 : i32
      %dma_start3A_481 = arith.constant 0 : i32
      %dma_start3A_482 = tpu.memref_slice %arg7[%dma_start3A_476, %dma_start3A_477, %dma_start3A_479, %dma_start3A_480, %dma_start3A_481] : memref<2x4x4x8x128xf32, #tpu.memory_space<vmem>> -> memref<1x1x4x8x128xf32, #tpu.memory_space<vmem>>
      %dma_start3A_483 = tpu.memref_squeeze %dma_start3A_482 : memref<1x1x4x8x128xf32, #tpu.memory_space<vmem>> -> memref<4x8x128xf32, #tpu.memory_space<vmem>>
      %dma_start3A_484 = arith.constant 0 : i32
      %dma_start3A_485 = arith.constant 0 : i32
      %dma_start3A_486 = tpu.memref_slice %arg4[%add3A_427, %dma_start3A_478, %mul3A_475, %dma_start3A_484, %dma_start3A_485] : memref<50x4x128x8x128xf32, #tpu.memory_space<hbm>> -> memref<1x1x4x8x128xf32, #tpu.memory_space<hbm>>
      %dma_start3A_487 = tpu.memref_squeeze %dma_start3A_486 : memref<1x1x4x8x128xf32, #tpu.memory_space<hbm>> -> memref<4x8x128xf32, #tpu.memory_space<hbm>>
      %dma_start3A_488 = arith.constant 0 : i32
      %dma_start3A_489 = arith.constant 0 : i32
      %dma_start3A_490 = tpu.memref_slice %arg4[%add3A_427, %dma_start3A_478, %mul3A_475, %dma_start3A_488, %dma_start3A_489] : memref<50x4x128x8x128xf32, #tpu.memory_space<hbm>> -> memref<1x1x4x8x128xf32, #tpu.memory_space<hbm>>
      %dma_start3A_491 = tpu.memref_squeeze %dma_start3A_490 : memref<1x1x4x8x128xf32, #tpu.memory_space<hbm>> -> memref<4x8x128xf32, #tpu.memory_space<hbm>>
      %dma_start3A_492 = arith.constant 0 : i32
      %dma_start3A_493 = arith.constant 0 : i32
      %dma_start3A_494 = arith.constant 0 : i32
      %dma_start3A_495 = tpu.memref_slice %arg7[%dma_start3A_476, %dma_start3A_477, %dma_start3A_492, %dma_start3A_493, %dma_start3A_494] : memref<2x4x4x8x128xf32, #tpu.memory_space<vmem>> -> memref<1x1x4x8x128xf32, #tpu.memory_space<vmem>>
      %dma_start3A_496 = tpu.memref_squeeze %dma_start3A_495 : memref<1x1x4x8x128xf32, #tpu.memory_space<vmem>> -> memref<4x8x128xf32, #tpu.memory_space<vmem>>
      tpu.enqueue_dma source(%dma_start3A_496 : memref<4x8x128xf32, #tpu.memory_space<vmem>>) target(%dma_start3A_491 : memref<4x8x128xf32, #tpu.memory_space<hbm>>) target_semaphore(%arg9 : memref<!tpu.dma_semaphore, #tpu.memory_space<semaphore_mem>>)
      %mul3A_497 = arith.constant 4 : i32
      %mul3A_498 = arith.muli %add3A, %mul3A_497 : i32
      %dma_start3A_499 = arith.constant 1 : i32
      %dma_start3A_500 = arith.constant 2 : i32
      %dma_start3A_501 = arith.constant 2 : i32
      %dma_start3A_502 = arith.constant 0 : i32
      %dma_start3A_503 = arith.constant 0 : i32
      %dma_start3A_504 = arith.constant 0 : i32
      %dma_start3A_505 = tpu.memref_slice %arg7[%dma_start3A_499, %dma_start3A_500, %dma_start3A_502, %dma_start3A_503, %dma_start3A_504] : memref<2x4x4x8x128xf32, #tpu.memory_space<vmem>> -> memref<1x1x4x8x128xf32, #tpu.memory_space<vmem>>
      %dma_start3A_506 = tpu.memref_squeeze %dma_start3A_505 : memref<1x1x4x8x128xf32, #tpu.memory_space<vmem>> -> memref<4x8x128xf32, #tpu.memory_space<vmem>>
      %dma_start3A_507 = arith.constant 0 : i32
      %dma_start3A_508 = arith.constant 0 : i32
      %dma_start3A_509 = tpu.memref_slice %arg4[%add3A_427, %dma_start3A_501, %mul3A_498, %dma_start3A_507, %dma_start3A_508] : memref<50x4x128x8x128xf32, #tpu.memory_space<hbm>> -> memref<1x1x4x8x128xf32, #tpu.memory_space<hbm>>
      %dma_start3A_510 = tpu.memref_squeeze %dma_start3A_509 : memref<1x1x4x8x128xf32, #tpu.memory_space<hbm>> -> memref<4x8x128xf32, #tpu.memory_space<hbm>>
      %dma_start3A_511 = arith.constant 0 : i32
      %dma_start3A_512 = arith.constant 0 : i32
      %dma_start3A_513 = tpu.memref_slice %arg4[%add3A_427, %dma_start3A_501, %mul3A_498, %dma_start3A_511, %dma_start3A_512] : memref<50x4x128x8x128xf32, #tpu.memory_space<hbm>> -> memref<1x1x4x8x128xf32, #tpu.memory_space<hbm>>
      %dma_start3A_514 = tpu.memref_squeeze %dma_start3A_513 : memref<1x1x4x8x128xf32, #tpu.memory_space<hbm>> -> memref<4x8x128xf32, #tpu.memory_space<hbm>>
      %dma_start3A_515 = arith.constant 0 : i32
      %dma_start3A_516 = arith.constant 0 : i32
      %dma_start3A_517 = arith.constant 0 : i32
      %dma_start3A_518 = tpu.memref_slice %arg7[%dma_start3A_499, %dma_start3A_500, %dma_start3A_515, %dma_start3A_516, %dma_start3A_517] : memref<2x4x4x8x128xf32, #tpu.memory_space<vmem>> -> memref<1x1x4x8x128xf32, #tpu.memory_space<vmem>>
      %dma_start3A_519 = tpu.memref_squeeze %dma_start3A_518 : memref<1x1x4x8x128xf32, #tpu.memory_space<vmem>> -> memref<4x8x128xf32, #tpu.memory_space<vmem>>
      tpu.enqueue_dma source(%dma_start3A_519 : memref<4x8x128xf32, #tpu.memory_space<vmem>>) target(%dma_start3A_514 : memref<4x8x128xf32, #tpu.memory_space<hbm>>) target_semaphore(%arg9 : memref<!tpu.dma_semaphore, #tpu.memory_space<semaphore_mem>>)
      %mul3A_520 = arith.constant 4 : i32
      %mul3A_521 = arith.muli %add3A, %mul3A_520 : i32
      %dma_start3A_522 = arith.constant 1 : i32
      %dma_start3A_523 = arith.constant 3 : i32
      %dma_start3A_524 = arith.constant 3 : i32
      %dma_start3A_525 = arith.constant 0 : i32
      %dma_start3A_526 = arith.constant 0 : i32
      %dma_start3A_527 = arith.constant 0 : i32
      %dma_start3A_528 = tpu.memref_slice %arg7[%dma_start3A_522, %dma_start3A_523, %dma_start3A_525, %dma_start3A_526, %dma_start3A_527] : memref<2x4x4x8x128xf32, #tpu.memory_space<vmem>> -> memref<1x1x4x8x128xf32, #tpu.memory_space<vmem>>
      %dma_start3A_529 = tpu.memref_squeeze %dma_start3A_528 : memref<1x1x4x8x128xf32, #tpu.memory_space<vmem>> -> memref<4x8x128xf32, #tpu.memory_space<vmem>>
      %dma_start3A_530 = arith.constant 0 : i32
      %dma_start3A_531 = arith.constant 0 : i32
      %dma_start3A_532 = tpu.memref_slice %arg4[%add3A_427, %dma_start3A_524, %mul3A_521, %dma_start3A_530, %dma_start3A_531] : memref<50x4x128x8x128xf32, #tpu.memory_space<hbm>> -> memref<1x1x4x8x128xf32, #tpu.memory_space<hbm>>
      %dma_start3A_533 = tpu.memref_squeeze %dma_start3A_532 : memref<1x1x4x8x128xf32, #tpu.memory_space<hbm>> -> memref<4x8x128xf32, #tpu.memory_space<hbm>>
      %dma_start3A_534 = arith.constant 0 : i32
      %dma_start3A_535 = arith.constant 0 : i32
      %dma_start3A_536 = tpu.memref_slice %arg4[%add3A_427, %dma_start3A_524, %mul3A_521, %dma_start3A_534, %dma_start3A_535] : memref<50x4x128x8x128xf32, #tpu.memory_space<hbm>> -> memref<1x1x4x8x128xf32, #tpu.memory_space<hbm>>
      %dma_start3A_537 = tpu.memref_squeeze %dma_start3A_536 : memref<1x1x4x8x128xf32, #tpu.memory_space<hbm>> -> memref<4x8x128xf32, #tpu.memory_space<hbm>>
      %dma_start3A_538 = arith.constant 0 : i32
      %dma_start3A_539 = arith.constant 0 : i32
      %dma_start3A_540 = arith.constant 0 : i32
      %dma_start3A_541 = tpu.memref_slice %arg7[%dma_start3A_522, %dma_start3A_523, %dma_start3A_538, %dma_start3A_539, %dma_start3A_540] : memref<2x4x4x8x128xf32, #tpu.memory_space<vmem>> -> memref<1x1x4x8x128xf32, #tpu.memory_space<vmem>>
      %dma_start3A_542 = tpu.memref_squeeze %dma_start3A_541 : memref<1x1x4x8x128xf32, #tpu.memory_space<vmem>> -> memref<4x8x128xf32, #tpu.memory_space<vmem>>
      tpu.enqueue_dma source(%dma_start3A_542 : memref<4x8x128xf32, #tpu.memory_space<vmem>>) target(%dma_start3A_537 : memref<4x8x128xf32, #tpu.memory_space<hbm>>) target_semaphore(%arg9 : memref<!tpu.dma_semaphore, #tpu.memory_space<semaphore_mem>>)
      %lt3A_543 = arith.constant 24 : i32
      %lt3A_544 = arith.cmpi slt, %scan3A_303, %lt3A_543 : i32
      %convert_element_type3A_545 = arith.extui %lt3A_544 : i1 to i32
      %cond3A_546 = arith.constant 0 : i32
      %cond3A_547 = arith.cmpi ne, %convert_element_type3A_545, %cond3A_546 : i32
      scf.if %cond3A_547 {
        %add3A_549 = arith.constant 2 : i32
        %add3A_550 = arith.addi %add3A_427, %add3A_549 : i32
        %dma_start3A_551 = arith.constant 0 : i32
        %dma_start3A_552 = arith.constant 1 : i32
        %dma_start3A_553 = arith.constant 0 : i32
        %dma_start3A_554 = arith.constant 0 : i32
        %dma_start3A_555 = tpu.memref_slice %arg6[%dma_start3A_552, %dma_start3A_553, %dma_start3A_554] : memref<2x512x32xf32, #tpu.memory_space<vmem>> -> memref<1x128x32xf32, #tpu.memory_space<vmem>>
        %dma_start3A_556 = tpu.memref_squeeze %dma_start3A_555 : memref<1x128x32xf32, #tpu.memory_space<vmem>> -> memref<128x32xf32, #tpu.memory_space<vmem>>
        %dma_start3A_557 = arith.constant 0 : i32
        %dma_start3A_558 = tpu.memref_slice %arg5[%add3A_550, %dma_start3A_551, %dma_start3A_557] : memref<50x4x128xi32, #tpu.memory_space<vmem>> -> memref<1x1x128xi32, #tpu.memory_space<vmem>>
        %dma_start3A_559 = tpu.memref_squeeze %dma_start3A_558 : memref<1x1x128xi32, #tpu.memory_space<vmem>> -> memref<128xi32, #tpu.memory_space<vmem>>
        %dma_start3A_560 = arith.constant 0 : i32
        %dma_start3A_561 = arith.constant 0 : i32
        %dma_start3A_562 = tpu.memref_slice %arg3[%dma_start3A_560, %dma_start3A_561] : memref<4000000x32xf32, #tpu.memory_space<hbm>> -> memref<4000000x32xf32, #tpu.memory_space<hbm>>
        tpu.enqueue_indirect_dma source(%dma_start3A_562 : memref<4000000x32xf32, #tpu.memory_space<hbm>>) target(%dma_start3A_556 : memref<128x32xf32, #tpu.memory_space<vmem>>) offsets(%dma_start3A_559 : memref<128xi32, #tpu.memory_space<vmem>>) semaphore(%arg8 : memref<!tpu.dma_semaphore, #tpu.memory_space<semaphore_mem>>)
        %dma_start3A_563 = arith.constant 1 : i32
        %dma_start3A_564 = arith.constant 1 : i32
        %dma_start3A_565 = arith.constant 128 : i32
        %dma_start3A_566 = arith.constant 0 : i32
        %dma_start3A_567 = tpu.memref_slice %arg6[%dma_start3A_564, %dma_start3A_565, %dma_start3A_566] : memref<2x512x32xf32, #tpu.memory_space<vmem>> -> memref<1x128x32xf32, #tpu.memory_space<vmem>>
        %dma_start3A_568 = tpu.memref_squeeze %dma_start3A_567 : memref<1x128x32xf32, #tpu.memory_space<vmem>> -> memref<128x32xf32, #tpu.memory_space<vmem>>
        %dma_start3A_569 = arith.constant 0 : i32
        %dma_start3A_570 = tpu.memref_slice %arg5[%add3A_550, %dma_start3A_563, %dma_start3A_569] : memref<50x4x128xi32, #tpu.memory_space<vmem>> -> memref<1x1x128xi32, #tpu.memory_space<vmem>>
        %dma_start3A_571 = tpu.memref_squeeze %dma_start3A_570 : memref<1x1x128xi32, #tpu.memory_space<vmem>> -> memref<128xi32, #tpu.memory_space<vmem>>
        %dma_start3A_572 = arith.constant 0 : i32
        %dma_start3A_573 = arith.constant 0 : i32
        %dma_start3A_574 = tpu.memref_slice %arg3[%dma_start3A_572, %dma_start3A_573] : memref<4000000x32xf32, #tpu.memory_space<hbm>> -> memref<4000000x32xf32, #tpu.memory_space<hbm>>
        tpu.enqueue_indirect_dma source(%dma_start3A_574 : memref<4000000x32xf32, #tpu.memory_space<hbm>>) target(%dma_start3A_568 : memref<128x32xf32, #tpu.memory_space<vmem>>) offsets(%dma_start3A_571 : memref<128xi32, #tpu.memory_space<vmem>>) semaphore(%arg8 : memref<!tpu.dma_semaphore, #tpu.memory_space<semaphore_mem>>)
        %dma_start3A_575 = arith.constant 2 : i32
        %dma_start3A_576 = arith.constant 1 : i32
        %dma_start3A_577 = arith.constant 256 : i32
        %dma_start3A_578 = arith.constant 0 : i32
        %dma_start3A_579 = tpu.memref_slice %arg6[%dma_start3A_576, %dma_start3A_577, %dma_start3A_578] : memref<2x512x32xf32, #tpu.memory_space<vmem>> -> memref<1x128x32xf32, #tpu.memory_space<vmem>>
        %dma_start3A_580 = tpu.memref_squeeze %dma_start3A_579 : memref<1x128x32xf32, #tpu.memory_space<vmem>> -> memref<128x32xf32, #tpu.memory_space<vmem>>
        %dma_start3A_581 = arith.constant 0 : i32
        %dma_start3A_582 = tpu.memref_slice %arg5[%add3A_550, %dma_start3A_575, %dma_start3A_581] : memref<50x4x128xi32, #tpu.memory_space<vmem>> -> memref<1x1x128xi32, #tpu.memory_space<vmem>>
        %dma_start3A_583 = tpu.memref_squeeze %dma_start3A_582 : memref<1x1x128xi32, #tpu.memory_space<vmem>> -> memref<128xi32, #tpu.memory_space<vmem>>
        %dma_start3A_584 = arith.constant 0 : i32
        %dma_start3A_585 = arith.constant 0 : i32
        %dma_start3A_586 = tpu.memref_slice %arg3[%dma_start3A_584, %dma_start3A_585] : memref<4000000x32xf32, #tpu.memory_space<hbm>> -> memref<4000000x32xf32, #tpu.memory_space<hbm>>
        tpu.enqueue_indirect_dma source(%dma_start3A_586 : memref<4000000x32xf32, #tpu.memory_space<hbm>>) target(%dma_start3A_580 : memref<128x32xf32, #tpu.memory_space<vmem>>) offsets(%dma_start3A_583 : memref<128xi32, #tpu.memory_space<vmem>>) semaphore(%arg8 : memref<!tpu.dma_semaphore, #tpu.memory_space<semaphore_mem>>)
        %dma_start3A_587 = arith.constant 3 : i32
        %dma_start3A_588 = arith.constant 1 : i32
        %dma_start3A_589 = arith.constant 384 : i32
        %dma_start3A_590 = arith.constant 0 : i32
        %dma_start3A_591 = tpu.memref_slice %arg6[%dma_start3A_588, %dma_start3A_589, %dma_start3A_590] : memref<2x512x32xf32, #tpu.memory_space<vmem>> -> memref<1x128x32xf32, #tpu.memory_space<vmem>>
        %dma_start3A_592 = tpu.memref_squeeze %dma_start3A_591 : memref<1x128x32xf32, #tpu.memory_space<vmem>> -> memref<128x32xf32, #tpu.memory_space<vmem>>
        %dma_start3A_593 = arith.constant 0 : i32
        %dma_start3A_594 = tpu.memref_slice %arg5[%add3A_550, %dma_start3A_587, %dma_start3A_593] : memref<50x4x128xi32, #tpu.memory_space<vmem>> -> memref<1x1x128xi32, #tpu.memory_space<vmem>>
        %dma_start3A_595 = tpu.memref_squeeze %dma_start3A_594 : memref<1x1x128xi32, #tpu.memory_space<vmem>> -> memref<128xi32, #tpu.memory_space<vmem>>
        %dma_start3A_596 = arith.constant 0 : i32
        %dma_start3A_597 = arith.constant 0 : i32
        %dma_start3A_598 = tpu.memref_slice %arg3[%dma_start3A_596, %dma_start3A_597] : memref<4000000x32xf32, #tpu.memory_space<hbm>> -> memref<4000000x32xf32, #tpu.memory_space<hbm>>
        tpu.enqueue_indirect_dma source(%dma_start3A_598 : memref<4000000x32xf32, #tpu.memory_space<hbm>>) target(%dma_start3A_592 : memref<128x32xf32, #tpu.memory_space<vmem>>) offsets(%dma_start3A_595 : memref<128xi32, #tpu.memory_space<vmem>>) semaphore(%arg8 : memref<!tpu.dma_semaphore, #tpu.memory_space<semaphore_mem>>)
      } else {
      }
      %scan3A_548 = arith.constant 0 : i32
      scf.yield %scan3A_548 : i32
    }
    %scan3A_111 = arith.constant 25 : i32
    %dma_wait3A = arith.constant 0 : i32
    %dma_wait3A_112 = arith.constant 0 : i32
    %dma_wait3A_113 = arith.constant 0 : i32
    %dma_wait3A_114 = arith.constant 0 : i32
    %dma_wait3A_115 = arith.constant 0 : i32
    %dma_wait3A_116 = arith.constant 0 : i32
    %dma_wait3A_117 = arith.constant 0 : i32
    %dma_wait3A_118 = tpu.memref_slice %arg7[%dma_wait3A, %dma_wait3A_112, %dma_wait3A_115, %dma_wait3A_116, %dma_wait3A_117] : memref<2x4x4x8x128xf32, #tpu.memory_space<vmem>> -> memref<1x1x4x8x128xf32, #tpu.memory_space<vmem>>
    %dma_wait3A_119 = tpu.memref_squeeze %dma_wait3A_118 : memref<1x1x4x8x128xf32, #tpu.memory_space<vmem>> -> memref<4x8x128xf32, #tpu.memory_space<vmem>>
    %dma_wait3A_120 = arith.constant 0 : i32
    %dma_wait3A_121 = arith.constant 0 : i32
    %dma_wait3A_122 = arith.constant 0 : i32
    %dma_wait3A_123 = tpu.memref_slice %arg4[%dma_wait3A_113, %dma_wait3A_114, %dma_wait3A_120, %dma_wait3A_121, %dma_wait3A_122] : memref<50x4x128x8x128xf32, #tpu.memory_space<hbm>> -> memref<1x1x4x8x128xf32, #tpu.memory_space<hbm>>
    %dma_wait3A_124 = tpu.memref_squeeze %dma_wait3A_123 : memref<1x1x4x8x128xf32, #tpu.memory_space<hbm>> -> memref<4x8x128xf32, #tpu.memory_space<hbm>>
    %dma_wait3A_125 = arith.constant 0 : i32
    %dma_wait3A_126 = arith.constant 0 : i32
    %dma_wait3A_127 = arith.constant 0 : i32
    %dma_wait3A_128 = tpu.memref_slice %arg4[%dma_wait3A_113, %dma_wait3A_114, %dma_wait3A_125, %dma_wait3A_126, %dma_wait3A_127] : memref<50x4x128x8x128xf32, #tpu.memory_space<hbm>> -> memref<1x1x4x8x128xf32, #tpu.memory_space<hbm>>
    %dma_wait3A_129 = tpu.memref_squeeze %dma_wait3A_128 : memref<1x1x4x8x128xf32, #tpu.memory_space<hbm>> -> memref<4x8x128xf32, #tpu.memory_space<hbm>>
    %dma_wait3A_130 = arith.constant 0 : i32
    %dma_wait3A_131 = arith.constant 0 : i32
    %dma_wait3A_132 = arith.constant 0 : i32
    %dma_wait3A_133 = tpu.memref_slice %arg7[%dma_wait3A, %dma_wait3A_112, %dma_wait3A_130, %dma_wait3A_131, %dma_wait3A_132] : memref<2x4x4x8x128xf32, #tpu.memory_space<vmem>> -> memref<1x1x4x8x128xf32, #tpu.memory_space<vmem>>
    %dma_wait3A_134 = tpu.memref_squeeze %dma_wait3A_133 : memref<1x1x4x8x128xf32, #tpu.memory_space<vmem>> -> memref<4x8x128xf32, #tpu.memory_space<vmem>>
    tpu.wait_dma2 semaphore(%arg9 : memref<!tpu.dma_semaphore, #tpu.memory_space<semaphore_mem>>) src(%dma_wait3A_134 : memref<4x8x128xf32, #tpu.memory_space<vmem>>) dst(%dma_wait3A_129 : memref<4x8x128xf32, #tpu.memory_space<hbm>>)
    %dma_wait3A_135 = arith.constant 0 : i32
    %dma_wait3A_136 = arith.constant 1 : i32
    %dma_wait3A_137 = arith.constant 0 : i32
    %dma_wait3A_138 = arith.constant 1 : i32
    %dma_wait3A_139 = arith.constant 0 : i32
    %dma_wait3A_140 = arith.constant 0 : i32
    %dma_wait3A_141 = arith.constant 0 : i32
    %dma_wait3A_142 = tpu.memref_slice %arg7[%dma_wait3A_135, %dma_wait3A_136, %dma_wait3A_139, %dma_wait3A_140, %dma_wait3A_141] : memref<2x4x4x8x128xf32, #tpu.memory_space<vmem>> -> memref<1x1x4x8x128xf32, #tpu.memory_space<vmem>>
    %dma_wait3A_143 = tpu.memref_squeeze %dma_wait3A_142 : memref<1x1x4x8x128xf32, #tpu.memory_space<vmem>> -> memref<4x8x128xf32, #tpu.memory_space<vmem>>
    %dma_wait3A_144 = arith.constant 0 : i32
    %dma_wait3A_145 = arith.constant 0 : i32
    %dma_wait3A_146 = arith.constant 0 : i32
    %dma_wait3A_147 = tpu.memref_slice %arg4[%dma_wait3A_137, %dma_wait3A_138, %dma_wait3A_144, %dma_wait3A_145, %dma_wait3A_146] : memref<50x4x128x8x128xf32, #tpu.memory_space<hbm>> -> memref<1x1x4x8x128xf32, #tpu.memory_space<hbm>>
    %dma_wait3A_148 = tpu.memref_squeeze %dma_wait3A_147 : memref<1x1x4x8x128xf32, #tpu.memory_space<hbm>> -> memref<4x8x128xf32, #tpu.memory_space<hbm>>
    %dma_wait3A_149 = arith.constant 0 : i32
    %dma_wait3A_150 = arith.constant 0 : i32
    %dma_wait3A_151 = arith.constant 0 : i32
    %dma_wait3A_152 = tpu.memref_slice %arg4[%dma_wait3A_137, %dma_wait3A_138, %dma_wait3A_149, %dma_wait3A_150, %dma_wait3A_151] : memref<50x4x128x8x128xf32, #tpu.memory_space<hbm>> -> memref<1x1x4x8x128xf32, #tpu.memory_space<hbm>>
    %dma_wait3A_153 = tpu.memref_squeeze %dma_wait3A_152 : memref<1x1x4x8x128xf32, #tpu.memory_space<hbm>> -> memref<4x8x128xf32, #tpu.memory_space<hbm>>
    %dma_wait3A_154 = arith.constant 0 : i32
    %dma_wait3A_155 = arith.constant 0 : i32
    %dma_wait3A_156 = arith.constant 0 : i32
    %dma_wait3A_157 = tpu.memref_slice %arg7[%dma_wait3A_135, %dma_wait3A_136, %dma_wait3A_154, %dma_wait3A_155, %dma_wait3A_156] : memref<2x4x4x8x128xf32, #tpu.memory_space<vmem>> -> memref<1x1x4x8x128xf32, #tpu.memory_space<vmem>>
    %dma_wait3A_158 = tpu.memref_squeeze %dma_wait3A_157 : memref<1x1x4x8x128xf32, #tpu.memory_space<vmem>> -> memref<4x8x128xf32, #tpu.memory_space<vmem>>
    tpu.wait_dma2 semaphore(%arg9 : memref<!tpu.dma_semaphore, #tpu.memory_space<semaphore_mem>>) src(%dma_wait3A_158 : memref<4x8x128xf32, #tpu.memory_space<vmem>>) dst(%dma_wait3A_153 : memref<4x8x128xf32, #tpu.memory_space<hbm>>)
    %dma_wait3A_159 = arith.constant 0 : i32
    %dma_wait3A_160 = arith.constant 2 : i32
    %dma_wait3A_161 = arith.constant 0 : i32
    %dma_wait3A_162 = arith.constant 2 : i32
    %dma_wait3A_163 = arith.constant 0 : i32
    %dma_wait3A_164 = arith.constant 0 : i32
    %dma_wait3A_165 = arith.constant 0 : i32
    %dma_wait3A_166 = tpu.memref_slice %arg7[%dma_wait3A_159, %dma_wait3A_160, %dma_wait3A_163, %dma_wait3A_164, %dma_wait3A_165] : memref<2x4x4x8x128xf32, #tpu.memory_space<vmem>> -> memref<1x1x4x8x128xf32, #tpu.memory_space<vmem>>
    %dma_wait3A_167 = tpu.memref_squeeze %dma_wait3A_166 : memref<1x1x4x8x128xf32, #tpu.memory_space<vmem>> -> memref<4x8x128xf32, #tpu.memory_space<vmem>>
    %dma_wait3A_168 = arith.constant 0 : i32
    %dma_wait3A_169 = arith.constant 0 : i32
    %dma_wait3A_170 = arith.constant 0 : i32
    %dma_wait3A_171 = tpu.memref_slice %arg4[%dma_wait3A_161, %dma_wait3A_162, %dma_wait3A_168, %dma_wait3A_169, %dma_wait3A_170] : memref<50x4x128x8x128xf32, #tpu.memory_space<hbm>> -> memref<1x1x4x8x128xf32, #tpu.memory_space<hbm>>
    %dma_wait3A_172 = tpu.memref_squeeze %dma_wait3A_171 : memref<1x1x4x8x128xf32, #tpu.memory_space<hbm>> -> memref<4x8x128xf32, #tpu.memory_space<hbm>>
    %dma_wait3A_173 = arith.constant 0 : i32
    %dma_wait3A_174 = arith.constant 0 : i32
    %dma_wait3A_175 = arith.constant 0 : i32
    %dma_wait3A_176 = tpu.memref_slice %arg4[%dma_wait3A_161, %dma_wait3A_162, %dma_wait3A_173, %dma_wait3A_174, %dma_wait3A_175] : memref<50x4x128x8x128xf32, #tpu.memory_space<hbm>> -> memref<1x1x4x8x128xf32, #tpu.memory_space<hbm>>
    %dma_wait3A_177 = tpu.memref_squeeze %dma_wait3A_176 : memref<1x1x4x8x128xf32, #tpu.memory_space<hbm>> -> memref<4x8x128xf32, #tpu.memory_space<hbm>>
    %dma_wait3A_178 = arith.constant 0 : i32
    %dma_wait3A_179 = arith.constant 0 : i32
    %dma_wait3A_180 = arith.constant 0 : i32
    %dma_wait3A_181 = tpu.memref_slice %arg7[%dma_wait3A_159, %dma_wait3A_160, %dma_wait3A_178, %dma_wait3A_179, %dma_wait3A_180] : memref<2x4x4x8x128xf32, #tpu.memory_space<vmem>> -> memref<1x1x4x8x128xf32, #tpu.memory_space<vmem>>
    %dma_wait3A_182 = tpu.memref_squeeze %dma_wait3A_181 : memref<1x1x4x8x128xf32, #tpu.memory_space<vmem>> -> memref<4x8x128xf32, #tpu.memory_space<vmem>>
    tpu.wait_dma2 semaphore(%arg9 : memref<!tpu.dma_semaphore, #tpu.memory_space<semaphore_mem>>) src(%dma_wait3A_182 : memref<4x8x128xf32, #tpu.memory_space<vmem>>) dst(%dma_wait3A_177 : memref<4x8x128xf32, #tpu.memory_space<hbm>>)
    %dma_wait3A_183 = arith.constant 0 : i32
    %dma_wait3A_184 = arith.constant 3 : i32
    %dma_wait3A_185 = arith.constant 0 : i32
    %dma_wait3A_186 = arith.constant 3 : i32
    %dma_wait3A_187 = arith.constant 0 : i32
    %dma_wait3A_188 = arith.constant 0 : i32
    %dma_wait3A_189 = arith.constant 0 : i32
    %dma_wait3A_190 = tpu.memref_slice %arg7[%dma_wait3A_183, %dma_wait3A_184, %dma_wait3A_187, %dma_wait3A_188, %dma_wait3A_189] : memref<2x4x4x8x128xf32, #tpu.memory_space<vmem>> -> memref<1x1x4x8x128xf32, #tpu.memory_space<vmem>>
    %dma_wait3A_191 = tpu.memref_squeeze %dma_wait3A_190 : memref<1x1x4x8x128xf32, #tpu.memory_space<vmem>> -> memref<4x8x128xf32, #tpu.memory_space<vmem>>
    %dma_wait3A_192 = arith.constant 0 : i32
    %dma_wait3A_193 = arith.constant 0 : i32
    %dma_wait3A_194 = arith.constant 0 : i32
    %dma_wait3A_195 = tpu.memref_slice %arg4[%dma_wait3A_185, %dma_wait3A_186, %dma_wait3A_192, %dma_wait3A_193, %dma_wait3A_194] : memref<50x4x128x8x128xf32, #tpu.memory_space<hbm>> -> memref<1x1x4x8x128xf32, #tpu.memory_space<hbm>>
    %dma_wait3A_196 = tpu.memref_squeeze %dma_wait3A_195 : memref<1x1x4x8x128xf32, #tpu.memory_space<hbm>> -> memref<4x8x128xf32, #tpu.memory_space<hbm>>
    %dma_wait3A_197 = arith.constant 0 : i32
    %dma_wait3A_198 = arith.constant 0 : i32
    %dma_wait3A_199 = arith.constant 0 : i32
    %dma_wait3A_200 = tpu.memref_slice %arg4[%dma_wait3A_185, %dma_wait3A_186, %dma_wait3A_197, %dma_wait3A_198, %dma_wait3A_199] : memref<50x4x128x8x128xf32, #tpu.memory_space<hbm>> -> memref<1x1x4x8x128xf32, #tpu.memory_space<hbm>>
    %dma_wait3A_201 = tpu.memref_squeeze %dma_wait3A_200 : memref<1x1x4x8x128xf32, #tpu.memory_space<hbm>> -> memref<4x8x128xf32, #tpu.memory_space<hbm>>
    %dma_wait3A_202 = arith.constant 0 : i32
    %dma_wait3A_203 = arith.constant 0 : i32
    %dma_wait3A_204 = arith.constant 0 : i32
    %dma_wait3A_205 = tpu.memref_slice %arg7[%dma_wait3A_183, %dma_wait3A_184, %dma_wait3A_202, %dma_wait3A_203, %dma_wait3A_204] : memref<2x4x4x8x128xf32, #tpu.memory_space<vmem>> -> memref<1x1x4x8x128xf32, #tpu.memory_space<vmem>>
    %dma_wait3A_206 = tpu.memref_squeeze %dma_wait3A_205 : memref<1x1x4x8x128xf32, #tpu.memory_space<vmem>> -> memref<4x8x128xf32, #tpu.memory_space<vmem>>
    tpu.wait_dma2 semaphore(%arg9 : memref<!tpu.dma_semaphore, #tpu.memory_space<semaphore_mem>>) src(%dma_wait3A_206 : memref<4x8x128xf32, #tpu.memory_space<vmem>>) dst(%dma_wait3A_201 : memref<4x8x128xf32, #tpu.memory_space<hbm>>)
    %dma_wait3A_207 = arith.constant 1 : i32
    %dma_wait3A_208 = arith.constant 0 : i32
    %dma_wait3A_209 = arith.constant 0 : i32
    %dma_wait3A_210 = arith.constant 0 : i32
    %dma_wait3A_211 = arith.constant 0 : i32
    %dma_wait3A_212 = arith.constant 0 : i32
    %dma_wait3A_213 = arith.constant 0 : i32
    %dma_wait3A_214 = tpu.memref_slice %arg7[%dma_wait3A_207, %dma_wait3A_208, %dma_wait3A_211, %dma_wait3A_212, %dma_wait3A_213] : memref<2x4x4x8x128xf32, #tpu.memory_space<vmem>> -> memref<1x1x4x8x128xf32, #tpu.memory_space<vmem>>
    %dma_wait3A_215 = tpu.memref_squeeze %dma_wait3A_214 : memref<1x1x4x8x128xf32, #tpu.memory_space<vmem>> -> memref<4x8x128xf32, #tpu.memory_space<vmem>>
    %dma_wait3A_216 = arith.constant 0 : i32
    %dma_wait3A_217 = arith.constant 0 : i32
    %dma_wait3A_218 = arith.constant 0 : i32
    %dma_wait3A_219 = tpu.memref_slice %arg4[%dma_wait3A_209, %dma_wait3A_210, %dma_wait3A_216, %dma_wait3A_217, %dma_wait3A_218] : memref<50x4x128x8x128xf32, #tpu.memory_space<hbm>> -> memref<1x1x4x8x128xf32, #tpu.memory_space<hbm>>
    %dma_wait3A_220 = tpu.memref_squeeze %dma_wait3A_219 : memref<1x1x4x8x128xf32, #tpu.memory_space<hbm>> -> memref<4x8x128xf32, #tpu.memory_space<hbm>>
    %dma_wait3A_221 = arith.constant 0 : i32
    %dma_wait3A_222 = arith.constant 0 : i32
    %dma_wait3A_223 = arith.constant 0 : i32
    %dma_wait3A_224 = tpu.memref_slice %arg4[%dma_wait3A_209, %dma_wait3A_210, %dma_wait3A_221, %dma_wait3A_222, %dma_wait3A_223] : memref<50x4x128x8x128xf32, #tpu.memory_space<hbm>> -> memref<1x1x4x8x128xf32, #tpu.memory_space<hbm>>
    %dma_wait3A_225 = tpu.memref_squeeze %dma_wait3A_224 : memref<1x1x4x8x128xf32, #tpu.memory_space<hbm>> -> memref<4x8x128xf32, #tpu.memory_space<hbm>>
    %dma_wait3A_226 = arith.constant 0 : i32
    %dma_wait3A_227 = arith.constant 0 : i32
    %dma_wait3A_228 = arith.constant 0 : i32
    %dma_wait3A_229 = tpu.memref_slice %arg7[%dma_wait3A_207, %dma_wait3A_208, %dma_wait3A_226, %dma_wait3A_227, %dma_wait3A_228] : memref<2x4x4x8x128xf32, #tpu.memory_space<vmem>> -> memref<1x1x4x8x128xf32, #tpu.memory_space<vmem>>
    %dma_wait3A_230 = tpu.memref_squeeze %dma_wait3A_229 : memref<1x1x4x8x128xf32, #tpu.memory_space<vmem>> -> memref<4x8x128xf32, #tpu.memory_space<vmem>>
    tpu.wait_dma2 semaphore(%arg9 : memref<!tpu.dma_semaphore, #tpu.memory_space<semaphore_mem>>) src(%dma_wait3A_230 : memref<4x8x128xf32, #tpu.memory_space<vmem>>) dst(%dma_wait3A_225 : memref<4x8x128xf32, #tpu.memory_space<hbm>>)
    %dma_wait3A_231 = arith.constant 1 : i32
    %dma_wait3A_232 = arith.constant 1 : i32
    %dma_wait3A_233 = arith.constant 0 : i32
    %dma_wait3A_234 = arith.constant 1 : i32
    %dma_wait3A_235 = arith.constant 0 : i32
    %dma_wait3A_236 = arith.constant 0 : i32
    %dma_wait3A_237 = arith.constant 0 : i32
    %dma_wait3A_238 = tpu.memref_slice %arg7[%dma_wait3A_231, %dma_wait3A_232, %dma_wait3A_235, %dma_wait3A_236, %dma_wait3A_237] : memref<2x4x4x8x128xf32, #tpu.memory_space<vmem>> -> memref<1x1x4x8x128xf32, #tpu.memory_space<vmem>>
    %dma_wait3A_239 = tpu.memref_squeeze %dma_wait3A_238 : memref<1x1x4x8x128xf32, #tpu.memory_space<vmem>> -> memref<4x8x128xf32, #tpu.memory_space<vmem>>
    %dma_wait3A_240 = arith.constant 0 : i32
    %dma_wait3A_241 = arith.constant 0 : i32
    %dma_wait3A_242 = arith.constant 0 : i32
    %dma_wait3A_243 = tpu.memref_slice %arg4[%dma_wait3A_233, %dma_wait3A_234, %dma_wait3A_240, %dma_wait3A_241, %dma_wait3A_242] : memref<50x4x128x8x128xf32, #tpu.memory_space<hbm>> -> memref<1x1x4x8x128xf32, #tpu.memory_space<hbm>>
    %dma_wait3A_244 = tpu.memref_squeeze %dma_wait3A_243 : memref<1x1x4x8x128xf32, #tpu.memory_space<hbm>> -> memref<4x8x128xf32, #tpu.memory_space<hbm>>
    %dma_wait3A_245 = arith.constant 0 : i32
    %dma_wait3A_246 = arith.constant 0 : i32
    %dma_wait3A_247 = arith.constant 0 : i32
    %dma_wait3A_248 = tpu.memref_slice %arg4[%dma_wait3A_233, %dma_wait3A_234, %dma_wait3A_245, %dma_wait3A_246, %dma_wait3A_247] : memref<50x4x128x8x128xf32, #tpu.memory_space<hbm>> -> memref<1x1x4x8x128xf32, #tpu.memory_space<hbm>>
    %dma_wait3A_249 = tpu.memref_squeeze %dma_wait3A_248 : memref<1x1x4x8x128xf32, #tpu.memory_space<hbm>> -> memref<4x8x128xf32, #tpu.memory_space<hbm>>
    %dma_wait3A_250 = arith.constant 0 : i32
    %dma_wait3A_251 = arith.constant 0 : i32
    %dma_wait3A_252 = arith.constant 0 : i32
    %dma_wait3A_253 = tpu.memref_slice %arg7[%dma_wait3A_231, %dma_wait3A_232, %dma_wait3A_250, %dma_wait3A_251, %dma_wait3A_252] : memref<2x4x4x8x128xf32, #tpu.memory_space<vmem>> -> memref<1x1x4x8x128xf32, #tpu.memory_space<vmem>>
    %dma_wait3A_254 = tpu.memref_squeeze %dma_wait3A_253 : memref<1x1x4x8x128xf32, #tpu.memory_space<vmem>> -> memref<4x8x128xf32, #tpu.memory_space<vmem>>
    tpu.wait_dma2 semaphore(%arg9 : memref<!tpu.dma_semaphore, #tpu.memory_space<semaphore_mem>>) src(%dma_wait3A_254 : memref<4x8x128xf32, #tpu.memory_space<vmem>>) dst(%dma_wait3A_249 : memref<4x8x128xf32, #tpu.memory_space<hbm>>)
    %dma_wait3A_255 = arith.constant 1 : i32
    %dma_wait3A_256 = arith.constant 2 : i32
    %dma_wait3A_257 = arith.constant 0 : i32
    %dma_wait3A_258 = arith.constant 2 : i32
    %dma_wait3A_259 = arith.constant 0 : i32
    %dma_wait3A_260 = arith.constant 0 : i32
    %dma_wait3A_261 = arith.constant 0 : i32
    %dma_wait3A_262 = tpu.memref_slice %arg7[%dma_wait3A_255, %dma_wait3A_256, %dma_wait3A_259, %dma_wait3A_260, %dma_wait3A_261] : memref<2x4x4x8x128xf32, #tpu.memory_space<vmem>> -> memref<1x1x4x8x128xf32, #tpu.memory_space<vmem>>
    %dma_wait3A_263 = tpu.memref_squeeze %dma_wait3A_262 : memref<1x1x4x8x128xf32, #tpu.memory_space<vmem>> -> memref<4x8x128xf32, #tpu.memory_space<vmem>>
    %dma_wait3A_264 = arith.constant 0 : i32
    %dma_wait3A_265 = arith.constant 0 : i32
    %dma_wait3A_266 = arith.constant 0 : i32
    %dma_wait3A_267 = tpu.memref_slice %arg4[%dma_wait3A_257, %dma_wait3A_258, %dma_wait3A_264, %dma_wait3A_265, %dma_wait3A_266] : memref<50x4x128x8x128xf32, #tpu.memory_space<hbm>> -> memref<1x1x4x8x128xf32, #tpu.memory_space<hbm>>
    %dma_wait3A_268 = tpu.memref_squeeze %dma_wait3A_267 : memref<1x1x4x8x128xf32, #tpu.memory_space<hbm>> -> memref<4x8x128xf32, #tpu.memory_space<hbm>>
    %dma_wait3A_269 = arith.constant 0 : i32
    %dma_wait3A_270 = arith.constant 0 : i32
    %dma_wait3A_271 = arith.constant 0 : i32
    %dma_wait3A_272 = tpu.memref_slice %arg4[%dma_wait3A_257, %dma_wait3A_258, %dma_wait3A_269, %dma_wait3A_270, %dma_wait3A_271] : memref<50x4x128x8x128xf32, #tpu.memory_space<hbm>> -> memref<1x1x4x8x128xf32, #tpu.memory_space<hbm>>
    %dma_wait3A_273 = tpu.memref_squeeze %dma_wait3A_272 : memref<1x1x4x8x128xf32, #tpu.memory_space<hbm>> -> memref<4x8x128xf32, #tpu.memory_space<hbm>>
    %dma_wait3A_274 = arith.constant 0 : i32
    %dma_wait3A_275 = arith.constant 0 : i32
    %dma_wait3A_276 = arith.constant 0 : i32
    %dma_wait3A_277 = tpu.memref_slice %arg7[%dma_wait3A_255, %dma_wait3A_256, %dma_wait3A_274, %dma_wait3A_275, %dma_wait3A_276] : memref<2x4x4x8x128xf32, #tpu.memory_space<vmem>> -> memref<1x1x4x8x128xf32, #tpu.memory_space<vmem>>
    %dma_wait3A_278 = tpu.memref_squeeze %dma_wait3A_277 : memref<1x1x4x8x128xf32, #tpu.memory_space<vmem>> -> memref<4x8x128xf32, #tpu.memory_space<vmem>>
    tpu.wait_dma2 semaphore(%arg9 : memref<!tpu.dma_semaphore, #tpu.memory_space<semaphore_mem>>) src(%dma_wait3A_278 : memref<4x8x128xf32, #tpu.memory_space<vmem>>) dst(%dma_wait3A_273 : memref<4x8x128xf32, #tpu.memory_space<hbm>>)
    %dma_wait3A_279 = arith.constant 1 : i32
    %dma_wait3A_280 = arith.constant 3 : i32
    %dma_wait3A_281 = arith.constant 0 : i32
    %dma_wait3A_282 = arith.constant 3 : i32
    %dma_wait3A_283 = arith.constant 0 : i32
    %dma_wait3A_284 = arith.constant 0 : i32
    %dma_wait3A_285 = arith.constant 0 : i32
    %dma_wait3A_286 = tpu.memref_slice %arg7[%dma_wait3A_279, %dma_wait3A_280, %dma_wait3A_283, %dma_wait3A_284, %dma_wait3A_285] : memref<2x4x4x8x128xf32, #tpu.memory_space<vmem>> -> memref<1x1x4x8x128xf32, #tpu.memory_space<vmem>>
    %dma_wait3A_287 = tpu.memref_squeeze %dma_wait3A_286 : memref<1x1x4x8x128xf32, #tpu.memory_space<vmem>> -> memref<4x8x128xf32, #tpu.memory_space<vmem>>
    %dma_wait3A_288 = arith.constant 0 : i32
    %dma_wait3A_289 = arith.constant 0 : i32
    %dma_wait3A_290 = arith.constant 0 : i32
    %dma_wait3A_291 = tpu.memref_slice %arg4[%dma_wait3A_281, %dma_wait3A_282, %dma_wait3A_288, %dma_wait3A_289, %dma_wait3A_290] : memref<50x4x128x8x128xf32, #tpu.memory_space<hbm>> -> memref<1x1x4x8x128xf32, #tpu.memory_space<hbm>>
    %dma_wait3A_292 = tpu.memref_squeeze %dma_wait3A_291 : memref<1x1x4x8x128xf32, #tpu.memory_space<hbm>> -> memref<4x8x128xf32, #tpu.memory_space<hbm>>
    %dma_wait3A_293 = arith.constant 0 : i32
    %dma_wait3A_294 = arith.constant 0 : i32
    %dma_wait3A_295 = arith.constant 0 : i32
    %dma_wait3A_296 = tpu.memref_slice %arg4[%dma_wait3A_281, %dma_wait3A_282, %dma_wait3A_293, %dma_wait3A_294, %dma_wait3A_295] : memref<50x4x128x8x128xf32, #tpu.memory_space<hbm>> -> memref<1x1x4x8x128xf32, #tpu.memory_space<hbm>>
    %dma_wait3A_297 = tpu.memref_squeeze %dma_wait3A_296 : memref<1x1x4x8x128xf32, #tpu.memory_space<hbm>> -> memref<4x8x128xf32, #tpu.memory_space<hbm>>
    %dma_wait3A_298 = arith.constant 0 : i32
    %dma_wait3A_299 = arith.constant 0 : i32
    %dma_wait3A_300 = arith.constant 0 : i32
    %dma_wait3A_301 = tpu.memref_slice %arg7[%dma_wait3A_279, %dma_wait3A_280, %dma_wait3A_298, %dma_wait3A_299, %dma_wait3A_300] : memref<2x4x4x8x128xf32, #tpu.memory_space<vmem>> -> memref<1x1x4x8x128xf32, #tpu.memory_space<vmem>>
    %dma_wait3A_302 = tpu.memref_squeeze %dma_wait3A_301 : memref<1x1x4x8x128xf32, #tpu.memory_space<vmem>> -> memref<4x8x128xf32, #tpu.memory_space<vmem>>
    tpu.wait_dma2 semaphore(%arg9 : memref<!tpu.dma_semaphore, #tpu.memory_space<semaphore_mem>>) src(%dma_wait3A_302 : memref<4x8x128xf32, #tpu.memory_space<vmem>>) dst(%dma_wait3A_297 : memref<4x8x128xf32, #tpu.memory_space<hbm>>)
    return
  }
}

</mosaic_0001>

<sc_bundles>
// kernel: kernel.3.cloned.1.call-start
scs
__scs_entry_jumppad:
0x0: {  	(pc) =	sbr.rel $0x88, $3  }
0x1: {  	(tag) =	ssettag $0x0;
	lr =	simm.s32 $0x1  }
0x2: {  	[smem:$0x3F9F] =	sst lr;
	_ =	strace $0xD0000000  }
0x3: {  	_ = 	snop  }
0x4: {  	_ = 	snop  }
0x5: {  	_ = 	snop  }
0x6: {  	_ = 	snop  }
0x7: {  	_ = 	snop  }
__scs_overlays_trampoline_lowered:
0x8: {  	[smem:$0x3FAE] =	sst s0  }
0x9: {  	[smem:$0x3FAF] =	sst s1  }
0xa: {  	[smem:$0x3FB0] =	sst s2  }
0xb: {  	[smem:$0x3FB1] =	sst s3  }
0xc: {  	[smem:$0x3FB2] =	sst s4  }
0xd: {  	[smem:$0x3FB3] =	sst s5  }
0xe: {  	[smem:$0x3FB4] =	sst s6  }
0xf: {  	[smem:$0x3FB5] =	sst s7  }
0x10: {  	[smem:$0x3FB6] =	sst s8  }
0x11: {  	[smem:$0x3FB7] =	sst s9;
	s0 =	simm.s32 @!p0 $0x0  }
0x12: {  	s1 =	sld [smem:$0x3F9D];
	s0 =	simm.s32 @p0 $0x1  }
0x13: {  	[smem:$0x3FB8] =	sst s0;
	s0 =	simm.s32 @!p1 $0x0  }
0x14: {  	s2 =	sld [smem:$0x3F9C];
	s0 =	simm.s32 @p1 $0x1  }
0x15: {  	[smem:$0x3FB9] =	sst s0;
	s0 =	simm.s32 @!p2 $0x0  }
0x16: {  	s3 =	sld [smem:$0x3FDB];
	s0 =	simm.s32 @p2 $0x1  }
0x17: {  	s4 =	simm.s32 $0x1BF5;
	[smem:$0x3FBB] =	sst s0  }
0x18: {  	s0 =	sld [smem:$0x3F9E];
	_ =	swait.ge [sflag:s4], $0x0  }
0x19: {  	s7 =	sld [smem:$0x3F9F]  }
0x1a: {  	s8 =	sadd.s32 $0xFFFFE003, lr  }
0x1b: {  	s9 =	sadd.s32 $0xFFFFFEF7, lr;
	s5 =	simm.s32 $0xFFFFFFFF;
	p2 =	slt.u32 s8, $0xFFFFF086  }
0x1c: {  	p1 =	slt.u32 s9, $0xF7A;
	s5 =	simm.s32 @!p2 $0x0  }
0x1d: {  	s5 =	simm.s32 @p1 $0x1;
	p0 =	seq.s32 s7, s2  }
0x1e: {  	s7 =	smul.u32 @!p0 $0xF7A, s2;
	p2 =	seq.s32 @!p0 s5, $0x0  }
0x1f: {  	s9 =	smul.u32 $0xF7A, s1;
	s8 =	simm.s32 @!p0 $0x1BF5;
	p2 =	por !p2, p0  }
0x20: {  	[sflag:s8] =	ssyncset.s32 @!p0 $0xFFFFF086;
	s6 =	sadd.s32 @!p0 s3, s7;
	s7 =	simm.s32 @!p0 $0x108  }
0x21: {  	s3 =	sadd.s32 s3, s9;
	s6 =	sadd.s32 @!p0 $0x88, s6;
	s7 =	simm.s32 @p2 $0x1082  }
0x22: {  	[simem:s7], [sflag:s8] =	dma.local @!p0 [hbm:s6], $0xF7A  }
0x23: {  	s9 =	sor.u32 $0xD0000000, s2;
	s6 =	simm.s32 $0x108;
	_ =	swait.ge @!p0 [sflag:s8], $0x0  }
0x24: {  	s3 =	sadd.s32 $0x88, s3;
	s6 =	simm.s32 @!p1 $0x1082;
	[sflag:s4] =	ssyncset.s32 $0xFFFFF086  }
0x25: {  	[simem:s6], [sflag:s4] =	dma.local [hbm:s3], $0xF7A  }
0x26: {  	[smem:$0x3F9F] =	sst s1;
	(tag) =	ssettag s2;
	_ =	strace s9  }
0x27: {  	s1 =	sld [smem:$0x3FAF]  }
0x28: {  	s2 =	sld [smem:$0x3FB0]  }
0x29: {  	s4 =	sld [smem:$0x3FB2]  }
0x2a: {  	p0 =	seq.s32 s5, $0x0;
	s5 =	sld [smem:$0x3FB3]  }
0x2b: {  	s6 =	sld [smem:$0x3FB4]  }
0x2c: {  	s7 =	sld [smem:$0x3FB5]  }
0x2d: {  	s3 =	simm.s32 $0x108;
	s8 =	sld [smem:$0x3FB6]  }
0x2e: {  	s3 =	simm.s32 @!p0 $0x1082;
	s9 =	sld [smem:$0x3FB7]  }
0x2f: {  	lr =	sadd.s32 s0, s3;
	s0 =	sld [smem:$0x3FAE]  }
0x30: {  	s3 =	sld [smem:$0x3FB1]  }
0x31: {  	[smem:$0x3FBA] =	sst s10  }
0x32: {  	s10 =	sld [smem:$0x3FB8];
	_ =	sdelay $0x3  }
0x33: {  	p0 =	seq.s32 s10, $0x1;
	s10 =	sld [smem:$0x3FBA];
	_ =	sdelay $0x3  }
0x34: {  	[smem:$0x3FBA] =	sst s10  }
0x35: {  	s10 =	sld [smem:$0x3FB9];
	_ =	sdelay $0x3  }
0x36: {  	p1 =	seq.s32 s10, $0x1;
	s10 =	sld [smem:$0x3FBA];
	_ =	sdelay $0x3  }
0x37: {  	[smem:$0x3FBA] =	sst s10  }
0x38: {  	s10 =	sld [smem:$0x3FBB]  }
0x39: {  	_ = 	snop;
	(pc) =	sbr.ind lr, $3  }
0x3a: {  	_ = 	snop  }
0x3b: {  	_ = 	snop  }
0x3c: {  	p2 =	seq.s32 s10, $0x1;
	s10 =	sld [smem:$0x3FBA]  }
0x3d: {  	_ =	shalt  }
0x3e: {  	_ =	shalt  }
0x3f: {  	_ =	shalt  }
0x40: {  	_ =	shalt  }
0x41: {  	_ =	shalt  }
0x42: {  	_ =	shalt  }
0x43: {  	_ =	shalt  }
0x44: {  	_ =	shalt  }
0x45: {  	_ =	shalt  }
0x46: {  	_ =	shalt  }
0x47: {  	_ =	shalt  }
0x48: {  	_ =	shalt  }
0x49: {  	_ =	shalt  }
0x4a: {  	_ =	shalt  }
0x4b: {  	_ =	shalt  }
0x4c: {  	_ =	shalt  }
0x4d: {  	_ =	shalt  }
0x4e: {  	_ =	shalt  }
0x4f: {  	_ =	shalt  }
0x50: {  	_ =	shalt  }
0x51: {  	_ =	shalt  }
0x52: {  	_ =	shalt  }
0x53: {  	_ =	shalt  }
0x54: {  	_ =	shalt  }
0x55: {  	_ =	shalt  }
0x56: {  	_ =	shalt  }
0x57: {  	_ =	shalt  }
0x58: {  	_ =	shalt  }
0x59: {  	_ =	shalt  }
0x5a: {  	_ =	shalt  }
0x5b: {  	_ =	shalt  }
0x5c: {  	_ =	shalt  }
0x5d: {  	_ =	shalt  }
0x5e: {  	_ =	shalt  }
0x5f: {  	_ =	shalt  }
0x60: {  	_ =	shalt  }
0x61: {  	_ =	shalt  }
0x62: {  	_ =	shalt  }
0x63: {  	_ =	shalt  }
0x64: {  	_ =	shalt  }
0x65: {  	_ =	shalt  }
0x66: {  	_ =	shalt  }
0x67: {  	_ =	shalt  }
0x68: {  	_ =	shalt  }
0x69: {  	_ =	shalt  }
0x6a: {  	_ =	shalt  }
0x6b: {  	_ =	shalt  }
0x6c: {  	_ =	shalt  }
0x6d: {  	_ =	shalt  }
0x6e: {  	_ =	shalt  }
0x6f: {  	_ =	shalt  }
0x70: {  	_ =	shalt  }
0x71: {  	_ =	shalt  }
0x72: {  	_ =	shalt  }
0x73: {  	_ =	shalt  }
0x74: {  	_ =	shalt  }
0x75: {  	_ =	shalt  }
0x76: {  	_ =	shalt  }
0x77: {  	_ =	shalt  }
0x78: {  	_ =	shalt  }
0x79: {  	_ =	shalt  }
0x7a: {  	_ =	shalt  }
0x7b: {  	_ =	shalt  }
0x7c: {  	_ =	shalt  }
0x7d: {  	_ =	shalt  }
0x7e: {  	_ =	shalt  }
0x7f: {  	_ =	shalt  }
0x80: {  	_ =	shalt  }
0x81: {  	_ =	shalt  }
0x82: {  	_ =	shalt  }
0x83: {  	_ =	shalt  }
0x84: {  	_ =	shalt  }
0x85: {  	_ =	shalt  }
0x86: {  	_ =	shalt  }
0x87: {  	_ =	shalt  }
.Lfunc_end0:
.L_simem_size_0:
called_computation.1_lowered:
.L_overlay_start_0:
0x88: {  	s2 =	sld [smem:$0x3FD9]  }
0x89: {  	s3 =	sld [smem:$0x3FFE];
	_ =	sdelay $0x1  }
0x8a: {  	s1 =	srdreg.scid  }
0x8b: {  	s0 =	sand.u32 $0x1, s1  }
0x8c: {  	s17 =	sshll.u32 s0, $0xA;
	s2 =	sadd.s32 s3, s2  }
0x8d: {  	s2 =	sadd.s32 s2, s17  }
0x8e: {  	[smem:$0x3FC6] =	sst s2  }
0x8f: {  	_ = 	snop  }
0x90: {  	s2 =	sld [smem:$0x3FD0];
	(tm) =	ssettm $0x1  }
0x91: {  	s18 =	sld [smem:$0x3FFB];
	_ =	sdelay $0x3  }
0x92: {  	_ =	strace s18  }
0x93: {  	s3 =	sld [smem:$0x3FFC];
	_ =	sdelay $0x3  }
0x94: {  	_ =	strace s3  }
0x95: {  	s3 =	sld [smem:$0x3FFD];
	_ =	sdelay $0x3  }
0x96: {  	_ =	strace s3  }
0x97: {  	_ =	strace $0x8FFFFFFF  }
0x98: {  	s19 =	sld [smem:$0x3FDB];
	_ =	sdelay $0x1  }
0x99: {  	s4 =	simm.s32 $_scs_section_size  }
0x9a: {  	s5 =	simm.s32 $_size__tile_overlayer_lowered;
	s6 =	simm.s32 $_tile_overlayer_lowered  }
0x9b: {  	s22 =	simm.s32 $0x1BFF;
	s21 =	sshll.u32 s6, $0x1;
	s3 =	sadd.s32 s4, s19  }
0x9c: {  	s7 =	simm.s32 $0x0;
	s20 =	sshll.u32 s5, $0x1;
	s5 =	sadd.s32 s21, s3  }
0x9d: {  	[timem:s7], [sflag:s22] =	dma.local [hbm:s5], s20  }
0x9e: {  	_ =	swait.ge [sflag:s22], s20  }
0x9f: {  	s4 =	ssub.s32 $0x0, s20;
	[sflag:s22] =	ssyncset.done $0x0  }
0xa0: {  	[sflag:s22] =	ssyncadd.s32 s4;
	_ =	sdelay $0x1  }
0xa1: {  	s23 =	simm.s32 $0x1B8B  }
0xa2: {  	_ =	swait.ge [sflag:s23], $0x1  }
0xa3: {  	[sflag:s23] =	ssyncset.done $0x0  }
0xa4: {  	s25 =	simm.s32 $0x1B8E;
	s24 =	sld [smem:$0x3FFE];
	[sflag:s23] =	ssyncadd.s32 $0xFFFFFFFF  }
0xa5: {  	s26 =	simm.s32 $execute0_lowered;
	[smem:$0x3FD2] =	sst s25  }
0xa6: {  	s5 =	sshll.u32 s26, $0x1;
	_ =	strace $0x80000049;
	[dreg:$0x1] =	wrdreg $0xFFFFFFFF  }
0xa7: {  	s28 =	simm.s32 $_size_execute0_lowered;
	s3 =	sadd.s32 s3, s5;
	[dreg:$0x0] =	wrdreg $0x0  }
0xa8: {  	s5 =	sshll.u32 s28, $0x1;
	[dreg:$0x2] =	wrdreg s3  }
0xa9: {  	[dreg:$0x3] =	wrdreg s5  }
0xaa: {  	[dreg:$0x4] =	wrdreg $0xC0  }
0xab: {  	_ =	task [dreg:s7], $0x5FFFF  }
0xac: {  	[dreg:$0x1] =	wrdreg $0xFFFFFFFF  }
0xad: {  	[dreg:$0x0] =	wrdreg $0x60  }
0xae: {  	[dreg:$0x2] =	wrdreg s24  }
0xaf: {  	[dreg:$0x3] =	wrdreg s2  }
0xb0: {  	[dreg:$0x4] =	wrdreg $0x9  }
0xb1: {  	_ =	task.clear_ibuf [dreg:s7], $0x5FFFF;
	_ =	strace $0x90000049  }
0xb2: {  	s29 =	simm.s32 $0x9;
	_ =	strace $0x8000004B  }
0xb3: {  	_ =	swait.ge [sflag:s29], $0x1  }
0xb4: {  	[sflag:s29] =	ssyncadd.s32 $0xFFFFFFFF  }
0xb5: {  	_ =	strace $0x9000004B  }
0xb6: {  	_ =	sfence  }
0xb7: {  	s30 =	sld [smem:$0x0];
	_ =	sdelay $0x2  }
0xb8: {  	s31 =	sshll.u32 s1, $0xD;
	s1 =	sshrl.u32 s1, $0x2  }
0xb9: {  	s3 =	sand.u32 $0x4000, s31;
	s1 =	sadd.s32 s1, s30  }
0xba: {  	s0 =	sor.u32 s3, s0;
	s1 =	sshll.u32 s1, $0x11  }
0xbb: {  	s0 =	sor.u32 s1, s0  }
0xbc: {  	s0 =	sadd.s32 $0x8F2B, s0  }
0xbd: {  	[sflag:s0] =	ssyncadd.remote.s32 $0x1  }
0xbe: {  	_ =	sfence.sel $0xFFFF  }
0xbf: {  	[dreg:$0x0] =	wrdreg $0xFFFFFFFF;
	(pc) =	sbr.abs _section_cstart, $3  }
0xc0: {  	[dreg:$0x1] =	wrdreg $0xFFFFFFFF  }
0xc1: {  	_ =	task.clear_ibuf [dreg:s7], $0x2FFFF;
	_ =	strace $0x9FFFFFFF  }
0xc2: {  	(tm) =	ssettm $0x7FFFFFFF  }
0xc3: {  	_ =	shalt  }
tec
execute0_lowered:
.L_overlay_start_1:
0x0: {  	(tag) =	ssettag $0x1  }
0x1: {  	s0 =	rddreg [dreg:$0x0]  }
0x2: {  	s13 =	rddreg [dreg:$0x1]  }
0x3: {  	s1 =	srdreg.scid;
	s2 =	stileid.u32;
	v0 =	vlaneseq.u32  }
0x4: {  	s3 =	simm.s32 $0x0;
	s18 =	simm.s32 $0x80;
	s19 =	simm.s32 $0x6400;
	v0 =	vmul.u32 $0x20, v0  }
0x5: {  	s25 =	simm.s32 $0xA400;
	s21 =	simm.s32 $0xF400;
	s23 =	simm.s32 $0x10400  }
0x6: {  	s26 =	simm.s32 $0x11400;
	s29 =	simm.s32 $0x2;
	s31 =	simm.s32 $0x12400;
	v1 =	vor.u32 $0x200, v0  }
0x7: {  	s15 =	simm.s32 $0x13400;
	s14 =	simm.s32 $0x15400;
	s1 =	sand.u32 $0x1, s1;
	v2 =	vor.u32 $0x400, v0;
	v3 =	vor.u32 $0x600, v0;
	v4 =	vor.u32 $0x800, v0  }
0x8: {  	s2 =	sshll.u32 s2, $0x3;
	[smem:$0x7FF] =	sst s3;
	s7 =	sadd.s32 $0x4000, s13;
	v5 =	vor.u32 $0xA00, v0;
	v6 =	vor.u32 $0xC00, v0;
	v7 =	vor.u32 $0xE00, v0  }
0x9: {  	s8 =	sadd.s32 $0x8000, s13;
	s9 =	sadd.s32 $0xC000, s13;
	s10 =	sadd.s32 $0x10000, s13;
	v8 =	vor.u32 $0x1000, v0;
	v9 =	vor.u32 $0x1200, v0;
	v10 =	vor.u32 $0x1400, v0  }
0xa: {  	s11 =	sadd.s32 $0x14000, s13;
	s12 =	sadd.s32 $0x18000, s13;
	s4 =	sshll.u32 s1, $0x2;
	v11 =	vor.u32 $0x1600, v0;
	v12 =	vor.u32 $0x1800, v0;
	v13 =	vor.u32 $0x1A00, v0  }
0xb: {  	s13 =	sadd.s32 $0x1C000, s13;
	_ =	strace $0x8000004A;
	s2 =	sor.u32 s4, s2;
	v14 =	vor.u32 $0x1C00, v0;
	v15 =	vor.u32 $0x1E00, v0;
	v16 =	vor.u32 $0x2000, v0  }
.Ltmp0:
0xc: {  	s1 =	ssub.s32 $0x2, s1;
	v17 =	vor.u32 $0x2200, v0;
	v18 =	vor.u32 $0x2400, v0;
	v19 =	vor.u32 $0x2600, v0;
	s4 =	sshll.u32 s2, $0x4;
	(pc) =	sbr.rel .LBB2_1-.Ltmp0, $4  }
0xd: {  	s28 =	sshrl.u32 s1, $0x1;
	v20 =	vor.u32 $0x2800, v0;
	v21 =	vor.u32 $0x2A00, v0;
	v22 =	vor.u32 $0x2C00, v0;
	s6 =	sshll.u32 s2, $0x7;
	s5 =	sadd.s32 s4, s0  }
0xe: {  	v23 =	vor.u32 $0x2E00, v0;
	v24 =	vor.u32 $0x3000, v0;
	v25 =	vor.u32 $0x3200, v0;
	s4 =	sadd.s32 $0xF5BE00, s0;
	s0 =	ssub.s32 s1, s28;
	s30 =	sadd.s32 $0xF42E00, s5  }
0xf: {  	v26 =	vor.u32 $0x3400, v0;
	v27 =	vor.u32 $0x3600, v0;
	v28 =	vor.u32 $0x3800, v0;
	s2 =	simm.s32 $0x0;
	s0 =	smax.u32 s0, $0x1;
	[dreg:$0x3] =	wrdreg s30  }
0x10: {  	v29 =	vor.u32 $0x3A00, v0;
	v30 =	vor.u32 $0x3C00, v0;
	v31 =	vor.u32 $0x3E00, v0;
	s1 =	simm.s32 $0x1;
	s5 =	simm.s32 $0x14400;
	[dreg:$0x4] =	wrdreg s0  }
.LBB2_12:
0x11: {  	_ =	swait.ge [sflag:s29], $0x1000  }
0x12: {  	[sflag:s29] =	ssyncset.done $0x0  }
0x13: {  	[sflag:s29] =	ssyncadd.s32 $0xFFFFF000  }
0x14: {  	_ =	swait.ge [sflag:s29], $0x1000  }
0x15: {  	[sflag:s29] =	ssyncset.done $0x0  }
0x16: {  	[sflag:s29] =	ssyncadd.s32 $0xFFFFF000  }
0x17: {  	_ =	swait.ge [sflag:s29], $0x1000  }
0x18: {  	[sflag:s29] =	ssyncset.done $0x0  }
0x19: {  	[sflag:s29] =	ssyncadd.s32 $0xFFFFF000  }
0x1a: {  	_ =	swait.ge [sflag:s29], $0x1000  }
0x1b: {  	[sflag:s29] =	ssyncset.done $0x0  }
0x1c: {  	[sflag:s29] =	ssyncadd.s32 $0xFFFFF000  }
0x1d: {  	_ =	swait.ge [sflag:s29], $0x1000  }
0x1e: {  	[sflag:s29] =	ssyncset.done $0x0  }
0x1f: {  	[sflag:s29] =	ssyncadd.s32 $0xFFFFF000  }
0x20: {  	_ =	swait.ge [sflag:s29], $0x1000  }
0x21: {  	[sflag:s29] =	ssyncset.done $0x0  }
0x22: {  	[sflag:s29] =	ssyncadd.s32 $0xFFFFF000  }
0x23: {  	_ =	swait.ge [sflag:s29], $0x1000  }
0x24: {  	[sflag:s29] =	ssyncset.done $0x0  }
0x25: {  	[sflag:s29] =	ssyncadd.s32 $0xFFFFF000  }
0x26: {  	_ =	swait.ge [sflag:s29], $0x1000  }
0x27: {  	s2 =	rddreg [dreg:$0x5]  }
0x28: {  	s0 =	rddreg [dreg:$0x4];
	s2 =	sadd.s32 $0x1, s2  }
0x29: {  	p0 =	sne.s32 s2, s0  }
.Ltmp1:
0x2a: {  	_ = 	snop;
	(pc) =	sbr.rel @!p0 .LBB2_13-.Ltmp1, $3  }
0x2b: {  	_ =	sdelay $0x1  }
0x2c: {  	[sflag:s29] =	ssyncset.done $0x0  }
0x2d: {  	[sflag:s29] =	ssyncadd.s32 $0xFFFFF000  }
.LBB2_1:
0x2e: {  	[dreg:$0x5] =	wrdreg s2  }
0x2f: {  	s0 =	rddreg [dreg:$0x3]  }
0x30: {  	s2 =	simm.s32 $0x200;
	s16 =	simm.s32 $0x4000;
	s17 =	simm.s32 $0x3  }
0x31: {  	[tilespmem:s3], [sflag:$0x3] =	stream.strided.gather [hbm4b:s0+s2], $0x6400, s16, s2, $0x38;
	[tilespmem:$0x16400] =	vst v63  }
0x32: {  	_ =	swait.ge [sflag:s17], $0x6400  }
0x33: {  	[sflag:s17] =	ssyncset.done $0x0  }
0x34: {  	[sflag:s17] =	ssyncadd.s32 $0xFFFF9C00  }
0x35: {  	[tilespmem:s19], [sflag:$0x1] =	stream.indirect.gather [hbm4b:s4+s18], $0x20, s3, s18, $0xb8;
	[tilespmem:$0x16400] =	vst v63  }
0x36: {  	s20 =	simm.s32 $0x7400  }
0x37: {  	[tilespmem:s20], [sflag:$0x1] =	stream.indirect.gather [hbm4b:s4+s18], $0x20, s18, s18, $0xb8;
	[tilespmem:$0x16400] =	vst v63  }
0x38: {  	s22 =	simm.s32 $0x100;
	s24 =	simm.s32 $0x8400  }
0x39: {  	[tilespmem:s24], [sflag:$0x1] =	stream.indirect.gather [hbm4b:s4+s18], $0x20, s22, s18, $0xb8;
	[tilespmem:$0x16400] =	vst v63  }
0x3a: {  	s28 =	simm.s32 $0x180;
	s30 =	simm.s32 $0x9400  }
0x3b: {  	[tilespmem:s30], [sflag:$0x1] =	stream.indirect.gather [hbm4b:s4+s18], $0x20, s28, s18, $0xb8;
	[tilespmem:$0x16400] =	vst v63  }
0x3c: {  	_ = 	snop  }
0x3d: {  	[tilespmem:s25], [sflag:$0x1] =	stream.indirect.gather [hbm4b:s4+s18], $0x20, s2, s18, $0xb8;
	[tilespmem:$0x16400] =	vst v63  }
0x3e: {  	s17 =	simm.s32 $0x280;
	s20 =	simm.s32 $0xB400  }
0x3f: {  	[tilespmem:s20], [sflag:$0x1] =	stream.indirect.gather [hbm4b:s4+s18], $0x20, s17, s18, $0xb8;
	[tilespmem:$0x16400] =	vst v63  }
0x40: {  	s22 =	simm.s32 $0x300;
	s24 =	simm.s32 $0xC400  }
0x41: {  	[tilespmem:s24], [sflag:$0x1] =	stream.indirect.gather [hbm4b:s4+s18], $0x20, s22, s18, $0xb8;
	[tilespmem:$0x16400] =	vst v63  }
0x42: {  	s28 =	simm.s32 $0x380;
	s30 =	simm.s32 $0xD400;
	s17 =	simm.s32 $0x0  }
0x43: {  	[tilespmem:s30], [sflag:$0x1] =	stream.indirect.gather [hbm4b:s4+s18], $0x20, s28, s18, $0xb8;
	[tilespmem:$0x16400] =	vst v63  }
.LBB2_2:
0x44: {  	_ =	swait.ge [sflag:s1], $0x4000  }
0x45: {  	p0 =	seq.s32 s17, $0x0;
	[sflag:s1] =	ssyncset.done $0x0  }
0x46: {  	s0 =	simm.s32 @!p0 $0x2;
	[sflag:s1] =	ssyncadd.s32 $0xFFFFC000  }
0x47: {  	_ =	swait.ge @!p0 [sflag:s0], $0x1000  }
0x48: {  	[sflag:s0] =	ssyncset.done @!p0 $0x0  }
0x49: {  	s2 =	simm.s32 $0x3;
	[sflag:s0] =	ssyncadd.s32 @!p0 $0xFFFFF000  }
0x4a: {  	s16 =	simm.s32 $0x1;
	v32 =	vmov s2;
	_ =	swait.ge @!p0 [sflag:s0], $0x1000  }
0x4b: {  	s22 =	simm.s32 $0x2;
	v33 =	vmov s16;
	v32 =	vand.u32 $0x1F, v32;
	[sflag:s0] =	ssyncset.done @!p0 $0x0  }
0x4c: {  	s24 =	simm.s32 $0x0;
	v55 =	vmov s22;
	v33 =	vand.u32 $0x1D, v33;
	v40 =	vbroadcast v32, $0x0;
	[sflag:s0] =	ssyncadd.s32 @!p0 $0xFFFFF000  }
0x4d: {  	v56 =	vmov s24;
	v41 =	vbroadcast v33, $0x0;
	v32 =	vand.u32 $0x1E, v55;
	_ =	swait.ge @!p0 [sflag:s0], $0x1000  }
0x4e: {  	v57 =	vand.u32 $0x1C, v56;
	v37 =	vbroadcast v32, $0x0;
	v34 =	vor.u32 v0, v40;
	[sflag:s0] =	ssyncset.done @!p0 $0x0  }
0x4f: {  	v38 =	vbroadcast v57, $0x0;
	v35 =	vor.u32 v0, v41;
	[sflag:s0] =	ssyncadd.s32 @!p0 $0xFFFFF000  }
0x50: {  	v58 =	vor.u32 v0, v37;
	_ =	swait.ge @!p0 [sflag:s0], $0x1000  }
0x51: {  	v59 =	vor.u32 v0, v38;
	[sflag:s0] =	ssyncset.done @!p0 $0x0  }
0x52: {  	[sflag:s0] =	ssyncadd.s32 @!p0 $0xFFFFF000  }
0x53: {  	s20 =	simm.s32 $0x0;
	v34 =	vld.idx.msk [tilespmem:v34+s19+$0x0], $0xffff  }
0x54: {  	v36 =	vor.u32 v1, v40;
	s0 =	smul.u32 $0x3000, s20;
	v35 =	vld.idx.msk [tilespmem:v35+s19+$0x0], $0xffff  }
0x55: {  	v39 =	vor.u32 v1, v41;
	v32 =	vld.idx.msk [tilespmem:v58+s19+$0x0], $0xffff  }
0x56: {  	v42 =	vor.u32 v1, v37;
	v33 =	vld.idx.msk [tilespmem:v59+s19+$0x0], $0xffff;
	s0 =	sshra.s32 s0, $0x2  }
0x57: {  	v43 =	vor.u32 v1, v38;
	s24 =	sadd.s32 $0xE400, s0  }
0x58: {  	[tilespmem:s24+$0x180] =	vst v34  }
0x59: {  	[tilespmem:s24+$0x80] =	vst v35;
	v34 =	vld.idx.msk [tilespmem:v36+s19+$0x0], $0xffff  }
0x5a: {  	v60 =	vor.u32 v2, v40;
	[tilespmem:s24+$0x100] =	vst v32;
	v35 =	vld.idx.msk [tilespmem:v39+s19+$0x0], $0xffff  }
0x5b: {  	v61 =	vor.u32 v2, v41;
	[tilespmem:s24+$0x0] =	vst v33;
	v62 =	vld.idx.msk [tilespmem:v42+s19+$0x0], $0xffff  }
0x5c: {  	v45 =	vor.u32 v2, v37;
	v63 =	vld.idx.msk [tilespmem:v43+s19+$0x0], $0xffff  }
0x5d: {  	v46 =	vor.u32 v2, v38  }
0x5e: {  	[tilespmem:s24+$0x190] =	vst v34  }
0x5f: {  	[tilespmem:s24+$0x90] =	vst v35;
	v34 =	vld.idx.msk [tilespmem:v60+s19+$0x0], $0xffff  }
0x60: {  	v47 =	vor.u32 v3, v40;
	[tilespmem:s24+$0x110] =	vst v62;
	v32 =	vld.idx.msk [tilespmem:v61+s19+$0x0], $0xffff  }
0x61: {  	v48 =	vor.u32 v3, v41;
	[tilespmem:s24+$0x10] =	vst v63;
	v49 =	vld.idx.msk [tilespmem:v45+s19+$0x0], $0xffff  }
0x62: {  	v50 =	vor.u32 v3, v37;
	v39 =	vld.idx.msk [tilespmem:v46+s19+$0x0], $0xffff  }
0x63: {  	v51 =	vor.u32 v3, v38  }
0x64: {  	[tilespmem:s24+$0x1A0] =	vst v34  }
0x65: {  	[tilespmem:s24+$0xA0] =	vst v32;
	v52 =	vld.idx.msk [tilespmem:v47+s19+$0x0], $0xffff  }
0x66: {  	v53 =	vor.u32 v4, v40;
	[tilespmem:s24+$0x120] =	vst v49;
	v33 =	vld.idx.msk [tilespmem:v48+s19+$0x0], $0xffff  }
0x67: {  	v54 =	vor.u32 v4, v41;
	[tilespmem:s24+$0x20] =	vst v39;
	v36 =	vld.idx.msk [tilespmem:v50+s19+$0x0], $0xffff  }
0x68: {  	v55 =	vor.u32 v4, v37;
	v39 =	vld.idx.msk [tilespmem:v51+s19+$0x0], $0xffff  }
0x69: {  	v56 =	vor.u32 v4, v38  }
0x6a: {  	[tilespmem:s24+$0x1B0] =	vst v52  }
0x6b: {  	[tilespmem:s24+$0xB0] =	vst v33;
	v32 =	vld.idx.msk [tilespmem:v53+s19+$0x0], $0xffff  }
0x6c: {  	v57 =	vor.u32 v5, v40;
	[tilespmem:s24+$0x130] =	vst v36;
	v33 =	vld.idx.msk [tilespmem:v54+s19+$0x0], $0xffff  }
0x6d: {  	v58 =	vor.u32 v5, v41;
	[tilespmem:s24+$0x30] =	vst v39;
	v36 =	vld.idx.msk [tilespmem:v55+s19+$0x0], $0xffff  }
0x6e: {  	v59 =	vor.u32 v5, v37;
	v39 =	vld.idx.msk [tilespmem:v56+s19+$0x0], $0xffff  }
0x6f: {  	v60 =	vor.u32 v5, v38  }
0x70: {  	[tilespmem:s24+$0x1C0] =	vst v32  }
0x71: {  	[tilespmem:s24+$0xC0] =	vst v33;
	v32 =	vld.idx.msk [tilespmem:v57+s19+$0x0], $0xffff  }
0x72: {  	v61 =	vor.u32 v6, v40;
	[tilespmem:s24+$0x140] =	vst v36;
	v33 =	vld.idx.msk [tilespmem:v58+s19+$0x0], $0xffff  }
0x73: {  	v62 =	vor.u32 v6, v41;
	[tilespmem:s24+$0x40] =	vst v39;
	v36 =	vld.idx.msk [tilespmem:v59+s19+$0x0], $0xffff  }
0x74: {  	v63 =	vor.u32 v6, v37;
	v39 =	vld.idx.msk [tilespmem:v60+s19+$0x0], $0xffff  }
0x75: {  	v45 =	vor.u32 v6, v38  }
0x76: {  	[tilespmem:s24+$0x1D0] =	vst v32  }
0x77: {  	[tilespmem:s24+$0xD0] =	vst v33;
	v32 =	vld.idx.msk [tilespmem:v61+s19+$0x0], $0xffff  }
0x78: {  	v46 =	vor.u32 v7, v40;
	[tilespmem:s24+$0x150] =	vst v36;
	v33 =	vld.idx.msk [tilespmem:v62+s19+$0x0], $0xffff  }
0x79: {  	v47 =	vor.u32 v7, v41;
	[tilespmem:s24+$0x50] =	vst v39;
	v36 =	vld.idx.msk [tilespmem:v63+s19+$0x0], $0xffff  }
0x7a: {  	v48 =	vor.u32 v7, v37;
	v39 =	vld.idx.msk [tilespmem:v45+s19+$0x0], $0xffff  }
0x7b: {  	v49 =	vor.u32 v7, v38  }
0x7c: {  	[tilespmem:s24+$0x1E0] =	vst v32  }
0x7d: {  	[tilespmem:s24+$0xE0] =	vst v33;
	v32 =	vld.idx.msk [tilespmem:v46+s19+$0x0], $0xffff  }
0x7e: {  	v50 =	vor.u32 v8, v40;
	[tilespmem:s24+$0x160] =	vst v36;
	v33 =	vld.idx.msk [tilespmem:v47+s19+$0x0], $0xffff  }
0x7f: {  	v51 =	vor.u32 v8, v41;
	[tilespmem:s24+$0x60] =	vst v39;
	v36 =	vld.idx.msk [tilespmem:v48+s19+$0x0], $0xffff  }
0x80: {  	v52 =	vor.u32 v8, v37;
	v39 =	vld.idx.msk [tilespmem:v49+s19+$0x0], $0xffff  }
0x81: {  	v53 =	vor.u32 v8, v38  }
0x82: {  	[tilespmem:s24+$0x1F0] =	vst v32  }
0x83: {  	[tilespmem:s24+$0xF0] =	vst v33;
	v32 =	vld.idx.msk [tilespmem:v50+s19+$0x0], $0xffff  }
0x84: {  	v54 =	vor.u32 v9, v40;
	[tilespmem:s24+$0x170] =	vst v36;
	v33 =	vld.idx.msk [tilespmem:v51+s19+$0x0], $0xffff  }
0x85: {  	v55 =	vor.u32 v9, v41;
	[tilespmem:s24+$0x70] =	vst v39;
	v36 =	vld.idx.msk [tilespmem:v52+s19+$0x0], $0xffff  }
0x86: {  	v56 =	vor.u32 v9, v37;
	v39 =	vld.idx.msk [tilespmem:v53+s19+$0x0], $0xffff  }
0x87: {  	v57 =	vor.u32 v9, v38  }
0x88: {  	[tilespmem:s24+$0x580] =	vst v32  }
0x89: {  	[tilespmem:s24+$0x480] =	vst v33;
	v32 =	vld.idx.msk [tilespmem:v54+s19+$0x0], $0xffff  }
0x8a: {  	v58 =	vor.u32 v10, v40;
	[tilespmem:s24+$0x500] =	vst v36;
	v33 =	vld.idx.msk [tilespmem:v55+s19+$0x0], $0xffff  }
0x8b: {  	v59 =	vor.u32 v10, v41;
	[tilespmem:s24+$0x400] =	vst v39;
	v36 =	vld.idx.msk [tilespmem:v56+s19+$0x0], $0xffff  }
0x8c: {  	v60 =	vor.u32 v10, v37;
	v39 =	vld.idx.msk [tilespmem:v57+s19+$0x0], $0xffff  }
0x8d: {  	v61 =	vor.u32 v10, v38  }
0x8e: {  	[tilespmem:s24+$0x590] =	vst v32  }
0x8f: {  	[tilespmem:s24+$0x490] =	vst v33;
	v32 =	vld.idx.msk [tilespmem:v58+s19+$0x0], $0xffff  }
0x90: {  	v62 =	vor.u32 v11, v40;
	[tilespmem:s24+$0x510] =	vst v36;
	v33 =	vld.idx.msk [tilespmem:v59+s19+$0x0], $0xffff  }
0x91: {  	v63 =	vor.u32 v11, v41;
	[tilespmem:s24+$0x410] =	vst v39;
	v36 =	vld.idx.msk [tilespmem:v60+s19+$0x0], $0xffff  }
0x92: {  	v45 =	vor.u32 v11, v37;
	v39 =	vld.idx.msk [tilespmem:v61+s19+$0x0], $0xffff  }
0x93: {  	v46 =	vor.u32 v11, v38  }
0x94: {  	[tilespmem:s24+$0x5A0] =	vst v32  }
0x95: {  	[tilespmem:s24+$0x4A0] =	vst v33;
	v32 =	vld.idx.msk [tilespmem:v62+s19+$0x0], $0xffff  }
0x96: {  	v47 =	vor.u32 v12, v40;
	[tilespmem:s24+$0x520] =	vst v36;
	v33 =	vld.idx.msk [tilespmem:v63+s19+$0x0], $0xffff  }
0x97: {  	v48 =	vor.u32 v12, v41;
	[tilespmem:s24+$0x420] =	vst v39;
	v36 =	vld.idx.msk [tilespmem:v45+s19+$0x0], $0xffff  }
0x98: {  	v49 =	vor.u32 v12, v37;
	v39 =	vld.idx.msk [tilespmem:v46+s19+$0x0], $0xffff  }
0x99: {  	v50 =	vor.u32 v12, v38  }
0x9a: {  	[tilespmem:s24+$0x5B0] =	vst v32  }
0x9b: {  	[tilespmem:s24+$0x4B0] =	vst v33;
	v32 =	vld.idx.msk [tilespmem:v47+s19+$0x0], $0xffff  }
0x9c: {  	v51 =	vor.u32 v13, v40;
	[tilespmem:s24+$0x530] =	vst v36;
	v33 =	vld.idx.msk [tilespmem:v48+s19+$0x0], $0xffff  }
0x9d: {  	v52 =	vor.u32 v13, v41;
	[tilespmem:s24+$0x430] =	vst v39;
	v36 =	vld.idx.msk [tilespmem:v49+s19+$0x0], $0xffff  }
0x9e: {  	v53 =	vor.u32 v13, v37;
	v39 =	vld.idx.msk [tilespmem:v50+s19+$0x0], $0xffff  }
0x9f: {  	v54 =	vor.u32 v13, v38  }
0xa0: {  	[tilespmem:s24+$0x5C0] =	vst v32  }
0xa1: {  	[tilespmem:s24+$0x4C0] =	vst v33;
	v32 =	vld.idx.msk [tilespmem:v51+s19+$0x0], $0xffff  }
0xa2: {  	v55 =	vor.u32 v14, v40;
	[tilespmem:s24+$0x540] =	vst v36;
	v33 =	vld.idx.msk [tilespmem:v52+s19+$0x0], $0xffff  }
0xa3: {  	v56 =	vor.u32 v14, v41;
	[tilespmem:s24+$0x440] =	vst v39;
	v36 =	vld.idx.msk [tilespmem:v53+s19+$0x0], $0xffff  }
0xa4: {  	v57 =	vor.u32 v14, v37;
	v39 =	vld.idx.msk [tilespmem:v54+s19+$0x0], $0xffff  }
0xa5: {  	v58 =	vor.u32 v14, v38  }
0xa6: {  	[tilespmem:s24+$0x5D0] =	vst v32  }
0xa7: {  	[tilespmem:s24+$0x4D0] =	vst v33;
	v32 =	vld.idx.msk [tilespmem:v55+s19+$0x0], $0xffff  }
0xa8: {  	v59 =	vor.u32 v15, v40;
	[tilespmem:s24+$0x550] =	vst v36;
	v33 =	vld.idx.msk [tilespmem:v56+s19+$0x0], $0xffff  }
0xa9: {  	v60 =	vor.u32 v15, v41;
	[tilespmem:s24+$0x450] =	vst v39;
	v36 =	vld.idx.msk [tilespmem:v57+s19+$0x0], $0xffff  }
0xaa: {  	v61 =	vor.u32 v15, v37;
	v39 =	vld.idx.msk [tilespmem:v58+s19+$0x0], $0xffff  }
0xab: {  	v62 =	vor.u32 v15, v38  }
0xac: {  	[tilespmem:s24+$0x5E0] =	vst v32  }
0xad: {  	[tilespmem:s24+$0x4E0] =	vst v33;
	v32 =	vld.idx.msk [tilespmem:v59+s19+$0x0], $0xffff  }
0xae: {  	v63 =	vor.u32 v16, v40;
	[tilespmem:s24+$0x560] =	vst v36;
	v33 =	vld.idx.msk [tilespmem:v60+s19+$0x0], $0xffff  }
0xaf: {  	v48 =	vor.u32 v16, v41;
	[tilespmem:s24+$0x460] =	vst v39;
	v36 =	vld.idx.msk [tilespmem:v61+s19+$0x0], $0xffff  }
0xb0: {  	v49 =	vor.u32 v16, v37;
	v39 =	vld.idx.msk [tilespmem:v62+s19+$0x0], $0xffff  }
0xb1: {  	v44 =	vor.u32 v16, v38  }
0xb2: {  	[tilespmem:s24+$0x5F0] =	vst v32  }
0xb3: {  	s22 =	simm.s32 $0x5;
	[tilespmem:s24+$0x4F0] =	vst v33;
	v34 =	vld.idx.msk [tilespmem:v63+s19+$0x0], $0xffff  }
0xb4: {  	s2 =	simm.s32 $0x6;
	v50 =	vmov s22;
	v52 =	vor.u32 v17, v40;
	[tilespmem:s24+$0x570] =	vst v36;
	v35 =	vld.idx.msk [tilespmem:v48+s19+$0x0], $0xffff  }
0xb5: {  	v51 =	vand.u32 $0x1D, v50;
	v53 =	vmov s2;
	v54 =	vor.u32 v17, v41;
	[tilespmem:s24+$0x470] =	vst v39;
	v55 =	vld.idx.msk [tilespmem:v49+s19+$0x0], $0xffff  }
0xb6: {  	v57 =	vor.u32 v17, v37;
	v33 =	vbroadcast v51, $0x0;
	v32 =	vand.u32 $0x1E, v53;
	v56 =	vld.idx.msk [tilespmem:v44+s19+$0x0], $0xffff  }
0xb7: {  	v46 =	vor.u32 v17, v38;
	v32 =	vbroadcast v32, $0x0  }
0xb8: {  	v45 =	vor.u32 v0, v33;
	[tilespmem:s24+$0x980] =	vst v34  }
0xb9: {  	s16 =	simm.s32 $0x7;
	s20 =	simm.s32 $0x4;
	v47 =	vor.u32 v0, v32;
	[tilespmem:s24+$0x880] =	vst v35;
	v43 =	vld.idx.msk [tilespmem:v52+s19+$0x0], $0xffff  }
0xba: {  	s22 =	simm.s32 $0x9;
	v58 =	vmov s16;
	v59 =	vmov s20;
	v49 =	vor.u32 v18, v40;
	[tilespmem:s24+$0x900] =	vst v55;
	v48 =	vld.idx.msk [tilespmem:v54+s19+$0x0], $0xffff  }
0xbb: {  	v60 =	vor.u32 v18, v41;
	v62 =	vmov s22;
	v34 =	vand.u32 $0x1F, v58;
	[tilespmem:s24+$0x800] =	vst v56;
	v61 =	vld.idx.msk [tilespmem:v57+s19+$0x0], $0xffff  }
0xbc: {  	v51 =	vor.u32 v18, v37;
	v36 =	vbroadcast v34, $0x0;
	v34 =	vand.u32 $0x1C, v59;
	v46 =	vld.idx.msk [tilespmem:v46+s19+$0x0], $0xffff  }
0xbd: {  	v50 =	vand.u32 $0x1D, v62;
	v56 =	vor.u32 v18, v38;
	v45 =	vld.idx.msk [tilespmem:v45+s19+$0x0], $0xffff;
	v35 =	vbroadcast v34, $0x0  }
0xbe: {  	v47 =	vld.idx.msk [tilespmem:v47+s19+$0x0], $0xffff;
	v34 =	vbroadcast v50, $0x0;
	v63 =	vor.u32 v0, v36;
	[tilespmem:s24+$0x990] =	vst v43  }
0xbf: {  	s16 =	simm.s32 $0x0;
	v57 =	vor.u32 v0, v35;
	[tilespmem:s24+$0x890] =	vst v48;
	v58 =	vld.idx.msk [tilespmem:v49+s19+$0x0], $0xffff  }
0xc0: {  	s0 =	smul.u32 $0x3000, s16;
	v59 =	vor.u32 v0, v34;
	[tilespmem:s24+$0x910] =	vst v61;
	v52 =	vld.idx.msk [tilespmem:v60+s19+$0x0], $0xffff  }
0xc1: {  	v54 =	vor.u32 v1, v33;
	[tilespmem:s24+$0x810] =	vst v46;
	v51 =	vld.idx.msk [tilespmem:v51+s19+$0x0], $0xffff  }
0xc2: {  	s0 =	sshra.s32 s0, $0x2;
	v61 =	vor.u32 v19, v40;
	v50 =	vld.idx.msk [tilespmem:v56+s19+$0x0], $0xffff  }
0xc3: {  	s22 =	sadd.s32 $0xE600, s0;
	v62 =	vor.u32 v19, v41;
	v60 =	vld.idx.msk [tilespmem:v63+s19+$0x0], $0xffff  }
0xc4: {  	[tilespmem:s22+$0x80] =	vst v45;
	v63 =	vor.u32 v1, v32;
	v43 =	vld.idx.msk [tilespmem:v57+s19+$0x0], $0xffff  }
0xc5: {  	v53 =	vor.u32 v1, v36;
	[tilespmem:s22+$0x100] =	vst v47;
	v39 =	vld.idx.msk [tilespmem:v59+s19+$0x0], $0xffff  }
0xc6: {  	v46 =	vor.u32 v19, v37;
	[tilespmem:s24+$0x9A0] =	vst v58;
	v58 =	vld.idx.msk [tilespmem:v54+s19+$0x0], $0xffff  }
0xc7: {  	v56 =	vor.u32 v1, v35;
	[tilespmem:s24+$0x8A0] =	vst v52;
	v44 =	vld.idx.msk [tilespmem:v61+s19+$0x0], $0xffff  }
0xc8: {  	[tilespmem:s24+$0x920] =	vst v51;
	v42 =	vld.idx.msk [tilespmem:v62+s19+$0x0], $0xffff;
	v62 =	vor.u32 v2, v33  }
0xc9: {  	v57 =	vor.u32 v20, v40;
	[tilespmem:s22+$0x180] =	vst v60;
	v60 =	vld.idx.msk [tilespmem:v63+s19+$0x0], $0xffff  }
0xca: {  	v59 =	vor.u32 v19, v38;
	[tilespmem:s24+$0x820] =	vst v50;
	v45 =	vld.idx.msk [tilespmem:v53+s19+$0x0], $0xffff  }
0xcb: {  	v63 =	vor.u32 v2, v32;
	v46 =	vld.idx.msk [tilespmem:v46+s19+$0x0], $0xffff;
	[tilespmem:s22+$0x0] =	vst v43  }
0xcc: {  	v61 =	vor.u32 v2, v36;
	v48 =	vld.idx.msk [tilespmem:v56+s19+$0x0], $0xffff;
	[tilespmem:s22+$0x90] =	vst v58  }
0xcd: {  	v56 =	vor.u32 v2, v35;
	[tilespmem:s24+$0x9B0] =	vst v44;
	v53 =	vld.idx.msk [tilespmem:v62+s19+$0x0], $0xffff  }
0xce: {  	[tilespmem:s22+$0x110] =	vst v60;
	v50 =	vld.idx.msk [tilespmem:v57+s19+$0x0], $0xffff;
	v57 =	vor.u32 v20, v41  }
0xcf: {  	v62 =	vor.u32 v3, v33;
	[tilespmem:s22+$0x190] =	vst v45;
	v45 =	vld.idx.msk [tilespmem:v59+s19+$0x0], $0xffff  }
0xd0: {  	v58 =	vor.u32 v21, v40;
	[tilespmem:s24+$0x8B0] =	vst v42;
	v60 =	vld.idx.msk [tilespmem:v63+s19+$0x0], $0xffff  }
0xd1: {  	v59 =	vor.u32 v20, v37;
	v49 =	vld.idx.msk [tilespmem:v61+s19+$0x0], $0xffff;
	[tilespmem:s22+$0x10] =	vst v48  }
0xd2: {  	[tilespmem:s24+$0x930] =	vst v46;
	v63 =	vor.u32 v3, v32;
	v44 =	vld.idx.msk [tilespmem:v56+s19+$0x0], $0xffff  }
0xd3: {  	v61 =	vor.u32 v3, v36;
	[tilespmem:s22+$0xA0] =	vst v53;
	v47 =	vld.idx.msk [tilespmem:v57+s19+$0x0], $0xffff  }
0xd4: {  	v56 =	vor.u32 v3, v35;
	[tilespmem:s24+$0x9C0] =	vst v50;
	v53 =	vld.idx.msk [tilespmem:v62+s19+$0x0], $0xffff  }
0xd5: {  	[tilespmem:s22+$0x120] =	vst v60;
	v57 =	vld.idx.msk [tilespmem:v58+s19+$0x0], $0xffff;
	v58 =	vor.u32 v20, v38  }
0xd6: {  	v43 =	vld.idx.msk [tilespmem:v59+s19+$0x0], $0xffff;
	v60 =	vor.u32 v21, v41;
	[tilespmem:s24+$0x830] =	vst v45  }
0xd7: {  	v62 =	vor.u32 v4, v33;
	[tilespmem:s22+$0x1A0] =	vst v49;
	v42 =	vld.idx.msk [tilespmem:v63+s19+$0x0], $0xffff  }
0xd8: {  	v59 =	vor.u32 v22, v40;
	v51 =	vld.idx.msk [tilespmem:v61+s19+$0x0], $0xffff;
	[tilespmem:s22+$0x20] =	vst v44  }
0xd9: {  	v63 =	vor.u32 v4, v32;
	v50 =	vld.idx.msk [tilespmem:v56+s19+$0x0], $0xffff;
	[tilespmem:s24+$0x8C0] =	vst v47  }
0xda: {  	v61 =	vor.u32 v4, v36;
	[tilespmem:s22+$0xB0] =	vst v53;
	v49 =	vld.idx.msk [tilespmem:v58+s19+$0x0], $0xffff  }
0xdb: {  	v56 =	vor.u32 v4, v35;
	[tilespmem:s24+$0x940] =	vst v43;
	v48 =	vld.idx.msk [tilespmem:v60+s19+$0x0], $0xffff  }
0xdc: {  	[tilespmem:s24+$0x9D0] =	vst v57;
	v58 =	vor.u32 v21, v37;
	v53 =	vld.idx.msk [tilespmem:v62+s19+$0x0], $0xffff  }
0xdd: {  	[tilespmem:s22+$0x130] =	vst v42;
	v60 =	vor.u32 v21, v38;
	v57 =	vld.idx.msk [tilespmem:v59+s19+$0x0], $0xffff  }
0xde: {  	v62 =	vor.u32 v5, v33;
	[tilespmem:s22+$0x1B0] =	vst v51;
	v45 =	vld.idx.msk [tilespmem:v63+s19+$0x0], $0xffff  }
0xdf: {  	v59 =	vor.u32 v23, v40;
	v44 =	vld.idx.msk [tilespmem:v61+s19+$0x0], $0xffff;
	[tilespmem:s22+$0x30] =	vst v50  }
0xe0: {  	v63 =	vor.u32 v5, v32;
	v46 =	vld.idx.msk [tilespmem:v56+s19+$0x0], $0xffff;
	[tilespmem:s24+$0x840] =	vst v49  }
0xe1: {  	v61 =	vor.u32 v5, v36;
	v51 =	vld.idx.msk [tilespmem:v58+s19+$0x0], $0xffff;
	[tilespmem:s22+$0xC0] =	vst v53  }
0xe2: {  	v56 =	vor.u32 v5, v35;
	[tilespmem:s24+$0x8D0] =	vst v48;
	v42 =	vld.idx.msk [tilespmem:v60+s19+$0x0], $0xffff  }
0xe3: {  	v58 =	vor.u32 v22, v41;
	[tilespmem:s24+$0x9E0] =	vst v57;
	v53 =	vld.idx.msk [tilespmem:v62+s19+$0x0], $0xffff  }
0xe4: {  	[tilespmem:s22+$0x140] =	vst v45;
	v60 =	vor.u32 v22, v37;
	v57 =	vld.idx.msk [tilespmem:v59+s19+$0x0], $0xffff  }
0xe5: {  	v62 =	vor.u32 v6, v33;
	[tilespmem:s22+$0x1C0] =	vst v44;
	v43 =	vld.idx.msk [tilespmem:v63+s19+$0x0], $0xffff  }
0xe6: {  	v59 =	vor.u32 v24, v40;
	v50 =	vld.idx.msk [tilespmem:v61+s19+$0x0], $0xffff;
	[tilespmem:s22+$0x40] =	vst v46  }
0xe7: {  	v63 =	vor.u32 v6, v32;
	v47 =	vld.idx.msk [tilespmem:v56+s19+$0x0], $0xffff;
	[tilespmem:s24+$0x950] =	vst v51  }
0xe8: {  	v61 =	vor.u32 v6, v36;
	v44 =	vld.idx.msk [tilespmem:v58+s19+$0x0], $0xffff;
	[tilespmem:s22+$0xD0] =	vst v53  }
0xe9: {  	v56 =	vor.u32 v6, v35;
	v45 =	vld.idx.msk [tilespmem:v60+s19+$0x0], $0xffff;
	[tilespmem:s24+$0x850] =	vst v42  }
0xea: {  	[tilespmem:s24+$0x9F0] =	vst v57;
	v57 =	vor.u32 v22, v38;
	v53 =	vld.idx.msk [tilespmem:v62+s19+$0x0], $0xffff  }
0xeb: {  	[tilespmem:s22+$0x150] =	vst v43;
	v51 =	vld.idx.msk [tilespmem:v59+s19+$0x0], $0xffff;
	v59 =	vor.u32 v23, v41  }
0xec: {  	v62 =	vor.u32 v7, v33;
	[tilespmem:s22+$0x1D0] =	vst v50;
	v60 =	vld.idx.msk [tilespmem:v63+s19+$0x0], $0xffff  }
0xed: {  	v58 =	vor.u32 v25, v40;
	v46 =	vld.idx.msk [tilespmem:v61+s19+$0x0], $0xffff;
	[tilespmem:s22+$0x50] =	vst v47  }
0xee: {  	v63 =	vor.u32 v7, v32;
	v49 =	vld.idx.msk [tilespmem:v56+s19+$0x0], $0xffff;
	[tilespmem:s24+$0x8E0] =	vst v44  }
0xef: {  	v61 =	vor.u32 v7, v36;
	v50 =	vld.idx.msk [tilespmem:v57+s19+$0x0], $0xffff;
	[tilespmem:s22+$0xE0] =	vst v53  }
0xf0: {  	v56 =	vor.u32 v7, v35;
	[tilespmem:s24+$0xD80] =	vst v51;
	v43 =	vld.idx.msk [tilespmem:v59+s19+$0x0], $0xffff  }
0xf1: {  	v53 =	vld.idx.msk [tilespmem:v62+s19+$0x0], $0xffff;
	[tilespmem:s22+$0x160] =	vst v60;
	v60 =	vor.u32 v23, v38  }
0xf2: {  	[tilespmem:s24+$0x960] =	vst v45;
	v57 =	vld.idx.msk [tilespmem:v58+s19+$0x0], $0xffff;
	v58 =	vor.u32 v23, v37  }
0xf3: {  	v62 =	vor.u32 v8, v33;
	[tilespmem:s22+$0x1E0] =	vst v46;
	v42 =	vld.idx.msk [tilespmem:v63+s19+$0x0], $0xffff  }
0xf4: {  	v59 =	vor.u32 v26, v40;
	v48 =	vld.idx.msk [tilespmem:v61+s19+$0x0], $0xffff;
	[tilespmem:s22+$0x60] =	vst v49  }
0xf5: {  	v63 =	vor.u32 v8, v32;
	v51 =	vld.idx.msk [tilespmem:v56+s19+$0x0], $0xffff;
	[tilespmem:s24+$0x860] =	vst v50  }
0xf6: {  	v61 =	vor.u32 v8, v36;
	v47 =	vld.idx.msk [tilespmem:v60+s19+$0x0], $0xffff;
	[tilespmem:s22+$0xF0] =	vst v53  }
0xf7: {  	v56 =	vor.u32 v8, v35;
	[tilespmem:s24+$0x8F0] =	vst v43;
	v46 =	vld.idx.msk [tilespmem:v58+s19+$0x0], $0xffff  }
0xf8: {  	[tilespmem:s24+$0xD90] =	vst v57;
	v58 =	vor.u32 v24, v41;
	v53 =	vld.idx.msk [tilespmem:v62+s19+$0x0], $0xffff  }
0xf9: {  	v60 =	vor.u32 v24, v37;
	[tilespmem:s22+$0x170] =	vst v42;
	v57 =	vld.idx.msk [tilespmem:v59+s19+$0x0], $0xffff  }
0xfa: {  	v62 =	vor.u32 v9, v33;
	[tilespmem:s22+$0x1F0] =	vst v48;
	v45 =	vld.idx.msk [tilespmem:v63+s19+$0x0], $0xffff  }
0xfb: {  	v59 =	vor.u32 v27, v40;
	v49 =	vld.idx.msk [tilespmem:v61+s19+$0x0], $0xffff;
	[tilespmem:s22+$0x70] =	vst v51  }
0xfc: {  	v63 =	vor.u32 v9, v32;
	v44 =	vld.idx.msk [tilespmem:v56+s19+$0x0], $0xffff;
	[tilespmem:s24+$0x870] =	vst v47  }
0xfd: {  	v61 =	vor.u32 v9, v36;
	v48 =	vld.idx.msk [tilespmem:v58+s19+$0x0], $0xffff;
	[tilespmem:s24+$0x970] =	vst v46  }
0xfe: {  	v56 =	vor.u32 v9, v35;
	[tilespmem:s22+$0x480] =	vst v53;
	v42 =	vld.idx.msk [tilespmem:v60+s19+$0x0], $0xffff  }
0xff: {  	v58 =	vor.u32 v24, v38;
	[tilespmem:s24+$0xDA0] =	vst v57;
	v53 =	vld.idx.msk [tilespmem:v62+s19+$0x0], $0xffff  }
0x100: {  	[tilespmem:s22+$0x500] =	vst v45;
	v60 =	vor.u32 v25, v41;
	v57 =	vld.idx.msk [tilespmem:v59+s19+$0x0], $0xffff  }
0x101: {  	v62 =	vor.u32 v10, v33;
	[tilespmem:s22+$0x580] =	vst v49;
	v43 =	vld.idx.msk [tilespmem:v63+s19+$0x0], $0xffff  }
0x102: {  	v59 =	vor.u32 v28, v40;
	v51 =	vld.idx.msk [tilespmem:v61+s19+$0x0], $0xffff;
	[tilespmem:s22+$0x400] =	vst v44  }
0x103: {  	v63 =	vor.u32 v10, v32;
	v50 =	vld.idx.msk [tilespmem:v56+s19+$0x0], $0xffff;
	[tilespmem:s24+$0xC80] =	vst v48  }
0x104: {  	v61 =	vor.u32 v10, v36;
	v49 =	vld.idx.msk [tilespmem:v58+s19+$0x0], $0xffff;
	[tilespmem:s22+$0x490] =	vst v53  }
0x105: {  	v56 =	vor.u32 v10, v35;
	v45 =	vld.idx.msk [tilespmem:v60+s19+$0x0], $0xffff;
	[tilespmem:s24+$0xD00] =	vst v42  }
0x106: {  	v58 =	vor.u32 v25, v37;
	[tilespmem:s24+$0xDB0] =	vst v57;
	v53 =	vld.idx.msk [tilespmem:v62+s19+$0x0], $0xffff  }
0x107: {  	v60 =	vor.u32 v25, v38;
	[tilespmem:s22+$0x510] =	vst v43;
	v57 =	vld.idx.msk [tilespmem:v59+s19+$0x0], $0xffff  }
0x108: {  	v62 =	vor.u32 v11, v33;
	[tilespmem:s22+$0x590] =	vst v51;
	v47 =	vld.idx.msk [tilespmem:v63+s19+$0x0], $0xffff  }
0x109: {  	v59 =	vor.u32 v29, v40;
	v44 =	vld.idx.msk [tilespmem:v61+s19+$0x0], $0xffff;
	[tilespmem:s22+$0x410] =	vst v50  }
0x10a: {  	v63 =	vor.u32 v11, v32;
	v46 =	vld.idx.msk [tilespmem:v56+s19+$0x0], $0xffff;
	[tilespmem:s24+$0xC00] =	vst v49  }
0x10b: {  	v61 =	vor.u32 v11, v36;
	v51 =	vld.idx.msk [tilespmem:v58+s19+$0x0], $0xffff;
	[tilespmem:s24+$0xC90] =	vst v45  }
0x10c: {  	v58 =	vor.u32 v26, v41;
	v43 =	vld.idx.msk [tilespmem:v60+s19+$0x0], $0xffff;
	[tilespmem:s22+$0x4A0] =	vst v53  }
0x10d: {  	v56 =	vor.u32 v11, v35;
	[tilespmem:s24+$0xDC0] =	vst v57;
	v53 =	vld.idx.msk [tilespmem:v62+s19+$0x0], $0xffff  }
0x10e: {  	v60 =	vor.u32 v26, v37;
	[tilespmem:s22+$0x520] =	vst v47;
	v57 =	vld.idx.msk [tilespmem:v59+s19+$0x0], $0xffff  }
0x10f: {  	v62 =	vor.u32 v12, v33;
	[tilespmem:s22+$0x5A0] =	vst v44;
	v42 =	vld.idx.msk [tilespmem:v63+s19+$0x0], $0xffff  }
0x110: {  	v59 =	vor.u32 v30, v40;
	v50 =	vld.idx.msk [tilespmem:v61+s19+$0x0], $0xffff;
	[tilespmem:s22+$0x420] =	vst v46  }
0x111: {  	v63 =	vor.u32 v12, v32;
	v44 =	vld.idx.msk [tilespmem:v58+s19+$0x0], $0xffff;
	[tilespmem:s24+$0xD10] =	vst v51  }
0x112: {  	v61 =	vor.u32 v12, v36;
	v48 =	vld.idx.msk [tilespmem:v56+s19+$0x0], $0xffff;
	[tilespmem:s24+$0xC10] =	vst v43  }
0x113: {  	v58 =	vor.u32 v26, v38;
	v47 =	vld.idx.msk [tilespmem:v60+s19+$0x0], $0xffff;
	[tilespmem:s22+$0x4B0] =	vst v53  }
0x114: {  	v56 =	vor.u32 v12, v35;
	[tilespmem:s24+$0xDD0] =	vst v57;
	v53 =	vld.idx.msk [tilespmem:v62+s19+$0x0], $0xffff  }
0x115: {  	s20 =	simm.s32 $0xA;
	v60 =	vor.u32 v27, v41;
	[tilespmem:s22+$0x530] =	vst v42;
	v57 =	vld.idx.msk [tilespmem:v59+s19+$0x0], $0xffff  }
0x116: {  	v62 =	vmov s20;
	[tilespmem:s22+$0x5B0] =	vst v50;
	v45 =	vld.idx.msk [tilespmem:v63+s19+$0x0], $0xffff;
	v63 =	vor.u32 v13, v33  }
0x117: {  	v59 =	vor.u32 v31, v40;
	v40 =	vand.u32 $0x1E, v62;
	[tilespmem:s24+$0xCA0] =	vst v44;
	v46 =	vld.idx.msk [tilespmem:v61+s19+$0x0], $0xffff  }
0x118: {  	v50 =	vld.idx.msk [tilespmem:v58+s19+$0x0], $0xffff;
	[tilespmem:s22+$0x430] =	vst v48;
	v61 =	vor.u32 v13, v36;
	v40 =	vbroadcast v40, $0x0  }
0x119: {  	[tilespmem:s24+$0xD20] =	vst v47;
	v49 =	vld.idx.msk [tilespmem:v56+s19+$0x0], $0xffff;
	v56 =	vor.u32 v13, v32  }
0x11a: {  	v42 =	vld.idx.msk [tilespmem:v60+s19+$0x0], $0xffff;
	v60 =	vor.u32 v0, v40;
	[tilespmem:s22+$0x4C0] =	vst v53  }
0x11b: {  	[tilespmem:s24+$0xDE0] =	vst v57;
	v57 =	vor.u32 v13, v35;
	v53 =	vld.idx.msk [tilespmem:v63+s19+$0x0], $0xffff  }
0x11c: {  	v58 =	vld.idx.msk [tilespmem:v59+s19+$0x0], $0xffff;
	[tilespmem:s22+$0x5C0] =	vst v46;
	v59 =	vor.u32 v27, v37  }
0x11d: {  	v55 =	vor.u32 v14, v33;
	[tilespmem:s22+$0x540] =	vst v45;
	v48 =	vld.idx.msk [tilespmem:v61+s19+$0x0], $0xffff  }
0x11e: {  	[tilespmem:s24+$0xC20] =	vst v50;
	v61 =	vor.u32 v27, v38;
	v62 =	vld.idx.msk [tilespmem:v56+s19+$0x0], $0xffff  }
0x11f: {  	v63 =	vor.u32 v14, v36;
	[tilespmem:s22+$0x440] =	vst v49;
	v43 =	vld.idx.msk [tilespmem:v60+s19+$0x0], $0xffff  }
0x120: {  	[tilespmem:s24+$0xCB0] =	vst v42;
	v56 =	vor.u32 v14, v32;
	v51 =	vld.idx.msk [tilespmem:v57+s19+$0x0], $0xffff  }
0x121: {  	v57 =	vor.u32 v14, v35;
	[tilespmem:s22+$0x4D0] =	vst v53;
	v46 =	vld.idx.msk [tilespmem:v59+s19+$0x0], $0xffff  }
0x122: {  	[tilespmem:s24+$0xDF0] =	vst v58;
	v58 =	vor.u32 v28, v41;
	v53 =	vld.idx.msk [tilespmem:v55+s19+$0x0], $0xffff  }
0x123: {  	v60 =	vor.u32 v28, v37;
	[tilespmem:s22+$0x5D0] =	vst v48;
	v45 =	vld.idx.msk [tilespmem:v61+s19+$0x0], $0xffff  }
0x124: {  	[tilespmem:s22+$0x550] =	vst v62;
	v61 =	vor.u32 v28, v38;
	v59 =	vld.idx.msk [tilespmem:v63+s19+$0x0], $0xffff  }
0x125: {  	v47 =	vld.idx.msk [tilespmem:v56+s19+$0x0], $0xffff;
	v63 =	vor.u32 v15, v33;
	[tilespmem:s22+$0x450] =	vst v51  }
0x126: {  	v62 =	vor.u32 v15, v36;
	v44 =	vld.idx.msk [tilespmem:v57+s19+$0x0], $0xffff;
	[tilespmem:s24+$0xD30] =	vst v46  }
0x127: {  	v56 =	vor.u32 v15, v32;
	v48 =	vld.idx.msk [tilespmem:v58+s19+$0x0], $0xffff;
	[tilespmem:s22+$0x4E0] =	vst v53  }
0x128: {  	v57 =	vor.u32 v15, v35;
	[tilespmem:s24+$0xC30] =	vst v45;
	v58 =	vld.idx.msk [tilespmem:v60+s19+$0x0], $0xffff  }
0x129: {  	[tilespmem:s22+$0x5E0] =	vst v59;
	v49 =	vld.idx.msk [tilespmem:v61+s19+$0x0], $0xffff;
	v59 =	vor.u32 v29, v41  }
0x12a: {  	v60 =	vor.u32 v29, v37;
	v53 =	vld.idx.msk [tilespmem:v63+s19+$0x0], $0xffff  }
0x12b: {  	[tilespmem:s22+$0x560] =	vst v47;
	v61 =	vor.u32 v29, v38;
	v51 =	vld.idx.msk [tilespmem:v62+s19+$0x0], $0xffff  }
0x12c: {  	v42 =	vld.idx.msk [tilespmem:v56+s19+$0x0], $0xffff;
	v62 =	vor.u32 v16, v36;
	[tilespmem:s22+$0x460] =	vst v44  }
0x12d: {  	v63 =	vor.u32 v16, v33;
	[tilespmem:s24+$0xCC0] =	vst v48;
	v46 =	vld.idx.msk [tilespmem:v57+s19+$0x0], $0xffff  }
0x12e: {  	v48 =	vor.u32 v16, v32;
	[tilespmem:s24+$0xD40] =	vst v58;
	v50 =	vld.idx.msk [tilespmem:v59+s19+$0x0], $0xffff  }
0x12f: {  	v57 =	vor.u32 v16, v35;
	[tilespmem:s24+$0xC40] =	vst v49;
	v58 =	vld.idx.msk [tilespmem:v60+s19+$0x0], $0xffff  }
0x130: {  	v60 =	vor.u32 v30, v41;
	[tilespmem:s22+$0x5F0] =	vst v51;
	v59 =	vld.idx.msk [tilespmem:v61+s19+$0x0], $0xffff  }
0x131: {  	[tilespmem:s22+$0x4F0] =	vst v53;
	v61 =	vld.idx.msk [tilespmem:v62+s19+$0x0], $0xffff;
	v62 =	vor.u32 v30, v37  }
0x132: {  	v52 =	vld.idx.msk [tilespmem:v63+s19+$0x0], $0xffff;
	[tilespmem:s22+$0x570] =	vst v42;
	v63 =	vor.u32 v30, v38  }
0x133: {  	v54 =	vor.u32 v17, v36;
	v51 =	vld.idx.msk [tilespmem:v48+s19+$0x0], $0xffff;
	[tilespmem:s22+$0x470] =	vst v46  }
0x134: {  	v48 =	vld.idx.msk [tilespmem:v57+s19+$0x0], $0xffff;
	[tilespmem:s24+$0xCD0] =	vst v50;
	v50 =	vor.u32 v17, v33  }
0x135: {  	v46 =	vor.u32 v17, v32;
	[tilespmem:s24+$0xD50] =	vst v58;
	v47 =	vld.idx.msk [tilespmem:v60+s19+$0x0], $0xffff  }
0x136: {  	s28 =	simm.s32 $0x8;
	s30 =	simm.s32 $0xC;
	v44 =	vor.u32 v17, v35;
	[tilespmem:s24+$0xC50] =	vst v59;
	v49 =	vld.idx.msk [tilespmem:v62+s19+$0x0], $0xffff  }
0x137: {  	s2 =	simm.s32 $0xE600;
	s0 =	simm.s32 $0xB;
	s20 =	sshll.u32 s17, $0xA;
	v45 =	vor.u32 v31, v41;
	[tilespmem:s22+$0x980] =	vst v61;
	v53 =	vld.idx.msk [tilespmem:v63+s19+$0x0], $0xffff  }
.LBB2_3:
0x138: {  	p1 =	slt.u32 s30, $0x1C;
	v41 =	vmov s0;
	[tilespmem:s22+$0x880] =	vst v52;
	v42 =	vld.idx.msk [tilespmem:v54+s19+$0x0], $0xffff;
	v52 =	vor.u32 v31, v37;
	v37 =	vmovc v32;
	v32 =	vmov v40  }
0x139: {  	v40 =	vand.u32 $0x1F, v41;
	v50 =	vld.idx.msk [tilespmem:v50+s19+$0x0], $0xffff;
	[tilespmem:s22+$0x900] =	vst v51;
	v51 =	vor.u32 v31, v38;
	v38 =	vmov v35  }
0x13a: {  	v40 =	vbroadcast v40, $0x0;
	[tilespmem:s22+$0x800] =	vst v48;
	v46 =	vld.idx.msk [tilespmem:v46+s19+$0x0], $0xffff;
	v48 =	vor.u32 v18, v36  }
0x13b: {  	s0 =	sadd.s32 $0x1, s30;
	v54 =	vor.u32 v18, v33;
	v35 =	vmov s28;
	v44 =	vld.idx.msk [tilespmem:v44+s19+$0x0], $0xffff;
	[tilespmem:s24+$0xCE0] =	vst v47  }
0x13c: {  	v41 =	vmov s0;
	v35 =	vand.u32 $0x1C, v35;
	v47 =	vor.u32 v0, v40;
	v45 =	vld.idx.msk [tilespmem:v45+s19+$0x0], $0xffff;
	[tilespmem:s24+$0xD60] =	vst v49  }
0x13d: {  	v41 =	vand.u32 $0x1D, v41;
	v35 =	vbroadcast v35, $0x0;
	v49 =	vor.u32 v18, v37;
	[tilespmem:s24+$0xC60] =	vst v53;
	v52 =	vld.idx.msk [tilespmem:v52+s19+$0x0], $0xffff  }
0x13e: {  	v41 =	vbroadcast v41, $0x0;
	v53 =	vor.u32 v18, v38;
	[tilespmem:s22+$0x990] =	vst v42;
	v42 =	vld.idx.msk [tilespmem:v51+s19+$0x0], $0xffff  }
0x13f: {  	v51 =	vor.u32 v0, v35;
	[tilespmem:s22+$0x890] =	vst v50;
	v48 =	vld.idx.msk [tilespmem:v48+s19+$0x0], $0xffff  }
0x140: {  	v50 =	vor.u32 v0, v41;
	v54 =	vld.idx.msk [tilespmem:v54+s19+$0x0], $0xffff;
	[tilespmem:s22+$0x910] =	vst v46  }
0x141: {  	v46 =	vld.idx.msk [tilespmem:v47+s19+$0x0], $0xffff;
	[tilespmem:s22+$0x810] =	vst v44;
	v44 =	vor.u32 v19, v36  }
0x142: {  	s0 =	sshrl.u32 s28, $0x3;
	s28 =	smov.u32 s30;
	v47 =	vor.u32 v19, v33;
	v49 =	vld.idx.msk [tilespmem:v49+s19+$0x0], $0xffff;
	[tilespmem:s24+$0xCF0] =	vst v45  }
0x143: {  	s0 =	smul.u32 $0x3000, s0;
	v45 =	vor.u32 v1, v40;
	v53 =	vld.idx.msk [tilespmem:v53+s19+$0x0], $0xffff;
	[tilespmem:s24+$0xD70] =	vst v52  }
0x144: {  	v52 =	vor.u32 v1, v34;
	v51 =	vld.idx.msk [tilespmem:v51+s19+$0x0], $0xffff;
	[tilespmem:s24+$0xC70] =	vst v42;
	s24 =	smov.u32 s22  }
0x145: {  	s2 =	sadd.s32 $0x200, s2;
	s0 =	sshra.s32 s0, $0x2;
	v42 =	vld.idx.msk [tilespmem:v50+s19+$0x0], $0xffff;
	v50 =	vor.u32 v1, v32;
	[tilespmem:s24+$0x9A0] =	vst v48  }
0x146: {  	s22 =	sadd.s32 s0, s2;
	v48 =	vor.u32 v1, v35;
	[tilespmem:s24+$0x8A0] =	vst v54;
	v44 =	vld.idx.msk [tilespmem:v44+s19+$0x0], $0xffff  }
0x147: {  	[tilespmem:s22+$0x180] =	vst v46;
	v46 =	vld.idx.msk [tilespmem:v47+s19+$0x0], $0xffff;
	v47 =	vor.u32 v19, v37  }
0x148: {  	v54 =	vor.u32 v20, v36;
	[tilespmem:s22+$0x80] =	vst v39;
	v45 =	vld.idx.msk [tilespmem:v45+s19+$0x0], $0xffff  }
0x149: {  	v52 =	vld.idx.msk [tilespmem:v52+s19+$0x0], $0xffff;
	[tilespmem:s22+$0x100] =	vst v43;
	v43 =	vor.u32 v19, v38  }
0x14a: {  	[tilespmem:s22+$0x0] =	vst v51;
	v50 =	vld.idx.msk [tilespmem:v50+s19+$0x0], $0xffff;
	v51 =	vor.u32 v2, v40  }
0x14b: {  	v55 =	vor.u32 v2, v34;
	v39 =	vmov v42;
	v48 =	vld.idx.msk [tilespmem:v48+s19+$0x0], $0xffff;
	[tilespmem:s24+$0x920] =	vst v49  }
0x14c: {  	v42 =	vor.u32 v2, v32;
	v47 =	vld.idx.msk [tilespmem:v47+s19+$0x0], $0xffff;
	[tilespmem:s24+$0x9B0] =	vst v44  }
0x14d: {  	v44 =	vor.u32 v2, v35;
	[tilespmem:s24+$0x820] =	vst v53;
	v49 =	vld.idx.msk [tilespmem:v54+s19+$0x0], $0xffff  }
0x14e: {  	[tilespmem:s22+$0x190] =	vst v45;
	v43 =	vld.idx.msk [tilespmem:v43+s19+$0x0], $0xffff;
	v45 =	vor.u32 v20, v33  }
0x14f: {  	[tilespmem:s22+$0x90] =	vst v52;
	v51 =	vld.idx.msk [tilespmem:v51+s19+$0x0], $0xffff;
	v52 =	vor.u32 v21, v36  }
0x150: {  	v53 =	vld.idx.msk [tilespmem:v55+s19+$0x0], $0xffff;
	[tilespmem:s22+$0x110] =	vst v50;
	v50 =	vor.u32 v20, v37  }
0x151: {  	[tilespmem:s22+$0x10] =	vst v48;
	v42 =	vld.idx.msk [tilespmem:v42+s19+$0x0], $0xffff;
	v48 =	vor.u32 v3, v40  }
0x152: {  	v54 =	vor.u32 v3, v34;
	v44 =	vld.idx.msk [tilespmem:v44+s19+$0x0], $0xffff;
	[tilespmem:s24+$0x8B0] =	vst v46  }
0x153: {  	v46 =	vor.u32 v3, v32;
	v45 =	vld.idx.msk [tilespmem:v45+s19+$0x0], $0xffff;
	[tilespmem:s24+$0x9C0] =	vst v49  }
0x154: {  	v49 =	vor.u32 v3, v35;
	[tilespmem:s24+$0x930] =	vst v47;
	v47 =	vld.idx.msk [tilespmem:v52+s19+$0x0], $0xffff  }
0x155: {  	[tilespmem:s22+$0x1A0] =	vst v51;
	v51 =	vor.u32 v20, v38;
	v50 =	vld.idx.msk [tilespmem:v50+s19+$0x0], $0xffff  }
0x156: {  	v52 =	vor.u32 v22, v36;
	[tilespmem:s22+$0xA0] =	vst v53;
	v48 =	vld.idx.msk [tilespmem:v48+s19+$0x0], $0xffff  }
0x157: {  	v53 =	vld.idx.msk [tilespmem:v54+s19+$0x0], $0xffff;
	[tilespmem:s22+$0x120] =	vst v42;
	v42 =	vor.u32 v21, v33  }
0x158: {  	[tilespmem:s22+$0x20] =	vst v44;
	v44 =	vld.idx.msk [tilespmem:v46+s19+$0x0], $0xffff;
	v46 =	vor.u32 v4, v40  }
0x159: {  	v54 =	vor.u32 v4, v34;
	v49 =	vld.idx.msk [tilespmem:v49+s19+$0x0], $0xffff;
	[tilespmem:s24+$0x830] =	vst v43  }
0x15a: {  	v43 =	vor.u32 v4, v32;
	v51 =	vld.idx.msk [tilespmem:v51+s19+$0x0], $0xffff;
	[tilespmem:s24+$0x9D0] =	vst v47  }
0x15b: {  	v47 =	vor.u32 v4, v35;
	[tilespmem:s24+$0x8C0] =	vst v45;
	v45 =	vld.idx.msk [tilespmem:v52+s19+$0x0], $0xffff  }
0x15c: {  	[tilespmem:s22+$0x1B0] =	vst v48;
	v42 =	vld.idx.msk [tilespmem:v42+s19+$0x0], $0xffff;
	v48 =	vor.u32 v21, v37  }
0x15d: {  	v52 =	vor.u32 v23, v36;
	[tilespmem:s22+$0xB0] =	vst v53;
	v46 =	vld.idx.msk [tilespmem:v46+s19+$0x0], $0xffff  }
0x15e: {  	v53 =	vld.idx.msk [tilespmem:v54+s19+$0x0], $0xffff;
	[tilespmem:s22+$0x130] =	vst v44;
	v44 =	vor.u32 v21, v38  }
0x15f: {  	[tilespmem:s22+$0x30] =	vst v49;
	v43 =	vld.idx.msk [tilespmem:v43+s19+$0x0], $0xffff;
	v49 =	vor.u32 v5, v40  }
0x160: {  	v54 =	vor.u32 v5, v34;
	v47 =	vld.idx.msk [tilespmem:v47+s19+$0x0], $0xffff;
	[tilespmem:s24+$0x940] =	vst v50  }
0x161: {  	v50 =	vor.u32 v5, v32;
	v48 =	vld.idx.msk [tilespmem:v48+s19+$0x0], $0xffff;
	[tilespmem:s24+$0x9E0] =	vst v45  }
0x162: {  	v45 =	vor.u32 v5, v35;
	[tilespmem:s24+$0x840] =	vst v51;
	v51 =	vld.idx.msk [tilespmem:v52+s19+$0x0], $0xffff  }
0x163: {  	[tilespmem:s22+$0x1C0] =	vst v46;
	v44 =	vld.idx.msk [tilespmem:v44+s19+$0x0], $0xffff;
	v46 =	vor.u32 v22, v33  }
0x164: {  	v52 =	vor.u32 v24, v36;
	[tilespmem:s22+$0xC0] =	vst v53;
	v49 =	vld.idx.msk [tilespmem:v49+s19+$0x0], $0xffff  }
0x165: {  	v53 =	vld.idx.msk [tilespmem:v54+s19+$0x0], $0xffff;
	[tilespmem:s22+$0x140] =	vst v43;
	v43 =	vor.u32 v22, v37  }
0x166: {  	[tilespmem:s22+$0x40] =	vst v47;
	v47 =	vld.idx.msk [tilespmem:v50+s19+$0x0], $0xffff;
	v50 =	vor.u32 v6, v40  }
0x167: {  	v54 =	vor.u32 v6, v34;
	v45 =	vld.idx.msk [tilespmem:v45+s19+$0x0], $0xffff;
	[tilespmem:s24+$0x8D0] =	vst v42  }
0x168: {  	v42 =	vor.u32 v6, v32;
	v46 =	vld.idx.msk [tilespmem:v46+s19+$0x0], $0xffff;
	[tilespmem:s24+$0x9F0] =	vst v51  }
0x169: {  	v51 =	vor.u32 v6, v35;
	[tilespmem:s24+$0x950] =	vst v48;
	v48 =	vld.idx.msk [tilespmem:v52+s19+$0x0], $0xffff  }
0x16a: {  	[tilespmem:s22+$0x1D0] =	vst v49;
	v49 =	vor.u32 v22, v38;
	v43 =	vld.idx.msk [tilespmem:v43+s19+$0x0], $0xffff  }
0x16b: {  	v52 =	vor.u32 v25, v36;
	[tilespmem:s22+$0xD0] =	vst v53;
	v50 =	vld.idx.msk [tilespmem:v50+s19+$0x0], $0xffff  }
0x16c: {  	v53 =	vld.idx.msk [tilespmem:v54+s19+$0x0], $0xffff;
	[tilespmem:s22+$0x150] =	vst v47;
	v47 =	vor.u32 v23, v33  }
0x16d: {  	[tilespmem:s22+$0x50] =	vst v45;
	v42 =	vld.idx.msk [tilespmem:v42+s19+$0x0], $0xffff;
	v45 =	vor.u32 v7, v40  }
0x16e: {  	v54 =	vor.u32 v7, v34;
	v51 =	vld.idx.msk [tilespmem:v51+s19+$0x0], $0xffff;
	[tilespmem:s24+$0x850] =	vst v44  }
0x16f: {  	v44 =	vor.u32 v7, v32;
	v49 =	vld.idx.msk [tilespmem:v49+s19+$0x0], $0xffff;
	[tilespmem:s24+$0xD80] =	vst v48  }
0x170: {  	v48 =	vor.u32 v7, v35;
	[tilespmem:s24+$0x8E0] =	vst v46;
	v46 =	vld.idx.msk [tilespmem:v52+s19+$0x0], $0xffff  }
0x171: {  	[tilespmem:s22+$0x1E0] =	vst v50;
	v47 =	vld.idx.msk [tilespmem:v47+s19+$0x0], $0xffff;
	v50 =	vor.u32 v23, v37  }
0x172: {  	v52 =	vor.u32 v26, v36;
	[tilespmem:s22+$0xE0] =	vst v53;
	v45 =	vld.idx.msk [tilespmem:v45+s19+$0x0], $0xffff  }
0x173: {  	v53 =	vld.idx.msk [tilespmem:v54+s19+$0x0], $0xffff;
	[tilespmem:s22+$0x160] =	vst v42;
	v42 =	vor.u32 v23, v38  }
0x174: {  	[tilespmem:s22+$0x60] =	vst v51;
	v44 =	vld.idx.msk [tilespmem:v44+s19+$0x0], $0xffff;
	v51 =	vor.u32 v8, v40  }
0x175: {  	v54 =	vor.u32 v8, v34;
	v48 =	vld.idx.msk [tilespmem:v48+s19+$0x0], $0xffff;
	[tilespmem:s24+$0x960] =	vst v43  }
0x176: {  	v43 =	vor.u32 v8, v32;
	v50 =	vld.idx.msk [tilespmem:v50+s19+$0x0], $0xffff;
	[tilespmem:s24+$0xD90] =	vst v46  }
0x177: {  	v46 =	vor.u32 v8, v35;
	[tilespmem:s24+$0x860] =	vst v49;
	v49 =	vld.idx.msk [tilespmem:v52+s19+$0x0], $0xffff  }
0x178: {  	[tilespmem:s22+$0x1F0] =	vst v45;
	v42 =	vld.idx.msk [tilespmem:v42+s19+$0x0], $0xffff;
	v45 =	vor.u32 v24, v33  }
0x179: {  	v52 =	vor.u32 v27, v36;
	[tilespmem:s22+$0xF0] =	vst v53;
	v51 =	vld.idx.msk [tilespmem:v51+s19+$0x0], $0xffff  }
0x17a: {  	v53 =	vld.idx.msk [tilespmem:v54+s19+$0x0], $0xffff;
	[tilespmem:s22+$0x170] =	vst v44;
	v44 =	vor.u32 v24, v37  }
0x17b: {  	[tilespmem:s22+$0x70] =	vst v48;
	v43 =	vld.idx.msk [tilespmem:v43+s19+$0x0], $0xffff;
	v48 =	vor.u32 v9, v40  }
0x17c: {  	v54 =	vor.u32 v9, v34;
	v46 =	vld.idx.msk [tilespmem:v46+s19+$0x0], $0xffff;
	[tilespmem:s24+$0x8F0] =	vst v47  }
0x17d: {  	v47 =	vor.u32 v9, v32;
	v45 =	vld.idx.msk [tilespmem:v45+s19+$0x0], $0xffff;
	[tilespmem:s24+$0xDA0] =	vst v49  }
0x17e: {  	v49 =	vor.u32 v9, v35;
	[tilespmem:s24+$0x970] =	vst v50;
	v50 =	vld.idx.msk [tilespmem:v52+s19+$0x0], $0xffff  }
0x17f: {  	[tilespmem:s22+$0x580] =	vst v51;
	v51 =	vor.u32 v24, v38;
	v44 =	vld.idx.msk [tilespmem:v44+s19+$0x0], $0xffff  }
0x180: {  	v52 =	vor.u32 v28, v36;
	[tilespmem:s22+$0x480] =	vst v53;
	v48 =	vld.idx.msk [tilespmem:v48+s19+$0x0], $0xffff  }
0x181: {  	v53 =	vld.idx.msk [tilespmem:v54+s19+$0x0], $0xffff;
	[tilespmem:s22+$0x500] =	vst v43;
	v43 =	vor.u32 v25, v33  }
0x182: {  	[tilespmem:s22+$0x400] =	vst v46;
	v46 =	vld.idx.msk [tilespmem:v47+s19+$0x0], $0xffff;
	v47 =	vor.u32 v10, v40  }
0x183: {  	v54 =	vor.u32 v10, v34;
	v49 =	vld.idx.msk [tilespmem:v49+s19+$0x0], $0xffff;
	[tilespmem:s24+$0x870] =	vst v42  }
0x184: {  	v42 =	vor.u32 v10, v32;
	v51 =	vld.idx.msk [tilespmem:v51+s19+$0x0], $0xffff;
	[tilespmem:s24+$0xDB0] =	vst v50  }
0x185: {  	v50 =	vor.u32 v10, v35;
	[tilespmem:s24+$0xC80] =	vst v45;
	v45 =	vld.idx.msk [tilespmem:v52+s19+$0x0], $0xffff  }
0x186: {  	[tilespmem:s22+$0x590] =	vst v48;
	v43 =	vld.idx.msk [tilespmem:v43+s19+$0x0], $0xffff;
	v48 =	vor.u32 v25, v37  }
0x187: {  	v52 =	vor.u32 v29, v36;
	[tilespmem:s22+$0x490] =	vst v53;
	v47 =	vld.idx.msk [tilespmem:v47+s19+$0x0], $0xffff  }
0x188: {  	v53 =	vld.idx.msk [tilespmem:v54+s19+$0x0], $0xffff;
	[tilespmem:s22+$0x510] =	vst v46;
	v46 =	vor.u32 v25, v38  }
0x189: {  	[tilespmem:s22+$0x410] =	vst v49;
	v42 =	vld.idx.msk [tilespmem:v42+s19+$0x0], $0xffff;
	v49 =	vor.u32 v11, v40  }
0x18a: {  	v54 =	vor.u32 v11, v34;
	v50 =	vld.idx.msk [tilespmem:v50+s19+$0x0], $0xffff;
	[tilespmem:s24+$0xD00] =	vst v44  }
0x18b: {  	v44 =	vor.u32 v11, v32;
	v48 =	vld.idx.msk [tilespmem:v48+s19+$0x0], $0xffff;
	[tilespmem:s24+$0xDC0] =	vst v45  }
0x18c: {  	v45 =	vor.u32 v11, v35;
	[tilespmem:s24+$0xC00] =	vst v51;
	v51 =	vld.idx.msk [tilespmem:v52+s19+$0x0], $0xffff  }
0x18d: {  	[tilespmem:s22+$0x5A0] =	vst v47;
	v46 =	vld.idx.msk [tilespmem:v46+s19+$0x0], $0xffff;
	v47 =	vor.u32 v26, v33  }
0x18e: {  	v52 =	vor.u32 v30, v36;
	[tilespmem:s22+$0x4A0] =	vst v53;
	v49 =	vld.idx.msk [tilespmem:v49+s19+$0x0], $0xffff  }
0x18f: {  	v53 =	vld.idx.msk [tilespmem:v54+s19+$0x0], $0xffff;
	[tilespmem:s22+$0x520] =	vst v42;
	v42 =	vor.u32 v26, v37  }
0x190: {  	[tilespmem:s22+$0x420] =	vst v50;
	v44 =	vld.idx.msk [tilespmem:v44+s19+$0x0], $0xffff;
	v50 =	vor.u32 v12, v40  }
0x191: {  	v54 =	vor.u32 v12, v34;
	v45 =	vld.idx.msk [tilespmem:v45+s19+$0x0], $0xffff;
	[tilespmem:s24+$0xC90] =	vst v43  }
0x192: {  	v43 =	vor.u32 v12, v32;
	v47 =	vld.idx.msk [tilespmem:v47+s19+$0x0], $0xffff;
	[tilespmem:s24+$0xDD0] =	vst v51  }
0x193: {  	v51 =	vor.u32 v12, v35;
	[tilespmem:s24+$0xD10] =	vst v48;
	v48 =	vld.idx.msk [tilespmem:v52+s19+$0x0], $0xffff  }
0x194: {  	[tilespmem:s22+$0x5B0] =	vst v49;
	v49 =	vor.u32 v26, v38;
	v42 =	vld.idx.msk [tilespmem:v42+s19+$0x0], $0xffff  }
0x195: {  	v52 =	vor.u32 v31, v36;
	v36 =	vmov v40;
	[tilespmem:s22+$0x4B0] =	vst v53;
	v50 =	vld.idx.msk [tilespmem:v50+s19+$0x0], $0xffff  }
0x196: {  	v53 =	vld.idx.msk [tilespmem:v54+s19+$0x0], $0xffff;
	[tilespmem:s22+$0x530] =	vst v44;
	v44 =	vor.u32 v27, v33  }
0x197: {  	s0 =	sadd.s32 $0x2, s30;
	[tilespmem:s22+$0x430] =	vst v45;
	v43 =	vld.idx.msk [tilespmem:v43+s19+$0x0], $0xffff;
	v45 =	vor.u32 v13, v36  }
0x198: {  	v40 =	vmov s0;
	v54 =	vor.u32 v13, v34;
	v51 =	vld.idx.msk [tilespmem:v51+s19+$0x0], $0xffff;
	[tilespmem:s24+$0xC10] =	vst v46  }
0x199: {  	v40 =	vand.u32 $0x1E, v40;
	v46 =	vor.u32 v13, v32;
	v49 =	vld.idx.msk [tilespmem:v49+s19+$0x0], $0xffff;
	[tilespmem:s24+$0xDE0] =	vst v48  }
0x19a: {  	v40 =	vbroadcast v40, $0x0;
	v48 =	vor.u32 v13, v35;
	[tilespmem:s24+$0xCA0] =	vst v47;
	v47 =	vld.idx.msk [tilespmem:v52+s19+$0x0], $0xffff  }
0x19b: {  	[tilespmem:s22+$0x5C0] =	vst v50;
	v44 =	vld.idx.msk [tilespmem:v44+s19+$0x0], $0xffff;
	v50 =	vor.u32 v27, v37  }
0x19c: {  	v52 =	vor.u32 v0, v40;
	[tilespmem:s22+$0x4C0] =	vst v53;
	v45 =	vld.idx.msk [tilespmem:v45+s19+$0x0], $0xffff  }
0x19d: {  	v53 =	vld.idx.msk [tilespmem:v54+s19+$0x0], $0xffff;
	[tilespmem:s22+$0x540] =	vst v43;
	v54 =	vor.u32 v27, v38  }
0x19e: {  	[tilespmem:s22+$0x440] =	vst v51;
	v46 =	vld.idx.msk [tilespmem:v46+s19+$0x0], $0xffff;
	v51 =	vor.u32 v14, v36  }
0x19f: {  	v55 =	vor.u32 v14, v34;
	v48 =	vld.idx.msk [tilespmem:v48+s19+$0x0], $0xffff;
	[tilespmem:s24+$0xD20] =	vst v42  }
0x1a0: {  	v42 =	vor.u32 v14, v32;
	v50 =	vld.idx.msk [tilespmem:v50+s19+$0x0], $0xffff;
	[tilespmem:s24+$0xDF0] =	vst v47  }
0x1a1: {  	v47 =	vor.u32 v14, v35;
	v43 =	vld.idx.msk [tilespmem:v52+s19+$0x0], $0xffff;
	[tilespmem:s24+$0xC20] =	vst v49  }
0x1a2: {  	v49 =	vor.u32 v28, v33;
	[tilespmem:s22+$0x5D0] =	vst v45;
	v45 =	vld.idx.msk [tilespmem:v54+s19+$0x0], $0xffff  }
0x1a3: {  	v52 =	vor.u32 v28, v37;
	[tilespmem:s22+$0x4D0] =	vst v53;
	v51 =	vld.idx.msk [tilespmem:v51+s19+$0x0], $0xffff  }
0x1a4: {  	v53 =	vld.idx.msk [tilespmem:v55+s19+$0x0], $0xffff;
	[tilespmem:s22+$0x550] =	vst v46;
	v46 =	vor.u32 v28, v38  }
0x1a5: {  	[tilespmem:s22+$0x450] =	vst v48;
	v42 =	vld.idx.msk [tilespmem:v42+s19+$0x0], $0xffff;
	v48 =	vor.u32 v15, v36  }
0x1a6: {  	v54 =	vor.u32 v15, v34;
	v47 =	vld.idx.msk [tilespmem:v47+s19+$0x0], $0xffff;
	[tilespmem:s24+$0xCB0] =	vst v44  }
0x1a7: {  	v44 =	vor.u32 v15, v32;
	v49 =	vld.idx.msk [tilespmem:v49+s19+$0x0], $0xffff;
	[tilespmem:s24+$0xD30] =	vst v50  }
0x1a8: {  	v50 =	vor.u32 v15, v35;
	[tilespmem:s24+$0xC30] =	vst v45;
	v45 =	vld.idx.msk [tilespmem:v52+s19+$0x0], $0xffff  }
0x1a9: {  	[tilespmem:s22+$0x5E0] =	vst v51;
	v46 =	vld.idx.msk [tilespmem:v46+s19+$0x0], $0xffff;
	v51 =	vor.u32 v29, v33  }
0x1aa: {  	v52 =	vor.u32 v29, v37;
	[tilespmem:s22+$0x4E0] =	vst v53;
	v48 =	vld.idx.msk [tilespmem:v48+s19+$0x0], $0xffff  }
0x1ab: {  	v53 =	vld.idx.msk [tilespmem:v54+s19+$0x0], $0xffff;
	[tilespmem:s22+$0x560] =	vst v42;
	v42 =	vor.u32 v29, v38  }
0x1ac: {  	[tilespmem:s22+$0x460] =	vst v47;
	v44 =	vld.idx.msk [tilespmem:v44+s19+$0x0], $0xffff;
	v47 =	vor.u32 v16, v36  }
0x1ad: {  	v54 =	vor.u32 v16, v34;
	v50 =	vld.idx.msk [tilespmem:v50+s19+$0x0], $0xffff;
	[tilespmem:s24+$0xCC0] =	vst v49  }
0x1ae: {  	v49 =	vor.u32 v16, v32;
	v55 =	vld.idx.msk [tilespmem:v51+s19+$0x0], $0xffff;
	[tilespmem:s24+$0xD40] =	vst v45  }
0x1af: {  	v45 =	vor.u32 v16, v35;
	[tilespmem:s24+$0xC40] =	vst v46;
	v56 =	vld.idx.msk [tilespmem:v52+s19+$0x0], $0xffff  }
0x1b0: {  	v57 =	vor.u32 v30, v33;
	[tilespmem:s22+$0x5F0] =	vst v48;
	v42 =	vld.idx.msk [tilespmem:v42+s19+$0x0], $0xffff  }
0x1b1: {  	v58 =	vor.u32 v30, v37;
	[tilespmem:s22+$0x4F0] =	vst v53;
	v53 =	vld.idx.msk [tilespmem:v47+s19+$0x0], $0xffff  }
0x1b2: {  	v59 =	vor.u32 v30, v38;
	v52 =	vld.idx.msk [tilespmem:v54+s19+$0x0], $0xffff;
	[tilespmem:s22+$0x570] =	vst v44  }
.Ltmp2:
0x1b3: {  	v54 =	vor.u32 v17, v36;
	[tilespmem:s22+$0x470] =	vst v50;
	v51 =	vld.idx.msk [tilespmem:v49+s19+$0x0], $0xffff;
	(pc) =	sbr.rel @p1 .LBB2_3-.Ltmp2, $4  }
0x1b4: {  	v50 =	vor.u32 v17, v34;
	v48 =	vld.idx.msk [tilespmem:v45+s19+$0x0], $0xffff;
	[tilespmem:s24+$0xCD0] =	vst v55  }
0x1b5: {  	v46 =	vor.u32 v17, v32;
	v47 =	vld.idx.msk [tilespmem:v57+s19+$0x0], $0xffff;
	[tilespmem:s24+$0xD50] =	vst v56  }
0x1b6: {  	v44 =	vor.u32 v17, v35;
	[tilespmem:s24+$0xC50] =	vst v42;
	v49 =	vld.idx.msk [tilespmem:v58+s19+$0x0], $0xffff  }
0x1b7: {  	s30 =	sadd.s32 $0x4, s30;
	s0 =	sadd.s32 $0x3, s28;
	v45 =	vor.u32 v31, v33;
	v33 =	vmov v34;
	v34 =	vmov v41;
	[tilespmem:s22+$0x980] =	vst v53;
	v53 =	vld.idx.msk [tilespmem:v59+s19+$0x0], $0xffff  }
0x1b8: {  	v41 =	vmov s0  }
0x1b9: {  	v57 =	vmov s28;
	v41 =	vand.u32 $0x1F, v41  }
0x1ba: {  	v42 =	vbroadcast v41, $0x0;
	v41 =	vand.u32 $0x1C, v57  }
0x1bb: {  	v41 =	vbroadcast v41, $0x0  }
0x1bc: {  	v55 =	vor.u32 v0, v42  }
0x1bd: {  	[tilespmem:s22+$0x880] =	vst v52;
	v58 =	vor.u32 v0, v41  }
0x1be: {  	[tilespmem:s22+$0x900] =	vst v51;
	v59 =	vld.idx.msk [tilespmem:v54+s19+$0x0], $0xffff  }
0x1bf: {  	s28 =	sshrl.u32 s28, $0x3;
	[tilespmem:s22+$0x800] =	vst v48  }
0x1c0: {  	v63 =	vor.u32 v1, v40;
	s0 =	smul.u32 $0x3000, s28;
	[tilespmem:s24+$0xCE0] =	vst v47  }
0x1c1: {  	v62 =	vor.u32 v1, v34;
	[tilespmem:s24+$0xD60] =	vst v49;
	v60 =	vld.idx.msk [tilespmem:v55+s19+$0x0], $0xffff  }
0x1c2: {  	s2 =	sadd.s32 $0x200, s2;
	s0 =	sshra.s32 s0, $0x2;
	v61 =	vor.u32 v1, v42;
	[tilespmem:s24+$0xC60] =	vst v53;
	v52 =	vld.idx.msk [tilespmem:v58+s19+$0x0], $0xffff  }
0x1c3: {  	v50 =	vld.idx.msk [tilespmem:v50+s19+$0x0], $0xffff;
	s2 =	sadd.s32 s0, s2;
	[tilespmem:s22+$0x990] =	vst v59;
	v55 =	vor.u32 v1, v41  }
0x1c4: {  	v46 =	vld.idx.msk [tilespmem:v46+s19+$0x0], $0xffff;
	[tilespmem:s2+$0x100] =	vst v43  }
0x1c5: {  	[tilespmem:s2+$0x80] =	vst v39;
	v59 =	vld.idx.msk [tilespmem:v63+s19+$0x0], $0xffff  }
0x1c6: {  	v57 =	vld.idx.msk [tilespmem:v62+s19+$0x0], $0xffff;
	v62 =	vor.u32 v2, v40;
	[tilespmem:s2+$0x180] =	vst v60  }
0x1c7: {  	v60 =	vor.u32 v2, v34;
	v56 =	vld.idx.msk [tilespmem:v61+s19+$0x0], $0xffff;
	[tilespmem:s2+$0x0] =	vst v52  }
0x1c8: {  	[tilespmem:s22+$0x890] =	vst v50;
	v58 =	vor.u32 v2, v42;
	v61 =	vld.idx.msk [tilespmem:v55+s19+$0x0], $0xffff  }
0x1c9: {  	v44 =	vld.idx.msk [tilespmem:v44+s19+$0x0], $0xffff;
	[tilespmem:s22+$0x910] =	vst v46;
	v63 =	vor.u32 v2, v41  }
0x1ca: {  	v37 =	vor.u32 v31, v37;
	v45 =	vld.idx.msk [tilespmem:v45+s19+$0x0], $0xffff;
	[tilespmem:s2+$0x110] =	vst v59  }
0x1cb: {  	v38 =	vor.u32 v31, v38;
	[tilespmem:s2+$0x90] =	vst v57;
	v48 =	vld.idx.msk [tilespmem:v62+s19+$0x0], $0xffff  }
0x1cc: {  	v52 =	vld.idx.msk [tilespmem:v60+s19+$0x0], $0xffff;
	[tilespmem:s2+$0x190] =	vst v56;
	v56 =	vor.u32 v3, v40  }
0x1cd: {  	v54 =	vor.u32 v3, v34;
	v39 =	vld.idx.msk [tilespmem:v58+s19+$0x0], $0xffff;
	[tilespmem:s2+$0x10] =	vst v61  }
0x1ce: {  	v53 =	vor.u32 v3, v42;
	[tilespmem:s22+$0x810] =	vst v44;
	v55 =	vld.idx.msk [tilespmem:v63+s19+$0x0], $0xffff  }
0x1cf: {  	v37 =	vld.idx.msk [tilespmem:v37+s19+$0x0], $0xffff;
	[tilespmem:s24+$0xCF0] =	vst v45;
	v57 =	vor.u32 v3, v41  }
0x1d0: {  	v38 =	vld.idx.msk [tilespmem:v38+s19+$0x0], $0xffff;
	v59 =	vor.u32 v18, v33;
	[tilespmem:s2+$0x120] =	vst v48  }
0x1d1: {  	v58 =	vor.u32 v18, v36;
	[tilespmem:s2+$0xA0] =	vst v52;
	v63 =	vld.idx.msk [tilespmem:v56+s19+$0x0], $0xffff  }
0x1d2: {  	v61 =	vld.idx.msk [tilespmem:v54+s19+$0x0], $0xffff;
	v54 =	vor.u32 v4, v40;
	[tilespmem:s2+$0x1A0] =	vst v39  }
0x1d3: {  	v52 =	vor.u32 v4, v34;
	v60 =	vld.idx.msk [tilespmem:v53+s19+$0x0], $0xffff;
	[tilespmem:s2+$0x20] =	vst v55  }
0x1d4: {  	[tilespmem:s24+$0xD70] =	vst v37;
	v62 =	vor.u32 v4, v42;
	v53 =	vld.idx.msk [tilespmem:v57+s19+$0x0], $0xffff  }
0x1d5: {  	[tilespmem:s24+$0xC70] =	vst v38;
	v56 =	vor.u32 v4, v41;
	v39 =	vld.idx.msk [tilespmem:v59+s19+$0x0], $0xffff  }
0x1d6: {  	v55 =	vld.idx.msk [tilespmem:v58+s19+$0x0], $0xffff;
	v57 =	vor.u32 v18, v32;
	[tilespmem:s2+$0x130] =	vst v63  }
0x1d7: {  	v58 =	vor.u32 v19, v36;
	[tilespmem:s2+$0xB0] =	vst v61;
	v61 =	vld.idx.msk [tilespmem:v54+s19+$0x0], $0xffff  }
0x1d8: {  	v63 =	vor.u32 v5, v40;
	v46 =	vld.idx.msk [tilespmem:v52+s19+$0x0], $0xffff;
	[tilespmem:s2+$0x1B0] =	vst v60  }
0x1d9: {  	v59 =	vld.idx.msk [tilespmem:v62+s19+$0x0], $0xffff;
	[tilespmem:s2+$0x30] =	vst v53;
	v62 =	vor.u32 v5, v34  }
0x1da: {  	[tilespmem:s22+$0x8A0] =	vst v39;
	v60 =	vor.u32 v5, v42;
	v38 =	vld.idx.msk [tilespmem:v56+s19+$0x0], $0xffff  }
0x1db: {  	[tilespmem:s22+$0x9A0] =	vst v55;
	v52 =	vld.idx.msk [tilespmem:v57+s19+$0x0], $0xffff;
	v53 =	vor.u32 v5, v41  }
0x1dc: {  	v55 =	vor.u32 v19, v33;
	v43 =	vld.idx.msk [tilespmem:v58+s19+$0x0], $0xffff;
	[tilespmem:s2+$0x140] =	vst v61  }
0x1dd: {  	v54 =	vor.u32 v18, v35;
	[tilespmem:s2+$0xC0] =	vst v46;
	v57 =	vld.idx.msk [tilespmem:v63+s19+$0x0], $0xffff  }
0x1de: {  	[tilespmem:s2+$0x1C0] =	vst v59;
	v45 =	vld.idx.msk [tilespmem:v62+s19+$0x0], $0xffff;
	v59 =	vor.u32 v6, v40  }
0x1df: {  	v58 =	vor.u32 v6, v34;
	v44 =	vld.idx.msk [tilespmem:v60+s19+$0x0], $0xffff;
	[tilespmem:s2+$0x40] =	vst v38  }
0x1e0: {  	v56 =	vor.u32 v6, v42;
	[tilespmem:s22+$0x920] =	vst v52;
	v39 =	vld.idx.msk [tilespmem:v53+s19+$0x0], $0xffff  }
0x1e1: {  	v61 =	vor.u32 v6, v41;
	v47 =	vld.idx.msk [tilespmem:v55+s19+$0x0], $0xffff;
	[tilespmem:s22+$0x9B0] =	vst v43  }
0x1e2: {  	v63 =	vor.u32 v19, v32;
	v60 =	vld.idx.msk [tilespmem:v54+s19+$0x0], $0xffff;
	[tilespmem:s2+$0x150] =	vst v57  }
0x1e3: {  	v62 =	vor.u32 v20, v36;
	[tilespmem:s2+$0xD0] =	vst v45;
	v53 =	vld.idx.msk [tilespmem:v59+s19+$0x0], $0xffff  }
0x1e4: {  	v55 =	vor.u32 v7, v40;
	[tilespmem:s2+$0x1D0] =	vst v44;
	v45 =	vld.idx.msk [tilespmem:v58+s19+$0x0], $0xffff  }
0x1e5: {  	v54 =	vor.u32 v7, v34;
	v37 =	vld.idx.msk [tilespmem:v56+s19+$0x0], $0xffff;
	[tilespmem:s2+$0x50] =	vst v39  }
0x1e6: {  	v52 =	vor.u32 v7, v42;
	[tilespmem:s22+$0x8B0] =	vst v47;
	v43 =	vld.idx.msk [tilespmem:v61+s19+$0x0], $0xffff  }
0x1e7: {  	v57 =	vor.u32 v7, v41;
	[tilespmem:s22+$0x820] =	vst v60;
	v44 =	vld.idx.msk [tilespmem:v63+s19+$0x0], $0xffff  }
0x1e8: {  	v58 =	vor.u32 v19, v35;
	v56 =	vld.idx.msk [tilespmem:v62+s19+$0x0], $0xffff;
	[tilespmem:s2+$0x160] =	vst v53  }
0x1e9: {  	v59 =	vor.u32 v21, v36;
	[tilespmem:s2+$0xE0] =	vst v45;
	v61 =	vld.idx.msk [tilespmem:v55+s19+$0x0], $0xffff  }
0x1ea: {  	v63 =	vor.u32 v8, v40;
	[tilespmem:s2+$0x1E0] =	vst v37;
	v45 =	vld.idx.msk [tilespmem:v54+s19+$0x0], $0xffff  }
0x1eb: {  	v62 =	vor.u32 v8, v34;
	v38 =	vld.idx.msk [tilespmem:v52+s19+$0x0], $0xffff;
	[tilespmem:s2+$0x60] =	vst v43  }
0x1ec: {  	v60 =	vor.u32 v8, v42;
	[tilespmem:s22+$0x930] =	vst v44;
	v47 =	vld.idx.msk [tilespmem:v57+s19+$0x0], $0xffff  }
0x1ed: {  	v53 =	vor.u32 v8, v41;
	[tilespmem:s22+$0x9C0] =	vst v56;
	v52 =	vld.idx.msk [tilespmem:v58+s19+$0x0], $0xffff  }
0x1ee: {  	v55 =	vor.u32 v20, v32;
	v37 =	vld.idx.msk [tilespmem:v59+s19+$0x0], $0xffff;
	[tilespmem:s2+$0x170] =	vst v61  }
0x1ef: {  	v54 =	vor.u32 v20, v33;
	[tilespmem:s2+$0xF0] =	vst v45;
	v57 =	vld.idx.msk [tilespmem:v63+s19+$0x0], $0xffff  }
0x1f0: {  	v59 =	vor.u32 v9, v40;
	[tilespmem:s2+$0x1F0] =	vst v38;
	v45 =	vld.idx.msk [tilespmem:v62+s19+$0x0], $0xffff  }
0x1f1: {  	v58 =	vor.u32 v9, v34;
	v39 =	vld.idx.msk [tilespmem:v60+s19+$0x0], $0xffff;
	[tilespmem:s2+$0x70] =	vst v47  }
0x1f2: {  	v56 =	vor.u32 v9, v42;
	[tilespmem:s22+$0x830] =	vst v52;
	v44 =	vld.idx.msk [tilespmem:v53+s19+$0x0], $0xffff  }
0x1f3: {  	v61 =	vor.u32 v9, v41;
	[tilespmem:s22+$0x9D0] =	vst v37;
	v38 =	vld.idx.msk [tilespmem:v55+s19+$0x0], $0xffff  }
0x1f4: {  	v63 =	vor.u32 v20, v35;
	v60 =	vld.idx.msk [tilespmem:v54+s19+$0x0], $0xffff;
	[tilespmem:s2+$0x500] =	vst v57  }
0x1f5: {  	v62 =	vor.u32 v22, v36;
	[tilespmem:s2+$0x480] =	vst v45;
	v53 =	vld.idx.msk [tilespmem:v59+s19+$0x0], $0xffff  }
0x1f6: {  	v55 =	vor.u32 v10, v40;
	[tilespmem:s2+$0x580] =	vst v39;
	v45 =	vld.idx.msk [tilespmem:v58+s19+$0x0], $0xffff  }
0x1f7: {  	v54 =	vor.u32 v10, v34;
	v43 =	vld.idx.msk [tilespmem:v56+s19+$0x0], $0xffff;
	[tilespmem:s2+$0x400] =	vst v44  }
0x1f8: {  	v52 =	vor.u32 v10, v42;
	[tilespmem:s22+$0x940] =	vst v38;
	v37 =	vld.idx.msk [tilespmem:v61+s19+$0x0], $0xffff  }
0x1f9: {  	v57 =	vor.u32 v10, v41;
	[tilespmem:s22+$0x8C0] =	vst v60;
	v39 =	vld.idx.msk [tilespmem:v63+s19+$0x0], $0xffff  }
0x1fa: {  	v58 =	vor.u32 v21, v33;
	v56 =	vld.idx.msk [tilespmem:v62+s19+$0x0], $0xffff;
	[tilespmem:s2+$0x510] =	vst v53  }
0x1fb: {  	v59 =	vor.u32 v23, v36;
	[tilespmem:s2+$0x490] =	vst v45;
	v63 =	vld.idx.msk [tilespmem:v55+s19+$0x0], $0xffff  }
0x1fc: {  	v53 =	vor.u32 v11, v40;
	[tilespmem:s2+$0x590] =	vst v43;
	v61 =	vld.idx.msk [tilespmem:v54+s19+$0x0], $0xffff  }
0x1fd: {  	v60 =	vld.idx.msk [tilespmem:v52+s19+$0x0], $0xffff;
	[tilespmem:s2+$0x410] =	vst v37;
	v52 =	vor.u32 v11, v34  }
0x1fe: {  	v62 =	vor.u32 v11, v42;
	[tilespmem:s22+$0x840] =	vst v39;
	v38 =	vld.idx.msk [tilespmem:v57+s19+$0x0], $0xffff  }
0x1ff: {  	v55 =	vor.u32 v11, v41;
	[tilespmem:s22+$0x9E0] =	vst v56;
	v54 =	vld.idx.msk [tilespmem:v58+s19+$0x0], $0xffff  }
0x200: {  	v56 =	vor.u32 v21, v32;
	v43 =	vld.idx.msk [tilespmem:v59+s19+$0x0], $0xffff;
	[tilespmem:s2+$0x520] =	vst v63  }
0x201: {  	v57 =	vor.u32 v21, v35;
	[tilespmem:s2+$0x4A0] =	vst v61;
	v59 =	vld.idx.msk [tilespmem:v53+s19+$0x0], $0xffff  }
0x202: {  	v61 =	vor.u32 v12, v40;
	[tilespmem:s2+$0x5A0] =	vst v60;
	v46 =	vld.idx.msk [tilespmem:v52+s19+$0x0], $0xffff  }
0x203: {  	v60 =	vor.u32 v12, v34;
	v44 =	vld.idx.msk [tilespmem:v62+s19+$0x0], $0xffff;
	[tilespmem:s2+$0x420] =	vst v38  }
0x204: {  	v58 =	vor.u32 v12, v42;
	[tilespmem:s22+$0x8D0] =	vst v54;
	v39 =	vld.idx.msk [tilespmem:v55+s19+$0x0], $0xffff  }
0x205: {  	v63 =	vor.u32 v12, v41;
	[tilespmem:s22+$0x9F0] =	vst v43;
	v62 =	vld.idx.msk [tilespmem:v56+s19+$0x0], $0xffff  }
0x206: {  	v53 =	vor.u32 v22, v33;
	v45 =	vld.idx.msk [tilespmem:v57+s19+$0x0], $0xffff;
	[tilespmem:s2+$0x530] =	vst v59  }
0x207: {  	v52 =	vor.u32 v24, v36;
	[tilespmem:s2+$0x4B0] =	vst v46;
	v55 =	vld.idx.msk [tilespmem:v61+s19+$0x0], $0xffff  }
0x208: {  	v57 =	vor.u32 v13, v40;
	[tilespmem:s2+$0x5B0] =	vst v44;
	v46 =	vld.idx.msk [tilespmem:v60+s19+$0x0], $0xffff  }
0x209: {  	v56 =	vor.u32 v13, v34;
	v37 =	vld.idx.msk [tilespmem:v58+s19+$0x0], $0xffff;
	[tilespmem:s2+$0x430] =	vst v39  }
0x20a: {  	v54 =	vor.u32 v13, v42;
	[tilespmem:s22+$0x950] =	vst v62;
	v43 =	vld.idx.msk [tilespmem:v63+s19+$0x0], $0xffff  }
0x20b: {  	v59 =	vor.u32 v13, v41;
	[tilespmem:s22+$0x850] =	vst v45;
	v44 =	vld.idx.msk [tilespmem:v53+s19+$0x0], $0xffff  }
0x20c: {  	v60 =	vor.u32 v22, v32;
	v58 =	vld.idx.msk [tilespmem:v52+s19+$0x0], $0xffff;
	[tilespmem:s2+$0x540] =	vst v55  }
0x20d: {  	v61 =	vor.u32 v25, v36;
	[tilespmem:s2+$0x4C0] =	vst v46;
	v63 =	vld.idx.msk [tilespmem:v57+s19+$0x0], $0xffff  }
0x20e: {  	v53 =	vor.u32 v14, v40;
	[tilespmem:s2+$0x5C0] =	vst v37;
	v46 =	vld.idx.msk [tilespmem:v56+s19+$0x0], $0xffff  }
0x20f: {  	v52 =	vor.u32 v14, v34;
	v38 =	vld.idx.msk [tilespmem:v54+s19+$0x0], $0xffff;
	[tilespmem:s2+$0x440] =	vst v43  }
0x210: {  	v62 =	vor.u32 v14, v42;
	[tilespmem:s22+$0x8E0] =	vst v44;
	v45 =	vld.idx.msk [tilespmem:v59+s19+$0x0], $0xffff  }
0x211: {  	v55 =	vor.u32 v14, v41;
	[tilespmem:s22+$0xD80] =	vst v58;
	v54 =	vld.idx.msk [tilespmem:v60+s19+$0x0], $0xffff  }
0x212: {  	v57 =	vor.u32 v23, v33;
	v37 =	vld.idx.msk [tilespmem:v61+s19+$0x0], $0xffff;
	[tilespmem:s2+$0x550] =	vst v63  }
0x213: {  	v56 =	vor.u32 v22, v35;
	[tilespmem:s2+$0x4D0] =	vst v46;
	v59 =	vld.idx.msk [tilespmem:v53+s19+$0x0], $0xffff  }
0x214: {  	v61 =	vor.u32 v15, v40;
	[tilespmem:s2+$0x5D0] =	vst v38;
	v46 =	vld.idx.msk [tilespmem:v52+s19+$0x0], $0xffff  }
0x215: {  	v60 =	vor.u32 v15, v34;
	v39 =	vld.idx.msk [tilespmem:v62+s19+$0x0], $0xffff;
	[tilespmem:s2+$0x450] =	vst v45  }
0x216: {  	v58 =	vor.u32 v15, v42;
	[tilespmem:s22+$0x960] =	vst v54;
	v44 =	vld.idx.msk [tilespmem:v55+s19+$0x0], $0xffff  }
0x217: {  	v63 =	vor.u32 v15, v41;
	[tilespmem:s22+$0xD90] =	vst v37;
	v38 =	vld.idx.msk [tilespmem:v57+s19+$0x0], $0xffff  }
0x218: {  	v53 =	vor.u32 v23, v32;
	v62 =	vld.idx.msk [tilespmem:v56+s19+$0x0], $0xffff;
	[tilespmem:s2+$0x560] =	vst v59  }
0x219: {  	v52 =	vor.u32 v26, v36;
	[tilespmem:s2+$0x4E0] =	vst v46;
	v55 =	vld.idx.msk [tilespmem:v61+s19+$0x0], $0xffff  }
0x21a: {  	v57 =	vor.u32 v16, v40;
	[tilespmem:s2+$0x5E0] =	vst v39;
	v46 =	vld.idx.msk [tilespmem:v60+s19+$0x0], $0xffff  }
0x21b: {  	v56 =	vor.u32 v16, v34;
	v43 =	vld.idx.msk [tilespmem:v58+s19+$0x0], $0xffff;
	[tilespmem:s2+$0x460] =	vst v44  }
0x21c: {  	v54 =	vor.u32 v16, v42;
	[tilespmem:s22+$0x8F0] =	vst v38;
	v37 =	vld.idx.msk [tilespmem:v63+s19+$0x0], $0xffff  }
0x21d: {  	v59 =	vor.u32 v16, v41;
	[tilespmem:s22+$0x860] =	vst v62;
	v39 =	vld.idx.msk [tilespmem:v53+s19+$0x0], $0xffff  }
0x21e: {  	v60 =	vor.u32 v23, v35;
	v58 =	vld.idx.msk [tilespmem:v52+s19+$0x0], $0xffff;
	[tilespmem:s2+$0x570] =	vst v55  }
0x21f: {  	v61 =	vor.u32 v27, v36;
	[tilespmem:s2+$0x4F0] =	vst v46;
	v63 =	vld.idx.msk [tilespmem:v57+s19+$0x0], $0xffff  }
0x220: {  	v53 =	vor.u32 v17, v40;
	[tilespmem:s2+$0x5F0] =	vst v43;
	v46 =	vld.idx.msk [tilespmem:v56+s19+$0x0], $0xffff  }
0x221: {  	v52 =	vor.u32 v17, v34;
	v45 =	vld.idx.msk [tilespmem:v54+s19+$0x0], $0xffff;
	[tilespmem:s2+$0x470] =	vst v37  }
0x222: {  	v62 =	vor.u32 v17, v42;
	[tilespmem:s22+$0x970] =	vst v39;
	v38 =	vld.idx.msk [tilespmem:v59+s19+$0x0], $0xffff  }
0x223: {  	v55 =	vor.u32 v17, v41;
	[tilespmem:s22+$0xDA0] =	vst v58;
	v54 =	vld.idx.msk [tilespmem:v60+s19+$0x0], $0xffff  }
0x224: {  	v57 =	vor.u32 v24, v32;
	v43 =	vld.idx.msk [tilespmem:v61+s19+$0x0], $0xffff;
	[tilespmem:s2+$0x900] =	vst v63  }
0x225: {  	v56 =	vor.u32 v24, v33;
	[tilespmem:s2+$0x880] =	vst v46;
	v59 =	vld.idx.msk [tilespmem:v53+s19+$0x0], $0xffff  }
0x226: {  	v61 =	vor.u32 v18, v40;
	[tilespmem:s2+$0x980] =	vst v45;
	v46 =	vld.idx.msk [tilespmem:v52+s19+$0x0], $0xffff  }
0x227: {  	v60 =	vor.u32 v18, v34;
	v44 =	vld.idx.msk [tilespmem:v62+s19+$0x0], $0xffff;
	[tilespmem:s2+$0x800] =	vst v38  }
0x228: {  	v58 =	vor.u32 v18, v42;
	[tilespmem:s22+$0x870] =	vst v54;
	v39 =	vld.idx.msk [tilespmem:v55+s19+$0x0], $0xffff  }
0x229: {  	v63 =	vor.u32 v18, v41;
	[tilespmem:s22+$0xDB0] =	vst v43;
	v45 =	vld.idx.msk [tilespmem:v57+s19+$0x0], $0xffff  }
0x22a: {  	v53 =	vor.u32 v24, v35;
	v62 =	vld.idx.msk [tilespmem:v56+s19+$0x0], $0xffff;
	[tilespmem:s2+$0x910] =	vst v59  }
0x22b: {  	v52 =	vor.u32 v28, v36;
	[tilespmem:s2+$0x890] =	vst v46;
	v56 =	vld.idx.msk [tilespmem:v61+s19+$0x0], $0xffff  }
0x22c: {  	v57 =	vor.u32 v19, v40;
	[tilespmem:s2+$0x990] =	vst v44;
	v46 =	vld.idx.msk [tilespmem:v60+s19+$0x0], $0xffff  }
0x22d: {  	v55 =	vor.u32 v19, v34;
	v37 =	vld.idx.msk [tilespmem:v58+s19+$0x0], $0xffff;
	[tilespmem:s2+$0x810] =	vst v39  }
0x22e: {  	v54 =	vor.u32 v19, v42;
	[tilespmem:s22+$0xD00] =	vst v45;
	v43 =	vld.idx.msk [tilespmem:v63+s19+$0x0], $0xffff  }
0x22f: {  	v59 =	vor.u32 v19, v41;
	[tilespmem:s22+$0xC80] =	vst v62;
	v44 =	vld.idx.msk [tilespmem:v53+s19+$0x0], $0xffff  }
0x230: {  	v60 =	vor.u32 v25, v33;
	v58 =	vld.idx.msk [tilespmem:v52+s19+$0x0], $0xffff;
	[tilespmem:s2+$0x920] =	vst v56  }
0x231: {  	v61 =	vor.u32 v29, v36;
	[tilespmem:s2+$0x8A0] =	vst v46;
	v47 =	vld.idx.msk [tilespmem:v57+s19+$0x0], $0xffff  }
0x232: {  	v52 =	vor.u32 v20, v40;
	[tilespmem:s2+$0x9A0] =	vst v37;
	v39 =	vld.idx.msk [tilespmem:v55+s19+$0x0], $0xffff  }
0x233: {  	v63 =	vor.u32 v20, v34;
	v38 =	vld.idx.msk [tilespmem:v54+s19+$0x0], $0xffff;
	[tilespmem:s2+$0x820] =	vst v43  }
0x234: {  	v62 =	vor.u32 v20, v42;
	[tilespmem:s22+$0xC00] =	vst v44;
	v45 =	vld.idx.msk [tilespmem:v59+s19+$0x0], $0xffff  }
0x235: {  	v53 =	vld.idx.msk [tilespmem:v60+s19+$0x0], $0xffff;
	[tilespmem:s22+$0xDC0] =	vst v58;
	v54 =	vor.u32 v20, v41  }
0x236: {  	v55 =	vor.u32 v25, v32;
	v37 =	vld.idx.msk [tilespmem:v61+s19+$0x0], $0xffff;
	[tilespmem:s2+$0x930] =	vst v47  }
0x237: {  	v56 =	vor.u32 v25, v35;
	[tilespmem:s2+$0x8B0] =	vst v39;
	v47 =	vld.idx.msk [tilespmem:v52+s19+$0x0], $0xffff  }
0x238: {  	v59 =	vor.u32 v21, v40;
	[tilespmem:s2+$0x9B0] =	vst v38;
	v43 =	vld.idx.msk [tilespmem:v63+s19+$0x0], $0xffff  }
0x239: {  	v58 =	vor.u32 v21, v34;
	v46 =	vld.idx.msk [tilespmem:v62+s19+$0x0], $0xffff;
	[tilespmem:s2+$0x830] =	vst v45  }
0x23a: {  	v57 =	vor.u32 v21, v42;
	[tilespmem:s22+$0xC90] =	vst v53;
	v44 =	vld.idx.msk [tilespmem:v54+s19+$0x0], $0xffff  }
0x23b: {  	v61 =	vor.u32 v21, v41;
	v60 =	vld.idx.msk [tilespmem:v55+s19+$0x0], $0xffff;
	[tilespmem:s22+$0xDD0] =	vst v37  }
0x23c: {  	v38 =	vld.idx.msk [tilespmem:v56+s19+$0x0], $0xffff;
	v62 =	vor.u32 v30, v36;
	[tilespmem:s2+$0x940] =	vst v47  }
0x23d: {  	v63 =	vor.u32 v26, v33;
	[tilespmem:s2+$0x8C0] =	vst v43;
	v45 =	vld.idx.msk [tilespmem:v59+s19+$0x0], $0xffff  }
0x23e: {  	v54 =	vor.u32 v22, v40;
	[tilespmem:s2+$0x9C0] =	vst v46;
	v48 =	vld.idx.msk [tilespmem:v58+s19+$0x0], $0xffff  }
0x23f: {  	v53 =	vor.u32 v22, v34;
	v39 =	vld.idx.msk [tilespmem:v57+s19+$0x0], $0xffff;
	[tilespmem:s2+$0x840] =	vst v44  }
0x240: {  	v52 =	vor.u32 v22, v42;
	[tilespmem:s22+$0xD10] =	vst v60;
	v37 =	vld.idx.msk [tilespmem:v61+s19+$0x0], $0xffff  }
0x241: {  	v56 =	vor.u32 v22, v41;
	[tilespmem:s22+$0xC10] =	vst v38;
	v55 =	vld.idx.msk [tilespmem:v62+s19+$0x0], $0xffff  }
0x242: {  	v46 =	vld.idx.msk [tilespmem:v63+s19+$0x0], $0xffff;
	v57 =	vor.u32 v26, v32;
	[tilespmem:s2+$0x950] =	vst v45  }
0x243: {  	v58 =	vor.u32 v31, v36;
	[tilespmem:s2+$0x8D0] =	vst v48;
	v45 =	vld.idx.msk [tilespmem:v54+s19+$0x0], $0xffff  }
0x244: {  	v61 =	vor.u32 v23, v40;
	[tilespmem:s2+$0x9D0] =	vst v39;
	v44 =	vld.idx.msk [tilespmem:v53+s19+$0x0], $0xffff  }
0x245: {  	v60 =	vor.u32 v23, v34;
	v39 =	vld.idx.msk [tilespmem:v52+s19+$0x0], $0xffff;
	[tilespmem:s2+$0x850] =	vst v37  }
0x246: {  	v59 =	vor.u32 v23, v42;
	[tilespmem:s22+$0xDE0] =	vst v55;
	v37 =	vld.idx.msk [tilespmem:v56+s19+$0x0], $0xffff  }
0x247: {  	v63 =	vor.u32 v23, v41;
	[tilespmem:s22+$0xCA0] =	vst v46;
	v62 =	vld.idx.msk [tilespmem:v57+s19+$0x0], $0xffff  }
0x248: {  	v36 =	vld.idx.msk [tilespmem:v58+s19+$0x0], $0xffff;
	v52 =	vor.u32 v26, v35;
	[tilespmem:s2+$0x960] =	vst v45  }
0x249: {  	v53 =	vor.u32 v27, v33;
	[tilespmem:s2+$0x8E0] =	vst v44;
	v38 =	vld.idx.msk [tilespmem:v61+s19+$0x0], $0xffff  }
0x24a: {  	v57 =	vor.u32 v24, v40;
	[tilespmem:s2+$0x9E0] =	vst v39;
	v47 =	vld.idx.msk [tilespmem:v60+s19+$0x0], $0xffff  }
0x24b: {  	v55 =	vor.u32 v24, v34;
	v43 =	vld.idx.msk [tilespmem:v59+s19+$0x0], $0xffff;
	[tilespmem:s2+$0x860] =	vst v37  }
0x24c: {  	v54 =	vor.u32 v24, v42;
	[tilespmem:s22+$0xD20] =	vst v62;
	v56 =	vld.idx.msk [tilespmem:v63+s19+$0x0], $0xffff  }
0x24d: {  	[tilespmem:s22+$0xDF0] =	vst v36;
	v58 =	vld.idx.msk [tilespmem:v52+s19+$0x0], $0xffff;
	v59 =	vor.u32 v24, v41  }
0x24e: {  	v39 =	vld.idx.msk [tilespmem:v53+s19+$0x0], $0xffff;
	v60 =	vor.u32 v27, v32;
	[tilespmem:s2+$0x970] =	vst v38  }
0x24f: {  	v61 =	vor.u32 v27, v35;
	[tilespmem:s2+$0x8F0] =	vst v47;
	v38 =	vld.idx.msk [tilespmem:v57+s19+$0x0], $0xffff  }
0x250: {  	v52 =	vor.u32 v25, v40;
	[tilespmem:s2+$0x9F0] =	vst v43;
	v37 =	vld.idx.msk [tilespmem:v55+s19+$0x0], $0xffff  }
0x251: {  	v63 =	vor.u32 v25, v34;
	v44 =	vld.idx.msk [tilespmem:v54+s19+$0x0], $0xffff;
	[tilespmem:s2+$0x870] =	vst v56  }
0x252: {  	v62 =	vor.u32 v25, v42;
	[tilespmem:s22+$0xC20] =	vst v58;
	v36 =	vld.idx.msk [tilespmem:v59+s19+$0x0], $0xffff  }
0x253: {  	v53 =	vld.idx.msk [tilespmem:v60+s19+$0x0], $0xffff;
	[tilespmem:s22+$0xCB0] =	vst v39;
	v54 =	vor.u32 v25, v41  }
0x254: {  	v43 =	vld.idx.msk [tilespmem:v61+s19+$0x0], $0xffff;
	v55 =	vor.u32 v28, v33;
	[tilespmem:s2+$0xD00] =	vst v38  }
0x255: {  	v56 =	vor.u32 v28, v32;
	[tilespmem:s2+$0xC80] =	vst v37;
	v38 =	vld.idx.msk [tilespmem:v52+s19+$0x0], $0xffff  }
0x256: {  	v59 =	vor.u32 v26, v40;
	[tilespmem:s2+$0xD80] =	vst v44;
	v46 =	vld.idx.msk [tilespmem:v63+s19+$0x0], $0xffff  }
0x257: {  	v58 =	vor.u32 v26, v34;
	v47 =	vld.idx.msk [tilespmem:v62+s19+$0x0], $0xffff;
	[tilespmem:s2+$0xC00] =	vst v36  }
0x258: {  	v57 =	vor.u32 v26, v42;
	[tilespmem:s22+$0xD30] =	vst v53;
	v39 =	vld.idx.msk [tilespmem:v54+s19+$0x0], $0xffff  }
0x259: {  	v61 =	vor.u32 v26, v41;
	v60 =	vld.idx.msk [tilespmem:v55+s19+$0x0], $0xffff;
	[tilespmem:s22+$0xC30] =	vst v43  }
0x25a: {  	v44 =	vld.idx.msk [tilespmem:v56+s19+$0x0], $0xffff;
	v62 =	vor.u32 v28, v35;
	[tilespmem:s2+$0xD10] =	vst v38  }
0x25b: {  	v63 =	vor.u32 v29, v33;
	[tilespmem:s2+$0xC90] =	vst v46;
	v38 =	vld.idx.msk [tilespmem:v59+s19+$0x0], $0xffff  }
0x25c: {  	v54 =	vor.u32 v27, v40;
	[tilespmem:s2+$0xD90] =	vst v47;
	v36 =	vld.idx.msk [tilespmem:v58+s19+$0x0], $0xffff  }
0x25d: {  	v53 =	vor.u32 v27, v34;
	v37 =	vld.idx.msk [tilespmem:v57+s19+$0x0], $0xffff;
	[tilespmem:s2+$0xC10] =	vst v39  }
0x25e: {  	v52 =	vor.u32 v27, v42;
	[tilespmem:s22+$0xCC0] =	vst v60;
	v39 =	vld.idx.msk [tilespmem:v61+s19+$0x0], $0xffff  }
0x25f: {  	v56 =	vor.u32 v27, v41;
	[tilespmem:s22+$0xD40] =	vst v44;
	v55 =	vld.idx.msk [tilespmem:v62+s19+$0x0], $0xffff  }
0x260: {  	v47 =	vld.idx.msk [tilespmem:v63+s19+$0x0], $0xffff;
	v57 =	vor.u32 v29, v32;
	[tilespmem:s2+$0xD20] =	vst v38  }
0x261: {  	v58 =	vor.u32 v29, v35;
	[tilespmem:s2+$0xCA0] =	vst v36;
	v38 =	vld.idx.msk [tilespmem:v54+s19+$0x0], $0xffff  }
0x262: {  	v62 =	vor.u32 v28, v40;
	[tilespmem:s2+$0xDA0] =	vst v37;
	v45 =	vld.idx.msk [tilespmem:v53+s19+$0x0], $0xffff  }
0x263: {  	v60 =	vor.u32 v28, v34;
	v46 =	vld.idx.msk [tilespmem:v52+s19+$0x0], $0xffff;
	[tilespmem:s2+$0xC20] =	vst v39  }
0x264: {  	v59 =	vor.u32 v28, v42;
	[tilespmem:s22+$0xC40] =	vst v55;
	v61 =	vld.idx.msk [tilespmem:v56+s19+$0x0], $0xffff  }
0x265: {  	[tilespmem:s22+$0xCD0] =	vst v47;
	v63 =	vld.idx.msk [tilespmem:v57+s19+$0x0], $0xffff;
	v52 =	vor.u32 v28, v41  }
0x266: {  	v54 =	vor.u32 v30, v32;
	v37 =	vld.idx.msk [tilespmem:v58+s19+$0x0], $0xffff;
	[tilespmem:s2+$0xD30] =	vst v38  }
0x267: {  	v53 =	vor.u32 v30, v33;
	[tilespmem:s2+$0xCB0] =	vst v45;
	v38 =	vld.idx.msk [tilespmem:v62+s19+$0x0], $0xffff  }
0x268: {  	v58 =	vor.u32 v29, v40;
	[tilespmem:s2+$0xDB0] =	vst v46;
	v39 =	vld.idx.msk [tilespmem:v60+s19+$0x0], $0xffff  }
0x269: {  	v56 =	vor.u32 v29, v34;
	v36 =	vld.idx.msk [tilespmem:v59+s19+$0x0], $0xffff;
	[tilespmem:s2+$0xC30] =	vst v61  }
0x26a: {  	v55 =	vor.u32 v29, v42;
	[tilespmem:s22+$0xD50] =	vst v63;
	v57 =	vld.idx.msk [tilespmem:v52+s19+$0x0], $0xffff  }
0x26b: {  	[tilespmem:s22+$0xC50] =	vst v37;
	v60 =	vor.u32 v29, v41;
	v46 =	vld.idx.msk [tilespmem:v54+s19+$0x0], $0xffff  }
0x26c: {  	v59 =	vld.idx.msk [tilespmem:v53+s19+$0x0], $0xffff;
	v61 =	vor.u32 v30, v35;
	[tilespmem:s2+$0xD40] =	vst v38  }
0x26d: {  	v54 =	vor.u32 v31, v32;
	[tilespmem:s2+$0xCC0] =	vst v39;
	v38 =	vld.idx.msk [tilespmem:v58+s19+$0x0], $0xffff  }
0x26e: {  	v51 =	vor.u32 v30, v40;
	[tilespmem:s2+$0xDC0] =	vst v36;
	v43 =	vld.idx.msk [tilespmem:v56+s19+$0x0], $0xffff  }
0x26f: {  	v50 =	vor.u32 v30, v34;
	v36 =	vld.idx.msk [tilespmem:v55+s19+$0x0], $0xffff;
	[tilespmem:s2+$0xC40] =	vst v57  }
0x270: {  	v63 =	vor.u32 v30, v42;
	[tilespmem:s22+$0xD60] =	vst v46;
	v37 =	vld.idx.msk [tilespmem:v60+s19+$0x0], $0xffff  }
0x271: {  	v53 =	vor.u32 v30, v41;
	[tilespmem:s22+$0xCE0] =	vst v59;
	v52 =	vld.idx.msk [tilespmem:v61+s19+$0x0], $0xffff  }
0x272: {  	v62 =	vor.u32 v31, v33;
	v32 =	vld.idx.msk [tilespmem:v54+s19+$0x0], $0xffff;
	[tilespmem:s2+$0xD50] =	vst v38  }
0x273: {  	v55 =	vor.u32 v31, v35;
	[tilespmem:s2+$0xCD0] =	vst v43;
	v58 =	vld.idx.msk [tilespmem:v51+s19+$0x0], $0xffff  }
0x274: {  	v61 =	vor.u32 v31, v40;
	[tilespmem:s2+$0xDD0] =	vst v36;
	v57 =	vld.idx.msk [tilespmem:v50+s19+$0x0], $0xffff  }
0x275: {  	v59 =	vor.u32 v31, v34;
	v36 =	vld.idx.msk [tilespmem:v63+s19+$0x0], $0xffff;
	[tilespmem:s2+$0xC50] =	vst v37  }
0x276: {  	v56 =	vor.u32 v31, v42;
	[tilespmem:s22+$0xC60] =	vst v52;
	v60 =	vld.idx.msk [tilespmem:v53+s19+$0x0], $0xffff  }
0x277: {  	v33 =	vld.idx.msk [tilespmem:v62+s19+$0x0], $0xffff;
	v62 =	vor.u32 v31, v41;
	[tilespmem:s22+$0xD70] =	vst v32  }
0x278: {  	v35 =	vld.idx.msk [tilespmem:v55+s19+$0x0], $0xffff;
	[tilespmem:s2+$0xD60] =	vst v58  }
0x279: {  	[tilespmem:s2+$0xCE0] =	vst v57;
	v37 =	vld.idx.msk [tilespmem:v61+s19+$0x0], $0xffff  }
0x27a: {  	[tilespmem:s2+$0xDE0] =	vst v36;
	v34 =	vld.idx.msk [tilespmem:v59+s19+$0x0], $0xffff  }
0x27b: {  	v36 =	vld.idx.msk [tilespmem:v56+s19+$0x0], $0xffff;
	[tilespmem:s2+$0xC60] =	vst v60  }
0x27c: {  	[tilespmem:s22+$0xCF0] =	vst v33;
	v63 =	vld.idx.msk [tilespmem:v62+s19+$0x0], $0xffff  }
0x27d: {  	[tilespmem:s22+$0xC70] =	vst v35  }
0x27e: {  	[tilespmem:s2+$0xD70] =	vst v37  }
0x27f: {  	[tilespmem:s2+$0xCF0] =	vst v34  }
0x280: {  	s30 =	sshll.u32 s17, $0x11;
	[tilespmem:s2+$0xDF0] =	vst v36  }
0x281: {  	s22 =	sor.u32 s6, s30;
	[tilespmem:s2+$0xC70] =	vst v63;
	s2 =	rddreg [dreg:$0x1]  }
0x282: {  	s16 =	simm.s32 $0xE400;
	s0 =	sadd.s32 s2, s22  }
0x283: {  	[hbm4b:s0+s3] =	stream.linear.scatter [tilespmem:s16], [sflag:$0x2], $0x1000, $0x38;
	[tilespmem:$0x16400] =	vst v63  }
0x284: {  	p1 =	sne.s32 s17, $0x18;
	s24 =	sadd.s32 s22, s7  }
0x285: {  	[hbm4b:s24+s3] =	stream.linear.scatter [tilespmem:s21], [sflag:$0x2], $0x1000, $0x38;
	[tilespmem:$0x16400] =	vst v63  }
.Ltmp3:
0x286: {  	_ = 	snop;
	(pc) =	sbr.rel @p1 .LBB2_6-.Ltmp3, $4  }
0x287: {  	s28 =	sadd.s32 s22, s8  }
0x288: {  	[hbm4b:s28+s3] =	stream.linear.scatter [tilespmem:s23], [sflag:$0x2], $0x1000, $0x38;
	[tilespmem:$0x16400] =	vst v63  }
0x289: {  	s30 =	sadd.s32 s22, s9  }
0x28a: {  	[hbm4b:s30+s3] =	stream.linear.scatter [tilespmem:s26], [sflag:$0x2], $0x1000, $0x38;
	[tilespmem:$0x16400] =	vst v63  }
.Ltmp4:
0x28b: {  	(pc) =	sbr.rel .LBB2_7-.Ltmp4, $4  }
0x28c: {  	_ = 	snop  }
0x28d: {  	_ =	swait.ge [sflag:s1], $0x4000  }
0x28e: {  	[sflag:s1] =	ssyncset.done $0x0  }
0x28f: {  	[sflag:s1] =	ssyncadd.s32 $0xFFFFC000  }
.LBB2_6:
0x290: {  	s0 =	sadd.s32 $0x400, s20  }
0x291: {  	[tilespmem:s19], [sflag:$0x1] =	stream.indirect.gather [hbm4b:s4+s18], $0x20, s0, s18, $0xb8;
	[tilespmem:$0x16400] =	vst v63  }
0x292: {  	s30 =	sadd.s32 $0x480, s20;
	s2 =	simm.s32 $0x7400  }
0x293: {  	[tilespmem:s2], [sflag:$0x1] =	stream.indirect.gather [hbm4b:s4+s18], $0x20, s30, s18, $0xb8;
	[tilespmem:$0x16400] =	vst v63  }
0x294: {  	s16 =	sadd.s32 $0x500, s20;
	s24 =	simm.s32 $0x8400  }
0x295: {  	[tilespmem:s24], [sflag:$0x1] =	stream.indirect.gather [hbm4b:s4+s18], $0x20, s16, s18, $0xb8;
	[tilespmem:$0x16400] =	vst v63  }
.Ltmp5:
0x296: {  	s28 =	sadd.s32 $0x580, s20;
	s30 =	simm.s32 $0x9400;
	(pc) =	sbr.rel @p0 .LBB2_8-.Ltmp5, $4  }
0x297: {  	[tilespmem:s30], [sflag:$0x1] =	stream.indirect.gather [hbm4b:s4+s18], $0x20, s28, s18, $0xb8;
	[tilespmem:$0x16400] =	vst v63  }
0x298: {  	_ =	swait.ge [sflag:s1], $0x4000  }
0x299: {  	[sflag:s1] =	ssyncset.done $0x0  }
0x29a: {  	[sflag:s1] =	ssyncadd.s32 $0xFFFFC000  }
.LBB2_7:
0x29b: {  	_ =	swait.ge [sflag:s29], $0x1000  }
0x29c: {  	[sflag:s29] =	ssyncset.done $0x0  }
0x29d: {  	[sflag:s29] =	ssyncadd.s32 $0xFFFFF000  }
0x29e: {  	_ =	swait.ge [sflag:s29], $0x1000  }
0x29f: {  	[sflag:s29] =	ssyncset.done $0x0  }
0x2a0: {  	[sflag:s29] =	ssyncadd.s32 $0xFFFFF000  }
0x2a1: {  	_ =	swait.ge [sflag:s29], $0x1000  }
0x2a2: {  	[sflag:s29] =	ssyncset.done $0x0  }
0x2a3: {  	[sflag:s29] =	ssyncadd.s32 $0xFFFFF000  }
0x2a4: {  	_ =	swait.ge [sflag:s29], $0x1000  }
0x2a5: {  	[sflag:s29] =	ssyncset.done $0x0  }
0x2a6: {  	[sflag:s29] =	ssyncadd.s32 $0xFFFFF000  }
.LBB2_8:
0x2a7: {  	s0 =	simm.s32 $0x3  }
0x2a8: {  	s2 =	simm.s32 $0x1;
	v32 =	vmov s0  }
0x2a9: {  	s24 =	simm.s32 $0x0;
	v33 =	vmov s2;
	v32 =	vand.u32 $0x1F, v32  }
0x2aa: {  	v56 =	vmov s24;
	v33 =	vand.u32 $0x1D, v33;
	v40 =	vbroadcast v32, $0x0  }
0x2ab: {  	s16 =	simm.s32 $0x2;
	v57 =	vand.u32 $0x1C, v56;
	v41 =	vbroadcast v33, $0x0  }
0x2ac: {  	v55 =	vmov s16;
	v37 =	vbroadcast v57, $0x0;
	v34 =	vor.u32 v0, v40  }
0x2ad: {  	v32 =	vand.u32 $0x1E, v55;
	v35 =	vor.u32 v0, v41  }
0x2ae: {  	v38 =	vbroadcast v32, $0x0;
	v59 =	vor.u32 v0, v37;
	_ =	sdelay $0x1  }
0x2af: {  	v58 =	vor.u32 v0, v38  }
0x2b0: {  	s2 =	simm.s32 $0x0;
	v34 =	vld.idx.msk [tilespmem:v34+s25+$0x0], $0xffff  }
0x2b1: {  	s0 =	smul.u32 $0x3000, s2;
	v36 =	vor.u32 v1, v40;
	v35 =	vld.idx.msk [tilespmem:v35+s25+$0x0], $0xffff  }
0x2b2: {  	v39 =	vor.u32 v1, v41;
	v33 =	vld.idx.msk [tilespmem:v59+s25+$0x0], $0xffff  }
0x2b3: {  	s0 =	sshra.s32 s0, $0x2;
	v43 =	vor.u32 v1, v37  }
0x2b4: {  	s2 =	sadd.s32 $0xE400, s0;
	v32 =	vld.idx.msk [tilespmem:v58+s25+$0x0], $0xffff  }
0x2b5: {  	v42 =	vor.u32 v1, v38;
	[tilespmem:s2+$0x4180] =	vst v34  }
0x2b6: {  	[tilespmem:s2+$0x4080] =	vst v35;
	v34 =	vld.idx.msk [tilespmem:v36+s25+$0x0], $0xffff  }
0x2b7: {  	v60 =	vor.u32 v2, v40;
	[tilespmem:s2+$0x4000] =	vst v33;
	v35 =	vld.idx.msk [tilespmem:v39+s25+$0x0], $0xffff  }
0x2b8: {  	v61 =	vor.u32 v2, v41;
	v63 =	vld.idx.msk [tilespmem:v43+s25+$0x0], $0xffff  }
0x2b9: {  	v46 =	vor.u32 v2, v37;
	[tilespmem:s2+$0x4100] =	vst v32  }
0x2ba: {  	v62 =	vld.idx.msk [tilespmem:v42+s25+$0x0], $0xffff  }
0x2bb: {  	v45 =	vor.u32 v2, v38;
	[tilespmem:s2+$0x4190] =	vst v34  }
0x2bc: {  	[tilespmem:s2+$0x4090] =	vst v35;
	v34 =	vld.idx.msk [tilespmem:v60+s25+$0x0], $0xffff  }
0x2bd: {  	v47 =	vor.u32 v3, v40;
	[tilespmem:s2+$0x4010] =	vst v63;
	v32 =	vld.idx.msk [tilespmem:v61+s25+$0x0], $0xffff  }
0x2be: {  	v48 =	vor.u32 v3, v41;
	v39 =	vld.idx.msk [tilespmem:v46+s25+$0x0], $0xffff  }
0x2bf: {  	v51 =	vor.u32 v3, v37;
	[tilespmem:s2+$0x4110] =	vst v62  }
0x2c0: {  	v49 =	vld.idx.msk [tilespmem:v45+s25+$0x0], $0xffff  }
0x2c1: {  	v50 =	vor.u32 v3, v38;
	[tilespmem:s2+$0x41A0] =	vst v34  }
0x2c2: {  	[tilespmem:s2+$0x40A0] =	vst v32;
	v52 =	vld.idx.msk [tilespmem:v47+s25+$0x0], $0xffff  }
0x2c3: {  	v53 =	vor.u32 v4, v40;
	[tilespmem:s2+$0x4020] =	vst v39;
	v33 =	vld.idx.msk [tilespmem:v48+s25+$0x0], $0xffff  }
0x2c4: {  	v54 =	vor.u32 v4, v41;
	v39 =	vld.idx.msk [tilespmem:v51+s25+$0x0], $0xffff  }
0x2c5: {  	v56 =	vor.u32 v4, v37;
	[tilespmem:s2+$0x4120] =	vst v49  }
0x2c6: {  	v36 =	vld.idx.msk [tilespmem:v50+s25+$0x0], $0xffff  }
0x2c7: {  	v55 =	vor.u32 v4, v38;
	[tilespmem:s2+$0x41B0] =	vst v52  }
0x2c8: {  	[tilespmem:s2+$0x40B0] =	vst v33;
	v32 =	vld.idx.msk [tilespmem:v53+s25+$0x0], $0xffff  }
0x2c9: {  	v57 =	vor.u32 v5, v40;
	[tilespmem:s2+$0x4030] =	vst v39;
	v33 =	vld.idx.msk [tilespmem:v54+s25+$0x0], $0xffff  }
0x2ca: {  	v58 =	vor.u32 v5, v41;
	v39 =	vld.idx.msk [tilespmem:v56+s25+$0x0], $0xffff  }
0x2cb: {  	v60 =	vor.u32 v5, v37;
	[tilespmem:s2+$0x4130] =	vst v36  }
0x2cc: {  	v36 =	vld.idx.msk [tilespmem:v55+s25+$0x0], $0xffff  }
0x2cd: {  	v59 =	vor.u32 v5, v38;
	[tilespmem:s2+$0x41C0] =	vst v32  }
0x2ce: {  	[tilespmem:s2+$0x40C0] =	vst v33;
	v32 =	vld.idx.msk [tilespmem:v57+s25+$0x0], $0xffff  }
0x2cf: {  	v61 =	vor.u32 v6, v40;
	[tilespmem:s2+$0x4040] =	vst v39;
	v33 =	vld.idx.msk [tilespmem:v58+s25+$0x0], $0xffff  }
0x2d0: {  	v62 =	vor.u32 v6, v41;
	v39 =	vld.idx.msk [tilespmem:v60+s25+$0x0], $0xffff  }
0x2d1: {  	v45 =	vor.u32 v6, v37;
	[tilespmem:s2+$0x4140] =	vst v36  }
0x2d2: {  	v36 =	vld.idx.msk [tilespmem:v59+s25+$0x0], $0xffff  }
0x2d3: {  	v63 =	vor.u32 v6, v38;
	[tilespmem:s2+$0x41D0] =	vst v32  }
0x2d4: {  	[tilespmem:s2+$0x40D0] =	vst v33;
	v32 =	vld.idx.msk [tilespmem:v61+s25+$0x0], $0xffff  }
0x2d5: {  	v46 =	vor.u32 v7, v40;
	[tilespmem:s2+$0x4050] =	vst v39;
	v33 =	vld.idx.msk [tilespmem:v62+s25+$0x0], $0xffff  }
0x2d6: {  	v47 =	vor.u32 v7, v41;
	v39 =	vld.idx.msk [tilespmem:v45+s25+$0x0], $0xffff  }
0x2d7: {  	v49 =	vor.u32 v7, v37;
	[tilespmem:s2+$0x4150] =	vst v36  }
0x2d8: {  	v36 =	vld.idx.msk [tilespmem:v63+s25+$0x0], $0xffff  }
0x2d9: {  	v48 =	vor.u32 v7, v38;
	[tilespmem:s2+$0x41E0] =	vst v32  }
0x2da: {  	[tilespmem:s2+$0x40E0] =	vst v33;
	v32 =	vld.idx.msk [tilespmem:v46+s25+$0x0], $0xffff  }
0x2db: {  	v50 =	vor.u32 v8, v40;
	[tilespmem:s2+$0x4060] =	vst v39;
	v33 =	vld.idx.msk [tilespmem:v47+s25+$0x0], $0xffff  }
0x2dc: {  	v51 =	vor.u32 v8, v41;
	v39 =	vld.idx.msk [tilespmem:v49+s25+$0x0], $0xffff  }
0x2dd: {  	v53 =	vor.u32 v8, v37;
	[tilespmem:s2+$0x4160] =	vst v36  }
0x2de: {  	v36 =	vld.idx.msk [tilespmem:v48+s25+$0x0], $0xffff  }
0x2df: {  	v52 =	vor.u32 v8, v38;
	[tilespmem:s2+$0x41F0] =	vst v32  }
0x2e0: {  	[tilespmem:s2+$0x40F0] =	vst v33;
	v32 =	vld.idx.msk [tilespmem:v50+s25+$0x0], $0xffff  }
0x2e1: {  	v54 =	vor.u32 v9, v40;
	[tilespmem:s2+$0x4070] =	vst v39;
	v33 =	vld.idx.msk [tilespmem:v51+s25+$0x0], $0xffff  }
0x2e2: {  	v55 =	vor.u32 v9, v41;
	v39 =	vld.idx.msk [tilespmem:v53+s25+$0x0], $0xffff  }
0x2e3: {  	v57 =	vor.u32 v9, v37;
	[tilespmem:s2+$0x4170] =	vst v36  }
0x2e4: {  	v36 =	vld.idx.msk [tilespmem:v52+s25+$0x0], $0xffff  }
0x2e5: {  	v56 =	vor.u32 v9, v38;
	[tilespmem:s2+$0x4580] =	vst v32  }
0x2e6: {  	[tilespmem:s2+$0x4480] =	vst v33;
	v32 =	vld.idx.msk [tilespmem:v54+s25+$0x0], $0xffff  }
0x2e7: {  	v58 =	vor.u32 v10, v40;
	[tilespmem:s2+$0x4400] =	vst v39;
	v33 =	vld.idx.msk [tilespmem:v55+s25+$0x0], $0xffff  }
0x2e8: {  	v59 =	vor.u32 v10, v41;
	v39 =	vld.idx.msk [tilespmem:v57+s25+$0x0], $0xffff  }
0x2e9: {  	v61 =	vor.u32 v10, v37;
	[tilespmem:s2+$0x4500] =	vst v36  }
0x2ea: {  	v36 =	vld.idx.msk [tilespmem:v56+s25+$0x0], $0xffff  }
0x2eb: {  	v60 =	vor.u32 v10, v38;
	[tilespmem:s2+$0x4590] =	vst v32  }
0x2ec: {  	[tilespmem:s2+$0x4490] =	vst v33;
	v32 =	vld.idx.msk [tilespmem:v58+s25+$0x0], $0xffff  }
0x2ed: {  	v62 =	vor.u32 v11, v40;
	[tilespmem:s2+$0x4410] =	vst v39;
	v33 =	vld.idx.msk [tilespmem:v59+s25+$0x0], $0xffff  }
0x2ee: {  	v63 =	vor.u32 v11, v41;
	v39 =	vld.idx.msk [tilespmem:v61+s25+$0x0], $0xffff  }
0x2ef: {  	v46 =	vor.u32 v11, v37;
	[tilespmem:s2+$0x4510] =	vst v36  }
0x2f0: {  	v36 =	vld.idx.msk [tilespmem:v60+s25+$0x0], $0xffff  }
0x2f1: {  	v45 =	vor.u32 v11, v38;
	[tilespmem:s2+$0x45A0] =	vst v32  }
0x2f2: {  	[tilespmem:s2+$0x44A0] =	vst v33;
	v32 =	vld.idx.msk [tilespmem:v62+s25+$0x0], $0xffff  }
0x2f3: {  	v47 =	vor.u32 v12, v40;
	[tilespmem:s2+$0x4420] =	vst v39;
	v33 =	vld.idx.msk [tilespmem:v63+s25+$0x0], $0xffff  }
0x2f4: {  	v48 =	vor.u32 v12, v41;
	v39 =	vld.idx.msk [tilespmem:v46+s25+$0x0], $0xffff  }
0x2f5: {  	v50 =	vor.u32 v12, v37;
	[tilespmem:s2+$0x4520] =	vst v36  }
0x2f6: {  	v36 =	vld.idx.msk [tilespmem:v45+s25+$0x0], $0xffff  }
0x2f7: {  	v49 =	vor.u32 v12, v38;
	[tilespmem:s2+$0x45B0] =	vst v32  }
0x2f8: {  	[tilespmem:s2+$0x44B0] =	vst v33;
	v32 =	vld.idx.msk [tilespmem:v47+s25+$0x0], $0xffff  }
0x2f9: {  	v51 =	vor.u32 v13, v40;
	[tilespmem:s2+$0x4430] =	vst v39;
	v33 =	vld.idx.msk [tilespmem:v48+s25+$0x0], $0xffff  }
0x2fa: {  	v52 =	vor.u32 v13, v41;
	v39 =	vld.idx.msk [tilespmem:v50+s25+$0x0], $0xffff  }
0x2fb: {  	v54 =	vor.u32 v13, v37;
	[tilespmem:s2+$0x4530] =	vst v36  }
0x2fc: {  	v36 =	vld.idx.msk [tilespmem:v49+s25+$0x0], $0xffff  }
0x2fd: {  	v53 =	vor.u32 v13, v38;
	[tilespmem:s2+$0x45C0] =	vst v32  }
0x2fe: {  	[tilespmem:s2+$0x44C0] =	vst v33;
	v32 =	vld.idx.msk [tilespmem:v51+s25+$0x0], $0xffff  }
0x2ff: {  	v55 =	vor.u32 v14, v40;
	[tilespmem:s2+$0x4440] =	vst v39;
	v33 =	vld.idx.msk [tilespmem:v52+s25+$0x0], $0xffff  }
0x300: {  	v56 =	vor.u32 v14, v41;
	v39 =	vld.idx.msk [tilespmem:v54+s25+$0x0], $0xffff  }
0x301: {  	v58 =	vor.u32 v14, v37;
	[tilespmem:s2+$0x4540] =	vst v36  }
0x302: {  	v36 =	vld.idx.msk [tilespmem:v53+s25+$0x0], $0xffff  }
0x303: {  	v57 =	vor.u32 v14, v38;
	[tilespmem:s2+$0x45D0] =	vst v32  }
0x304: {  	[tilespmem:s2+$0x44D0] =	vst v33;
	v32 =	vld.idx.msk [tilespmem:v55+s25+$0x0], $0xffff  }
0x305: {  	v59 =	vor.u32 v15, v40;
	[tilespmem:s2+$0x4450] =	vst v39;
	v33 =	vld.idx.msk [tilespmem:v56+s25+$0x0], $0xffff  }
0x306: {  	v60 =	vor.u32 v15, v41;
	v39 =	vld.idx.msk [tilespmem:v58+s25+$0x0], $0xffff  }
0x307: {  	v62 =	vor.u32 v15, v37;
	[tilespmem:s2+$0x4550] =	vst v36  }
0x308: {  	v36 =	vld.idx.msk [tilespmem:v57+s25+$0x0], $0xffff  }
0x309: {  	v61 =	vor.u32 v15, v38;
	[tilespmem:s2+$0x45E0] =	vst v32  }
0x30a: {  	[tilespmem:s2+$0x44E0] =	vst v33;
	v32 =	vld.idx.msk [tilespmem:v59+s25+$0x0], $0xffff  }
0x30b: {  	v63 =	vor.u32 v16, v40;
	[tilespmem:s2+$0x4460] =	vst v39;
	v33 =	vld.idx.msk [tilespmem:v60+s25+$0x0], $0xffff  }
0x30c: {  	v48 =	vor.u32 v16, v41;
	v39 =	vld.idx.msk [tilespmem:v62+s25+$0x0], $0xffff  }
0x30d: {  	v44 =	vor.u32 v16, v37;
	[tilespmem:s2+$0x4560] =	vst v36  }
0x30e: {  	v36 =	vld.idx.msk [tilespmem:v61+s25+$0x0], $0xffff  }
0x30f: {  	s16 =	simm.s32 $0x5;
	v49 =	vor.u32 v16, v38;
	[tilespmem:s2+$0x45F0] =	vst v32  }
0x310: {  	v50 =	vmov s16;
	[tilespmem:s2+$0x44F0] =	vst v33;
	v34 =	vld.idx.msk [tilespmem:v63+s25+$0x0], $0xffff  }
0x311: {  	s24 =	simm.s32 $0x6;
	v51 =	vand.u32 $0x1D, v50;
	v52 =	vor.u32 v17, v40;
	[tilespmem:s2+$0x4470] =	vst v39;
	v35 =	vld.idx.msk [tilespmem:v48+s25+$0x0], $0xffff  }
0x312: {  	v54 =	vor.u32 v17, v41;
	v53 =	vmov s24;
	v33 =	vbroadcast v51, $0x0;
	v56 =	vld.idx.msk [tilespmem:v44+s25+$0x0], $0xffff  }
0x313: {  	v46 =	vor.u32 v17, v37;
	v32 =	vand.u32 $0x1E, v53;
	[tilespmem:s2+$0x4570] =	vst v36  }
0x314: {  	v32 =	vbroadcast v32, $0x0;
	v45 =	vor.u32 v0, v33;
	v55 =	vld.idx.msk [tilespmem:v49+s25+$0x0], $0xffff  }
0x315: {  	s16 =	simm.s32 $0x7;
	v57 =	vor.u32 v17, v38;
	[tilespmem:s2+$0x4980] =	vst v34  }
0x316: {  	v58 =	vmov s16;
	v47 =	vor.u32 v0, v32;
	[tilespmem:s2+$0x4880] =	vst v35;
	v43 =	vld.idx.msk [tilespmem:v52+s25+$0x0], $0xffff  }
0x317: {  	s24 =	simm.s32 $0x4;
	v49 =	vor.u32 v18, v40;
	v34 =	vand.u32 $0x1F, v58;
	[tilespmem:s2+$0x4800] =	vst v56;
	v48 =	vld.idx.msk [tilespmem:v54+s25+$0x0], $0xffff  }
0x318: {  	s16 =	simm.s32 $0x9;
	v59 =	vmov s24;
	v60 =	vor.u32 v18, v41;
	v36 =	vbroadcast v34, $0x0;
	v46 =	vld.idx.msk [tilespmem:v46+s25+$0x0], $0xffff  }
0x319: {  	v62 =	vmov s16;
	v56 =	vor.u32 v18, v37;
	v45 =	vld.idx.msk [tilespmem:v45+s25+$0x0], $0xffff;
	[tilespmem:s2+$0x4900] =	vst v55;
	v34 =	vand.u32 $0x1C, v59  }
0x31a: {  	v50 =	vand.u32 $0x1D, v62;
	v61 =	vld.idx.msk [tilespmem:v57+s25+$0x0], $0xffff;
	v35 =	vbroadcast v34, $0x0;
	v63 =	vor.u32 v0, v36  }
0x31b: {  	v51 =	vor.u32 v18, v38;
	v47 =	vld.idx.msk [tilespmem:v47+s25+$0x0], $0xffff;
	v34 =	vbroadcast v50, $0x0;
	[tilespmem:s2+$0x4990] =	vst v43  }
0x31c: {  	s24 =	simm.s32 $0x0;
	v57 =	vor.u32 v0, v35;
	[tilespmem:s2+$0x4890] =	vst v48;
	v58 =	vld.idx.msk [tilespmem:v49+s25+$0x0], $0xffff  }
0x31d: {  	s0 =	smul.u32 $0x3000, s24;
	v59 =	vor.u32 v0, v34;
	[tilespmem:s2+$0x4810] =	vst v46;
	v52 =	vld.idx.msk [tilespmem:v60+s25+$0x0], $0xffff  }
0x31e: {  	v54 =	vor.u32 v1, v33;
	v50 =	vld.idx.msk [tilespmem:v56+s25+$0x0], $0xffff  }
0x31f: {  	s0 =	sshra.s32 s0, $0x2;
	[tilespmem:s2+$0x4910] =	vst v61;
	v61 =	vor.u32 v19, v40;
	v60 =	vld.idx.msk [tilespmem:v63+s25+$0x0], $0xffff  }
0x320: {  	v62 =	vor.u32 v19, v41;
	s24 =	sadd.s32 $0xE600, s0;
	v51 =	vld.idx.msk [tilespmem:v51+s25+$0x0], $0xffff  }
0x321: {  	[tilespmem:s24+$0x4080] =	vst v45;
	v63 =	vor.u32 v1, v32;
	v43 =	vld.idx.msk [tilespmem:v57+s25+$0x0], $0xffff  }
0x322: {  	v53 =	vor.u32 v1, v36;
	[tilespmem:s24+$0x4100] =	vst v47;
	v39 =	vld.idx.msk [tilespmem:v59+s25+$0x0], $0xffff  }
0x323: {  	v46 =	vor.u32 v19, v38;
	[tilespmem:s2+$0x49A0] =	vst v58;
	v58 =	vld.idx.msk [tilespmem:v54+s25+$0x0], $0xffff  }
0x324: {  	v56 =	vor.u32 v1, v35;
	[tilespmem:s2+$0x48A0] =	vst v52;
	v44 =	vld.idx.msk [tilespmem:v61+s25+$0x0], $0xffff  }
0x325: {  	[tilespmem:s2+$0x4820] =	vst v50;
	v42 =	vld.idx.msk [tilespmem:v62+s25+$0x0], $0xffff;
	v62 =	vor.u32 v2, v33  }
0x326: {  	v57 =	vor.u32 v20, v40;
	[tilespmem:s24+$0x4180] =	vst v60;
	v60 =	vld.idx.msk [tilespmem:v63+s25+$0x0], $0xffff  }
0x327: {  	v59 =	vor.u32 v19, v37;
	[tilespmem:s2+$0x4920] =	vst v51;
	v45 =	vld.idx.msk [tilespmem:v53+s25+$0x0], $0xffff  }
0x328: {  	v63 =	vor.u32 v2, v32;
	[tilespmem:s24+$0x4000] =	vst v43;
	v46 =	vld.idx.msk [tilespmem:v46+s25+$0x0], $0xffff  }
0x329: {  	v61 =	vor.u32 v2, v36;
	v48 =	vld.idx.msk [tilespmem:v56+s25+$0x0], $0xffff;
	[tilespmem:s24+$0x4090] =	vst v58  }
0x32a: {  	v56 =	vor.u32 v2, v35;
	[tilespmem:s2+$0x49B0] =	vst v44;
	v53 =	vld.idx.msk [tilespmem:v62+s25+$0x0], $0xffff  }
0x32b: {  	[tilespmem:s24+$0x4110] =	vst v60;
	v50 =	vld.idx.msk [tilespmem:v57+s25+$0x0], $0xffff;
	v57 =	vor.u32 v20, v41  }
0x32c: {  	v62 =	vor.u32 v3, v33;
	[tilespmem:s24+$0x4190] =	vst v45;
	v45 =	vld.idx.msk [tilespmem:v59+s25+$0x0], $0xffff  }
0x32d: {  	v58 =	vor.u32 v21, v40;
	[tilespmem:s2+$0x48B0] =	vst v42;
	v60 =	vld.idx.msk [tilespmem:v63+s25+$0x0], $0xffff  }
0x32e: {  	v59 =	vor.u32 v20, v38;
	v49 =	vld.idx.msk [tilespmem:v61+s25+$0x0], $0xffff;
	[tilespmem:s24+$0x4010] =	vst v48  }
0x32f: {  	v63 =	vor.u32 v3, v32;
	[tilespmem:s2+$0x4930] =	vst v46;
	v44 =	vld.idx.msk [tilespmem:v56+s25+$0x0], $0xffff  }
0x330: {  	v61 =	vor.u32 v3, v36;
	[tilespmem:s24+$0x40A0] =	vst v53;
	v47 =	vld.idx.msk [tilespmem:v57+s25+$0x0], $0xffff  }
0x331: {  	v56 =	vor.u32 v3, v35;
	[tilespmem:s2+$0x49C0] =	vst v50;
	v53 =	vld.idx.msk [tilespmem:v62+s25+$0x0], $0xffff  }
0x332: {  	[tilespmem:s24+$0x4120] =	vst v60;
	v57 =	vld.idx.msk [tilespmem:v58+s25+$0x0], $0xffff;
	v58 =	vor.u32 v20, v37  }
0x333: {  	v43 =	vld.idx.msk [tilespmem:v59+s25+$0x0], $0xffff;
	v60 =	vor.u32 v21, v41;
	[tilespmem:s2+$0x4830] =	vst v45  }
0x334: {  	v62 =	vor.u32 v4, v33;
	[tilespmem:s24+$0x41A0] =	vst v49;
	v42 =	vld.idx.msk [tilespmem:v63+s25+$0x0], $0xffff  }
0x335: {  	v59 =	vor.u32 v22, v40;
	v51 =	vld.idx.msk [tilespmem:v61+s25+$0x0], $0xffff;
	[tilespmem:s24+$0x4020] =	vst v44  }
0x336: {  	v63 =	vor.u32 v4, v32;
	v50 =	vld.idx.msk [tilespmem:v56+s25+$0x0], $0xffff;
	[tilespmem:s2+$0x48C0] =	vst v47  }
0x337: {  	v61 =	vor.u32 v4, v36;
	[tilespmem:s24+$0x40B0] =	vst v53;
	v49 =	vld.idx.msk [tilespmem:v58+s25+$0x0], $0xffff  }
0x338: {  	v56 =	vor.u32 v4, v35;
	[tilespmem:s2+$0x4940] =	vst v43;
	v48 =	vld.idx.msk [tilespmem:v60+s25+$0x0], $0xffff  }
0x339: {  	[tilespmem:s2+$0x49D0] =	vst v57;
	v58 =	vor.u32 v21, v38;
	v53 =	vld.idx.msk [tilespmem:v62+s25+$0x0], $0xffff  }
0x33a: {  	[tilespmem:s24+$0x4130] =	vst v42;
	v60 =	vor.u32 v21, v37;
	v57 =	vld.idx.msk [tilespmem:v59+s25+$0x0], $0xffff  }
0x33b: {  	v62 =	vor.u32 v5, v33;
	[tilespmem:s24+$0x41B0] =	vst v51;
	v45 =	vld.idx.msk [tilespmem:v63+s25+$0x0], $0xffff  }
0x33c: {  	v59 =	vor.u32 v23, v40;
	v44 =	vld.idx.msk [tilespmem:v61+s25+$0x0], $0xffff;
	[tilespmem:s24+$0x4030] =	vst v50  }
0x33d: {  	v63 =	vor.u32 v5, v32;
	v46 =	vld.idx.msk [tilespmem:v56+s25+$0x0], $0xffff;
	[tilespmem:s2+$0x4840] =	vst v49  }
0x33e: {  	v61 =	vor.u32 v5, v36;
	v51 =	vld.idx.msk [tilespmem:v58+s25+$0x0], $0xffff;
	[tilespmem:s24+$0x40C0] =	vst v53  }
0x33f: {  	v56 =	vor.u32 v5, v35;
	[tilespmem:s2+$0x48D0] =	vst v48;
	v42 =	vld.idx.msk [tilespmem:v60+s25+$0x0], $0xffff  }
0x340: {  	v58 =	vor.u32 v22, v41;
	[tilespmem:s2+$0x49E0] =	vst v57;
	v53 =	vld.idx.msk [tilespmem:v62+s25+$0x0], $0xffff  }
0x341: {  	[tilespmem:s24+$0x4140] =	vst v45;
	v60 =	vor.u32 v22, v38;
	v57 =	vld.idx.msk [tilespmem:v59+s25+$0x0], $0xffff  }
0x342: {  	v62 =	vor.u32 v6, v33;
	[tilespmem:s24+$0x41C0] =	vst v44;
	v43 =	vld.idx.msk [tilespmem:v63+s25+$0x0], $0xffff  }
0x343: {  	v59 =	vor.u32 v24, v40;
	v50 =	vld.idx.msk [tilespmem:v61+s25+$0x0], $0xffff;
	[tilespmem:s24+$0x4040] =	vst v46  }
0x344: {  	v63 =	vor.u32 v6, v32;
	v47 =	vld.idx.msk [tilespmem:v56+s25+$0x0], $0xffff;
	[tilespmem:s2+$0x4950] =	vst v51  }
0x345: {  	v61 =	vor.u32 v6, v36;
	v44 =	vld.idx.msk [tilespmem:v58+s25+$0x0], $0xffff;
	[tilespmem:s24+$0x40D0] =	vst v53  }
0x346: {  	v56 =	vor.u32 v6, v35;
	v45 =	vld.idx.msk [tilespmem:v60+s25+$0x0], $0xffff;
	[tilespmem:s2+$0x4850] =	vst v42  }
0x347: {  	[tilespmem:s2+$0x49F0] =	vst v57;
	v57 =	vor.u32 v22, v37;
	v53 =	vld.idx.msk [tilespmem:v62+s25+$0x0], $0xffff  }
0x348: {  	[tilespmem:s24+$0x4150] =	vst v43;
	v51 =	vld.idx.msk [tilespmem:v59+s25+$0x0], $0xffff;
	v59 =	vor.u32 v23, v41  }
0x349: {  	v62 =	vor.u32 v7, v33;
	[tilespmem:s24+$0x41D0] =	vst v50;
	v60 =	vld.idx.msk [tilespmem:v63+s25+$0x0], $0xffff  }
0x34a: {  	v58 =	vor.u32 v25, v40;
	v46 =	vld.idx.msk [tilespmem:v61+s25+$0x0], $0xffff;
	[tilespmem:s24+$0x4050] =	vst v47  }
0x34b: {  	v63 =	vor.u32 v7, v32;
	v49 =	vld.idx.msk [tilespmem:v56+s25+$0x0], $0xffff;
	[tilespmem:s2+$0x48E0] =	vst v44  }
0x34c: {  	v61 =	vor.u32 v7, v36;
	v50 =	vld.idx.msk [tilespmem:v57+s25+$0x0], $0xffff;
	[tilespmem:s24+$0x40E0] =	vst v53  }
0x34d: {  	v56 =	vor.u32 v7, v35;
	[tilespmem:s2+$0x4D80] =	vst v51;
	v43 =	vld.idx.msk [tilespmem:v59+s25+$0x0], $0xffff  }
0x34e: {  	v53 =	vld.idx.msk [tilespmem:v62+s25+$0x0], $0xffff;
	[tilespmem:s24+$0x4160] =	vst v60;
	v60 =	vor.u32 v23, v37  }
0x34f: {  	[tilespmem:s2+$0x4960] =	vst v45;
	v57 =	vld.idx.msk [tilespmem:v58+s25+$0x0], $0xffff;
	v58 =	vor.u32 v23, v38  }
0x350: {  	v62 =	vor.u32 v8, v33;
	[tilespmem:s24+$0x41E0] =	vst v46;
	v42 =	vld.idx.msk [tilespmem:v63+s25+$0x0], $0xffff  }
0x351: {  	v59 =	vor.u32 v26, v40;
	v48 =	vld.idx.msk [tilespmem:v61+s25+$0x0], $0xffff;
	[tilespmem:s24+$0x4060] =	vst v49  }
0x352: {  	v63 =	vor.u32 v8, v32;
	v51 =	vld.idx.msk [tilespmem:v56+s25+$0x0], $0xffff;
	[tilespmem:s2+$0x4860] =	vst v50  }
0x353: {  	v61 =	vor.u32 v8, v36;
	v47 =	vld.idx.msk [tilespmem:v60+s25+$0x0], $0xffff;
	[tilespmem:s24+$0x40F0] =	vst v53  }
0x354: {  	v56 =	vor.u32 v8, v35;
	[tilespmem:s2+$0x48F0] =	vst v43;
	v46 =	vld.idx.msk [tilespmem:v58+s25+$0x0], $0xffff  }
0x355: {  	[tilespmem:s2+$0x4D90] =	vst v57;
	v58 =	vor.u32 v24, v41;
	v53 =	vld.idx.msk [tilespmem:v62+s25+$0x0], $0xffff  }
0x356: {  	v60 =	vor.u32 v24, v38;
	[tilespmem:s24+$0x4170] =	vst v42;
	v57 =	vld.idx.msk [tilespmem:v59+s25+$0x0], $0xffff  }
0x357: {  	v62 =	vor.u32 v9, v33;
	[tilespmem:s24+$0x41F0] =	vst v48;
	v45 =	vld.idx.msk [tilespmem:v63+s25+$0x0], $0xffff  }
0x358: {  	v59 =	vor.u32 v27, v40;
	v49 =	vld.idx.msk [tilespmem:v61+s25+$0x0], $0xffff;
	[tilespmem:s24+$0x4070] =	vst v51  }
0x359: {  	v63 =	vor.u32 v9, v32;
	v44 =	vld.idx.msk [tilespmem:v56+s25+$0x0], $0xffff;
	[tilespmem:s2+$0x4870] =	vst v47  }
0x35a: {  	v61 =	vor.u32 v9, v36;
	v48 =	vld.idx.msk [tilespmem:v58+s25+$0x0], $0xffff;
	[tilespmem:s2+$0x4970] =	vst v46  }
0x35b: {  	v56 =	vor.u32 v9, v35;
	[tilespmem:s24+$0x4480] =	vst v53;
	v42 =	vld.idx.msk [tilespmem:v60+s25+$0x0], $0xffff  }
0x35c: {  	v58 =	vor.u32 v24, v37;
	[tilespmem:s2+$0x4DA0] =	vst v57;
	v53 =	vld.idx.msk [tilespmem:v62+s25+$0x0], $0xffff  }
0x35d: {  	[tilespmem:s24+$0x4500] =	vst v45;
	v60 =	vor.u32 v25, v41;
	v57 =	vld.idx.msk [tilespmem:v59+s25+$0x0], $0xffff  }
0x35e: {  	v62 =	vor.u32 v10, v33;
	[tilespmem:s24+$0x4580] =	vst v49;
	v43 =	vld.idx.msk [tilespmem:v63+s25+$0x0], $0xffff  }
0x35f: {  	v59 =	vor.u32 v28, v40;
	v51 =	vld.idx.msk [tilespmem:v61+s25+$0x0], $0xffff;
	[tilespmem:s24+$0x4400] =	vst v44  }
0x360: {  	v63 =	vor.u32 v10, v32;
	v50 =	vld.idx.msk [tilespmem:v56+s25+$0x0], $0xffff;
	[tilespmem:s2+$0x4C80] =	vst v48  }
0x361: {  	v61 =	vor.u32 v10, v36;
	v49 =	vld.idx.msk [tilespmem:v58+s25+$0x0], $0xffff;
	[tilespmem:s24+$0x4490] =	vst v53  }
0x362: {  	v56 =	vor.u32 v10, v35;
	v45 =	vld.idx.msk [tilespmem:v60+s25+$0x0], $0xffff;
	[tilespmem:s2+$0x4D00] =	vst v42  }
0x363: {  	v58 =	vor.u32 v25, v38;
	[tilespmem:s2+$0x4DB0] =	vst v57;
	v53 =	vld.idx.msk [tilespmem:v62+s25+$0x0], $0xffff  }
0x364: {  	v60 =	vor.u32 v25, v37;
	[tilespmem:s24+$0x4510] =	vst v43;
	v57 =	vld.idx.msk [tilespmem:v59+s25+$0x0], $0xffff  }
0x365: {  	v62 =	vor.u32 v11, v33;
	[tilespmem:s24+$0x4590] =	vst v51;
	v47 =	vld.idx.msk [tilespmem:v63+s25+$0x0], $0xffff  }
0x366: {  	v59 =	vor.u32 v29, v40;
	v44 =	vld.idx.msk [tilespmem:v61+s25+$0x0], $0xffff;
	[tilespmem:s24+$0x4410] =	vst v50  }
0x367: {  	v63 =	vor.u32 v11, v32;
	v46 =	vld.idx.msk [tilespmem:v56+s25+$0x0], $0xffff;
	[tilespmem:s2+$0x4C00] =	vst v49  }
0x368: {  	v61 =	vor.u32 v11, v36;
	v51 =	vld.idx.msk [tilespmem:v58+s25+$0x0], $0xffff;
	[tilespmem:s2+$0x4C90] =	vst v45  }
0x369: {  	v58 =	vor.u32 v26, v41;
	v43 =	vld.idx.msk [tilespmem:v60+s25+$0x0], $0xffff;
	[tilespmem:s24+$0x44A0] =	vst v53  }
0x36a: {  	v56 =	vor.u32 v11, v35;
	[tilespmem:s2+$0x4DC0] =	vst v57;
	v53 =	vld.idx.msk [tilespmem:v62+s25+$0x0], $0xffff  }
0x36b: {  	v60 =	vor.u32 v26, v38;
	[tilespmem:s24+$0x4520] =	vst v47;
	v57 =	vld.idx.msk [tilespmem:v59+s25+$0x0], $0xffff  }
0x36c: {  	v62 =	vor.u32 v12, v33;
	[tilespmem:s24+$0x45A0] =	vst v44;
	v42 =	vld.idx.msk [tilespmem:v63+s25+$0x0], $0xffff  }
0x36d: {  	v59 =	vor.u32 v30, v40;
	v50 =	vld.idx.msk [tilespmem:v61+s25+$0x0], $0xffff;
	[tilespmem:s24+$0x4420] =	vst v46  }
0x36e: {  	v63 =	vor.u32 v12, v32;
	v44 =	vld.idx.msk [tilespmem:v58+s25+$0x0], $0xffff;
	[tilespmem:s2+$0x4D10] =	vst v51  }
0x36f: {  	v61 =	vor.u32 v12, v36;
	v48 =	vld.idx.msk [tilespmem:v56+s25+$0x0], $0xffff;
	[tilespmem:s2+$0x4C10] =	vst v43  }
0x370: {  	v58 =	vor.u32 v26, v37;
	v47 =	vld.idx.msk [tilespmem:v60+s25+$0x0], $0xffff;
	[tilespmem:s24+$0x44B0] =	vst v53  }
0x371: {  	v56 =	vor.u32 v12, v35;
	[tilespmem:s2+$0x4DD0] =	vst v57;
	v53 =	vld.idx.msk [tilespmem:v62+s25+$0x0], $0xffff  }
0x372: {  	s16 =	simm.s32 $0xA;
	v60 =	vor.u32 v27, v41;
	[tilespmem:s24+$0x4530] =	vst v42;
	v57 =	vld.idx.msk [tilespmem:v59+s25+$0x0], $0xffff  }
0x373: {  	v62 =	vmov s16;
	[tilespmem:s24+$0x45B0] =	vst v50;
	v45 =	vld.idx.msk [tilespmem:v63+s25+$0x0], $0xffff;
	v63 =	vor.u32 v13, v33  }
0x374: {  	v59 =	vor.u32 v31, v40;
	v40 =	vand.u32 $0x1E, v62;
	[tilespmem:s2+$0x4CA0] =	vst v44;
	v46 =	vld.idx.msk [tilespmem:v61+s25+$0x0], $0xffff  }
0x375: {  	v50 =	vld.idx.msk [tilespmem:v58+s25+$0x0], $0xffff;
	[tilespmem:s24+$0x4430] =	vst v48;
	v61 =	vor.u32 v13, v36;
	v40 =	vbroadcast v40, $0x0  }
0x376: {  	[tilespmem:s2+$0x4D20] =	vst v47;
	v49 =	vld.idx.msk [tilespmem:v56+s25+$0x0], $0xffff;
	v56 =	vor.u32 v13, v32  }
0x377: {  	v42 =	vld.idx.msk [tilespmem:v60+s25+$0x0], $0xffff;
	v60 =	vor.u32 v0, v40;
	[tilespmem:s24+$0x44C0] =	vst v53  }
0x378: {  	[tilespmem:s2+$0x4DE0] =	vst v57;
	v57 =	vor.u32 v13, v35;
	v53 =	vld.idx.msk [tilespmem:v63+s25+$0x0], $0xffff  }
0x379: {  	v58 =	vld.idx.msk [tilespmem:v59+s25+$0x0], $0xffff;
	[tilespmem:s24+$0x45C0] =	vst v46;
	v59 =	vor.u32 v27, v38  }
0x37a: {  	v55 =	vor.u32 v14, v33;
	[tilespmem:s24+$0x4540] =	vst v45;
	v48 =	vld.idx.msk [tilespmem:v61+s25+$0x0], $0xffff  }
0x37b: {  	[tilespmem:s2+$0x4C20] =	vst v50;
	v61 =	vor.u32 v27, v37;
	v62 =	vld.idx.msk [tilespmem:v56+s25+$0x0], $0xffff  }
0x37c: {  	v63 =	vor.u32 v14, v36;
	[tilespmem:s24+$0x4440] =	vst v49;
	v43 =	vld.idx.msk [tilespmem:v60+s25+$0x0], $0xffff  }
0x37d: {  	[tilespmem:s2+$0x4CB0] =	vst v42;
	v56 =	vor.u32 v14, v32;
	v51 =	vld.idx.msk [tilespmem:v57+s25+$0x0], $0xffff  }
0x37e: {  	v57 =	vor.u32 v14, v35;
	[tilespmem:s24+$0x44D0] =	vst v53;
	v46 =	vld.idx.msk [tilespmem:v59+s25+$0x0], $0xffff  }
0x37f: {  	[tilespmem:s2+$0x4DF0] =	vst v58;
	v58 =	vor.u32 v28, v41;
	v53 =	vld.idx.msk [tilespmem:v55+s25+$0x0], $0xffff  }
0x380: {  	v60 =	vor.u32 v28, v38;
	[tilespmem:s24+$0x45D0] =	vst v48;
	v45 =	vld.idx.msk [tilespmem:v61+s25+$0x0], $0xffff  }
0x381: {  	[tilespmem:s24+$0x4550] =	vst v62;
	v61 =	vor.u32 v28, v37;
	v59 =	vld.idx.msk [tilespmem:v63+s25+$0x0], $0xffff  }
0x382: {  	v47 =	vld.idx.msk [tilespmem:v56+s25+$0x0], $0xffff;
	v63 =	vor.u32 v15, v33;
	[tilespmem:s24+$0x4450] =	vst v51  }
0x383: {  	v62 =	vor.u32 v15, v36;
	v44 =	vld.idx.msk [tilespmem:v57+s25+$0x0], $0xffff;
	[tilespmem:s2+$0x4D30] =	vst v46  }
0x384: {  	v56 =	vor.u32 v15, v32;
	v48 =	vld.idx.msk [tilespmem:v58+s25+$0x0], $0xffff;
	[tilespmem:s24+$0x44E0] =	vst v53  }
0x385: {  	v57 =	vor.u32 v15, v35;
	[tilespmem:s2+$0x4C30] =	vst v45;
	v58 =	vld.idx.msk [tilespmem:v60+s25+$0x0], $0xffff  }
0x386: {  	[tilespmem:s24+$0x45E0] =	vst v59;
	v49 =	vld.idx.msk [tilespmem:v61+s25+$0x0], $0xffff;
	v59 =	vor.u32 v29, v41  }
0x387: {  	v60 =	vor.u32 v29, v38;
	v53 =	vld.idx.msk [tilespmem:v63+s25+$0x0], $0xffff;
	[tilespmem:s24+$0x4560] =	vst v47  }
0x388: {  	v61 =	vor.u32 v29, v37;
	v51 =	vld.idx.msk [tilespmem:v62+s25+$0x0], $0xffff;
	[tilespmem:s24+$0x4460] =	vst v44  }
0x389: {  	v42 =	vld.idx.msk [tilespmem:v56+s25+$0x0], $0xffff;
	v62 =	vor.u32 v16, v36;
	[tilespmem:s2+$0x4CC0] =	vst v48  }
0x38a: {  	v63 =	vor.u32 v16, v33;
	v46 =	vld.idx.msk [tilespmem:v57+s25+$0x0], $0xffff;
	[tilespmem:s2+$0x4D40] =	vst v58  }
0x38b: {  	v48 =	vor.u32 v16, v32;
	v55 =	vld.idx.msk [tilespmem:v59+s25+$0x0], $0xffff;
	[tilespmem:s2+$0x4C40] =	vst v49  }
0x38c: {  	v45 =	vor.u32 v16, v35;
	v49 =	vld.idx.msk [tilespmem:v60+s25+$0x0], $0xffff;
	[tilespmem:s24+$0x44F0] =	vst v53  }
0x38d: {  	[tilespmem:s24+$0x45F0] =	vst v51;
	v60 =	vld.idx.msk [tilespmem:v61+s25+$0x0], $0xffff;
	v61 =	vor.u32 v30, v41  }
0x38e: {  	[tilespmem:s24+$0x4570] =	vst v42;
	v56 =	vld.idx.msk [tilespmem:v62+s25+$0x0], $0xffff;
	v62 =	vor.u32 v30, v38  }
0x38f: {  	v53 =	vld.idx.msk [tilespmem:v63+s25+$0x0], $0xffff;
	v63 =	vor.u32 v30, v37;
	[tilespmem:s24+$0x4470] =	vst v46  }
0x390: {  	v54 =	vor.u32 v17, v36;
	v51 =	vld.idx.msk [tilespmem:v48+s25+$0x0], $0xffff;
	[tilespmem:s2+$0x4CD0] =	vst v55  }
0x391: {  	v50 =	vld.idx.msk [tilespmem:v45+s25+$0x0], $0xffff;
	[tilespmem:s2+$0x4D50] =	vst v49;
	v49 =	vor.u32 v17, v33  }
0x392: {  	v46 =	vor.u32 v17, v32;
	v47 =	vld.idx.msk [tilespmem:v61+s25+$0x0], $0xffff  }
0x393: {  	s30 =	simm.s32 $0x8;
	v44 =	vor.u32 v17, v35;
	[tilespmem:s2+$0x4C50] =	vst v60;
	v48 =	vld.idx.msk [tilespmem:v62+s25+$0x0], $0xffff  }
0x394: {  	s28 =	simm.s32 $0xE600;
	s0 =	simm.s32 $0xC;
	s16 =	simm.s32 $0xB;
	v45 =	vor.u32 v31, v41;
	[tilespmem:s24+$0x4980] =	vst v56;
	v52 =	vld.idx.msk [tilespmem:v63+s25+$0x0], $0xffff  }
.LBB2_9:
0x395: {  	p0 =	slt.u32 s0, $0x1C;
	v41 =	vmov s16;
	[tilespmem:s24+$0x4880] =	vst v53;
	v42 =	vld.idx.msk [tilespmem:v54+s25+$0x0], $0xffff;
	v53 =	vor.u32 v31, v38;
	v38 =	vmovc v32;
	v32 =	vmov v40  }
0x396: {  	v40 =	vand.u32 $0x1F, v41;
	v49 =	vld.idx.msk [tilespmem:v49+s25+$0x0], $0xffff;
	[tilespmem:s24+$0x4900] =	vst v51;
	v51 =	vor.u32 v31, v37;
	v37 =	vmov v35  }
0x397: {  	v40 =	vbroadcast v40, $0x0;
	[tilespmem:s24+$0x4800] =	vst v50;
	v46 =	vld.idx.msk [tilespmem:v46+s25+$0x0], $0xffff;
	v50 =	vor.u32 v18, v36  }
0x398: {  	s16 =	sadd.s32 $0x1, s0;
	v54 =	vor.u32 v18, v33;
	v35 =	vmov s30;
	v44 =	vld.idx.msk [tilespmem:v44+s25+$0x0], $0xffff;
	[tilespmem:s2+$0x4CE0] =	vst v47  }
0x399: {  	v41 =	vmov s16;
	v35 =	vand.u32 $0x1C, v35;
	v47 =	vor.u32 v0, v40;
	v45 =	vld.idx.msk [tilespmem:v45+s25+$0x0], $0xffff;
	[tilespmem:s2+$0x4D60] =	vst v48  }
0x39a: {  	v41 =	vand.u32 $0x1D, v41;
	v35 =	vbroadcast v35, $0x0;
	v48 =	vor.u32 v18, v38;
	[tilespmem:s2+$0x4C60] =	vst v52;
	v52 =	vld.idx.msk [tilespmem:v53+s25+$0x0], $0xffff  }
0x39b: {  	v41 =	vbroadcast v41, $0x0;
	v53 =	vor.u32 v18, v37;
	[tilespmem:s24+$0x4990] =	vst v42;
	v42 =	vld.idx.msk [tilespmem:v51+s25+$0x0], $0xffff  }
0x39c: {  	v51 =	vor.u32 v0, v35;
	[tilespmem:s24+$0x4890] =	vst v49;
	v49 =	vld.idx.msk [tilespmem:v50+s25+$0x0], $0xffff  }
0x39d: {  	v50 =	vor.u32 v0, v41;
	v54 =	vld.idx.msk [tilespmem:v54+s25+$0x0], $0xffff;
	[tilespmem:s24+$0x4910] =	vst v46  }
0x39e: {  	v46 =	vld.idx.msk [tilespmem:v47+s25+$0x0], $0xffff;
	[tilespmem:s24+$0x4810] =	vst v44;
	v44 =	vor.u32 v19, v36  }
0x39f: {  	s16 =	sshrl.u32 s30, $0x3;
	s30 =	smov.u32 s0;
	v47 =	vor.u32 v19, v33;
	v48 =	vld.idx.msk [tilespmem:v48+s25+$0x0], $0xffff;
	[tilespmem:s2+$0x4CF0] =	vst v45  }
0x3a0: {  	s16 =	smul.u32 $0x3000, s16;
	v45 =	vor.u32 v1, v40;
	v53 =	vld.idx.msk [tilespmem:v53+s25+$0x0], $0xffff;
	[tilespmem:s2+$0x4D70] =	vst v52  }
0x3a1: {  	v52 =	vor.u32 v1, v34;
	v51 =	vld.idx.msk [tilespmem:v51+s25+$0x0], $0xffff;
	[tilespmem:s2+$0x4C70] =	vst v42;
	s2 =	smov.u32 s24  }
0x3a2: {  	s28 =	sadd.s32 $0x200, s28;
	s16 =	sshra.s32 s16, $0x2;
	v42 =	vld.idx.msk [tilespmem:v50+s25+$0x0], $0xffff;
	v50 =	vor.u32 v1, v32;
	[tilespmem:s2+$0x49A0] =	vst v49  }
0x3a3: {  	s24 =	sadd.s32 s16, s28;
	v49 =	vor.u32 v1, v35;
	[tilespmem:s2+$0x48A0] =	vst v54;
	v44 =	vld.idx.msk [tilespmem:v44+s25+$0x0], $0xffff  }
0x3a4: {  	[tilespmem:s24+$0x4180] =	vst v46;
	v46 =	vld.idx.msk [tilespmem:v47+s25+$0x0], $0xffff;
	v47 =	vor.u32 v19, v38  }
0x3a5: {  	v54 =	vor.u32 v20, v36;
	[tilespmem:s24+$0x4080] =	vst v39;
	v45 =	vld.idx.msk [tilespmem:v45+s25+$0x0], $0xffff  }
0x3a6: {  	v52 =	vld.idx.msk [tilespmem:v52+s25+$0x0], $0xffff;
	[tilespmem:s24+$0x4100] =	vst v43;
	v43 =	vor.u32 v19, v37  }
0x3a7: {  	[tilespmem:s24+$0x4000] =	vst v51;
	v50 =	vld.idx.msk [tilespmem:v50+s25+$0x0], $0xffff;
	v51 =	vor.u32 v2, v40  }
0x3a8: {  	v55 =	vor.u32 v2, v34;
	v39 =	vmov v42;
	v49 =	vld.idx.msk [tilespmem:v49+s25+$0x0], $0xffff;
	[tilespmem:s2+$0x4920] =	vst v48  }
0x3a9: {  	v42 =	vor.u32 v2, v32;
	v47 =	vld.idx.msk [tilespmem:v47+s25+$0x0], $0xffff;
	[tilespmem:s2+$0x49B0] =	vst v44  }
0x3aa: {  	v44 =	vor.u32 v2, v35;
	[tilespmem:s2+$0x4820] =	vst v53;
	v48 =	vld.idx.msk [tilespmem:v54+s25+$0x0], $0xffff  }
0x3ab: {  	[tilespmem:s24+$0x4190] =	vst v45;
	v43 =	vld.idx.msk [tilespmem:v43+s25+$0x0], $0xffff;
	v45 =	vor.u32 v20, v33  }
0x3ac: {  	[tilespmem:s24+$0x4090] =	vst v52;
	v51 =	vld.idx.msk [tilespmem:v51+s25+$0x0], $0xffff;
	v52 =	vor.u32 v21, v36  }
0x3ad: {  	v53 =	vld.idx.msk [tilespmem:v55+s25+$0x0], $0xffff;
	[tilespmem:s24+$0x4110] =	vst v50;
	v50 =	vor.u32 v20, v38  }
0x3ae: {  	[tilespmem:s24+$0x4010] =	vst v49;
	v42 =	vld.idx.msk [tilespmem:v42+s25+$0x0], $0xffff;
	v49 =	vor.u32 v3, v40  }
0x3af: {  	v54 =	vor.u32 v3, v34;
	v44 =	vld.idx.msk [tilespmem:v44+s25+$0x0], $0xffff;
	[tilespmem:s2+$0x48B0] =	vst v46  }
0x3b0: {  	v46 =	vor.u32 v3, v32;
	v45 =	vld.idx.msk [tilespmem:v45+s25+$0x0], $0xffff;
	[tilespmem:s2+$0x49C0] =	vst v48  }
0x3b1: {  	v48 =	vor.u32 v3, v35;
	[tilespmem:s2+$0x4930] =	vst v47;
	v47 =	vld.idx.msk [tilespmem:v52+s25+$0x0], $0xffff  }
0x3b2: {  	[tilespmem:s24+$0x41A0] =	vst v51;
	v51 =	vor.u32 v20, v37;
	v50 =	vld.idx.msk [tilespmem:v50+s25+$0x0], $0xffff  }
0x3b3: {  	v52 =	vor.u32 v22, v36;
	[tilespmem:s24+$0x40A0] =	vst v53;
	v49 =	vld.idx.msk [tilespmem:v49+s25+$0x0], $0xffff  }
0x3b4: {  	v53 =	vld.idx.msk [tilespmem:v54+s25+$0x0], $0xffff;
	[tilespmem:s24+$0x4120] =	vst v42;
	v42 =	vor.u32 v21, v33  }
0x3b5: {  	[tilespmem:s24+$0x4020] =	vst v44;
	v44 =	vld.idx.msk [tilespmem:v46+s25+$0x0], $0xffff;
	v46 =	vor.u32 v4, v40  }
0x3b6: {  	v54 =	vor.u32 v4, v34;
	v48 =	vld.idx.msk [tilespmem:v48+s25+$0x0], $0xffff;
	[tilespmem:s2+$0x4830] =	vst v43  }
0x3b7: {  	v43 =	vor.u32 v4, v32;
	v51 =	vld.idx.msk [tilespmem:v51+s25+$0x0], $0xffff;
	[tilespmem:s2+$0x49D0] =	vst v47  }
0x3b8: {  	v47 =	vor.u32 v4, v35;
	[tilespmem:s2+$0x48C0] =	vst v45;
	v45 =	vld.idx.msk [tilespmem:v52+s25+$0x0], $0xffff  }
0x3b9: {  	[tilespmem:s24+$0x41B0] =	vst v49;
	v42 =	vld.idx.msk [tilespmem:v42+s25+$0x0], $0xffff;
	v49 =	vor.u32 v21, v38  }
0x3ba: {  	v52 =	vor.u32 v23, v36;
	[tilespmem:s24+$0x40B0] =	vst v53;
	v46 =	vld.idx.msk [tilespmem:v46+s25+$0x0], $0xffff  }
0x3bb: {  	v53 =	vld.idx.msk [tilespmem:v54+s25+$0x0], $0xffff;
	[tilespmem:s24+$0x4130] =	vst v44;
	v44 =	vor.u32 v21, v37  }
0x3bc: {  	[tilespmem:s24+$0x4030] =	vst v48;
	v43 =	vld.idx.msk [tilespmem:v43+s25+$0x0], $0xffff;
	v48 =	vor.u32 v5, v40  }
0x3bd: {  	v54 =	vor.u32 v5, v34;
	v47 =	vld.idx.msk [tilespmem:v47+s25+$0x0], $0xffff;
	[tilespmem:s2+$0x4940] =	vst v50  }
0x3be: {  	v50 =	vor.u32 v5, v32;
	v49 =	vld.idx.msk [tilespmem:v49+s25+$0x0], $0xffff;
	[tilespmem:s2+$0x49E0] =	vst v45  }
0x3bf: {  	v45 =	vor.u32 v5, v35;
	[tilespmem:s2+$0x4840] =	vst v51;
	v51 =	vld.idx.msk [tilespmem:v52+s25+$0x0], $0xffff  }
0x3c0: {  	[tilespmem:s24+$0x41C0] =	vst v46;
	v44 =	vld.idx.msk [tilespmem:v44+s25+$0x0], $0xffff;
	v46 =	vor.u32 v22, v33  }
0x3c1: {  	v52 =	vor.u32 v24, v36;
	[tilespmem:s24+$0x40C0] =	vst v53;
	v48 =	vld.idx.msk [tilespmem:v48+s25+$0x0], $0xffff  }
0x3c2: {  	v53 =	vld.idx.msk [tilespmem:v54+s25+$0x0], $0xffff;
	[tilespmem:s24+$0x4140] =	vst v43;
	v43 =	vor.u32 v22, v38  }
0x3c3: {  	[tilespmem:s24+$0x4040] =	vst v47;
	v47 =	vld.idx.msk [tilespmem:v50+s25+$0x0], $0xffff;
	v50 =	vor.u32 v6, v40  }
0x3c4: {  	v54 =	vor.u32 v6, v34;
	v45 =	vld.idx.msk [tilespmem:v45+s25+$0x0], $0xffff;
	[tilespmem:s2+$0x48D0] =	vst v42  }
0x3c5: {  	v42 =	vor.u32 v6, v32;
	v46 =	vld.idx.msk [tilespmem:v46+s25+$0x0], $0xffff;
	[tilespmem:s2+$0x49F0] =	vst v51  }
0x3c6: {  	v51 =	vor.u32 v6, v35;
	[tilespmem:s2+$0x4950] =	vst v49;
	v49 =	vld.idx.msk [tilespmem:v52+s25+$0x0], $0xffff  }
0x3c7: {  	[tilespmem:s24+$0x41D0] =	vst v48;
	v48 =	vor.u32 v22, v37;
	v43 =	vld.idx.msk [tilespmem:v43+s25+$0x0], $0xffff  }
0x3c8: {  	v52 =	vor.u32 v25, v36;
	[tilespmem:s24+$0x40D0] =	vst v53;
	v50 =	vld.idx.msk [tilespmem:v50+s25+$0x0], $0xffff  }
0x3c9: {  	v53 =	vld.idx.msk [tilespmem:v54+s25+$0x0], $0xffff;
	[tilespmem:s24+$0x4150] =	vst v47;
	v47 =	vor.u32 v23, v33  }
0x3ca: {  	[tilespmem:s24+$0x4050] =	vst v45;
	v42 =	vld.idx.msk [tilespmem:v42+s25+$0x0], $0xffff;
	v45 =	vor.u32 v7, v40  }
0x3cb: {  	v54 =	vor.u32 v7, v34;
	v51 =	vld.idx.msk [tilespmem:v51+s25+$0x0], $0xffff;
	[tilespmem:s2+$0x4850] =	vst v44  }
0x3cc: {  	v44 =	vor.u32 v7, v32;
	v48 =	vld.idx.msk [tilespmem:v48+s25+$0x0], $0xffff;
	[tilespmem:s2+$0x4D80] =	vst v49  }
0x3cd: {  	v49 =	vor.u32 v7, v35;
	[tilespmem:s2+$0x48E0] =	vst v46;
	v46 =	vld.idx.msk [tilespmem:v52+s25+$0x0], $0xffff  }
0x3ce: {  	[tilespmem:s24+$0x41E0] =	vst v50;
	v47 =	vld.idx.msk [tilespmem:v47+s25+$0x0], $0xffff;
	v50 =	vor.u32 v23, v38  }
0x3cf: {  	v52 =	vor.u32 v26, v36;
	[tilespmem:s24+$0x40E0] =	vst v53;
	v45 =	vld.idx.msk [tilespmem:v45+s25+$0x0], $0xffff  }
0x3d0: {  	v53 =	vld.idx.msk [tilespmem:v54+s25+$0x0], $0xffff;
	[tilespmem:s24+$0x4160] =	vst v42;
	v42 =	vor.u32 v23, v37  }
0x3d1: {  	[tilespmem:s24+$0x4060] =	vst v51;
	v44 =	vld.idx.msk [tilespmem:v44+s25+$0x0], $0xffff;
	v51 =	vor.u32 v8, v40  }
0x3d2: {  	v54 =	vor.u32 v8, v34;
	v49 =	vld.idx.msk [tilespmem:v49+s25+$0x0], $0xffff;
	[tilespmem:s2+$0x4960] =	vst v43  }
0x3d3: {  	v43 =	vor.u32 v8, v32;
	v50 =	vld.idx.msk [tilespmem:v50+s25+$0x0], $0xffff;
	[tilespmem:s2+$0x4D90] =	vst v46  }
0x3d4: {  	v46 =	vor.u32 v8, v35;
	[tilespmem:s2+$0x4860] =	vst v48;
	v48 =	vld.idx.msk [tilespmem:v52+s25+$0x0], $0xffff  }
0x3d5: {  	[tilespmem:s24+$0x41F0] =	vst v45;
	v42 =	vld.idx.msk [tilespmem:v42+s25+$0x0], $0xffff;
	v45 =	vor.u32 v24, v33  }
0x3d6: {  	v52 =	vor.u32 v27, v36;
	[tilespmem:s24+$0x40F0] =	vst v53;
	v51 =	vld.idx.msk [tilespmem:v51+s25+$0x0], $0xffff  }
0x3d7: {  	v53 =	vld.idx.msk [tilespmem:v54+s25+$0x0], $0xffff;
	[tilespmem:s24+$0x4170] =	vst v44;
	v44 =	vor.u32 v24, v38  }
0x3d8: {  	[tilespmem:s24+$0x4070] =	vst v49;
	v43 =	vld.idx.msk [tilespmem:v43+s25+$0x0], $0xffff;
	v49 =	vor.u32 v9, v40  }
0x3d9: {  	v54 =	vor.u32 v9, v34;
	v46 =	vld.idx.msk [tilespmem:v46+s25+$0x0], $0xffff;
	[tilespmem:s2+$0x48F0] =	vst v47  }
0x3da: {  	v47 =	vor.u32 v9, v32;
	v45 =	vld.idx.msk [tilespmem:v45+s25+$0x0], $0xffff;
	[tilespmem:s2+$0x4DA0] =	vst v48  }
0x3db: {  	v48 =	vor.u32 v9, v35;
	[tilespmem:s2+$0x4970] =	vst v50;
	v50 =	vld.idx.msk [tilespmem:v52+s25+$0x0], $0xffff  }
0x3dc: {  	[tilespmem:s24+$0x4580] =	vst v51;
	v51 =	vor.u32 v24, v37;
	v44 =	vld.idx.msk [tilespmem:v44+s25+$0x0], $0xffff  }
0x3dd: {  	v52 =	vor.u32 v28, v36;
	[tilespmem:s24+$0x4480] =	vst v53;
	v49 =	vld.idx.msk [tilespmem:v49+s25+$0x0], $0xffff  }
0x3de: {  	v53 =	vld.idx.msk [tilespmem:v54+s25+$0x0], $0xffff;
	[tilespmem:s24+$0x4500] =	vst v43;
	v43 =	vor.u32 v25, v33  }
0x3df: {  	[tilespmem:s24+$0x4400] =	vst v46;
	v46 =	vld.idx.msk [tilespmem:v47+s25+$0x0], $0xffff;
	v47 =	vor.u32 v10, v40  }
0x3e0: {  	v54 =	vor.u32 v10, v34;
	v48 =	vld.idx.msk [tilespmem:v48+s25+$0x0], $0xffff;
	[tilespmem:s2+$0x4870] =	vst v42  }
0x3e1: {  	v42 =	vor.u32 v10, v32;
	v51 =	vld.idx.msk [tilespmem:v51+s25+$0x0], $0xffff;
	[tilespmem:s2+$0x4DB0] =	vst v50  }
0x3e2: {  	v50 =	vor.u32 v10, v35;
	[tilespmem:s2+$0x4C80] =	vst v45;
	v45 =	vld.idx.msk [tilespmem:v52+s25+$0x0], $0xffff  }
0x3e3: {  	[tilespmem:s24+$0x4590] =	vst v49;
	v43 =	vld.idx.msk [tilespmem:v43+s25+$0x0], $0xffff;
	v49 =	vor.u32 v25, v38  }
0x3e4: {  	v52 =	vor.u32 v29, v36;
	[tilespmem:s24+$0x4490] =	vst v53;
	v47 =	vld.idx.msk [tilespmem:v47+s25+$0x0], $0xffff  }
0x3e5: {  	v53 =	vld.idx.msk [tilespmem:v54+s25+$0x0], $0xffff;
	[tilespmem:s24+$0x4510] =	vst v46;
	v46 =	vor.u32 v25, v37  }
0x3e6: {  	[tilespmem:s24+$0x4410] =	vst v48;
	v42 =	vld.idx.msk [tilespmem:v42+s25+$0x0], $0xffff;
	v48 =	vor.u32 v11, v40  }
0x3e7: {  	v54 =	vor.u32 v11, v34;
	v50 =	vld.idx.msk [tilespmem:v50+s25+$0x0], $0xffff;
	[tilespmem:s2+$0x4D00] =	vst v44  }
0x3e8: {  	v44 =	vor.u32 v11, v32;
	v49 =	vld.idx.msk [tilespmem:v49+s25+$0x0], $0xffff;
	[tilespmem:s2+$0x4DC0] =	vst v45  }
0x3e9: {  	v45 =	vor.u32 v11, v35;
	[tilespmem:s2+$0x4C00] =	vst v51;
	v51 =	vld.idx.msk [tilespmem:v52+s25+$0x0], $0xffff  }
0x3ea: {  	[tilespmem:s24+$0x45A0] =	vst v47;
	v46 =	vld.idx.msk [tilespmem:v46+s25+$0x0], $0xffff;
	v47 =	vor.u32 v26, v33  }
0x3eb: {  	v52 =	vor.u32 v30, v36;
	[tilespmem:s24+$0x44A0] =	vst v53;
	v48 =	vld.idx.msk [tilespmem:v48+s25+$0x0], $0xffff  }
0x3ec: {  	v53 =	vld.idx.msk [tilespmem:v54+s25+$0x0], $0xffff;
	[tilespmem:s24+$0x4520] =	vst v42;
	v42 =	vor.u32 v26, v38  }
0x3ed: {  	[tilespmem:s24+$0x4420] =	vst v50;
	v44 =	vld.idx.msk [tilespmem:v44+s25+$0x0], $0xffff;
	v50 =	vor.u32 v12, v40  }
0x3ee: {  	v54 =	vor.u32 v12, v34;
	v45 =	vld.idx.msk [tilespmem:v45+s25+$0x0], $0xffff;
	[tilespmem:s2+$0x4C90] =	vst v43  }
0x3ef: {  	v43 =	vor.u32 v12, v32;
	v47 =	vld.idx.msk [tilespmem:v47+s25+$0x0], $0xffff;
	[tilespmem:s2+$0x4DD0] =	vst v51  }
0x3f0: {  	v51 =	vor.u32 v12, v35;
	[tilespmem:s2+$0x4D10] =	vst v49;
	v49 =	vld.idx.msk [tilespmem:v52+s25+$0x0], $0xffff  }
0x3f1: {  	[tilespmem:s24+$0x45B0] =	vst v48;
	v48 =	vor.u32 v26, v37;
	v42 =	vld.idx.msk [tilespmem:v42+s25+$0x0], $0xffff  }
0x3f2: {  	v52 =	vor.u32 v31, v36;
	v36 =	vmov v40;
	[tilespmem:s24+$0x44B0] =	vst v53;
	v50 =	vld.idx.msk [tilespmem:v50+s25+$0x0], $0xffff  }
0x3f3: {  	v53 =	vld.idx.msk [tilespmem:v54+s25+$0x0], $0xffff;
	[tilespmem:s24+$0x4530] =	vst v44;
	v44 =	vor.u32 v27, v33  }
0x3f4: {  	s16 =	sadd.s32 $0x2, s0;
	[tilespmem:s24+$0x4430] =	vst v45;
	v43 =	vld.idx.msk [tilespmem:v43+s25+$0x0], $0xffff;
	v45 =	vor.u32 v13, v36  }
0x3f5: {  	v40 =	vmov s16;
	v54 =	vor.u32 v13, v34;
	v51 =	vld.idx.msk [tilespmem:v51+s25+$0x0], $0xffff;
	[tilespmem:s2+$0x4C10] =	vst v46  }
0x3f6: {  	v40 =	vand.u32 $0x1E, v40;
	v46 =	vor.u32 v13, v32;
	v48 =	vld.idx.msk [tilespmem:v48+s25+$0x0], $0xffff;
	[tilespmem:s2+$0x4DE0] =	vst v49  }
0x3f7: {  	v40 =	vbroadcast v40, $0x0;
	v49 =	vor.u32 v13, v35;
	[tilespmem:s2+$0x4CA0] =	vst v47;
	v47 =	vld.idx.msk [tilespmem:v52+s25+$0x0], $0xffff  }
0x3f8: {  	[tilespmem:s24+$0x45C0] =	vst v50;
	v44 =	vld.idx.msk [tilespmem:v44+s25+$0x0], $0xffff;
	v50 =	vor.u32 v27, v38  }
0x3f9: {  	v52 =	vor.u32 v0, v40;
	[tilespmem:s24+$0x44C0] =	vst v53;
	v45 =	vld.idx.msk [tilespmem:v45+s25+$0x0], $0xffff  }
0x3fa: {  	v53 =	vld.idx.msk [tilespmem:v54+s25+$0x0], $0xffff;
	[tilespmem:s24+$0x4540] =	vst v43;
	v54 =	vor.u32 v27, v37  }
0x3fb: {  	[tilespmem:s24+$0x4440] =	vst v51;
	v46 =	vld.idx.msk [tilespmem:v46+s25+$0x0], $0xffff;
	v51 =	vor.u32 v14, v36  }
0x3fc: {  	v55 =	vor.u32 v14, v34;
	v49 =	vld.idx.msk [tilespmem:v49+s25+$0x0], $0xffff;
	[tilespmem:s2+$0x4D20] =	vst v42  }
0x3fd: {  	v42 =	vor.u32 v14, v32;
	v50 =	vld.idx.msk [tilespmem:v50+s25+$0x0], $0xffff;
	[tilespmem:s2+$0x4DF0] =	vst v47  }
0x3fe: {  	v47 =	vor.u32 v14, v35;
	v43 =	vld.idx.msk [tilespmem:v52+s25+$0x0], $0xffff;
	[tilespmem:s2+$0x4C20] =	vst v48  }
0x3ff: {  	v48 =	vor.u32 v28, v33;
	[tilespmem:s24+$0x45D0] =	vst v45;
	v45 =	vld.idx.msk [tilespmem:v54+s25+$0x0], $0xffff  }
0x400: {  	v52 =	vor.u32 v28, v38;
	[tilespmem:s24+$0x44D0] =	vst v53;
	v51 =	vld.idx.msk [tilespmem:v51+s25+$0x0], $0xffff  }
0x401: {  	v53 =	vld.idx.msk [tilespmem:v55+s25+$0x0], $0xffff;
	[tilespmem:s24+$0x4550] =	vst v46;
	v46 =	vor.u32 v28, v37  }
0x402: {  	[tilespmem:s24+$0x4450] =	vst v49;
	v42 =	vld.idx.msk [tilespmem:v42+s25+$0x0], $0xffff;
	v49 =	vor.u32 v15, v36  }
0x403: {  	v54 =	vor.u32 v15, v34;
	v47 =	vld.idx.msk [tilespmem:v47+s25+$0x0], $0xffff;
	[tilespmem:s2+$0x4CB0] =	vst v44  }
0x404: {  	v44 =	vor.u32 v15, v32;
	v48 =	vld.idx.msk [tilespmem:v48+s25+$0x0], $0xffff;
	[tilespmem:s2+$0x4D30] =	vst v50  }
0x405: {  	v50 =	vor.u32 v15, v35;
	[tilespmem:s2+$0x4C30] =	vst v45;
	v45 =	vld.idx.msk [tilespmem:v52+s25+$0x0], $0xffff  }
0x406: {  	[tilespmem:s24+$0x45E0] =	vst v51;
	v46 =	vld.idx.msk [tilespmem:v46+s25+$0x0], $0xffff;
	v51 =	vor.u32 v29, v33  }
0x407: {  	v52 =	vor.u32 v29, v38;
	[tilespmem:s24+$0x44E0] =	vst v53;
	v49 =	vld.idx.msk [tilespmem:v49+s25+$0x0], $0xffff  }
0x408: {  	v53 =	vld.idx.msk [tilespmem:v54+s25+$0x0], $0xffff;
	[tilespmem:s24+$0x4560] =	vst v42;
	v42 =	vor.u32 v29, v37  }
0x409: {  	[tilespmem:s24+$0x4460] =	vst v47;
	v44 =	vld.idx.msk [tilespmem:v44+s25+$0x0], $0xffff;
	v47 =	vor.u32 v16, v36  }
0x40a: {  	v54 =	vor.u32 v16, v34;
	v50 =	vld.idx.msk [tilespmem:v50+s25+$0x0], $0xffff;
	[tilespmem:s2+$0x4CC0] =	vst v48  }
0x40b: {  	v48 =	vor.u32 v16, v32;
	v55 =	vld.idx.msk [tilespmem:v51+s25+$0x0], $0xffff;
	[tilespmem:s2+$0x4D40] =	vst v45  }
0x40c: {  	v45 =	vor.u32 v16, v35;
	[tilespmem:s2+$0x4C40] =	vst v46;
	v52 =	vld.idx.msk [tilespmem:v52+s25+$0x0], $0xffff  }
0x40d: {  	v56 =	vor.u32 v30, v33;
	[tilespmem:s24+$0x45F0] =	vst v49;
	v42 =	vld.idx.msk [tilespmem:v42+s25+$0x0], $0xffff  }
0x40e: {  	v58 =	vor.u32 v30, v38;
	[tilespmem:s24+$0x44F0] =	vst v53;
	v57 =	vld.idx.msk [tilespmem:v47+s25+$0x0], $0xffff  }
0x40f: {  	v59 =	vor.u32 v30, v37;
	v53 =	vld.idx.msk [tilespmem:v54+s25+$0x0], $0xffff;
	[tilespmem:s24+$0x4570] =	vst v44  }
.Ltmp6:
0x410: {  	v54 =	vor.u32 v17, v36;
	[tilespmem:s24+$0x4470] =	vst v50;
	v51 =	vld.idx.msk [tilespmem:v48+s25+$0x0], $0xffff;
	(pc) =	sbr.rel @p0 .LBB2_9-.Ltmp6, $4  }
0x411: {  	v49 =	vor.u32 v17, v34;
	v50 =	vld.idx.msk [tilespmem:v45+s25+$0x0], $0xffff;
	[tilespmem:s2+$0x4CD0] =	vst v55  }
0x412: {  	v46 =	vor.u32 v17, v32;
	v47 =	vld.idx.msk [tilespmem:v56+s25+$0x0], $0xffff;
	[tilespmem:s2+$0x4D50] =	vst v52  }
0x413: {  	v44 =	vor.u32 v17, v35;
	[tilespmem:s2+$0x4C50] =	vst v42;
	v48 =	vld.idx.msk [tilespmem:v58+s25+$0x0], $0xffff  }
0x414: {  	s0 =	sadd.s32 $0x4, s0;
	s16 =	sadd.s32 $0x3, s30;
	v45 =	vor.u32 v31, v33;
	v33 =	vmov v34;
	v34 =	vmov v41;
	[tilespmem:s24+$0x4980] =	vst v57;
	v52 =	vld.idx.msk [tilespmem:v59+s25+$0x0], $0xffff  }
0x415: {  	v41 =	vmov s16  }
0x416: {  	v41 =	vand.u32 $0x1F, v41  }
0x417: {  	v56 =	vmov s30;
	v42 =	vbroadcast v41, $0x0  }
0x418: {  	v41 =	vand.u32 $0x1C, v56  }
0x419: {  	v41 =	vbroadcast v41, $0x0;
	v55 =	vor.u32 v0, v42;
	_ =	sdelay $0x1  }
0x41a: {  	v57 =	vor.u32 v0, v41  }
0x41b: {  	s0 =	sshrl.u32 s30, $0x3  }
0x41c: {  	[tilespmem:s24+$0x4880] =	vst v53;
	v61 =	vor.u32 v1, v34;
	s0 =	smul.u32 $0x3000, s0  }
0x41d: {  	[tilespmem:s24+$0x4900] =	vst v51;
	v63 =	vor.u32 v1, v40;
	v59 =	vld.idx.msk [tilespmem:v55+s25+$0x0], $0xffff  }
0x41e: {  	v58 =	vld.idx.msk [tilespmem:v54+s25+$0x0], $0xffff;
	s30 =	sadd.s32 $0x200, s28;
	[tilespmem:s24+$0x4800] =	vst v50;
	s0 =	sshra.s32 s0, $0x2;
	v60 =	vor.u32 v1, v42  }
0x41f: {  	[tilespmem:s2+$0x4CE0] =	vst v47;
	s28 =	sadd.s32 s0, s30;
	v62 =	vld.idx.msk [tilespmem:v57+s25+$0x0], $0xffff  }
0x420: {  	v49 =	vld.idx.msk [tilespmem:v49+s25+$0x0], $0xffff;
	[tilespmem:s28+$0x4080] =	vst v39  }
0x421: {  	[tilespmem:s28+$0x4100] =	vst v43;
	v57 =	vld.idx.msk [tilespmem:v61+s25+$0x0], $0xffff  }
0x422: {  	v55 =	vor.u32 v1, v41;
	[tilespmem:s28+$0x4180] =	vst v59;
	v59 =	vld.idx.msk [tilespmem:v63+s25+$0x0], $0xffff  }
0x423: {  	[tilespmem:s2+$0x4D60] =	vst v48;
	v56 =	vld.idx.msk [tilespmem:v60+s25+$0x0], $0xffff;
	v60 =	vor.u32 v2, v34  }
0x424: {  	v46 =	vld.idx.msk [tilespmem:v46+s25+$0x0], $0xffff;
	[tilespmem:s28+$0x4000] =	vst v62;
	v62 =	vor.u32 v2, v40  }
0x425: {  	v44 =	vld.idx.msk [tilespmem:v44+s25+$0x0], $0xffff;
	[tilespmem:s24+$0x4990] =	vst v58;
	v58 =	vor.u32 v2, v42  }
0x426: {  	v38 =	vor.u32 v31, v38;
	v45 =	vld.idx.msk [tilespmem:v45+s25+$0x0], $0xffff;
	[tilespmem:s2+$0x4C60] =	vst v52  }
0x427: {  	v37 =	vor.u32 v31, v37;
	[tilespmem:s28+$0x4090] =	vst v57;
	v61 =	vld.idx.msk [tilespmem:v55+s25+$0x0], $0xffff  }
0x428: {  	v63 =	vor.u32 v2, v41;
	[tilespmem:s28+$0x4110] =	vst v59;
	v52 =	vld.idx.msk [tilespmem:v60+s25+$0x0], $0xffff  }
0x429: {  	v54 =	vor.u32 v3, v34;
	[tilespmem:s28+$0x4190] =	vst v56;
	v48 =	vld.idx.msk [tilespmem:v62+s25+$0x0], $0xffff  }
0x42a: {  	[tilespmem:s24+$0x4890] =	vst v49;
	v56 =	vor.u32 v3, v40;
	v39 =	vld.idx.msk [tilespmem:v58+s25+$0x0], $0xffff  }
0x42b: {  	v53 =	vor.u32 v3, v42;
	v38 =	vld.idx.msk [tilespmem:v38+s25+$0x0], $0xffff;
	[tilespmem:s24+$0x4910] =	vst v46  }
0x42c: {  	v37 =	vld.idx.msk [tilespmem:v37+s25+$0x0], $0xffff;
	v59 =	vor.u32 v18, v33;
	[tilespmem:s28+$0x4010] =	vst v61  }
0x42d: {  	v58 =	vor.u32 v18, v36;
	v55 =	vld.idx.msk [tilespmem:v63+s25+$0x0], $0xffff;
	[tilespmem:s28+$0x40A0] =	vst v52  }
0x42e: {  	v57 =	vor.u32 v3, v41;
	[tilespmem:s28+$0x4120] =	vst v48;
	v61 =	vld.idx.msk [tilespmem:v54+s25+$0x0], $0xffff  }
0x42f: {  	v52 =	vor.u32 v4, v34;
	[tilespmem:s28+$0x41A0] =	vst v39;
	v63 =	vld.idx.msk [tilespmem:v56+s25+$0x0], $0xffff  }
0x430: {  	[tilespmem:s24+$0x4810] =	vst v44;
	v54 =	vor.u32 v4, v40;
	v60 =	vld.idx.msk [tilespmem:v53+s25+$0x0], $0xffff  }
0x431: {  	[tilespmem:s2+$0x4CF0] =	vst v45;
	v62 =	vor.u32 v4, v42;
	v39 =	vld.idx.msk [tilespmem:v59+s25+$0x0], $0xffff  }
0x432: {  	[tilespmem:s28+$0x4020] =	vst v55;
	v55 =	vld.idx.msk [tilespmem:v58+s25+$0x0], $0xffff  }
0x433: {  	v53 =	vld.idx.msk [tilespmem:v57+s25+$0x0], $0xffff;
	v57 =	vor.u32 v18, v32;
	[tilespmem:s28+$0x40B0] =	vst v61  }
0x434: {  	v56 =	vor.u32 v4, v41;
	[tilespmem:s28+$0x4130] =	vst v63;
	v46 =	vld.idx.msk [tilespmem:v52+s25+$0x0], $0xffff  }
0x435: {  	v58 =	vor.u32 v19, v36;
	[tilespmem:s28+$0x41B0] =	vst v60;
	v61 =	vld.idx.msk [tilespmem:v54+s25+$0x0], $0xffff  }
0x436: {  	[tilespmem:s2+$0x4D70] =	vst v38;
	v59 =	vld.idx.msk [tilespmem:v62+s25+$0x0], $0xffff;
	v62 =	vor.u32 v5, v34  }
0x437: {  	[tilespmem:s2+$0x4C70] =	vst v37;
	v63 =	vor.u32 v5, v40  }
0x438: {  	v60 =	vor.u32 v5, v42;
	[tilespmem:s28+$0x4030] =	vst v53;
	v52 =	vld.idx.msk [tilespmem:v57+s25+$0x0], $0xffff  }
0x439: {  	[tilespmem:s24+$0x49A0] =	vst v55;
	v55 =	vor.u32 v19, v33;
	v37 =	vld.idx.msk [tilespmem:v56+s25+$0x0], $0xffff  }
0x43a: {  	v53 =	vor.u32 v5, v41;
	v43 =	vld.idx.msk [tilespmem:v58+s25+$0x0], $0xffff;
	[tilespmem:s28+$0x40C0] =	vst v46  }
0x43b: {  	v54 =	vor.u32 v18, v35;
	[tilespmem:s28+$0x4140] =	vst v61;
	v45 =	vld.idx.msk [tilespmem:v62+s25+$0x0], $0xffff  }
0x43c: {  	v58 =	vor.u32 v6, v34;
	[tilespmem:s28+$0x41C0] =	vst v59;
	v57 =	vld.idx.msk [tilespmem:v63+s25+$0x0], $0xffff  }
0x43d: {  	[tilespmem:s24+$0x48A0] =	vst v39;
	v59 =	vor.u32 v6, v40;
	v44 =	vld.idx.msk [tilespmem:v60+s25+$0x0], $0xffff  }
0x43e: {  	v56 =	vor.u32 v6, v42;
	v47 =	vld.idx.msk [tilespmem:v55+s25+$0x0], $0xffff;
	[tilespmem:s28+$0x4040] =	vst v37  }
0x43f: {  	[tilespmem:s24+$0x4920] =	vst v52;
	v63 =	vor.u32 v19, v32;
	v39 =	vld.idx.msk [tilespmem:v53+s25+$0x0], $0xffff  }
0x440: {  	v61 =	vor.u32 v6, v41;
	v60 =	vld.idx.msk [tilespmem:v54+s25+$0x0], $0xffff;
	[tilespmem:s28+$0x40D0] =	vst v45  }
0x441: {  	v62 =	vor.u32 v20, v36;
	[tilespmem:s28+$0x4150] =	vst v57;
	v45 =	vld.idx.msk [tilespmem:v58+s25+$0x0], $0xffff  }
0x442: {  	v54 =	vor.u32 v7, v34;
	[tilespmem:s28+$0x41D0] =	vst v44;
	v53 =	vld.idx.msk [tilespmem:v59+s25+$0x0], $0xffff  }
0x443: {  	v55 =	vor.u32 v7, v40;
	[tilespmem:s24+$0x49B0] =	vst v43;
	v38 =	vld.idx.msk [tilespmem:v56+s25+$0x0], $0xffff  }
0x444: {  	v52 =	vor.u32 v7, v42;
	v44 =	vld.idx.msk [tilespmem:v63+s25+$0x0], $0xffff;
	[tilespmem:s28+$0x4050] =	vst v39  }
0x445: {  	[tilespmem:s24+$0x48B0] =	vst v47;
	v58 =	vor.u32 v19, v35;
	v43 =	vld.idx.msk [tilespmem:v61+s25+$0x0], $0xffff  }
0x446: {  	v57 =	vor.u32 v7, v41;
	v56 =	vld.idx.msk [tilespmem:v62+s25+$0x0], $0xffff;
	[tilespmem:s28+$0x40E0] =	vst v45  }
0x447: {  	v59 =	vor.u32 v21, v36;
	[tilespmem:s28+$0x4160] =	vst v53;
	v45 =	vld.idx.msk [tilespmem:v54+s25+$0x0], $0xffff  }
0x448: {  	v62 =	vor.u32 v8, v34;
	[tilespmem:s28+$0x41E0] =	vst v38;
	v61 =	vld.idx.msk [tilespmem:v55+s25+$0x0], $0xffff  }
0x449: {  	[tilespmem:s24+$0x4820] =	vst v60;
	v63 =	vor.u32 v8, v40;
	v37 =	vld.idx.msk [tilespmem:v52+s25+$0x0], $0xffff  }
0x44a: {  	v60 =	vor.u32 v8, v42;
	[tilespmem:s28+$0x4060] =	vst v43;
	v52 =	vld.idx.msk [tilespmem:v58+s25+$0x0], $0xffff  }
0x44b: {  	[tilespmem:s24+$0x49C0] =	vst v56;
	v55 =	vor.u32 v20, v32;
	v47 =	vld.idx.msk [tilespmem:v57+s25+$0x0], $0xffff  }
0x44c: {  	v53 =	vor.u32 v8, v41;
	v38 =	vld.idx.msk [tilespmem:v59+s25+$0x0], $0xffff;
	[tilespmem:s28+$0x40F0] =	vst v45  }
0x44d: {  	v54 =	vor.u32 v20, v33;
	[tilespmem:s28+$0x4170] =	vst v61;
	v45 =	vld.idx.msk [tilespmem:v62+s25+$0x0], $0xffff  }
0x44e: {  	v58 =	vor.u32 v9, v34;
	[tilespmem:s28+$0x41F0] =	vst v37;
	v57 =	vld.idx.msk [tilespmem:v63+s25+$0x0], $0xffff  }
0x44f: {  	[tilespmem:s24+$0x4930] =	vst v44;
	v59 =	vor.u32 v9, v40;
	v39 =	vld.idx.msk [tilespmem:v60+s25+$0x0], $0xffff  }
0x450: {  	v56 =	vor.u32 v9, v42;
	v37 =	vld.idx.msk [tilespmem:v55+s25+$0x0], $0xffff;
	[tilespmem:s28+$0x4070] =	vst v47  }
0x451: {  	[tilespmem:s24+$0x4830] =	vst v52;
	v63 =	vor.u32 v20, v35;
	v44 =	vld.idx.msk [tilespmem:v53+s25+$0x0], $0xffff  }
0x452: {  	v61 =	vor.u32 v9, v41;
	v60 =	vld.idx.msk [tilespmem:v54+s25+$0x0], $0xffff;
	[tilespmem:s28+$0x4480] =	vst v45  }
0x453: {  	v62 =	vor.u32 v22, v36;
	[tilespmem:s28+$0x4500] =	vst v57;
	v45 =	vld.idx.msk [tilespmem:v58+s25+$0x0], $0xffff  }
0x454: {  	v54 =	vor.u32 v10, v34;
	[tilespmem:s28+$0x4580] =	vst v39;
	v53 =	vld.idx.msk [tilespmem:v59+s25+$0x0], $0xffff  }
0x455: {  	[tilespmem:s24+$0x49D0] =	vst v38;
	v55 =	vor.u32 v10, v40;
	v43 =	vld.idx.msk [tilespmem:v56+s25+$0x0], $0xffff  }
0x456: {  	v52 =	vor.u32 v10, v42;
	v39 =	vld.idx.msk [tilespmem:v63+s25+$0x0], $0xffff;
	[tilespmem:s28+$0x4400] =	vst v44  }
0x457: {  	[tilespmem:s24+$0x4940] =	vst v37;
	v38 =	vld.idx.msk [tilespmem:v61+s25+$0x0], $0xffff  }
0x458: {  	v57 =	vor.u32 v10, v41;
	v56 =	vld.idx.msk [tilespmem:v62+s25+$0x0], $0xffff;
	[tilespmem:s28+$0x4490] =	vst v45  }
0x459: {  	v58 =	vor.u32 v21, v33;
	[tilespmem:s28+$0x4510] =	vst v53;
	v61 =	vld.idx.msk [tilespmem:v54+s25+$0x0], $0xffff  }
0x45a: {  	v59 =	vor.u32 v23, v36;
	[tilespmem:s28+$0x4590] =	vst v43;
	v63 =	vld.idx.msk [tilespmem:v55+s25+$0x0], $0xffff  }
0x45b: {  	[tilespmem:s24+$0x48C0] =	vst v60;
	v60 =	vld.idx.msk [tilespmem:v52+s25+$0x0], $0xffff;
	v52 =	vor.u32 v11, v34  }
0x45c: {  	v53 =	vor.u32 v11, v40;
	[tilespmem:s28+$0x4410] =	vst v38  }
0x45d: {  	v62 =	vor.u32 v11, v42;
	[tilespmem:s24+$0x4840] =	vst v39;
	v37 =	vld.idx.msk [tilespmem:v57+s25+$0x0], $0xffff  }
0x45e: {  	[tilespmem:s24+$0x49E0] =	vst v56;
	v54 =	vld.idx.msk [tilespmem:v58+s25+$0x0], $0xffff;
	v55 =	vor.u32 v11, v41  }
0x45f: {  	v56 =	vor.u32 v21, v32;
	v43 =	vld.idx.msk [tilespmem:v59+s25+$0x0], $0xffff;
	[tilespmem:s28+$0x44A0] =	vst v61  }
0x460: {  	v57 =	vor.u32 v21, v35;
	[tilespmem:s28+$0x4520] =	vst v63;
	v46 =	vld.idx.msk [tilespmem:v52+s25+$0x0], $0xffff  }
0x461: {  	[tilespmem:s28+$0x45A0] =	vst v60;
	v59 =	vld.idx.msk [tilespmem:v53+s25+$0x0], $0xffff;
	v60 =	vor.u32 v12, v34  }
0x462: {  	v61 =	vor.u32 v12, v40;
	v44 =	vld.idx.msk [tilespmem:v62+s25+$0x0], $0xffff;
	[tilespmem:s28+$0x4420] =	vst v37  }
0x463: {  	v58 =	vor.u32 v12, v42;
	[tilespmem:s24+$0x48D0] =	vst v54;
	v39 =	vld.idx.msk [tilespmem:v55+s25+$0x0], $0xffff  }
0x464: {  	v63 =	vor.u32 v12, v41;
	[tilespmem:s24+$0x49F0] =	vst v43;
	v62 =	vld.idx.msk [tilespmem:v56+s25+$0x0], $0xffff  }
0x465: {  	v53 =	vor.u32 v22, v33;
	v45 =	vld.idx.msk [tilespmem:v57+s25+$0x0], $0xffff;
	[tilespmem:s28+$0x44B0] =	vst v46  }
0x466: {  	v52 =	vor.u32 v24, v36;
	[tilespmem:s28+$0x4530] =	vst v59;
	v46 =	vld.idx.msk [tilespmem:v60+s25+$0x0], $0xffff  }
0x467: {  	v56 =	vor.u32 v13, v34;
	[tilespmem:s28+$0x45B0] =	vst v44;
	v55 =	vld.idx.msk [tilespmem:v61+s25+$0x0], $0xffff  }
0x468: {  	v57 =	vor.u32 v13, v40;
	v38 =	vld.idx.msk [tilespmem:v58+s25+$0x0], $0xffff;
	[tilespmem:s28+$0x4430] =	vst v39  }
0x469: {  	v54 =	vor.u32 v13, v42;
	[tilespmem:s24+$0x4950] =	vst v62;
	v43 =	vld.idx.msk [tilespmem:v63+s25+$0x0], $0xffff  }
0x46a: {  	v59 =	vor.u32 v13, v41;
	[tilespmem:s24+$0x4850] =	vst v45;
	v44 =	vld.idx.msk [tilespmem:v53+s25+$0x0], $0xffff  }
0x46b: {  	v60 =	vor.u32 v22, v32;
	v58 =	vld.idx.msk [tilespmem:v52+s25+$0x0], $0xffff;
	[tilespmem:s28+$0x44C0] =	vst v46  }
0x46c: {  	v61 =	vor.u32 v25, v36;
	[tilespmem:s28+$0x4540] =	vst v55;
	v46 =	vld.idx.msk [tilespmem:v56+s25+$0x0], $0xffff  }
0x46d: {  	v52 =	vor.u32 v14, v34;
	[tilespmem:s28+$0x45C0] =	vst v38;
	v63 =	vld.idx.msk [tilespmem:v57+s25+$0x0], $0xffff  }
0x46e: {  	v53 =	vor.u32 v14, v40;
	v37 =	vld.idx.msk [tilespmem:v54+s25+$0x0], $0xffff;
	[tilespmem:s28+$0x4440] =	vst v43  }
0x46f: {  	v62 =	vor.u32 v14, v42;
	[tilespmem:s24+$0x48E0] =	vst v44;
	v45 =	vld.idx.msk [tilespmem:v59+s25+$0x0], $0xffff  }
0x470: {  	v55 =	vor.u32 v14, v41;
	[tilespmem:s24+$0x4D80] =	vst v58;
	v54 =	vld.idx.msk [tilespmem:v60+s25+$0x0], $0xffff  }
0x471: {  	v57 =	vor.u32 v23, v33;
	v38 =	vld.idx.msk [tilespmem:v61+s25+$0x0], $0xffff;
	[tilespmem:s28+$0x44D0] =	vst v46  }
0x472: {  	v56 =	vor.u32 v22, v35;
	[tilespmem:s28+$0x4550] =	vst v63;
	v46 =	vld.idx.msk [tilespmem:v52+s25+$0x0], $0xffff  }
0x473: {  	v60 =	vor.u32 v15, v34;
	[tilespmem:s28+$0x45D0] =	vst v37;
	v59 =	vld.idx.msk [tilespmem:v53+s25+$0x0], $0xffff  }
0x474: {  	v61 =	vor.u32 v15, v40;
	v39 =	vld.idx.msk [tilespmem:v62+s25+$0x0], $0xffff;
	[tilespmem:s28+$0x4450] =	vst v45  }
0x475: {  	v58 =	vor.u32 v15, v42;
	[tilespmem:s24+$0x4960] =	vst v54;
	v44 =	vld.idx.msk [tilespmem:v55+s25+$0x0], $0xffff  }
0x476: {  	v63 =	vor.u32 v15, v41;
	[tilespmem:s24+$0x4D90] =	vst v38;
	v37 =	vld.idx.msk [tilespmem:v57+s25+$0x0], $0xffff  }
0x477: {  	v53 =	vor.u32 v23, v32;
	v62 =	vld.idx.msk [tilespmem:v56+s25+$0x0], $0xffff;
	[tilespmem:s28+$0x44E0] =	vst v46  }
0x478: {  	v52 =	vor.u32 v26, v36;
	[tilespmem:s28+$0x4560] =	vst v59;
	v46 =	vld.idx.msk [tilespmem:v60+s25+$0x0], $0xffff  }
0x479: {  	v56 =	vor.u32 v16, v34;
	[tilespmem:s28+$0x45E0] =	vst v39;
	v55 =	vld.idx.msk [tilespmem:v61+s25+$0x0], $0xffff  }
0x47a: {  	v57 =	vor.u32 v16, v40;
	v43 =	vld.idx.msk [tilespmem:v58+s25+$0x0], $0xffff;
	[tilespmem:s28+$0x4460] =	vst v44  }
0x47b: {  	v54 =	vor.u32 v16, v42;
	[tilespmem:s24+$0x48F0] =	vst v37;
	v38 =	vld.idx.msk [tilespmem:v63+s25+$0x0], $0xffff  }
0x47c: {  	v59 =	vor.u32 v16, v41;
	[tilespmem:s24+$0x4860] =	vst v62;
	v39 =	vld.idx.msk [tilespmem:v53+s25+$0x0], $0xffff  }
0x47d: {  	v60 =	vor.u32 v23, v35;
	v58 =	vld.idx.msk [tilespmem:v52+s25+$0x0], $0xffff;
	[tilespmem:s28+$0x44F0] =	vst v46  }
0x47e: {  	v61 =	vor.u32 v27, v36;
	[tilespmem:s28+$0x4570] =	vst v55;
	v46 =	vld.idx.msk [tilespmem:v56+s25+$0x0], $0xffff  }
0x47f: {  	v52 =	vor.u32 v17, v34;
	[tilespmem:s28+$0x45F0] =	vst v43;
	v63 =	vld.idx.msk [tilespmem:v57+s25+$0x0], $0xffff  }
0x480: {  	v53 =	vor.u32 v17, v40;
	v45 =	vld.idx.msk [tilespmem:v54+s25+$0x0], $0xffff;
	[tilespmem:s28+$0x4470] =	vst v38  }
0x481: {  	v62 =	vor.u32 v17, v42;
	[tilespmem:s24+$0x4970] =	vst v39;
	v37 =	vld.idx.msk [tilespmem:v59+s25+$0x0], $0xffff  }
0x482: {  	v55 =	vor.u32 v17, v41;
	[tilespmem:s24+$0x4DA0] =	vst v58;
	v54 =	vld.idx.msk [tilespmem:v60+s25+$0x0], $0xffff  }
0x483: {  	v57 =	vor.u32 v24, v32;
	v43 =	vld.idx.msk [tilespmem:v61+s25+$0x0], $0xffff;
	[tilespmem:s28+$0x4880] =	vst v46  }
0x484: {  	v56 =	vor.u32 v24, v33;
	[tilespmem:s28+$0x4900] =	vst v63;
	v46 =	vld.idx.msk [tilespmem:v52+s25+$0x0], $0xffff  }
0x485: {  	v60 =	vor.u32 v18, v34;
	[tilespmem:s28+$0x4980] =	vst v45;
	v59 =	vld.idx.msk [tilespmem:v53+s25+$0x0], $0xffff  }
0x486: {  	v61 =	vor.u32 v18, v40;
	v44 =	vld.idx.msk [tilespmem:v62+s25+$0x0], $0xffff;
	[tilespmem:s28+$0x4800] =	vst v37  }
0x487: {  	v58 =	vor.u32 v18, v42;
	[tilespmem:s24+$0x4870] =	vst v54;
	v39 =	vld.idx.msk [tilespmem:v55+s25+$0x0], $0xffff  }
0x488: {  	v63 =	vor.u32 v18, v41;
	[tilespmem:s24+$0x4DB0] =	vst v43;
	v45 =	vld.idx.msk [tilespmem:v57+s25+$0x0], $0xffff  }
0x489: {  	v53 =	vor.u32 v24, v35;
	v62 =	vld.idx.msk [tilespmem:v56+s25+$0x0], $0xffff;
	[tilespmem:s28+$0x4890] =	vst v46  }
0x48a: {  	v52 =	vor.u32 v28, v36;
	[tilespmem:s28+$0x4910] =	vst v59;
	v46 =	vld.idx.msk [tilespmem:v60+s25+$0x0], $0xffff  }
0x48b: {  	v55 =	vor.u32 v19, v34;
	[tilespmem:s28+$0x4990] =	vst v44;
	v56 =	vld.idx.msk [tilespmem:v61+s25+$0x0], $0xffff  }
0x48c: {  	v57 =	vor.u32 v19, v40;
	v38 =	vld.idx.msk [tilespmem:v58+s25+$0x0], $0xffff;
	[tilespmem:s28+$0x4810] =	vst v39  }
0x48d: {  	v54 =	vor.u32 v19, v42;
	[tilespmem:s24+$0x4D00] =	vst v45;
	v43 =	vld.idx.msk [tilespmem:v63+s25+$0x0], $0xffff  }
0x48e: {  	v59 =	vor.u32 v19, v41;
	[tilespmem:s24+$0x4C80] =	vst v62;
	v44 =	vld.idx.msk [tilespmem:v53+s25+$0x0], $0xffff  }
0x48f: {  	v60 =	vor.u32 v25, v33;
	v58 =	vld.idx.msk [tilespmem:v52+s25+$0x0], $0xffff;
	[tilespmem:s28+$0x48A0] =	vst v46  }
0x490: {  	v61 =	vor.u32 v29, v36;
	[tilespmem:s28+$0x4920] =	vst v56;
	v39 =	vld.idx.msk [tilespmem:v55+s25+$0x0], $0xffff  }
0x491: {  	v63 =	vor.u32 v20, v34;
	[tilespmem:s28+$0x49A0] =	vst v38;
	v47 =	vld.idx.msk [tilespmem:v57+s25+$0x0], $0xffff  }
0x492: {  	v52 =	vor.u32 v20, v40;
	v37 =	vld.idx.msk [tilespmem:v54+s25+$0x0], $0xffff;
	[tilespmem:s28+$0x4820] =	vst v43  }
0x493: {  	v62 =	vor.u32 v20, v42;
	[tilespmem:s24+$0x4C00] =	vst v44;
	v45 =	vld.idx.msk [tilespmem:v59+s25+$0x0], $0xffff  }
0x494: {  	v53 =	vld.idx.msk [tilespmem:v60+s25+$0x0], $0xffff;
	[tilespmem:s24+$0x4DC0] =	vst v58;
	v54 =	vor.u32 v20, v41  }
0x495: {  	v55 =	vor.u32 v25, v32;
	v38 =	vld.idx.msk [tilespmem:v61+s25+$0x0], $0xffff;
	[tilespmem:s28+$0x48B0] =	vst v39  }
0x496: {  	v56 =	vor.u32 v25, v35;
	[tilespmem:s28+$0x4930] =	vst v47;
	v43 =	vld.idx.msk [tilespmem:v63+s25+$0x0], $0xffff  }
0x497: {  	v58 =	vor.u32 v21, v34;
	[tilespmem:s28+$0x49B0] =	vst v37;
	v47 =	vld.idx.msk [tilespmem:v52+s25+$0x0], $0xffff  }
0x498: {  	v59 =	vor.u32 v21, v40;
	v46 =	vld.idx.msk [tilespmem:v62+s25+$0x0], $0xffff;
	[tilespmem:s28+$0x4830] =	vst v45  }
0x499: {  	v57 =	vor.u32 v21, v42;
	[tilespmem:s24+$0x4C90] =	vst v53;
	v44 =	vld.idx.msk [tilespmem:v54+s25+$0x0], $0xffff  }
0x49a: {  	v61 =	vor.u32 v21, v41;
	v60 =	vld.idx.msk [tilespmem:v55+s25+$0x0], $0xffff;
	[tilespmem:s24+$0x4DD0] =	vst v38  }
0x49b: {  	v37 =	vld.idx.msk [tilespmem:v56+s25+$0x0], $0xffff;
	v62 =	vor.u32 v30, v36;
	[tilespmem:s28+$0x48C0] =	vst v43  }
0x49c: {  	v63 =	vor.u32 v26, v33;
	[tilespmem:s28+$0x4940] =	vst v47;
	v48 =	vld.idx.msk [tilespmem:v58+s25+$0x0], $0xffff  }
0x49d: {  	v53 =	vor.u32 v22, v34;
	[tilespmem:s28+$0x49C0] =	vst v46;
	v45 =	vld.idx.msk [tilespmem:v59+s25+$0x0], $0xffff  }
0x49e: {  	v54 =	vor.u32 v22, v40;
	v39 =	vld.idx.msk [tilespmem:v57+s25+$0x0], $0xffff;
	[tilespmem:s28+$0x4840] =	vst v44  }
0x49f: {  	v52 =	vor.u32 v22, v42;
	[tilespmem:s24+$0x4D10] =	vst v60;
	v38 =	vld.idx.msk [tilespmem:v61+s25+$0x0], $0xffff  }
0x4a0: {  	v56 =	vor.u32 v22, v41;
	[tilespmem:s24+$0x4C10] =	vst v37;
	v55 =	vld.idx.msk [tilespmem:v62+s25+$0x0], $0xffff  }
0x4a1: {  	v46 =	vld.idx.msk [tilespmem:v63+s25+$0x0], $0xffff;
	v57 =	vor.u32 v26, v32;
	[tilespmem:s28+$0x48D0] =	vst v48  }
0x4a2: {  	v58 =	vor.u32 v31, v36;
	[tilespmem:s28+$0x4950] =	vst v45;
	v44 =	vld.idx.msk [tilespmem:v53+s25+$0x0], $0xffff  }
0x4a3: {  	v60 =	vor.u32 v23, v34;
	[tilespmem:s28+$0x49D0] =	vst v39;
	v45 =	vld.idx.msk [tilespmem:v54+s25+$0x0], $0xffff  }
0x4a4: {  	v61 =	vor.u32 v23, v40;
	v39 =	vld.idx.msk [tilespmem:v52+s25+$0x0], $0xffff;
	[tilespmem:s28+$0x4850] =	vst v38  }
0x4a5: {  	v59 =	vor.u32 v23, v42;
	[tilespmem:s24+$0x4DE0] =	vst v55;
	v37 =	vld.idx.msk [tilespmem:v56+s25+$0x0], $0xffff  }
0x4a6: {  	v63 =	vor.u32 v23, v41;
	[tilespmem:s24+$0x4CA0] =	vst v46;
	v62 =	vld.idx.msk [tilespmem:v57+s25+$0x0], $0xffff  }
0x4a7: {  	v36 =	vld.idx.msk [tilespmem:v58+s25+$0x0], $0xffff;
	v52 =	vor.u32 v26, v35;
	[tilespmem:s28+$0x48E0] =	vst v44  }
0x4a8: {  	v53 =	vor.u32 v27, v33;
	[tilespmem:s28+$0x4960] =	vst v45;
	v47 =	vld.idx.msk [tilespmem:v60+s25+$0x0], $0xffff  }
0x4a9: {  	v55 =	vor.u32 v24, v34;
	[tilespmem:s28+$0x49E0] =	vst v39;
	v38 =	vld.idx.msk [tilespmem:v61+s25+$0x0], $0xffff  }
0x4aa: {  	v57 =	vor.u32 v24, v40;
	v43 =	vld.idx.msk [tilespmem:v59+s25+$0x0], $0xffff;
	[tilespmem:s28+$0x4860] =	vst v37  }
0x4ab: {  	v54 =	vor.u32 v24, v42;
	[tilespmem:s24+$0x4D20] =	vst v62;
	v56 =	vld.idx.msk [tilespmem:v63+s25+$0x0], $0xffff  }
0x4ac: {  	[tilespmem:s24+$0x4DF0] =	vst v36;
	v58 =	vld.idx.msk [tilespmem:v52+s25+$0x0], $0xffff;
	v59 =	vor.u32 v24, v41  }
0x4ad: {  	v39 =	vld.idx.msk [tilespmem:v53+s25+$0x0], $0xffff;
	v60 =	vor.u32 v27, v32;
	[tilespmem:s28+$0x48F0] =	vst v47  }
0x4ae: {  	v61 =	vor.u32 v27, v35;
	[tilespmem:s28+$0x4970] =	vst v38;
	v37 =	vld.idx.msk [tilespmem:v55+s25+$0x0], $0xffff  }
0x4af: {  	v63 =	vor.u32 v25, v34;
	[tilespmem:s28+$0x49F0] =	vst v43;
	v38 =	vld.idx.msk [tilespmem:v57+s25+$0x0], $0xffff  }
0x4b0: {  	v52 =	vor.u32 v25, v40;
	v44 =	vld.idx.msk [tilespmem:v54+s25+$0x0], $0xffff;
	[tilespmem:s28+$0x4870] =	vst v56  }
0x4b1: {  	v62 =	vor.u32 v25, v42;
	[tilespmem:s24+$0x4C20] =	vst v58;
	v36 =	vld.idx.msk [tilespmem:v59+s25+$0x0], $0xffff  }
0x4b2: {  	v53 =	vld.idx.msk [tilespmem:v60+s25+$0x0], $0xffff;
	[tilespmem:s24+$0x4CB0] =	vst v39;
	v54 =	vor.u32 v25, v41  }
0x4b3: {  	v43 =	vld.idx.msk [tilespmem:v61+s25+$0x0], $0xffff;
	v55 =	vor.u32 v28, v33;
	[tilespmem:s28+$0x4C80] =	vst v37  }
0x4b4: {  	v56 =	vor.u32 v28, v32;
	[tilespmem:s28+$0x4D00] =	vst v38;
	v46 =	vld.idx.msk [tilespmem:v63+s25+$0x0], $0xffff  }
0x4b5: {  	v58 =	vor.u32 v26, v34;
	[tilespmem:s28+$0x4D80] =	vst v44;
	v38 =	vld.idx.msk [tilespmem:v52+s25+$0x0], $0xffff  }
0x4b6: {  	v59 =	vor.u32 v26, v40;
	v47 =	vld.idx.msk [tilespmem:v62+s25+$0x0], $0xffff;
	[tilespmem:s28+$0x4C00] =	vst v36  }
0x4b7: {  	v57 =	vor.u32 v26, v42;
	[tilespmem:s24+$0x4D30] =	vst v53;
	v39 =	vld.idx.msk [tilespmem:v54+s25+$0x0], $0xffff  }
0x4b8: {  	v61 =	vor.u32 v26, v41;
	v60 =	vld.idx.msk [tilespmem:v55+s25+$0x0], $0xffff;
	[tilespmem:s24+$0x4C30] =	vst v43  }
0x4b9: {  	v44 =	vld.idx.msk [tilespmem:v56+s25+$0x0], $0xffff;
	v62 =	vor.u32 v28, v35;
	[tilespmem:s28+$0x4C90] =	vst v46  }
0x4ba: {  	v63 =	vor.u32 v29, v33;
	[tilespmem:s28+$0x4D10] =	vst v38;
	v36 =	vld.idx.msk [tilespmem:v58+s25+$0x0], $0xffff  }
0x4bb: {  	v53 =	vor.u32 v27, v34;
	[tilespmem:s28+$0x4D90] =	vst v47;
	v38 =	vld.idx.msk [tilespmem:v59+s25+$0x0], $0xffff  }
0x4bc: {  	v54 =	vor.u32 v27, v40;
	v37 =	vld.idx.msk [tilespmem:v57+s25+$0x0], $0xffff;
	[tilespmem:s28+$0x4C10] =	vst v39  }
0x4bd: {  	v52 =	vor.u32 v27, v42;
	[tilespmem:s24+$0x4CC0] =	vst v60;
	v39 =	vld.idx.msk [tilespmem:v61+s25+$0x0], $0xffff  }
0x4be: {  	v56 =	vor.u32 v27, v41;
	[tilespmem:s24+$0x4D40] =	vst v44;
	v55 =	vld.idx.msk [tilespmem:v62+s25+$0x0], $0xffff  }
0x4bf: {  	v47 =	vld.idx.msk [tilespmem:v63+s25+$0x0], $0xffff;
	v57 =	vor.u32 v29, v32;
	[tilespmem:s28+$0x4CA0] =	vst v36  }
0x4c0: {  	v58 =	vor.u32 v29, v35;
	[tilespmem:s28+$0x4D20] =	vst v38;
	v45 =	vld.idx.msk [tilespmem:v53+s25+$0x0], $0xffff  }
0x4c1: {  	v60 =	vor.u32 v28, v34;
	[tilespmem:s28+$0x4DA0] =	vst v37;
	v38 =	vld.idx.msk [tilespmem:v54+s25+$0x0], $0xffff  }
0x4c2: {  	v62 =	vor.u32 v28, v40;
	v46 =	vld.idx.msk [tilespmem:v52+s25+$0x0], $0xffff;
	[tilespmem:s28+$0x4C20] =	vst v39  }
0x4c3: {  	v59 =	vor.u32 v28, v42;
	[tilespmem:s24+$0x4C40] =	vst v55;
	v61 =	vld.idx.msk [tilespmem:v56+s25+$0x0], $0xffff  }
0x4c4: {  	[tilespmem:s24+$0x4CD0] =	vst v47;
	v63 =	vld.idx.msk [tilespmem:v57+s25+$0x0], $0xffff;
	v52 =	vor.u32 v28, v41  }
0x4c5: {  	v37 =	vld.idx.msk [tilespmem:v58+s25+$0x0], $0xffff;
	v54 =	vor.u32 v30, v32;
	[tilespmem:s28+$0x4CB0] =	vst v45  }
0x4c6: {  	v53 =	vor.u32 v30, v33;
	[tilespmem:s28+$0x4D30] =	vst v38;
	v39 =	vld.idx.msk [tilespmem:v60+s25+$0x0], $0xffff  }
0x4c7: {  	v56 =	vor.u32 v29, v34;
	[tilespmem:s28+$0x4DB0] =	vst v46;
	v38 =	vld.idx.msk [tilespmem:v62+s25+$0x0], $0xffff  }
0x4c8: {  	v58 =	vor.u32 v29, v40;
	v36 =	vld.idx.msk [tilespmem:v59+s25+$0x0], $0xffff;
	[tilespmem:s28+$0x4C30] =	vst v61  }
0x4c9: {  	v55 =	vor.u32 v29, v42;
	[tilespmem:s24+$0x4D50] =	vst v63;
	v57 =	vld.idx.msk [tilespmem:v52+s25+$0x0], $0xffff  }
0x4ca: {  	[tilespmem:s24+$0x4C50] =	vst v37;
	v60 =	vor.u32 v29, v41;
	v46 =	vld.idx.msk [tilespmem:v54+s25+$0x0], $0xffff  }
0x4cb: {  	v59 =	vld.idx.msk [tilespmem:v53+s25+$0x0], $0xffff;
	v61 =	vor.u32 v30, v35;
	[tilespmem:s28+$0x4CC0] =	vst v39  }
0x4cc: {  	v54 =	vor.u32 v31, v32;
	[tilespmem:s28+$0x4D40] =	vst v38;
	v43 =	vld.idx.msk [tilespmem:v56+s25+$0x0], $0xffff  }
0x4cd: {  	v50 =	vor.u32 v30, v34;
	[tilespmem:s28+$0x4DC0] =	vst v36;
	v38 =	vld.idx.msk [tilespmem:v58+s25+$0x0], $0xffff  }
0x4ce: {  	v51 =	vor.u32 v30, v40;
	v36 =	vld.idx.msk [tilespmem:v55+s25+$0x0], $0xffff;
	[tilespmem:s28+$0x4C40] =	vst v57  }
0x4cf: {  	v63 =	vor.u32 v30, v42;
	[tilespmem:s24+$0x4D60] =	vst v46;
	v37 =	vld.idx.msk [tilespmem:v60+s25+$0x0], $0xffff  }
0x4d0: {  	v53 =	vor.u32 v30, v41;
	[tilespmem:s24+$0x4CE0] =	vst v59;
	v52 =	vld.idx.msk [tilespmem:v61+s25+$0x0], $0xffff  }
0x4d1: {  	v62 =	vor.u32 v31, v33;
	v32 =	vld.idx.msk [tilespmem:v54+s25+$0x0], $0xffff;
	[tilespmem:s28+$0x4CD0] =	vst v43  }
0x4d2: {  	v55 =	vor.u32 v31, v35;
	[tilespmem:s28+$0x4D50] =	vst v38;
	v57 =	vld.idx.msk [tilespmem:v50+s25+$0x0], $0xffff  }
0x4d3: {  	v59 =	vor.u32 v31, v34;
	[tilespmem:s28+$0x4DD0] =	vst v36;
	v58 =	vld.idx.msk [tilespmem:v51+s25+$0x0], $0xffff  }
0x4d4: {  	v61 =	vor.u32 v31, v40;
	v36 =	vld.idx.msk [tilespmem:v63+s25+$0x0], $0xffff;
	[tilespmem:s28+$0x4C50] =	vst v37  }
0x4d5: {  	v56 =	vor.u32 v31, v42;
	[tilespmem:s24+$0x4C60] =	vst v52;
	v60 =	vld.idx.msk [tilespmem:v53+s25+$0x0], $0xffff  }
0x4d6: {  	v33 =	vld.idx.msk [tilespmem:v62+s25+$0x0], $0xffff;
	v62 =	vor.u32 v31, v41;
	[tilespmem:s24+$0x4D70] =	vst v32  }
0x4d7: {  	v35 =	vld.idx.msk [tilespmem:v55+s25+$0x0], $0xffff;
	[tilespmem:s28+$0x4CE0] =	vst v57  }
0x4d8: {  	[tilespmem:s28+$0x4D60] =	vst v58;
	v34 =	vld.idx.msk [tilespmem:v59+s25+$0x0], $0xffff  }
0x4d9: {  	[tilespmem:s28+$0x4DE0] =	vst v36;
	v37 =	vld.idx.msk [tilespmem:v61+s25+$0x0], $0xffff  }
0x4da: {  	v36 =	vld.idx.msk [tilespmem:v56+s25+$0x0], $0xffff;
	[tilespmem:s28+$0x4C60] =	vst v60  }
0x4db: {  	[tilespmem:s24+$0x4CF0] =	vst v33;
	v63 =	vld.idx.msk [tilespmem:v62+s25+$0x0], $0xffff  }
0x4dc: {  	[tilespmem:s24+$0x4C70] =	vst v35  }
0x4dd: {  	[tilespmem:s28+$0x4CF0] =	vst v34  }
0x4de: {  	[tilespmem:s28+$0x4D70] =	vst v37  }
0x4df: {  	[tilespmem:s28+$0x4DF0] =	vst v36  }
0x4e0: {  	s16 =	sadd.s32 s22, s10;
	[tilespmem:s28+$0x4C70] =	vst v63  }
0x4e1: {  	[hbm4b:s16+s3] =	stream.linear.scatter [tilespmem:s31], [sflag:$0x2], $0x1000, $0x38;
	[tilespmem:$0x16400] =	vst v63  }
0x4e2: {  	p0 =	seq.s32 s17, $0x18;
	s24 =	sadd.s32 s22, s11  }
0x4e3: {  	[hbm4b:s24+s3] =	stream.linear.scatter [tilespmem:s15], [sflag:$0x2], $0x1000, $0x38;
	[tilespmem:$0x16400] =	vst v63  }
.Ltmp7:
0x4e4: {  	_ = 	snop;
	(pc) =	sbr.rel @p0 .LBB2_12-.Ltmp7, $4  }
0x4e5: {  	s28 =	sadd.s32 s22, s12  }
0x4e6: {  	[hbm4b:s28+s3] =	stream.linear.scatter [tilespmem:s5], [sflag:$0x2], $0x1000, $0x38;
	[tilespmem:$0x16400] =	vst v63  }
0x4e7: {  	s30 =	sadd.s32 s22, s13  }
0x4e8: {  	[hbm4b:s30+s3] =	stream.linear.scatter [tilespmem:s14], [sflag:$0x2], $0x1000, $0x38;
	[tilespmem:$0x16400] =	vst v63  }
0x4e9: {  	s0 =	sadd.s32 $0x600, s20  }
0x4ea: {  	[tilespmem:s25], [sflag:$0x1] =	stream.indirect.gather [hbm4b:s4+s18], $0x20, s0, s18, $0xb8;
	[tilespmem:$0x16400] =	vst v63  }
0x4eb: {  	s16 =	sadd.s32 $0x680, s20;
	s2 =	simm.s32 $0xB400  }
0x4ec: {  	[tilespmem:s2], [sflag:$0x1] =	stream.indirect.gather [hbm4b:s4+s18], $0x20, s16, s18, $0xb8;
	[tilespmem:$0x16400] =	vst v63  }
.Ltmp8:
0x4ed: {  	_ = 	snop;
	(pc) =	sbr.rel .LBB2_2-.Ltmp8, $4  }
0x4ee: {  	s22 =	sadd.s32 $0x700, s20;
	s24 =	simm.s32 $0xC400  }
0x4ef: {  	[tilespmem:s24], [sflag:$0x1] =	stream.indirect.gather [hbm4b:s4+s18], $0x20, s22, s18, $0xb8;
	[tilespmem:$0x16400] =	vst v63  }
0x4f0: {  	s28 =	sadd.s32 $0x780, s20;
	s30 =	simm.s32 $0xD400;
	s17 =	sadd.s32 $0x1, s17  }
0x4f1: {  	[tilespmem:s30], [sflag:$0x1] =	stream.indirect.gather [hbm4b:s4+s18], $0x20, s28, s18, $0xb8;
	[tilespmem:$0x16400] =	vst v63  }
.LBB2_13:
0x4f2: {  	_ =	sfence.sel $0x180000  }
0x4f3: {  	[bflag:$0x0] =	sbarrier.arrive $0xFFFF  }
0x4f4: {  	_ =	strace $0x9000004A  }
0x4f5: {  	s0 =	stileid.u32;
	[bflag:$0x2] =	sbarrier.arrive $0xFFFF  }
0x4f6: {  	p0 =	sne.s32 s0, $0x0;
	s0 =	rddreg [dreg:$0x2]  }
0x4f7: {  	s0 =	sadd.s32 @!p0 $0x100000, s0  }
0x4f8: {  	[sflag:s0] =	ssyncadd.tile.s32 @!p0 $0x1;
	_ =	shalt  }
.Lfunc_end2:
_tile_overlayer_lowered:
.L_overlay_start_2:
0x4f9: {  	(tag) =	ssettag $0x2  }
0x4fa: {  	s0 =	rddreg [dreg:$0x0];
	s2 =	stileid.u32  }
0x4fb: {  	s1 =	rddreg [dreg:$0x1];
	p0 =	sne.s32 s2, $0x0  }
0x4fc: {  	s3 =	rddreg [dreg:$0x2];
	[bflag:$0x3] =	sbarrier.arrive $0xFFFF;
	s2 =	simm.s32 @!p0 $0x1C03  }
0x4fd: {  	[timem:s3], [sflag:s2] =	dma.local @!p0 [hbm:s0], s1  }
0x4fe: {  	s0 =	simm.s32 @!p0 $0x3  }
0x4ff: {  	_ =	swait.ge @!p0 [sflag:s0], s1  }
0x500: {  	s1 =	ssub.s32 @!p0 $0x0, s1;
	[sflag:s0] =	ssyncset.done @!p0 $0x0  }
0x501: {  	[sflag:s0] =	ssyncadd.s32 @!p0 s1  }
0x502: {  	[bflag:$0x3] =	sbarrier.arrive $0xFFFF  }
0x503: {  	_ =	shalt  }

// kernel: sparse-core-data-format-call.cloned.1.call-start
scs
called_computation_lowered:
.L_overlay_start_0:
0x0: {  	s2 =	sld [smem:$0x3FD9]  }
0x1: {  	s3 =	sld [smem:$0x3FFE];
	_ =	sdelay $0x1  }
0x2: {  	s1 =	srdreg.scid  }
0x3: {  	s0 =	sand.u32 $0x1, s1  }
0x4: {  	s18 =	sshll.u32 s0, $0xA;
	s2 =	sadd.s32 s3, s2  }
0x5: {  	s2 =	sadd.s32 s2, s18  }
0x6: {  	[smem:$0x3FC6] =	sst s2  }
0x7: {  	_ = 	snop  }
0x8: {  	s2 =	sld [smem:$0x3FC8];
	(tm) =	ssettm $0x1  }
0x9: {  	s19 =	sld [smem:$0x3FFB];
	_ =	sdelay $0x3  }
0xa: {  	_ =	strace s19  }
0xb: {  	s3 =	sld [smem:$0x3FFC];
	_ =	sdelay $0x3  }
0xc: {  	_ =	strace s3  }
0xd: {  	s3 =	sld [smem:$0x3FFD];
	_ =	sdelay $0x3  }
0xe: {  	_ =	strace s3  }
0xf: {  	_ =	strace $0x8FFFFFFF  }
0x10: {  	s20 =	sld [smem:$0x3FDB];
	_ =	sdelay $0x1  }
0x11: {  	s4 =	simm.s32 $_scs_section_size  }
0x12: {  	s5 =	simm.s32 $_size__tile_overlayer_lowered;
	s6 =	simm.s32 $_tile_overlayer_lowered  }
0x13: {  	s23 =	simm.s32 $0x1BFF;
	s22 =	sshll.u32 s6, $0x1;
	s3 =	sadd.s32 s4, s20  }
0x14: {  	s7 =	simm.s32 $0x0;
	s21 =	sshll.u32 s5, $0x1;
	s5 =	sadd.s32 s22, s3  }
0x15: {  	[timem:s7], [sflag:s23] =	dma.local [hbm:s5], s21  }
0x16: {  	_ =	swait.ge [sflag:s23], s21  }
0x17: {  	s4 =	ssub.s32 $0x0, s21;
	[sflag:s23] =	ssyncset.done $0x0  }
0x18: {  	[sflag:s23] =	ssyncadd.s32 s4;
	_ =	sdelay $0x1  }
0x19: {  	s24 =	simm.s32 $0x1B8B  }
0x1a: {  	_ =	swait.ge [sflag:s24], $0x1  }
0x1b: {  	[sflag:s24] =	ssyncset.done $0x0  }
0x1c: {  	s26 =	simm.s32 $0x1B8E;
	s25 =	sld [smem:$0x3FFE];
	[sflag:s24] =	ssyncadd.s32 $0xFFFFFFFF  }
0x1d: {  	s27 =	simm.s32 $execute0_lowered;
	[smem:$0x3FD2] =	sst s26  }
0x1e: {  	s5 =	sshll.u32 s27, $0x1;
	_ =	strace $0x80000046;
	[dreg:$0x1] =	wrdreg $0xFFFFFFFF  }
0x1f: {  	s28 =	simm.s32 $_size_execute0_lowered;
	s3 =	sadd.s32 s3, s5;
	[dreg:$0x0] =	wrdreg $0x0  }
0x20: {  	s5 =	sshll.u32 s28, $0x1;
	[dreg:$0x2] =	wrdreg s3  }
0x21: {  	[dreg:$0x3] =	wrdreg s5  }
0x22: {  	[dreg:$0x4] =	wrdreg $0xC0  }
0x23: {  	_ =	task [dreg:s7], $0x5FFFF  }
0x24: {  	[dreg:$0x1] =	wrdreg $0xFFFFFFFF  }
0x25: {  	[dreg:$0x0] =	wrdreg $0x60  }
0x26: {  	[dreg:$0x2] =	wrdreg s2  }
0x27: {  	[dreg:$0x3] =	wrdreg s25  }
0x28: {  	[dreg:$0x4] =	wrdreg $0x9  }
0x29: {  	_ =	task.clear_ibuf [dreg:s7], $0x5FFFF;
	_ =	strace $0x90000046  }
0x2a: {  	s29 =	simm.s32 $0x9;
	_ =	strace $0x80000048  }
0x2b: {  	_ =	swait.ge [sflag:s29], $0x1  }
0x2c: {  	[sflag:s29] =	ssyncadd.s32 $0xFFFFFFFF  }
0x2d: {  	_ =	strace $0x90000048  }
0x2e: {  	_ =	sfence  }
0x2f: {  	s30 =	sld [smem:$0x0];
	_ =	sdelay $0x2  }
0x30: {  	s31 =	sshll.u32 s1, $0xD;
	s1 =	sshrl.u32 s1, $0x2  }
0x31: {  	s3 =	sand.u32 $0x4000, s31;
	s1 =	sadd.s32 s1, s30  }
0x32: {  	s0 =	sor.u32 s3, s0;
	s1 =	sshll.u32 s1, $0x11  }
0x33: {  	s0 =	sor.u32 s1, s0  }
0x34: {  	s0 =	sadd.s32 $0x8F2B, s0  }
0x35: {  	[sflag:s0] =	ssyncadd.remote.s32 $0x1  }
0x36: {  	_ =	sfence.sel $0xFFFF  }
0x37: {  	[dreg:$0x0] =	wrdreg $0xFFFFFFFF;
	(pc) =	sbr.abs _section_cstart, $3  }
0x38: {  	[dreg:$0x1] =	wrdreg $0xFFFFFFFF  }
0x39: {  	_ =	task.clear_ibuf [dreg:s7], $0x2FFFF;
	_ =	strace $0x9FFFFFFF  }
0x3a: {  	(tm) =	ssettm $0x7FFFFFFF  }
0x3b: {  	_ =	shalt  }
tec
execute0_lowered:
.L_overlay_start_1:
0x0: {  	(tag) =	ssettag $0x1  }
0x1: {  	s0 =	srdreg.scid;
	s2 =	rddreg [dreg:$0x0]  }
0x2: {  	s5 =	rddreg [dreg:$0x1];
	s1 =	stileid.u32  }
0x3: {  	s4 =	simm.s32 $0x1;
	s6 =	simm.s32 $0x2;
	s15 =	simm.s32 $0x0  }
0x4: {  	p0 =	por $0x0, $0x0;
	s8 =	simm.s32 $0x80;
	s0 =	sshll.u32 s0, $0x4  }
0x5: {  	s14 =	simm.s32 $0x0;
	s9 =	simm.s32 $0x0;
	s3 =	sand.u32 $0x10, s0  }
.Ltmp0:
0x6: {  	s10 =	simm.s32 $0x0;
	s3 =	sor.u32 s1, s3;
	(pc) =	sbr.rel .LBB1_1-.Ltmp0, $4  }
0x7: {  	s0 =	rddreg [dreg:$0x2];
	_ =	strace $0x80000047;
	s3 =	sshll.u32 s3, $0x7  }
0x8: {  	s12 =	simm.s32 $0x0;
	[sflag:s4] =	ssyncpa.u1 $0x0;
	s7 =	ssub.s32 $0xF4200, s3  }
0x9: {  	s13 =	simm.s32 $0x0;
	[sflag:s6] =	ssyncpa.u1 $0x0;
	s6 =	sshrl.u32 s7, $0xC  }
0xa: {  	s5 =	sadd.s32 $0xA00, s5;
	s11 =	smov.u32 s3;
	s7 =	sadd.s32 $0x2, s6  }
.LBB1_5:
0xb: {  	p1 =	slt.u32 s13, $0x2  }
0xc: {  	s17 =	smov.u32 s15;
	p2 =	sgt.s32 @!p1 s15, $0xF41C0;
	s16 =	sshra.s32 @!p1 s15, $0x1F  }
0xd: {  	p3 =	sgt.s32 @!p1 s14, $0x60;
	s18 =	sshra.s32 @!p1 s14, $0x1F;
	p2 =	por !p2, p1  }
0xe: {  	s15 =	sand.u32 @!p1 s16, s15;
	p3 =	por !p3, p1;
	s16 =	smov.u32 s14  }
0xf: {  	s14 =	sand.u32 @!p1 s18, s14;
	s17 =	simm.s32 @p2 $0xF41C0;
	s16 =	simm.s32 @p3 $0x60  }
0x10: {  	s15 =	ssub.s32 @!p1 s17, s15;
	s14 =	ssub.s32 @!p1 s16, s14  }
0x11: {  	s18 =	smov.u32 s12;
	s16 =	sadd.s32 @!p1 $0xFFF0BE40, s15;
	s17 =	sadd.s32 @!p1 $0xFFFFFFA0, s14  }
0x12: {  	s15 =	ssub.s32 @!p1 $0xF4240, s15;
	p2 =	sgt.s32 @!p1 s16, $0x7F;
	p3 =	sgt.s32 @!p1 s17, $0x1F  }
0x13: {  	s14 =	ssub.s32 @!p1 $0x80, s14;
	p2 =	por !p2, p1;
	p3 =	por !p3, p1  }
0x14: {  	s16 =	sadd.s32 $0x1000, s11;
	s15 =	simm.s32 @!p2 $0x0;
	s14 =	simm.s32 @!p3 $0x0  }
0x15: {  	p2 =	sgt.s32 s16, $0xF423F;
	s14 =	smul.u32 @!p1 s14, s15;
	s15 =	sadd.s32 $0x20, s12  }
0x16: {  	s18 =	smov.u32 @p2 s15  }
0x17: {  	s16 =	smov.u32 @p2 s3;
	p2 =	sgt.s32 s18, $0x1F  }
0x18: {  	s18 =	simm.s32 @p2 $0x0;
	p2 =	sne.s32 s13, s7  }
.Ltmp1:
0x19: {  	p0 =	por !p0, !p0;
	s17 =	simm.s32 @!p1 $0x2;
	(pc) =	sbr.rel @!p2 .LBB1_6-.Ltmp1, $4  }
0x1a: {  	s15 =	smov.u32 s9;
	s9 =	smov.u32 s11;
	s14 =	sand.u32 @!p1 $0x3FFFFFFF, s14  }
0x1b: {  	s11 =	smov.u32 s16;
	_ =	swait.ge @!p1 [sflag:s17], s14;
	s19 =	ssub.s32 @!p1 $0x0, s14  }
0x1c: {  	s14 =	smov.u32 s10;
	s13 =	sadd.s32 $0x1, s13;
	[sflag:s17] =	ssyncset.done @!p1 $0x0  }
0x1d: {  	s10 =	smov.u32 s12;
	s12 =	smov.u32 s18;
	[sflag:s17] =	ssyncadd.s32 @!p1 s19  }
.LBB1_1:
0x1e: {  	p1 =	sgt.u32 s13, s6  }
0x1f: {  	s16 =	sshrl.u32 @!p1 s12, $0x3  }
0x20: {  	s17 =	sshll.u32 @!p1 s11, $0x3;
	s16 =	smul.u32 @!p1 $0x7A1400, s16  }
0x21: {  	s18 =	sshll.u32 @!p1 s12, $0x7;
	s17 =	sand.u32 @!p1 $0xFFFFFC00, s17  }
0x22: {  	s16 =	sadd.s32 @!p1 s16, s17;
	s17 =	sand.u32 @!p1 $0x380, s18  }
0x23: {  	s18 =	sand.u32 @!p1 $0x7F, s11;
	s16 =	sor.u32 @!p1 s17, s16  }
0x24: {  	s17 =	sor.u32 @!p1 s18, s16  }
0x25: {  	s18 =	smulhi.u32 @!p1 $0x218D6287, s17;
	_ =	sdelay $0x1  }
0x26: {  	s16 =	smulhi.u32 @!p1 $0x218D6287, s16;
	s18 =	sshrl.u32 @!p1 s18, $0x11  }
0x27: {  	s18 =	smul.u32 @!p1 $0xF4280, s18  }
0x28: {  	s19 =	sxor.u32 @!p1 $0xFFFFFFFF, s13;
	s16 =	sshrl.u32 @!p1 s16, $0x11  }
0x29: {  	s19 =	sshll.u32 @!p1 s19, $0xC;
	s16 =	sand.u32 @!p1 $0x1F, s16;
	s17 =	ssub.s32 @!p1 s17, s18  }
0x2a: {  	s16 =	smul.u32 @!p1 $0x1E850, s16;
	s18 =	sshrl.u32 @!p1 s17, $0x3;
	s17 =	sand.u32 @!p1 $0x7, s17  }
0x2b: {  	s19 =	sand.u32 @!p1 $0x1000, s19;
	s18 =	sadd.s32 @!p1 s2, s18;
	s17 =	sshll.u32 @!p1 s17, $0x12  }
0x2c: {  	s16 =	sadd.s32 @!p1 s16, s18;
	s17 =	sor.u32 @!p1 $0x400, s17;
	s18 =	simm.s32 @!p1 $0x7A1400  }
0x2d: {  	[tilespmem:s19], [sflag:$0x1] =	stream.strided.gather @!p1 [hbm4b:s16+s17], $0x1000, s18, s17, $0x38;
	[tilespmem:$0x4100] =	vst v63  }
0x2e: {  	p1 =	seq.s32 s13, $0x0  }
0x2f: {  	p2 =	sge.u32 @!p1 s13, s7  }
0x30: {  	p1 =	por p1, p2  }
.Ltmp2:
0x31: {  	_ = 	snop;
	(pc) =	sbr.rel @p1 .LBB1_5-.Ltmp2, $1  }
0x32: {  	_ =	sdelay $0x3  }
0x33: {  	s16 =	simm.s32 $0x1  }
0x34: {  	_ =	swait.ge [sflag:s4], $0x1000;
	s16 =	simm.s32 @!p0 $0x0  }
0x35: {  	[sflag:s4] =	ssyncset.done $0x0;
	s17 =	sshll.u32 s16, $0xC  }
0x36: {  	[sflag:s4] =	ssyncadd.s32 $0xFFFFF000;
	s17 =	sor.u32 $0x40, s17  }
0x37: {  	s16 =	smul.u32 $0x4200, s16;
	v0 =	vld [tilespmem:s17+$0x30]  }
0x38: {  	v1 =	vld [tilespmem:s17+$0xFFFFFFD0]  }
0x39: {  	s16 =	sshrl.u32 s16, $0x2;
	v5 =	vld [tilespmem:s17+$0xFFFFFFE0]  }
0x3a: {  	v6 =	vld [tilespmem:s17+$0xFFFFFFF0];
	s19 =	sor.u32 $0x2000, s16  }
0x3b: {  	s31 =	sand.u32 $0x1, s13;
	v4 =	vld [tilespmem:s17+$0x0];
	s18 =	sadd.s32 $0x0, s19  }
0x3c: {  	v3 =	vld [tilespmem:s17+$0x10];
	s16 =	smul.u32 $0x4200, s31;
	[tilespmem:s18+$0xE70 ss:$0x21] =	vst.msk $0xffff, v0  }
0x3d: {  	v2 =	vld [tilespmem:s17+$0x20];
	[tilespmem:s18+$0x210 ss:$0x21] =	vst.msk $0xffff, v1  }
0x3e: {  	s16 =	sshrl.u32 s16, $0x2;
	v1 =	vld [tilespmem:s17+$0xFFFFFFC0];
	[tilespmem:s18+$0x420 ss:$0x21] =	vst.msk $0xffff, v5;
	s17 =	sadd.s32 $0x80, s17  }
0x3f: {  	s20 =	simm.s32 $0x4;
	s21 =	simm.s32 $0x8;
	s16 =	sor.u32 $0x2000, s16;
	[tilespmem:s18+$0x630 ss:$0x21] =	vst.msk $0xffff, v6;
	v0 =	vld [tilespmem:s17+$0x30]  }
.LBB1_3:
0x40: {  	p1 =	sne.s32 s21, $0x7C;
	v5 =	vld [tilespmem:s17+$0xFFFFFFD0];
	[tilespmem:s18+$0x840 ss:$0x21] =	vst.msk $0xffff, v4  }
0x41: {  	v6 =	vld [tilespmem:s17+$0xFFFFFFE0];
	[tilespmem:s18+$0xA50 ss:$0x21] =	vst.msk $0xffff, v3  }
0x42: {  	s22 =	sshra.s32 s20, $0x2;
	s20 =	smov.u32 s21;
	v7 =	vld [tilespmem:s17+$0xFFFFFFF0];
	[tilespmem:s18+$0xC60 ss:$0x21] =	vst.msk $0xffff, v2  }
.Ltmp3:
0x43: {  	v4 =	vld [tilespmem:s17+$0x0];
	[tilespmem:s18+$0x0 ss:$0x21] =	vst.msk $0xffff, v1;
	s18 =	sadd.s32 s22, s19;
	(pc) =	sbr.rel @p1 .LBB1_3-.Ltmp3, $4  }
0x44: {  	v3 =	vld [tilespmem:s17+$0x10];
	[tilespmem:s18+$0xE70 ss:$0x21] =	vst.msk $0xffff, v0  }
0x45: {  	[tilespmem:s18+$0x210 ss:$0x21] =	vst.msk $0xffff, v5;
	v2 =	vld [tilespmem:s17+$0x20]  }
0x46: {  	v1 =	vld [tilespmem:s17+$0xFFFFFFC0];
	[tilespmem:s18+$0x420 ss:$0x21] =	vst.msk $0xffff, v6;
	s17 =	sadd.s32 $0x80, s17  }
0x47: {  	s21 =	sadd.s32 $0x4, s21;
	v0 =	vld [tilespmem:s17+$0x30];
	[tilespmem:s18+$0x630 ss:$0x21] =	vst.msk $0xffff, v7  }
0x48: {  	s21 =	sshll.u32 s9, $0x7;
	s22 =	sshll.u32 s10, $0x3;
	s20 =	sshra.s32 s20, $0x2  }
0x49: {  	p1 =	sgt.s32 s9, $0xF41C0;
	s30 =	sshra.s32 s9, $0x1F;
	s25 =	sshra.s32 s10, $0x1F  }
0x4a: {  	v5 =	vld [tilespmem:s17+$0xFFFFFFD0];
	s28 =	sshrl.u32 s10, $0x3;
	s23 =	sand.u32 $0xFFFFFC00, s21;
	s22 =	sand.u32 $0xFFFFFC00, s22  }
0x4b: {  	[tilespmem:s18+$0x840 ss:$0x21] =	vst.msk $0xffff, v4;
	v58 =	vld [tilespmem:s17+$0xFFFFFFE0];
	s21 =	sand.u32 $0x380, s21;
	s19 =	sadd.s32 s20, s19;
	s22 =	sadd.s32 s22, s23  }
0x4c: {  	v59 =	vld [tilespmem:s17+$0xFFFFFFF0];
	[tilespmem:s18+$0xA50 ss:$0x21] =	vst.msk $0xffff, v3;
	s29 =	sor.u32 s21, s22;
	s21 =	smov.u32 s9;
	s22 =	sand.u32 s30, s9  }
0x4d: {  	v60 =	vld [tilespmem:s17+$0x0];
	[tilespmem:s18+$0xC60 ss:$0x21] =	vst.msk $0xffff, v2;
	s30 =	sand.u32 $0x7, s10;
	s20 =	sshrl.u32 s29, $0x7;
	s21 =	simm.s32 @!p1 $0xF41C0  }
0x4e: {  	v61 =	vld [tilespmem:s17+$0x10];
	[tilespmem:s18+$0x0 ss:$0x21] =	vst.msk $0xffff, v1;
	p1 =	sgt.s32 s10, $0x60;
	s24 =	ssub.s32 s21, s22;
	s21 =	smov.u32 s10  }
0x4f: {  	v62 =	vld [tilespmem:s17+$0x20];
	[tilespmem:s19+$0xE70 ss:$0x21] =	vst.msk $0xffff, v0;
	s31 =	smulhi.u32 $0x218DEF5, s20;
	s22 =	sand.u32 s25, s10;
	s21 =	simm.s32 @!p1 $0x60  }
0x50: {  	v63 =	vld [tilespmem:s17+$0xFFFFFFC0];
	[tilespmem:s19+$0x210 ss:$0x21] =	vst.msk $0xffff, v5;
	s26 =	sadd.s32 $0xFFF0BE40, s24;
	s17 =	ssub.s32 $0xF4240, s24;
	s21 =	ssub.s32 s21, s22  }
0x51: {  	[tilespmem:s19+$0x420 ss:$0x21] =	vst.msk $0xffff, v58;
	s23 =	sshrl.u32 s31, $0xD;
	p1 =	sgt.s32 s26, $0x7F;
	s27 =	sadd.s32 $0xFFFFFFA0, s21  }
0x52: {  	[tilespmem:s19+$0x630 ss:$0x21] =	vst.msk $0xffff, v59;
	s23 =	smul.u32 $0xF4240, s23;
	s18 =	ssub.s32 $0x80, s21;
	p2 =	sgt.s32 s27, $0x1F  }
.Ltmp4:
0x53: {  	[tilespmem:s19+$0x840 ss:$0x21] =	vst.msk $0xffff, v60;
	s17 =	simm.s32 @p1 $0x0;
	s18 =	simm.s32 @p2 $0x0;
	(pc) =	sbr.rel .LBB1_5-.Ltmp4, $4  }
0x54: {  	s29 =	sand.u32 $0xF, s28;
	[tilespmem:s19+$0xA50 ss:$0x21] =	vst.msk $0xffff, v61;
	s20 =	ssub.s32 s20, s23;
	s17 =	smul.u32 s18, s17  }
0x55: {  	[tilespmem:s19+$0xC60 ss:$0x21] =	vst.msk $0xffff, v62;
	s21 =	sshll.u32 s30, $0x12;
	s20 =	sshll.u32 s20, $0x4;
	s18 =	sadd.s32 s5, s29  }
0x56: {  	[tilespmem:s19+$0x0 ss:$0x21] =	vst.msk $0xffff, v63;
	s31 =	sor.u32 $0x20, s21;
	s18 =	sadd.s32 s20, s18;
	s17 =	sand.u32 $0x3FFFFFFF, s17  }
0x57: {  	[hbm4b:s18+s31] =	stream.strided.scatter [tilespmem:s16], [sflag:$0x2], s17, s8, s31, $0x10;
	[tilespmem:$0x4100] =	vst v63  }
.LBB1_6:
0x58: {  	_ =	sfence.sel $0x180000  }
0x59: {  	s2 =	simm.s32 $0x1;
	[bflag:$0x0] =	sbarrier.arrive $0xFFFF  }
0x5a: {  	s31 =	simm.s32 $0x2;
	[sflag:s2] =	ssyncpa.u1 $0x1  }
0x5b: {  	[sflag:s31] =	ssyncpa.u1 $0x1  }
0x5c: {  	p0 =	sne.s32 s1, $0x0;
	_ =	strace $0x90000047  }
0x5d: {  	s0 =	sadd.s32 @!p0 $0x100000, s0;
	[bflag:$0x2] =	sbarrier.arrive $0xFFFF  }
0x5e: {  	[sflag:s0] =	ssyncadd.tile.s32 @!p0 $0x1;
	_ =	shalt  }
.Lfunc_end1:
_tile_overlayer_lowered:
.L_overlay_start_2:
0x5f: {  	(tag) =	ssettag $0x2  }
0x60: {  	s0 =	rddreg [dreg:$0x0];
	s2 =	stileid.u32  }
0x61: {  	s1 =	rddreg [dreg:$0x1];
	p0 =	sne.s32 s2, $0x0  }
0x62: {  	s3 =	rddreg [dreg:$0x2];
	[bflag:$0x3] =	sbarrier.arrive $0xFFFF;
	s2 =	simm.s32 @!p0 $0x1C01  }
0x63: {  	[timem:s3], [sflag:s2] =	dma.local @!p0 [hbm:s0], s1  }
0x64: {  	s0 =	simm.s32 @!p0 $0x1  }
0x65: {  	_ =	swait.ge @!p0 [sflag:s0], s1  }
0x66: {  	s1 =	ssub.s32 @!p0 $0x0, s1;
	[sflag:s0] =	ssyncset.done @!p0 $0x0  }
0x67: {  	[sflag:s0] =	ssyncadd.s32 @!p0 s1  }
0x68: {  	[bflag:$0x3] =	sbarrier.arrive $0xFFFF  }
0x69: {  	_ =	shalt  }

</sc_bundles>
